<compile_context>
chip_gen: v7x
topology: tpu7x:2x2x1
jax: 0.10.2.dev20260603
libtpu: 0.0.44.dev20260713+nightly
codegen_flags: <defaults>
</compile_context>

<pallas_src>
import functools

import jax
import jax.numpy as jnp
from jax import lax
from jax.experimental import pallas as pl
from jax.experimental.pallas import tpu as pltpu
from jax.experimental.pallas import tpu_sc as plsc


def _mmoe_tc_body(x_ref, we_ref, be_ref, wg_ref, wt_ref, bt_ref, s_ref, g_ref,
                  acc_ref):
    e = pl.program_id(0)
    j = pl.program_id(1)
    nj = pl.num_programs(1)

    @pl.when(jnp.logical_and(e == 0, j == 0))
    def _init():
        gm = jnp.dot(x_ref[...], wg_ref[...])
        g_ref[...] = gm.T

    h = jnp.maximum(jnp.dot(x_ref[...], we_ref[0]) + be_ref[0], 0.0)
    p = jnp.dot(h, wt_ref[...])

    @pl.when(j == 0)
    def _first():
        acc_ref[...] = p + bt_ref[...]

    @pl.when(j != 0)
    def _rest():
        acc_ref[...] += p

    @pl.when(j == nj - 1)
    def _emit():
        s_ref[0] = acc_ref[...].T


def _mmoe_sc_body(g_hbm, s_hbm, out_hbm, g_v, s_v, out_v):
    E = s_v.shape[0]
    T = s_v.shape[1]
    RW = g_v.shape[1]
    cid = lax.axis_index("c")
    sid = lax.axis_index("s")
    base = sid * RW

    @pl.when(cid == 0)
    def _work():
        pltpu.sync_copy(g_hbm.at[:, pl.ds(base, RW)], g_v)
        pltpu.sync_copy(s_hbm.at[:, :, pl.ds(base, RW)], s_v)

        for c in range(RW // 16):
            sl = pl.ds(c * 16, 16)
            for t in range(T):
                ex = jnp.exp(g_v[t * E, sl])
                num = ex * s_v[0, t, sl]
                den = ex
                for e2 in range(1, E):
                    ex = jnp.exp(g_v[t * E + e2, sl])
                    num = num + ex * s_v[e2, t, sl]
                    den = den + ex
                out_v[t, sl] = num / den

        pltpu.sync_copy(out_v, out_hbm.at[:, pl.ds(base, RW)])


def kernel(x, We, be, Wg, Wt, bt):
    N, D = x.shape
    E, _, F = We.shape
    T = Wg.shape[0]
    bf = min(1024, F)
    J = F // bf

    wg_flat = jnp.transpose(Wg, (1, 0, 2)).reshape(D, T * E)
    wt_flat = jnp.transpose(Wt[:, :, 0], (1, 0))
    be3 = be.reshape(E, 1, F)
    bt_row = bt.reshape(1, T)

    s_et, g_logits = pl.pallas_call(
        _mmoe_tc_body,
        grid=(E, J),
        in_specs=[
            pl.BlockSpec((N, D), lambda e, j: (0, 0)),
            pl.BlockSpec((1, D, bf), lambda e, j: (e, 0, j)),
            pl.BlockSpec((1, 1, bf), lambda e, j: (e, 0, j)),
            pl.BlockSpec((D, T * E), lambda e, j: (0, 0)),
            pl.BlockSpec((bf, T), lambda e, j: (j, 0)),
            pl.BlockSpec((1, T), lambda e, j: (0, 0)),
        ],
        out_specs=[
            pl.BlockSpec((1, T, N), lambda e, j: (e, 0, 0)),
            pl.BlockSpec((T * E, N), lambda e, j: (0, 0)),
        ],
        out_shape=[
            jax.ShapeDtypeStruct((E, T, N), jnp.float32),
            jax.ShapeDtypeStruct((T * E, N), jnp.float32),
        ],
        scratch_shapes=[pltpu.VMEM((N, T), jnp.float32)],
        compiler_params=pltpu.CompilerParams(
            dimension_semantics=("arbitrary", "arbitrary"),
        ),
    )(x, We, be3, wg_flat, wt_flat, bt_row)

    info = plsc.get_sparse_core_info()
    rw = N // info.num_subcores

    sc_combine = functools.partial(
        pl.kernel,
        mesh=plsc.VectorSubcoreMesh(core_axis_name="c", subcore_axis_name="s"),
        out_type=jax.ShapeDtypeStruct((T, N), jnp.float32),
        scratch_types=[
            pltpu.VMEM((T * E, rw), jnp.float32),
            pltpu.VMEM((E, T, rw), jnp.float32),
            pltpu.VMEM((T, rw), jnp.float32),
        ],
    )(_mmoe_sc_body)

    out_tn = sc_combine(g_logits, s_et)
    return out_tn[:, :, None]

# --- scband reference (transcript-rebuilt; emitter-appended) ---
"""Pipeline reference for scband-multi-gate-mixture-of-experts-36421322670171 (READ-ONLY COPY).

The authoritative reference and input builder live on the scoring server;
editing this copy changes nothing except your own understanding.
"""

import jax, jax.numpy as jnp
import numpy as np

N, D, F, E, T = 2048, 2048, 2048, 8, 4

def setup_inputs(seed: int = 0) -> dict:
    key = jax.random.key(seed)
    ks = jax.random.split(key, 6)
    x = jax.random.normal(ks[0], (N, D), dtype=jnp.float32)
    We = jax.random.normal(ks[1], (E, D, F), dtype=jnp.float32) * 0.02
    be = jnp.zeros((E, F), dtype=jnp.float32)
    Wg = jax.random.normal(ks[2], (T, D, E), dtype=jnp.float32) * 0.02
    Wt = jax.random.normal(ks[3], (T, F, 1), dtype=jnp.float32) * 0.02
    bt = jnp.zeros((T, 1), dtype=jnp.float32)
    return {"x": x, "We": We, "be": be, "Wg": Wg, "Wt": Wt, "bt": bt}

def reference(x, We, be, Wg, Wt, bt):
    # MMoE inference (training=False, moe_dropout=False):
    # 1) run all E experts densely: expert j is Dense(D->F) with ReLU
    expert_out = jax.nn.relu(jnp.einsum('nd,edf->enf', x, We) + be[:, None, :])  # [E, N, F]
    outs = []
    for t in range(T):
        # per-task gate: softmax over experts (MixtureOfExpertsLayer expert competence probs)
        gates = jax.nn.softmax(x @ Wg[t], axis=-1)           # [N, E]
        # weighted combination of expert outputs
        moe = jnp.einsum('ne,enf->nf', gates, expert_out)    # [N, F]
        # task-specific tower: Dense(F -> 1)
        outs.append(moe @ Wt[t] + bt[t])                     # [N, 1]
    return jnp.stack(outs, axis=0)                           # [T, N, 1]

if __name__ == "__main__":
    import jax
    _d = setup_inputs()
    print(jax.jit(kernel)(*tuple(_d.values())))

</pallas_src>

<mosaic_0001>
#map = affine_map<(d0, d1) -> (0, 0)>
#map1 = affine_map<(d0, d1) -> (0, 0, 0)>
module attributes {stable_mosaic.version = 14 : i64} {
  func.func @_mmoe_sc_body(%arg0: i32, %arg1: i32, %arg2: memref<32x2048xf32, #tpu.memory_space<hbm>>, %arg3: memref<8x4x2048xf32, #tpu.memory_space<hbm>>, %arg4: memref<4x2048xf32, #tpu.memory_space<hbm>>, %arg5: memref<32x128xf32, #tpu.memory_space<vmem>>, %arg6: memref<8x4x128xf32, #tpu.memory_space<vmem>>, %arg7: memref<4x128xf32, #tpu.memory_space<vmem>>) attributes {dimension_semantics = [#tpu.dimension_semantics<core_parallel>, #tpu.dimension_semantics<subcore_parallel>], iteration_bounds = array<i64: 2, 16>, scalar_prefetch = 0 : i64, scratch_operands = 3 : i64, tpu.core_type = #tpu.core_type<sc_vector_subcore>, window_params = [{transform_indices = #map}, {transform_indices = #map1}, {transform_indices = #map}]} {
    %mul3A = arith.constant 128 : i32
    %mul3A_0 = arith.muli %arg1, %mul3A : i32
    %eq3A = arith.constant 0 : i32
    %eq3A_1 = arith.cmpi eq, %arg0, %eq3A : i32
    %convert_element_type3A = arith.extui %eq3A_1 : i1 to i32
    %cond3A = arith.constant 0 : i32
    %cond3A_2 = arith.cmpi ne, %convert_element_type3A, %cond3A : i32
    scf.if %cond3A_2 {
      "tpu.region"() ({
        %run_scoped3A = tpu.sem_alloc : memref<!tpu.dma_semaphore, #tpu.memory_space<semaphore_mem>>
        %dma_start3A = arith.constant 0 : i32
        %dma_start3A_4254 = tpu.memref_slice %arg2[%dma_start3A, %mul3A_0] : memref<32x2048xf32, #tpu.memory_space<hbm>> -> memref<32x128xf32, #tpu.memory_space<hbm>>
        %dma_start3A_4255 = arith.constant 0 : i32
        %dma_start3A_4256 = tpu.memref_slice %arg2[%dma_start3A_4255, %mul3A_0] : memref<32x2048xf32, #tpu.memory_space<hbm>> -> memref<32x128xf32, #tpu.memory_space<hbm>>
        tpu.enqueue_dma source(%dma_start3A_4256 : memref<32x128xf32, #tpu.memory_space<hbm>>) target(%arg5 : memref<32x128xf32, #tpu.memory_space<vmem>>) target_semaphore(%run_scoped3A : memref<!tpu.dma_semaphore, #tpu.memory_space<semaphore_mem>>)
        %dma_wait3A = arith.constant 0 : i32
        %dma_wait3A_4257 = tpu.memref_slice %arg2[%dma_wait3A, %mul3A_0] : memref<32x2048xf32, #tpu.memory_space<hbm>> -> memref<32x128xf32, #tpu.memory_space<hbm>>
        %dma_wait3A_4258 = arith.constant 0 : i32
        %dma_wait3A_4259 = tpu.memref_slice %arg2[%dma_wait3A_4258, %mul3A_0] : memref<32x2048xf32, #tpu.memory_space<hbm>> -> memref<32x128xf32, #tpu.memory_space<hbm>>
        tpu.wait_dma2 semaphore(%run_scoped3A : memref<!tpu.dma_semaphore, #tpu.memory_space<semaphore_mem>>) src(%dma_wait3A_4259 : memref<32x128xf32, #tpu.memory_space<hbm>>) dst(%arg5 : memref<32x128xf32, #tpu.memory_space<vmem>>)
        tpu.yield
      }) : () -> ()
      "tpu.region"() ({
        %run_scoped3A = tpu.sem_alloc : memref<!tpu.dma_semaphore, #tpu.memory_space<semaphore_mem>>
        %dma_start3A = arith.constant 0 : i32
        %dma_start3A_4254 = arith.constant 0 : i32
        %dma_start3A_4255 = tpu.memref_slice %arg3[%dma_start3A, %dma_start3A_4254, %mul3A_0] : memref<8x4x2048xf32, #tpu.memory_space<hbm>> -> memref<8x4x128xf32, #tpu.memory_space<hbm>>
        %dma_start3A_4256 = arith.constant 0 : i32
        %dma_start3A_4257 = arith.constant 0 : i32
        %dma_start3A_4258 = tpu.memref_slice %arg3[%dma_start3A_4256, %dma_start3A_4257, %mul3A_0] : memref<8x4x2048xf32, #tpu.memory_space<hbm>> -> memref<8x4x128xf32, #tpu.memory_space<hbm>>
        tpu.enqueue_dma source(%dma_start3A_4258 : memref<8x4x128xf32, #tpu.memory_space<hbm>>) target(%arg6 : memref<8x4x128xf32, #tpu.memory_space<vmem>>) target_semaphore(%run_scoped3A : memref<!tpu.dma_semaphore, #tpu.memory_space<semaphore_mem>>)
        %dma_wait3A = arith.constant 0 : i32
        %dma_wait3A_4259 = arith.constant 0 : i32
        %dma_wait3A_4260 = tpu.memref_slice %arg3[%dma_wait3A, %dma_wait3A_4259, %mul3A_0] : memref<8x4x2048xf32, #tpu.memory_space<hbm>> -> memref<8x4x128xf32, #tpu.memory_space<hbm>>
        %dma_wait3A_4261 = arith.constant 0 : i32
        %dma_wait3A_4262 = arith.constant 0 : i32
        %dma_wait3A_4263 = tpu.memref_slice %arg3[%dma_wait3A_4261, %dma_wait3A_4262, %mul3A_0] : memref<8x4x2048xf32, #tpu.memory_space<hbm>> -> memref<8x4x128xf32, #tpu.memory_space<hbm>>
        tpu.wait_dma2 semaphore(%run_scoped3A : memref<!tpu.dma_semaphore, #tpu.memory_space<semaphore_mem>>) src(%dma_wait3A_4263 : memref<8x4x128xf32, #tpu.memory_space<hbm>>) dst(%arg6 : memref<8x4x128xf32, #tpu.memory_space<vmem>>)
        tpu.yield
      }) : () -> ()
      %get3A = arith.constant 0 : i32
      %get3A_3 = arith.index_cast %get3A : i32 to index
      %get3A_4 = arith.constant 0 : index
      %get3A_5 = tpu.vector_load %arg5[%get3A_3, %get3A_4] {strides = array<i32>} : memref<32x128xf32, #tpu.memory_space<vmem>>, vector<1x16xf32>,
      %get3A_6 = vector.shape_cast %get3A_5 : vector<1x16xf32> to vector<16xf32>
      %exp3A = math.exp %get3A_6 : vector<16xf32>
      %get3A_7 = arith.constant 0 : i32
      %get3A_8 = arith.constant 0 : i32
      %get3A_9 = arith.index_cast %get3A_7 : i32 to index
      %get3A_10 = arith.index_cast %get3A_8 : i32 to index
      %get3A_11 = arith.constant 0 : index
      %get3A_12 = tpu.vector_load %arg6[%get3A_9, %get3A_10, %get3A_11] {strides = array<i32>} : memref<8x4x128xf32, #tpu.memory_space<vmem>>, vector<1x1x16xf32>,
      %get3A_13 = vector.shape_cast %get3A_12 : vector<1x1x16xf32> to vector<16xf32>
      %mul3A_14 = arith.mulf %exp3A, %get3A_13 : vector<16xf32>
      %get3A_15 = arith.constant 1 : i32
      %get3A_16 = arith.index_cast %get3A_15 : i32 to index
      %get3A_17 = arith.constant 0 : index
      %get3A_18 = tpu.vector_load %arg5[%get3A_16, %get3A_17] {strides = array<i32>} : memref<32x128xf32, #tpu.memory_space<vmem>>, vector<1x16xf32>,
      %get3A_19 = vector.shape_cast %get3A_18 : vector<1x16xf32> to vector<16xf32>
      %exp3A_20 = math.exp %get3A_19 : vector<16xf32>
      %get3A_21 = arith.constant 1 : i32
      %get3A_22 = arith.constant 0 : i32
      %get3A_23 = arith.index_cast %get3A_21 : i32 to index
      %get3A_24 = arith.index_cast %get3A_22 : i32 to index
      %get3A_25 = arith.constant 0 : index
      %get3A_26 = tpu.vector_load %arg6[%get3A_23, %get3A_24, %get3A_25] {strides = array<i32>} : memref<8x4x128xf32, #tpu.memory_space<vmem>>, vector<1x1x16xf32>,
      %get3A_27 = vector.shape_cast %get3A_26 : vector<1x1x16xf32> to vector<16xf32>
      %mul3A_28 = arith.mulf %exp3A_20, %get3A_27 : vector<16xf32>
      %add3A = arith.addf %mul3A_14, %mul3A_28 : vector<16xf32>
      %add3A_29 = arith.addf %exp3A, %exp3A_20 : vector<16xf32>
      %get3A_30 = arith.constant 2 : i32
      %get3A_31 = arith.index_cast %get3A_30 : i32 to index
      %get3A_32 = arith.constant 0 : index
      %get3A_33 = tpu.vector_load %arg5[%get3A_31, %get3A_32] {strides = array<i32>} : memref<32x128xf32, #tpu.memory_space<vmem>>, vector<1x16xf32>,
      %get3A_34 = vector.shape_cast %get3A_33 : vector<1x16xf32> to vector<16xf32>
      %exp3A_35 = math.exp %get3A_34 : vector<16xf32>
      %get3A_36 = arith.constant 2 : i32
      %get3A_37 = arith.constant 0 : i32
      %get3A_38 = arith.index_cast %get3A_36 : i32 to index
      %get3A_39 = arith.index_cast %get3A_37 : i32 to index
      %get3A_40 = arith.constant 0 : index
      %get3A_41 = tpu.vector_load %arg6[%get3A_38, %get3A_39, %get3A_40] {strides = array<i32>} : memref<8x4x128xf32, #tpu.memory_space<vmem>>, vector<1x1x16xf32>,
      %get3A_42 = vector.shape_cast %get3A_41 : vector<1x1x16xf32> to vector<16xf32>
      %mul3A_43 = arith.mulf %exp3A_35, %get3A_42 : vector<16xf32>
      %add3A_44 = arith.addf %add3A, %mul3A_43 : vector<16xf32>
      %add3A_45 = arith.addf %add3A_29, %exp3A_35 : vector<16xf32>
      %get3A_46 = arith.constant 3 : i32
      %get3A_47 = arith.index_cast %get3A_46 : i32 to index
      %get3A_48 = arith.constant 0 : index
      %get3A_49 = tpu.vector_load %arg5[%get3A_47, %get3A_48] {strides = array<i32>} : memref<32x128xf32, #tpu.memory_space<vmem>>, vector<1x16xf32>,
      %get3A_50 = vector.shape_cast %get3A_49 : vector<1x16xf32> to vector<16xf32>
      %exp3A_51 = math.exp %get3A_50 : vector<16xf32>
      %get3A_52 = arith.constant 3 : i32
      %get3A_53 = arith.constant 0 : i32
      %get3A_54 = arith.index_cast %get3A_52 : i32 to index
      %get3A_55 = arith.index_cast %get3A_53 : i32 to index
      %get3A_56 = arith.constant 0 : index
      %get3A_57 = tpu.vector_load %arg6[%get3A_54, %get3A_55, %get3A_56] {strides = array<i32>} : memref<8x4x128xf32, #tpu.memory_space<vmem>>, vector<1x1x16xf32>,
      %get3A_58 = vector.shape_cast %get3A_57 : vector<1x1x16xf32> to vector<16xf32>
      %mul3A_59 = arith.mulf %exp3A_51, %get3A_58 : vector<16xf32>
      %add3A_60 = arith.addf %add3A_44, %mul3A_59 : vector<16xf32>
      %add3A_61 = arith.addf %add3A_45, %exp3A_51 : vector<16xf32>
      %get3A_62 = arith.constant 4 : i32
      %get3A_63 = arith.index_cast %get3A_62 : i32 to index
      %get3A_64 = arith.constant 0 : index
      %get3A_65 = tpu.vector_load %arg5[%get3A_63, %get3A_64] {strides = array<i32>} : memref<32x128xf32, #tpu.memory_space<vmem>>, vector<1x16xf32>,
      %get3A_66 = vector.shape_cast %get3A_65 : vector<1x16xf32> to vector<16xf32>
      %exp3A_67 = math.exp %get3A_66 : vector<16xf32>
      %get3A_68 = arith.constant 4 : i32
      %get3A_69 = arith.constant 0 : i32
      %get3A_70 = arith.index_cast %get3A_68 : i32 to index
      %get3A_71 = arith.index_cast %get3A_69 : i32 to index
      %get3A_72 = arith.constant 0 : index
      %get3A_73 = tpu.vector_load %arg6[%get3A_70, %get3A_71, %get3A_72] {strides = array<i32>} : memref<8x4x128xf32, #tpu.memory_space<vmem>>, vector<1x1x16xf32>,
      %get3A_74 = vector.shape_cast %get3A_73 : vector<1x1x16xf32> to vector<16xf32>
      %mul3A_75 = arith.mulf %exp3A_67, %get3A_74 : vector<16xf32>
      %add3A_76 = arith.addf %add3A_60, %mul3A_75 : vector<16xf32>
      %add3A_77 = arith.addf %add3A_61, %exp3A_67 : vector<16xf32>
      %get3A_78 = arith.constant 5 : i32
      %get3A_79 = arith.index_cast %get3A_78 : i32 to index
      %get3A_80 = arith.constant 0 : index
      %get3A_81 = tpu.vector_load %arg5[%get3A_79, %get3A_80] {strides = array<i32>} : memref<32x128xf32, #tpu.memory_space<vmem>>, vector<1x16xf32>,
      %get3A_82 = vector.shape_cast %get3A_81 : vector<1x16xf32> to vector<16xf32>
      %exp3A_83 = math.exp %get3A_82 : vector<16xf32>
      %get3A_84 = arith.constant 5 : i32
      %get3A_85 = arith.constant 0 : i32
      %get3A_86 = arith.index_cast %get3A_84 : i32 to index
      %get3A_87 = arith.index_cast %get3A_85 : i32 to index
      %get3A_88 = arith.constant 0 : index
      %get3A_89 = tpu.vector_load %arg6[%get3A_86, %get3A_87, %get3A_88] {strides = array<i32>} : memref<8x4x128xf32, #tpu.memory_space<vmem>>, vector<1x1x16xf32>,
      %get3A_90 = vector.shape_cast %get3A_89 : vector<1x1x16xf32> to vector<16xf32>
      %mul3A_91 = arith.mulf %exp3A_83, %get3A_90 : vector<16xf32>
      %add3A_92 = arith.addf %add3A_76, %mul3A_91 : vector<16xf32>
      %add3A_93 = arith.addf %add3A_77, %exp3A_83 : vector<16xf32>
      %get3A_94 = arith.constant 6 : i32
      %get3A_95 = arith.index_cast %get3A_94 : i32 to index
      %get3A_96 = arith.constant 0 : index
      %get3A_97 = tpu.vector_load %arg5[%get3A_95, %get3A_96] {strides = array<i32>} : memref<32x128xf32, #tpu.memory_space<vmem>>, vector<1x16xf32>,
      %get3A_98 = vector.shape_cast %get3A_97 : vector<1x16xf32> to vector<16xf32>
      %exp3A_99 = math.exp %get3A_98 : vector<16xf32>
      %get3A_100 = arith.constant 6 : i32
      %get3A_101 = arith.constant 0 : i32
      %get3A_102 = arith.index_cast %get3A_100 : i32 to index
      %get3A_103 = arith.index_cast %get3A_101 : i32 to index
      %get3A_104 = arith.constant 0 : index
      %get3A_105 = tpu.vector_load %arg6[%get3A_102, %get3A_103, %get3A_104] {strides = array<i32>} : memref<8x4x128xf32, #tpu.memory_space<vmem>>, vector<1x1x16xf32>,
      %get3A_106 = vector.shape_cast %get3A_105 : vector<1x1x16xf32> to vector<16xf32>
      %mul3A_107 = arith.mulf %exp3A_99, %get3A_106 : vector<16xf32>
      %add3A_108 = arith.addf %add3A_92, %mul3A_107 : vector<16xf32>
      %add3A_109 = arith.addf %add3A_93, %exp3A_99 : vector<16xf32>
      %get3A_110 = arith.constant 7 : i32
      %get3A_111 = arith.index_cast %get3A_110 : i32 to index
      %get3A_112 = arith.constant 0 : index
      %get3A_113 = tpu.vector_load %arg5[%get3A_111, %get3A_112] {strides = array<i32>} : memref<32x128xf32, #tpu.memory_space<vmem>>, vector<1x16xf32>,
      %get3A_114 = vector.shape_cast %get3A_113 : vector<1x16xf32> to vector<16xf32>
      %exp3A_115 = math.exp %get3A_114 : vector<16xf32>
      %get3A_116 = arith.constant 7 : i32
      %get3A_117 = arith.constant 0 : i32
      %get3A_118 = arith.index_cast %get3A_116 : i32 to index
      %get3A_119 = arith.index_cast %get3A_117 : i32 to index
      %get3A_120 = arith.constant 0 : index
      %get3A_121 = tpu.vector_load %arg6[%get3A_118, %get3A_119, %get3A_120] {strides = array<i32>} : memref<8x4x128xf32, #tpu.memory_space<vmem>>, vector<1x1x16xf32>,
      %get3A_122 = vector.shape_cast %get3A_121 : vector<1x1x16xf32> to vector<16xf32>
      %mul3A_123 = arith.mulf %exp3A_115, %get3A_122 : vector<16xf32>
      %add3A_124 = arith.addf %add3A_108, %mul3A_123 : vector<16xf32>
      %add3A_125 = arith.addf %add3A_109, %exp3A_115 : vector<16xf32>
      %div3A = arith.divf %add3A_124, %add3A_125 : vector<16xf32>
      %swap3A = arith.constant 0 : i32
      %swap3A_126 = arith.index_cast %swap3A : i32 to index
      %swap3A_127 = arith.constant 0 : index
      %swap3A_128 = tpu.vector_load %arg7[%swap3A_126, %swap3A_127] {strides = array<i32>} : memref<4x128xf32, #tpu.memory_space<vmem>>, vector<1x16xf32>,
      %swap3A_129 = vector.shape_cast %swap3A_128 : vector<1x16xf32> to vector<16xf32>
      %swap3A_130 = vector.shape_cast %div3A : vector<16xf32> to vector<1x16xf32>
      tpu.vector_store %arg7[%swap3A_126, %swap3A_127], %swap3A_130 {strides = array<i32>} : memref<4x128xf32, #tpu.memory_space<vmem>>, vector<1x16xf32>,
      %get3A_131 = arith.constant 8 : i32
      %get3A_132 = arith.index_cast %get3A_131 : i32 to index
      %get3A_133 = arith.constant 0 : index
      %get3A_134 = tpu.vector_load %arg5[%get3A_132, %get3A_133] {strides = array<i32>} : memref<32x128xf32, #tpu.memory_space<vmem>>, vector<1x16xf32>,
      %get3A_135 = vector.shape_cast %get3A_134 : vector<1x16xf32> to vector<16xf32>
      %exp3A_136 = math.exp %get3A_135 : vector<16xf32>
      %get3A_137 = arith.constant 0 : i32
      %get3A_138 = arith.constant 1 : i32
      %get3A_139 = arith.index_cast %get3A_137 : i32 to index
      %get3A_140 = arith.index_cast %get3A_138 : i32 to index
      %get3A_141 = arith.constant 0 : index
      %get3A_142 = tpu.vector_load %arg6[%get3A_139, %get3A_140, %get3A_141] {strides = array<i32>} : memref<8x4x128xf32, #tpu.memory_space<vmem>>, vector<1x1x16xf32>,
      %get3A_143 = vector.shape_cast %get3A_142 : vector<1x1x16xf32> to vector<16xf32>
      %mul3A_144 = arith.mulf %exp3A_136, %get3A_143 : vector<16xf32>
      %get3A_145 = arith.constant 9 : i32
      %get3A_146 = arith.index_cast %get3A_145 : i32 to index
      %get3A_147 = arith.constant 0 : index
      %get3A_148 = tpu.vector_load %arg5[%get3A_146, %get3A_147] {strides = array<i32>} : memref<32x128xf32, #tpu.memory_space<vmem>>, vector<1x16xf32>,
      %get3A_149 = vector.shape_cast %get3A_148 : vector<1x16xf32> to vector<16xf32>
      %exp3A_150 = math.exp %get3A_149 : vector<16xf32>
      %get3A_151 = arith.constant 1 : i32
      %get3A_152 = arith.constant 1 : i32
      %get3A_153 = arith.index_cast %get3A_151 : i32 to index
      %get3A_154 = arith.index_cast %get3A_152 : i32 to index
      %get3A_155 = arith.constant 0 : index
      %get3A_156 = tpu.vector_load %arg6[%get3A_153, %get3A_154, %get3A_155] {strides = array<i32>} : memref<8x4x128xf32, #tpu.memory_space<vmem>>, vector<1x1x16xf32>,
      %get3A_157 = vector.shape_cast %get3A_156 : vector<1x1x16xf32> to vector<16xf32>
      %mul3A_158 = arith.mulf %exp3A_150, %get3A_157 : vector<16xf32>
      %add3A_159 = arith.addf %mul3A_144, %mul3A_158 : vector<16xf32>
      %add3A_160 = arith.addf %exp3A_136, %exp3A_150 : vector<16xf32>
      %get3A_161 = arith.constant 10 : i32
      %get3A_162 = arith.index_cast %get3A_161 : i32 to index
      %get3A_163 = arith.constant 0 : index
      %get3A_164 = tpu.vector_load %arg5[%get3A_162, %get3A_163] {strides = array<i32>} : memref<32x128xf32, #tpu.memory_space<vmem>>, vector<1x16xf32>,
      %get3A_165 = vector.shape_cast %get3A_164 : vector<1x16xf32> to vector<16xf32>
      %exp3A_166 = math.exp %get3A_165 : vector<16xf32>
      %get3A_167 = arith.constant 2 : i32
      %get3A_168 = arith.constant 1 : i32
      %get3A_169 = arith.index_cast %get3A_167 : i32 to index
      %get3A_170 = arith.index_cast %get3A_168 : i32 to index
      %get3A_171 = arith.constant 0 : index
      %get3A_172 = tpu.vector_load %arg6[%get3A_169, %get3A_170, %get3A_171] {strides = array<i32>} : memref<8x4x128xf32, #tpu.memory_space<vmem>>, vector<1x1x16xf32>,
      %get3A_173 = vector.shape_cast %get3A_172 : vector<1x1x16xf32> to vector<16xf32>
      %mul3A_174 = arith.mulf %exp3A_166, %get3A_173 : vector<16xf32>
      %add3A_175 = arith.addf %add3A_159, %mul3A_174 : vector<16xf32>
      %add3A_176 = arith.addf %add3A_160, %exp3A_166 : vector<16xf32>
      %get3A_177 = arith.constant 11 : i32
      %get3A_178 = arith.index_cast %get3A_177 : i32 to index
      %get3A_179 = arith.constant 0 : index
      %get3A_180 = tpu.vector_load %arg5[%get3A_178, %get3A_179] {strides = array<i32>} : memref<32x128xf32, #tpu.memory_space<vmem>>, vector<1x16xf32>,
      %get3A_181 = vector.shape_cast %get3A_180 : vector<1x16xf32> to vector<16xf32>
      %exp3A_182 = math.exp %get3A_181 : vector<16xf32>
      %get3A_183 = arith.constant 3 : i32
      %get3A_184 = arith.constant 1 : i32
      %get3A_185 = arith.index_cast %get3A_183 : i32 to index
      %get3A_186 = arith.index_cast %get3A_184 : i32 to index
      %get3A_187 = arith.constant 0 : index
      %get3A_188 = tpu.vector_load %arg6[%get3A_185, %get3A_186, %get3A_187] {strides = array<i32>} : memref<8x4x128xf32, #tpu.memory_space<vmem>>, vector<1x1x16xf32>,
      %get3A_189 = vector.shape_cast %get3A_188 : vector<1x1x16xf32> to vector<16xf32>
      %mul3A_190 = arith.mulf %exp3A_182, %get3A_189 : vector<16xf32>
      %add3A_191 = arith.addf %add3A_175, %mul3A_190 : vector<16xf32>
      %add3A_192 = arith.addf %add3A_176, %exp3A_182 : vector<16xf32>
      %get3A_193 = arith.constant 12 : i32
      %get3A_194 = arith.index_cast %get3A_193 : i32 to index
      %get3A_195 = arith.constant 0 : index
      %get3A_196 = tpu.vector_load %arg5[%get3A_194, %get3A_195] {strides = array<i32>} : memref<32x128xf32, #tpu.memory_space<vmem>>, vector<1x16xf32>,
      %get3A_197 = vector.shape_cast %get3A_196 : vector<1x16xf32> to vector<16xf32>
      %exp3A_198 = math.exp %get3A_197 : vector<16xf32>
      %get3A_199 = arith.constant 4 : i32
      %get3A_200 = arith.constant 1 : i32
      %get3A_201 = arith.index_cast %get3A_199 : i32 to index
      %get3A_202 = arith.index_cast %get3A_200 : i32 to index
      %get3A_203 = arith.constant 0 : index
      %get3A_204 = tpu.vector_load %arg6[%get3A_201, %get3A_202, %get3A_203] {strides = array<i32>} : memref<8x4x128xf32, #tpu.memory_space<vmem>>, vector<1x1x16xf32>,
      %get3A_205 = vector.shape_cast %get3A_204 : vector<1x1x16xf32> to vector<16xf32>
      %mul3A_206 = arith.mulf %exp3A_198, %get3A_205 : vector<16xf32>
      %add3A_207 = arith.addf %add3A_191, %mul3A_206 : vector<16xf32>
      %add3A_208 = arith.addf %add3A_192, %exp3A_198 : vector<16xf32>
      %get3A_209 = arith.constant 13 : i32
      %get3A_210 = arith.index_cast %get3A_209 : i32 to index
      %get3A_211 = arith.constant 0 : index
      %get3A_212 = tpu.vector_load %arg5[%get3A_210, %get3A_211] {strides = array<i32>} : memref<32x128xf32, #tpu.memory_space<vmem>>, vector<1x16xf32>,
      %get3A_213 = vector.shape_cast %get3A_212 : vector<1x16xf32> to vector<16xf32>
      %exp3A_214 = math.exp %get3A_213 : vector<16xf32>
      %get3A_215 = arith.constant 5 : i32
      %get3A_216 = arith.constant 1 : i32
      %get3A_217 = arith.index_cast %get3A_215 : i32 to index
      %get3A_218 = arith.index_cast %get3A_216 : i32 to index
      %get3A_219 = arith.constant 0 : index
      %get3A_220 = tpu.vector_load %arg6[%get3A_217, %get3A_218, %get3A_219] {strides = array<i32>} : memref<8x4x128xf32, #tpu.memory_space<vmem>>, vector<1x1x16xf32>,
      %get3A_221 = vector.shape_cast %get3A_220 : vector<1x1x16xf32> to vector<16xf32>
      %mul3A_222 = arith.mulf %exp3A_214, %get3A_221 : vector<16xf32>
      %add3A_223 = arith.addf %add3A_207, %mul3A_222 : vector<16xf32>
      %add3A_224 = arith.addf %add3A_208, %exp3A_214 : vector<16xf32>
      %get3A_225 = arith.constant 14 : i32
      %get3A_226 = arith.index_cast %get3A_225 : i32 to index
      %get3A_227 = arith.constant 0 : index
      %get3A_228 = tpu.vector_load %arg5[%get3A_226, %get3A_227] {strides = array<i32>} : memref<32x128xf32, #tpu.memory_space<vmem>>, vector<1x16xf32>,
      %get3A_229 = vector.shape_cast %get3A_228 : vector<1x16xf32> to vector<16xf32>
      %exp3A_230 = math.exp %get3A_229 : vector<16xf32>
      %get3A_231 = arith.constant 6 : i32
      %get3A_232 = arith.constant 1 : i32
      %get3A_233 = arith.index_cast %get3A_231 : i32 to index
      %get3A_234 = arith.index_cast %get3A_232 : i32 to index
      %get3A_235 = arith.constant 0 : index
      %get3A_236 = tpu.vector_load %arg6[%get3A_233, %get3A_234, %get3A_235] {strides = array<i32>} : memref<8x4x128xf32, #tpu.memory_space<vmem>>, vector<1x1x16xf32>,
      %get3A_237 = vector.shape_cast %get3A_236 : vector<1x1x16xf32> to vector<16xf32>
      %mul3A_238 = arith.mulf %exp3A_230, %get3A_237 : vector<16xf32>
      %add3A_239 = arith.addf %add3A_223, %mul3A_238 : vector<16xf32>
      %add3A_240 = arith.addf %add3A_224, %exp3A_230 : vector<16xf32>
      %get3A_241 = arith.constant 15 : i32
      %get3A_242 = arith.index_cast %get3A_241 : i32 to index
      %get3A_243 = arith.constant 0 : index
      %get3A_244 = tpu.vector_load %arg5[%get3A_242, %get3A_243] {strides = array<i32>} : memref<32x128xf32, #tpu.memory_space<vmem>>, vector<1x16xf32>,
      %get3A_245 = vector.shape_cast %get3A_244 : vector<1x16xf32> to vector<16xf32>
      %exp3A_246 = math.exp %get3A_245 : vector<16xf32>
      %get3A_247 = arith.constant 7 : i32
      %get3A_248 = arith.constant 1 : i32
      %get3A_249 = arith.index_cast %get3A_247 : i32 to index
      %get3A_250 = arith.index_cast %get3A_248 : i32 to index
      %get3A_251 = arith.constant 0 : index
      %get3A_252 = tpu.vector_load %arg6[%get3A_249, %get3A_250, %get3A_251] {strides = array<i32>} : memref<8x4x128xf32, #tpu.memory_space<vmem>>, vector<1x1x16xf32>,
      %get3A_253 = vector.shape_cast %get3A_252 : vector<1x1x16xf32> to vector<16xf32>
      %mul3A_254 = arith.mulf %exp3A_246, %get3A_253 : vector<16xf32>
      %add3A_255 = arith.addf %add3A_239, %mul3A_254 : vector<16xf32>
      %add3A_256 = arith.addf %add3A_240, %exp3A_246 : vector<16xf32>
      %div3A_257 = arith.divf %add3A_255, %add3A_256 : vector<16xf32>
      %swap3A_258 = arith.constant 1 : i32
      %swap3A_259 = arith.index_cast %swap3A_258 : i32 to index
      %swap3A_260 = arith.constant 0 : index
      %swap3A_261 = tpu.vector_load %arg7[%swap3A_259, %swap3A_260] {strides = array<i32>} : memref<4x128xf32, #tpu.memory_space<vmem>>, vector<1x16xf32>,
      %swap3A_262 = vector.shape_cast %swap3A_261 : vector<1x16xf32> to vector<16xf32>
      %swap3A_263 = vector.shape_cast %div3A_257 : vector<16xf32> to vector<1x16xf32>
      tpu.vector_store %arg7[%swap3A_259, %swap3A_260], %swap3A_263 {strides = array<i32>} : memref<4x128xf32, #tpu.memory_space<vmem>>, vector<1x16xf32>,
      %get3A_264 = arith.constant 16 : i32
      %get3A_265 = arith.index_cast %get3A_264 : i32 to index
      %get3A_266 = arith.constant 0 : index
      %get3A_267 = tpu.vector_load %arg5[%get3A_265, %get3A_266] {strides = array<i32>} : memref<32x128xf32, #tpu.memory_space<vmem>>, vector<1x16xf32>,
      %get3A_268 = vector.shape_cast %get3A_267 : vector<1x16xf32> to vector<16xf32>
      %exp3A_269 = math.exp %get3A_268 : vector<16xf32>
      %get3A_270 = arith.constant 0 : i32
      %get3A_271 = arith.constant 2 : i32
      %get3A_272 = arith.index_cast %get3A_270 : i32 to index
      %get3A_273 = arith.index_cast %get3A_271 : i32 to index
      %get3A_274 = arith.constant 0 : index
      %get3A_275 = tpu.vector_load %arg6[%get3A_272, %get3A_273, %get3A_274] {strides = array<i32>} : memref<8x4x128xf32, #tpu.memory_space<vmem>>, vector<1x1x16xf32>,
      %get3A_276 = vector.shape_cast %get3A_275 : vector<1x1x16xf32> to vector<16xf32>
      %mul3A_277 = arith.mulf %exp3A_269, %get3A_276 : vector<16xf32>
      %get3A_278 = arith.constant 17 : i32
      %get3A_279 = arith.index_cast %get3A_278 : i32 to index
      %get3A_280 = arith.constant 0 : index
      %get3A_281 = tpu.vector_load %arg5[%get3A_279, %get3A_280] {strides = array<i32>} : memref<32x128xf32, #tpu.memory_space<vmem>>, vector<1x16xf32>,
      %get3A_282 = vector.shape_cast %get3A_281 : vector<1x16xf32> to vector<16xf32>
      %exp3A_283 = math.exp %get3A_282 : vector<16xf32>
      %get3A_284 = arith.constant 1 : i32
      %get3A_285 = arith.constant 2 : i32
      %get3A_286 = arith.index_cast %get3A_284 : i32 to index
      %get3A_287 = arith.index_cast %get3A_285 : i32 to index
      %get3A_288 = arith.constant 0 : index
      %get3A_289 = tpu.vector_load %arg6[%get3A_286, %get3A_287, %get3A_288] {strides = array<i32>} : memref<8x4x128xf32, #tpu.memory_space<vmem>>, vector<1x1x16xf32>,
      %get3A_290 = vector.shape_cast %get3A_289 : vector<1x1x16xf32> to vector<16xf32>
      %mul3A_291 = arith.mulf %exp3A_283, %get3A_290 : vector<16xf32>
      %add3A_292 = arith.addf %mul3A_277, %mul3A_291 : vector<16xf32>
      %add3A_293 = arith.addf %exp3A_269, %exp3A_283 : vector<16xf32>
      %get3A_294 = arith.constant 18 : i32
      %get3A_295 = arith.index_cast %get3A_294 : i32 to index
      %get3A_296 = arith.constant 0 : index
      %get3A_297 = tpu.vector_load %arg5[%get3A_295, %get3A_296] {strides = array<i32>} : memref<32x128xf32, #tpu.memory_space<vmem>>, vector<1x16xf32>,
      %get3A_298 = vector.shape_cast %get3A_297 : vector<1x16xf32> to vector<16xf32>
      %exp3A_299 = math.exp %get3A_298 : vector<16xf32>
      %get3A_300 = arith.constant 2 : i32
      %get3A_301 = arith.constant 2 : i32
      %get3A_302 = arith.index_cast %get3A_300 : i32 to index
      %get3A_303 = arith.index_cast %get3A_301 : i32 to index
      %get3A_304 = arith.constant 0 : index
      %get3A_305 = tpu.vector_load %arg6[%get3A_302, %get3A_303, %get3A_304] {strides = array<i32>} : memref<8x4x128xf32, #tpu.memory_space<vmem>>, vector<1x1x16xf32>,
      %get3A_306 = vector.shape_cast %get3A_305 : vector<1x1x16xf32> to vector<16xf32>
      %mul3A_307 = arith.mulf %exp3A_299, %get3A_306 : vector<16xf32>
      %add3A_308 = arith.addf %add3A_292, %mul3A_307 : vector<16xf32>
      %add3A_309 = arith.addf %add3A_293, %exp3A_299 : vector<16xf32>
      %get3A_310 = arith.constant 19 : i32
      %get3A_311 = arith.index_cast %get3A_310 : i32 to index
      %get3A_312 = arith.constant 0 : index
      %get3A_313 = tpu.vector_load %arg5[%get3A_311, %get3A_312] {strides = array<i32>} : memref<32x128xf32, #tpu.memory_space<vmem>>, vector<1x16xf32>,
      %get3A_314 = vector.shape_cast %get3A_313 : vector<1x16xf32> to vector<16xf32>
      %exp3A_315 = math.exp %get3A_314 : vector<16xf32>
      %get3A_316 = arith.constant 3 : i32
      %get3A_317 = arith.constant 2 : i32
      %get3A_318 = arith.index_cast %get3A_316 : i32 to index
      %get3A_319 = arith.index_cast %get3A_317 : i32 to index
      %get3A_320 = arith.constant 0 : index
      %get3A_321 = tpu.vector_load %arg6[%get3A_318, %get3A_319, %get3A_320] {strides = array<i32>} : memref<8x4x128xf32, #tpu.memory_space<vmem>>, vector<1x1x16xf32>,
      %get3A_322 = vector.shape_cast %get3A_321 : vector<1x1x16xf32> to vector<16xf32>
      %mul3A_323 = arith.mulf %exp3A_315, %get3A_322 : vector<16xf32>
      %add3A_324 = arith.addf %add3A_308, %mul3A_323 : vector<16xf32>
      %add3A_325 = arith.addf %add3A_309, %exp3A_315 : vector<16xf32>
      %get3A_326 = arith.constant 20 : i32
      %get3A_327 = arith.index_cast %get3A_326 : i32 to index
      %get3A_328 = arith.constant 0 : index
      %get3A_329 = tpu.vector_load %arg5[%get3A_327, %get3A_328] {strides = array<i32>} : memref<32x128xf32, #tpu.memory_space<vmem>>, vector<1x16xf32>,
      %get3A_330 = vector.shape_cast %get3A_329 : vector<1x16xf32> to vector<16xf32>
      %exp3A_331 = math.exp %get3A_330 : vector<16xf32>
      %get3A_332 = arith.constant 4 : i32
      %get3A_333 = arith.constant 2 : i32
      %get3A_334 = arith.index_cast %get3A_332 : i32 to index
      %get3A_335 = arith.index_cast %get3A_333 : i32 to index
      %get3A_336 = arith.constant 0 : index
      %get3A_337 = tpu.vector_load %arg6[%get3A_334, %get3A_335, %get3A_336] {strides = array<i32>} : memref<8x4x128xf32, #tpu.memory_space<vmem>>, vector<1x1x16xf32>,
      %get3A_338 = vector.shape_cast %get3A_337 : vector<1x1x16xf32> to vector<16xf32>
      %mul3A_339 = arith.mulf %exp3A_331, %get3A_338 : vector<16xf32>
      %add3A_340 = arith.addf %add3A_324, %mul3A_339 : vector<16xf32>
      %add3A_341 = arith.addf %add3A_325, %exp3A_331 : vector<16xf32>
      %get3A_342 = arith.constant 21 : i32
      %get3A_343 = arith.index_cast %get3A_342 : i32 to index
      %get3A_344 = arith.constant 0 : index
      %get3A_345 = tpu.vector_load %arg5[%get3A_343, %get3A_344] {strides = array<i32>} : memref<32x128xf32, #tpu.memory_space<vmem>>, vector<1x16xf32>,
      %get3A_346 = vector.shape_cast %get3A_345 : vector<1x16xf32> to vector<16xf32>
      %exp3A_347 = math.exp %get3A_346 : vector<16xf32>
      %get3A_348 = arith.constant 5 : i32
      %get3A_349 = arith.constant 2 : i32
      %get3A_350 = arith.index_cast %get3A_348 : i32 to index
      %get3A_351 = arith.index_cast %get3A_349 : i32 to index
      %get3A_352 = arith.constant 0 : index
      %get3A_353 = tpu.vector_load %arg6[%get3A_350, %get3A_351, %get3A_352] {strides = array<i32>} : memref<8x4x128xf32, #tpu.memory_space<vmem>>, vector<1x1x16xf32>,
      %get3A_354 = vector.shape_cast %get3A_353 : vector<1x1x16xf32> to vector<16xf32>
      %mul3A_355 = arith.mulf %exp3A_347, %get3A_354 : vector<16xf32>
      %add3A_356 = arith.addf %add3A_340, %mul3A_355 : vector<16xf32>
      %add3A_357 = arith.addf %add3A_341, %exp3A_347 : vector<16xf32>
      %get3A_358 = arith.constant 22 : i32
      %get3A_359 = arith.index_cast %get3A_358 : i32 to index
      %get3A_360 = arith.constant 0 : index
      %get3A_361 = tpu.vector_load %arg5[%get3A_359, %get3A_360] {strides = array<i32>} : memref<32x128xf32, #tpu.memory_space<vmem>>, vector<1x16xf32>,
      %get3A_362 = vector.shape_cast %get3A_361 : vector<1x16xf32> to vector<16xf32>
      %exp3A_363 = math.exp %get3A_362 : vector<16xf32>
      %get3A_364 = arith.constant 6 : i32
      %get3A_365 = arith.constant 2 : i32
      %get3A_366 = arith.index_cast %get3A_364 : i32 to index
      %get3A_367 = arith.index_cast %get3A_365 : i32 to index
      %get3A_368 = arith.constant 0 : index
      %get3A_369 = tpu.vector_load %arg6[%get3A_366, %get3A_367, %get3A_368] {strides = array<i32>} : memref<8x4x128xf32, #tpu.memory_space<vmem>>, vector<1x1x16xf32>,
      %get3A_370 = vector.shape_cast %get3A_369 : vector<1x1x16xf32> to vector<16xf32>
      %mul3A_371 = arith.mulf %exp3A_363, %get3A_370 : vector<16xf32>
      %add3A_372 = arith.addf %add3A_356, %mul3A_371 : vector<16xf32>
      %add3A_373 = arith.addf %add3A_357, %exp3A_363 : vector<16xf32>
      %get3A_374 = arith.constant 23 : i32
      %get3A_375 = arith.index_cast %get3A_374 : i32 to index
      %get3A_376 = arith.constant 0 : index
      %get3A_377 = tpu.vector_load %arg5[%get3A_375, %get3A_376] {strides = array<i32>} : memref<32x128xf32, #tpu.memory_space<vmem>>, vector<1x16xf32>,
      %get3A_378 = vector.shape_cast %get3A_377 : vector<1x16xf32> to vector<16xf32>
      %exp3A_379 = math.exp %get3A_378 : vector<16xf32>
      %get3A_380 = arith.constant 7 : i32
      %get3A_381 = arith.constant 2 : i32
      %get3A_382 = arith.index_cast %get3A_380 : i32 to index
      %get3A_383 = arith.index_cast %get3A_381 : i32 to index
      %get3A_384 = arith.constant 0 : index
      %get3A_385 = tpu.vector_load %arg6[%get3A_382, %get3A_383, %get3A_384] {strides = array<i32>} : memref<8x4x128xf32, #tpu.memory_space<vmem>>, vector<1x1x16xf32>,
      %get3A_386 = vector.shape_cast %get3A_385 : vector<1x1x16xf32> to vector<16xf32>
      %mul3A_387 = arith.mulf %exp3A_379, %get3A_386 : vector<16xf32>
      %add3A_388 = arith.addf %add3A_372, %mul3A_387 : vector<16xf32>
      %add3A_389 = arith.addf %add3A_373, %exp3A_379 : vector<16xf32>
      %div3A_390 = arith.divf %add3A_388, %add3A_389 : vector<16xf32>
      %swap3A_391 = arith.constant 2 : i32
      %swap3A_392 = arith.index_cast %swap3A_391 : i32 to index
      %swap3A_393 = arith.constant 0 : index
      %swap3A_394 = tpu.vector_load %arg7[%swap3A_392, %swap3A_393] {strides = array<i32>} : memref<4x128xf32, #tpu.memory_space<vmem>>, vector<1x16xf32>,
      %swap3A_395 = vector.shape_cast %swap3A_394 : vector<1x16xf32> to vector<16xf32>
      %swap3A_396 = vector.shape_cast %div3A_390 : vector<16xf32> to vector<1x16xf32>
      tpu.vector_store %arg7[%swap3A_392, %swap3A_393], %swap3A_396 {strides = array<i32>} : memref<4x128xf32, #tpu.memory_space<vmem>>, vector<1x16xf32>,
      %get3A_397 = arith.constant 24 : i32
      %get3A_398 = arith.index_cast %get3A_397 : i32 to index
      %get3A_399 = arith.constant 0 : index
      %get3A_400 = tpu.vector_load %arg5[%get3A_398, %get3A_399] {strides = array<i32>} : memref<32x128xf32, #tpu.memory_space<vmem>>, vector<1x16xf32>,
      %get3A_401 = vector.shape_cast %get3A_400 : vector<1x16xf32> to vector<16xf32>
      %exp3A_402 = math.exp %get3A_401 : vector<16xf32>
      %get3A_403 = arith.constant 0 : i32
      %get3A_404 = arith.constant 3 : i32
      %get3A_405 = arith.index_cast %get3A_403 : i32 to index
      %get3A_406 = arith.index_cast %get3A_404 : i32 to index
      %get3A_407 = arith.constant 0 : index
      %get3A_408 = tpu.vector_load %arg6[%get3A_405, %get3A_406, %get3A_407] {strides = array<i32>} : memref<8x4x128xf32, #tpu.memory_space<vmem>>, vector<1x1x16xf32>,
      %get3A_409 = vector.shape_cast %get3A_408 : vector<1x1x16xf32> to vector<16xf32>
      %mul3A_410 = arith.mulf %exp3A_402, %get3A_409 : vector<16xf32>
      %get3A_411 = arith.constant 25 : i32
      %get3A_412 = arith.index_cast %get3A_411 : i32 to index
      %get3A_413 = arith.constant 0 : index
      %get3A_414 = tpu.vector_load %arg5[%get3A_412, %get3A_413] {strides = array<i32>} : memref<32x128xf32, #tpu.memory_space<vmem>>, vector<1x16xf32>,
      %get3A_415 = vector.shape_cast %get3A_414 : vector<1x16xf32> to vector<16xf32>
      %exp3A_416 = math.exp %get3A_415 : vector<16xf32>
      %get3A_417 = arith.constant 1 : i32
      %get3A_418 = arith.constant 3 : i32
      %get3A_419 = arith.index_cast %get3A_417 : i32 to index
      %get3A_420 = arith.index_cast %get3A_418 : i32 to index
      %get3A_421 = arith.constant 0 : index
      %get3A_422 = tpu.vector_load %arg6[%get3A_419, %get3A_420, %get3A_421] {strides = array<i32>} : memref<8x4x128xf32, #tpu.memory_space<vmem>>, vector<1x1x16xf32>,
      %get3A_423 = vector.shape_cast %get3A_422 : vector<1x1x16xf32> to vector<16xf32>
      %mul3A_424 = arith.mulf %exp3A_416, %get3A_423 : vector<16xf32>
      %add3A_425 = arith.addf %mul3A_410, %mul3A_424 : vector<16xf32>
      %add3A_426 = arith.addf %exp3A_402, %exp3A_416 : vector<16xf32>
      %get3A_427 = arith.constant 26 : i32
      %get3A_428 = arith.index_cast %get3A_427 : i32 to index
      %get3A_429 = arith.constant 0 : index
      %get3A_430 = tpu.vector_load %arg5[%get3A_428, %get3A_429] {strides = array<i32>} : memref<32x128xf32, #tpu.memory_space<vmem>>, vector<1x16xf32>,
      %get3A_431 = vector.shape_cast %get3A_430 : vector<1x16xf32> to vector<16xf32>
      %exp3A_432 = math.exp %get3A_431 : vector<16xf32>
      %get3A_433 = arith.constant 2 : i32
      %get3A_434 = arith.constant 3 : i32
      %get3A_435 = arith.index_cast %get3A_433 : i32 to index
      %get3A_436 = arith.index_cast %get3A_434 : i32 to index
      %get3A_437 = arith.constant 0 : index
      %get3A_438 = tpu.vector_load %arg6[%get3A_435, %get3A_436, %get3A_437] {strides = array<i32>} : memref<8x4x128xf32, #tpu.memory_space<vmem>>, vector<1x1x16xf32>,
      %get3A_439 = vector.shape_cast %get3A_438 : vector<1x1x16xf32> to vector<16xf32>
      %mul3A_440 = arith.mulf %exp3A_432, %get3A_439 : vector<16xf32>
      %add3A_441 = arith.addf %add3A_425, %mul3A_440 : vector<16xf32>
      %add3A_442 = arith.addf %add3A_426, %exp3A_432 : vector<16xf32>
      %get3A_443 = arith.constant 27 : i32
      %get3A_444 = arith.index_cast %get3A_443 : i32 to index
      %get3A_445 = arith.constant 0 : index
      %get3A_446 = tpu.vector_load %arg5[%get3A_444, %get3A_445] {strides = array<i32>} : memref<32x128xf32, #tpu.memory_space<vmem>>, vector<1x16xf32>,
      %get3A_447 = vector.shape_cast %get3A_446 : vector<1x16xf32> to vector<16xf32>
      %exp3A_448 = math.exp %get3A_447 : vector<16xf32>
      %get3A_449 = arith.constant 3 : i32
      %get3A_450 = arith.constant 3 : i32
      %get3A_451 = arith.index_cast %get3A_449 : i32 to index
      %get3A_452 = arith.index_cast %get3A_450 : i32 to index
      %get3A_453 = arith.constant 0 : index
      %get3A_454 = tpu.vector_load %arg6[%get3A_451, %get3A_452, %get3A_453] {strides = array<i32>} : memref<8x4x128xf32, #tpu.memory_space<vmem>>, vector<1x1x16xf32>,
      %get3A_455 = vector.shape_cast %get3A_454 : vector<1x1x16xf32> to vector<16xf32>
      %mul3A_456 = arith.mulf %exp3A_448, %get3A_455 : vector<16xf32>
      %add3A_457 = arith.addf %add3A_441, %mul3A_456 : vector<16xf32>
      %add3A_458 = arith.addf %add3A_442, %exp3A_448 : vector<16xf32>
      %get3A_459 = arith.constant 28 : i32
      %get3A_460 = arith.index_cast %get3A_459 : i32 to index
      %get3A_461 = arith.constant 0 : index
      %get3A_462 = tpu.vector_load %arg5[%get3A_460, %get3A_461] {strides = array<i32>} : memref<32x128xf32, #tpu.memory_space<vmem>>, vector<1x16xf32>,
      %get3A_463 = vector.shape_cast %get3A_462 : vector<1x16xf32> to vector<16xf32>
      %exp3A_464 = math.exp %get3A_463 : vector<16xf32>
      %get3A_465 = arith.constant 4 : i32
      %get3A_466 = arith.constant 3 : i32
      %get3A_467 = arith.index_cast %get3A_465 : i32 to index
      %get3A_468 = arith.index_cast %get3A_466 : i32 to index
      %get3A_469 = arith.constant 0 : index
      %get3A_470 = tpu.vector_load %arg6[%get3A_467, %get3A_468, %get3A_469] {strides = array<i32>} : memref<8x4x128xf32, #tpu.memory_space<vmem>>, vector<1x1x16xf32>,
      %get3A_471 = vector.shape_cast %get3A_470 : vector<1x1x16xf32> to vector<16xf32>
      %mul3A_472 = arith.mulf %exp3A_464, %get3A_471 : vector<16xf32>
      %add3A_473 = arith.addf %add3A_457, %mul3A_472 : vector<16xf32>
      %add3A_474 = arith.addf %add3A_458, %exp3A_464 : vector<16xf32>
      %get3A_475 = arith.constant 29 : i32
      %get3A_476 = arith.index_cast %get3A_475 : i32 to index
      %get3A_477 = arith.constant 0 : index
      %get3A_478 = tpu.vector_load %arg5[%get3A_476, %get3A_477] {strides = array<i32>} : memref<32x128xf32, #tpu.memory_space<vmem>>, vector<1x16xf32>,
      %get3A_479 = vector.shape_cast %get3A_478 : vector<1x16xf32> to vector<16xf32>
      %exp3A_480 = math.exp %get3A_479 : vector<16xf32>
      %get3A_481 = arith.constant 5 : i32
      %get3A_482 = arith.constant 3 : i32
      %get3A_483 = arith.index_cast %get3A_481 : i32 to index
      %get3A_484 = arith.index_cast %get3A_482 : i32 to index
      %get3A_485 = arith.constant 0 : index
      %get3A_486 = tpu.vector_load %arg6[%get3A_483, %get3A_484, %get3A_485] {strides = array<i32>} : memref<8x4x128xf32, #tpu.memory_space<vmem>>, vector<1x1x16xf32>,
      %get3A_487 = vector.shape_cast %get3A_486 : vector<1x1x16xf32> to vector<16xf32>
      %mul3A_488 = arith.mulf %exp3A_480, %get3A_487 : vector<16xf32>
      %add3A_489 = arith.addf %add3A_473, %mul3A_488 : vector<16xf32>
      %add3A_490 = arith.addf %add3A_474, %exp3A_480 : vector<16xf32>
      %get3A_491 = arith.constant 30 : i32
      %get3A_492 = arith.index_cast %get3A_491 : i32 to index
      %get3A_493 = arith.constant 0 : index
      %get3A_494 = tpu.vector_load %arg5[%get3A_492, %get3A_493] {strides = array<i32>} : memref<32x128xf32, #tpu.memory_space<vmem>>, vector<1x16xf32>,
      %get3A_495 = vector.shape_cast %get3A_494 : vector<1x16xf32> to vector<16xf32>
      %exp3A_496 = math.exp %get3A_495 : vector<16xf32>
      %get3A_497 = arith.constant 6 : i32
      %get3A_498 = arith.constant 3 : i32
      %get3A_499 = arith.index_cast %get3A_497 : i32 to index
      %get3A_500 = arith.index_cast %get3A_498 : i32 to index
      %get3A_501 = arith.constant 0 : index
      %get3A_502 = tpu.vector_load %arg6[%get3A_499, %get3A_500, %get3A_501] {strides = array<i32>} : memref<8x4x128xf32, #tpu.memory_space<vmem>>, vector<1x1x16xf32>,
      %get3A_503 = vector.shape_cast %get3A_502 : vector<1x1x16xf32> to vector<16xf32>
      %mul3A_504 = arith.mulf %exp3A_496, %get3A_503 : vector<16xf32>
      %add3A_505 = arith.addf %add3A_489, %mul3A_504 : vector<16xf32>
      %add3A_506 = arith.addf %add3A_490, %exp3A_496 : vector<16xf32>
      %get3A_507 = arith.constant 31 : i32
      %get3A_508 = arith.index_cast %get3A_507 : i32 to index
      %get3A_509 = arith.constant 0 : index
      %get3A_510 = tpu.vector_load %arg5[%get3A_508, %get3A_509] {strides = array<i32>} : memref<32x128xf32, #tpu.memory_space<vmem>>, vector<1x16xf32>,
      %get3A_511 = vector.shape_cast %get3A_510 : vector<1x16xf32> to vector<16xf32>
      %exp3A_512 = math.exp %get3A_511 : vector<16xf32>
      %get3A_513 = arith.constant 7 : i32
      %get3A_514 = arith.constant 3 : i32
      %get3A_515 = arith.index_cast %get3A_513 : i32 to index
      %get3A_516 = arith.index_cast %get3A_514 : i32 to index
      %get3A_517 = arith.constant 0 : index
      %get3A_518 = tpu.vector_load %arg6[%get3A_515, %get3A_516, %get3A_517] {strides = array<i32>} : memref<8x4x128xf32, #tpu.memory_space<vmem>>, vector<1x1x16xf32>,
      %get3A_519 = vector.shape_cast %get3A_518 : vector<1x1x16xf32> to vector<16xf32>
      %mul3A_520 = arith.mulf %exp3A_512, %get3A_519 : vector<16xf32>
      %add3A_521 = arith.addf %add3A_505, %mul3A_520 : vector<16xf32>
      %add3A_522 = arith.addf %add3A_506, %exp3A_512 : vector<16xf32>
      %div3A_523 = arith.divf %add3A_521, %add3A_522 : vector<16xf32>
      %swap3A_524 = arith.constant 3 : i32
      %swap3A_525 = arith.index_cast %swap3A_524 : i32 to index
      %swap3A_526 = arith.constant 0 : index
      %swap3A_527 = tpu.vector_load %arg7[%swap3A_525, %swap3A_526] {strides = array<i32>} : memref<4x128xf32, #tpu.memory_space<vmem>>, vector<1x16xf32>,
      %swap3A_528 = vector.shape_cast %swap3A_527 : vector<1x16xf32> to vector<16xf32>
      %swap3A_529 = vector.shape_cast %div3A_523 : vector<16xf32> to vector<1x16xf32>
      tpu.vector_store %arg7[%swap3A_525, %swap3A_526], %swap3A_529 {strides = array<i32>} : memref<4x128xf32, #tpu.memory_space<vmem>>, vector<1x16xf32>,
      %get3A_530 = arith.constant 0 : i32
      %get3A_531 = arith.index_cast %get3A_530 : i32 to index
      %get3A_532 = arith.constant 16 : index
      %get3A_533 = tpu.vector_load %arg5[%get3A_531, %get3A_532] {strides = array<i32>} : memref<32x128xf32, #tpu.memory_space<vmem>>, vector<1x16xf32>,
      %get3A_534 = vector.shape_cast %get3A_533 : vector<1x16xf32> to vector<16xf32>
      %exp3A_535 = math.exp %get3A_534 : vector<16xf32>
      %get3A_536 = arith.constant 0 : i32
      %get3A_537 = arith.constant 0 : i32
      %get3A_538 = arith.index_cast %get3A_536 : i32 to index
      %get3A_539 = arith.index_cast %get3A_537 : i32 to index
      %get3A_540 = arith.constant 16 : index
      %get3A_541 = tpu.vector_load %arg6[%get3A_538, %get3A_539, %get3A_540] {strides = array<i32>} : memref<8x4x128xf32, #tpu.memory_space<vmem>>, vector<1x1x16xf32>,
      %get3A_542 = vector.shape_cast %get3A_541 : vector<1x1x16xf32> to vector<16xf32>
      %mul3A_543 = arith.mulf %exp3A_535, %get3A_542 : vector<16xf32>
      %get3A_544 = arith.constant 1 : i32
      %get3A_545 = arith.index_cast %get3A_544 : i32 to index
      %get3A_546 = arith.constant 16 : index
      %get3A_547 = tpu.vector_load %arg5[%get3A_545, %get3A_546] {strides = array<i32>} : memref<32x128xf32, #tpu.memory_space<vmem>>, vector<1x16xf32>,
      %get3A_548 = vector.shape_cast %get3A_547 : vector<1x16xf32> to vector<16xf32>
      %exp3A_549 = math.exp %get3A_548 : vector<16xf32>
      %get3A_550 = arith.constant 1 : i32
      %get3A_551 = arith.constant 0 : i32
      %get3A_552 = arith.index_cast %get3A_550 : i32 to index
      %get3A_553 = arith.index_cast %get3A_551 : i32 to index
      %get3A_554 = arith.constant 16 : index
      %get3A_555 = tpu.vector_load %arg6[%get3A_552, %get3A_553, %get3A_554] {strides = array<i32>} : memref<8x4x128xf32, #tpu.memory_space<vmem>>, vector<1x1x16xf32>,
      %get3A_556 = vector.shape_cast %get3A_555 : vector<1x1x16xf32> to vector<16xf32>
      %mul3A_557 = arith.mulf %exp3A_549, %get3A_556 : vector<16xf32>
      %add3A_558 = arith.addf %mul3A_543, %mul3A_557 : vector<16xf32>
      %add3A_559 = arith.addf %exp3A_535, %exp3A_549 : vector<16xf32>
      %get3A_560 = arith.constant 2 : i32
      %get3A_561 = arith.index_cast %get3A_560 : i32 to index
      %get3A_562 = arith.constant 16 : index
      %get3A_563 = tpu.vector_load %arg5[%get3A_561, %get3A_562] {strides = array<i32>} : memref<32x128xf32, #tpu.memory_space<vmem>>, vector<1x16xf32>,
      %get3A_564 = vector.shape_cast %get3A_563 : vector<1x16xf32> to vector<16xf32>
      %exp3A_565 = math.exp %get3A_564 : vector<16xf32>
      %get3A_566 = arith.constant 2 : i32
      %get3A_567 = arith.constant 0 : i32
      %get3A_568 = arith.index_cast %get3A_566 : i32 to index
      %get3A_569 = arith.index_cast %get3A_567 : i32 to index
      %get3A_570 = arith.constant 16 : index
      %get3A_571 = tpu.vector_load %arg6[%get3A_568, %get3A_569, %get3A_570] {strides = array<i32>} : memref<8x4x128xf32, #tpu.memory_space<vmem>>, vector<1x1x16xf32>,
      %get3A_572 = vector.shape_cast %get3A_571 : vector<1x1x16xf32> to vector<16xf32>
      %mul3A_573 = arith.mulf %exp3A_565, %get3A_572 : vector<16xf32>
      %add3A_574 = arith.addf %add3A_558, %mul3A_573 : vector<16xf32>
      %add3A_575 = arith.addf %add3A_559, %exp3A_565 : vector<16xf32>
      %get3A_576 = arith.constant 3 : i32
      %get3A_577 = arith.index_cast %get3A_576 : i32 to index
      %get3A_578 = arith.constant 16 : index
      %get3A_579 = tpu.vector_load %arg5[%get3A_577, %get3A_578] {strides = array<i32>} : memref<32x128xf32, #tpu.memory_space<vmem>>, vector<1x16xf32>,
      %get3A_580 = vector.shape_cast %get3A_579 : vector<1x16xf32> to vector<16xf32>
      %exp3A_581 = math.exp %get3A_580 : vector<16xf32>
      %get3A_582 = arith.constant 3 : i32
      %get3A_583 = arith.constant 0 : i32
      %get3A_584 = arith.index_cast %get3A_582 : i32 to index
      %get3A_585 = arith.index_cast %get3A_583 : i32 to index
      %get3A_586 = arith.constant 16 : index
      %get3A_587 = tpu.vector_load %arg6[%get3A_584, %get3A_585, %get3A_586] {strides = array<i32>} : memref<8x4x128xf32, #tpu.memory_space<vmem>>, vector<1x1x16xf32>,
      %get3A_588 = vector.shape_cast %get3A_587 : vector<1x1x16xf32> to vector<16xf32>
      %mul3A_589 = arith.mulf %exp3A_581, %get3A_588 : vector<16xf32>
      %add3A_590 = arith.addf %add3A_574, %mul3A_589 : vector<16xf32>
      %add3A_591 = arith.addf %add3A_575, %exp3A_581 : vector<16xf32>
      %get3A_592 = arith.constant 4 : i32
      %get3A_593 = arith.index_cast %get3A_592 : i32 to index
      %get3A_594 = arith.constant 16 : index
      %get3A_595 = tpu.vector_load %arg5[%get3A_593, %get3A_594] {strides = array<i32>} : memref<32x128xf32, #tpu.memory_space<vmem>>, vector<1x16xf32>,
      %get3A_596 = vector.shape_cast %get3A_595 : vector<1x16xf32> to vector<16xf32>
      %exp3A_597 = math.exp %get3A_596 : vector<16xf32>
      %get3A_598 = arith.constant 4 : i32
      %get3A_599 = arith.constant 0 : i32
      %get3A_600 = arith.index_cast %get3A_598 : i32 to index
      %get3A_601 = arith.index_cast %get3A_599 : i32 to index
      %get3A_602 = arith.constant 16 : index
      %get3A_603 = tpu.vector_load %arg6[%get3A_600, %get3A_601, %get3A_602] {strides = array<i32>} : memref<8x4x128xf32, #tpu.memory_space<vmem>>, vector<1x1x16xf32>,
      %get3A_604 = vector.shape_cast %get3A_603 : vector<1x1x16xf32> to vector<16xf32>
      %mul3A_605 = arith.mulf %exp3A_597, %get3A_604 : vector<16xf32>
      %add3A_606 = arith.addf %add3A_590, %mul3A_605 : vector<16xf32>
      %add3A_607 = arith.addf %add3A_591, %exp3A_597 : vector<16xf32>
      %get3A_608 = arith.constant 5 : i32
      %get3A_609 = arith.index_cast %get3A_608 : i32 to index
      %get3A_610 = arith.constant 16 : index
      %get3A_611 = tpu.vector_load %arg5[%get3A_609, %get3A_610] {strides = array<i32>} : memref<32x128xf32, #tpu.memory_space<vmem>>, vector<1x16xf32>,
      %get3A_612 = vector.shape_cast %get3A_611 : vector<1x16xf32> to vector<16xf32>
      %exp3A_613 = math.exp %get3A_612 : vector<16xf32>
      %get3A_614 = arith.constant 5 : i32
      %get3A_615 = arith.constant 0 : i32
      %get3A_616 = arith.index_cast %get3A_614 : i32 to index
      %get3A_617 = arith.index_cast %get3A_615 : i32 to index
      %get3A_618 = arith.constant 16 : index
      %get3A_619 = tpu.vector_load %arg6[%get3A_616, %get3A_617, %get3A_618] {strides = array<i32>} : memref<8x4x128xf32, #tpu.memory_space<vmem>>, vector<1x1x16xf32>,
      %get3A_620 = vector.shape_cast %get3A_619 : vector<1x1x16xf32> to vector<16xf32>
      %mul3A_621 = arith.mulf %exp3A_613, %get3A_620 : vector<16xf32>
      %add3A_622 = arith.addf %add3A_606, %mul3A_621 : vector<16xf32>
      %add3A_623 = arith.addf %add3A_607, %exp3A_613 : vector<16xf32>
      %get3A_624 = arith.constant 6 : i32
      %get3A_625 = arith.index_cast %get3A_624 : i32 to index
      %get3A_626 = arith.constant 16 : index
      %get3A_627 = tpu.vector_load %arg5[%get3A_625, %get3A_626] {strides = array<i32>} : memref<32x128xf32, #tpu.memory_space<vmem>>, vector<1x16xf32>,
      %get3A_628 = vector.shape_cast %get3A_627 : vector<1x16xf32> to vector<16xf32>
      %exp3A_629 = math.exp %get3A_628 : vector<16xf32>
      %get3A_630 = arith.constant 6 : i32
      %get3A_631 = arith.constant 0 : i32
      %get3A_632 = arith.index_cast %get3A_630 : i32 to index
      %get3A_633 = arith.index_cast %get3A_631 : i32 to index
      %get3A_634 = arith.constant 16 : index
      %get3A_635 = tpu.vector_load %arg6[%get3A_632, %get3A_633, %get3A_634] {strides = array<i32>} : memref<8x4x128xf32, #tpu.memory_space<vmem>>, vector<1x1x16xf32>,
      %get3A_636 = vector.shape_cast %get3A_635 : vector<1x1x16xf32> to vector<16xf32>
      %mul3A_637 = arith.mulf %exp3A_629, %get3A_636 : vector<16xf32>
      %add3A_638 = arith.addf %add3A_622, %mul3A_637 : vector<16xf32>
      %add3A_639 = arith.addf %add3A_623, %exp3A_629 : vector<16xf32>
      %get3A_640 = arith.constant 7 : i32
      %get3A_641 = arith.index_cast %get3A_640 : i32 to index
      %get3A_642 = arith.constant 16 : index
      %get3A_643 = tpu.vector_load %arg5[%get3A_641, %get3A_642] {strides = array<i32>} : memref<32x128xf32, #tpu.memory_space<vmem>>, vector<1x16xf32>,
      %get3A_644 = vector.shape_cast %get3A_643 : vector<1x16xf32> to vector<16xf32>
      %exp3A_645 = math.exp %get3A_644 : vector<16xf32>
      %get3A_646 = arith.constant 7 : i32
      %get3A_647 = arith.constant 0 : i32
      %get3A_648 = arith.index_cast %get3A_646 : i32 to index
      %get3A_649 = arith.index_cast %get3A_647 : i32 to index
      %get3A_650 = arith.constant 16 : index
      %get3A_651 = tpu.vector_load %arg6[%get3A_648, %get3A_649, %get3A_650] {strides = array<i32>} : memref<8x4x128xf32, #tpu.memory_space<vmem>>, vector<1x1x16xf32>,
      %get3A_652 = vector.shape_cast %get3A_651 : vector<1x1x16xf32> to vector<16xf32>
      %mul3A_653 = arith.mulf %exp3A_645, %get3A_652 : vector<16xf32>
      %add3A_654 = arith.addf %add3A_638, %mul3A_653 : vector<16xf32>
      %add3A_655 = arith.addf %add3A_639, %exp3A_645 : vector<16xf32>
      %div3A_656 = arith.divf %add3A_654, %add3A_655 : vector<16xf32>
      %swap3A_657 = arith.constant 0 : i32
      %swap3A_658 = arith.index_cast %swap3A_657 : i32 to index
      %swap3A_659 = arith.constant 16 : index
      %swap3A_660 = tpu.vector_load %arg7[%swap3A_658, %swap3A_659] {strides = array<i32>} : memref<4x128xf32, #tpu.memory_space<vmem>>, vector<1x16xf32>,
      %swap3A_661 = vector.shape_cast %swap3A_660 : vector<1x16xf32> to vector<16xf32>
      %swap3A_662 = vector.shape_cast %div3A_656 : vector<16xf32> to vector<1x16xf32>
      tpu.vector_store %arg7[%swap3A_658, %swap3A_659], %swap3A_662 {strides = array<i32>} : memref<4x128xf32, #tpu.memory_space<vmem>>, vector<1x16xf32>,
      %get3A_663 = arith.constant 8 : i32
      %get3A_664 = arith.index_cast %get3A_663 : i32 to index
      %get3A_665 = arith.constant 16 : index
      %get3A_666 = tpu.vector_load %arg5[%get3A_664, %get3A_665] {strides = array<i32>} : memref<32x128xf32, #tpu.memory_space<vmem>>, vector<1x16xf32>,
      %get3A_667 = vector.shape_cast %get3A_666 : vector<1x16xf32> to vector<16xf32>
      %exp3A_668 = math.exp %get3A_667 : vector<16xf32>
      %get3A_669 = arith.constant 0 : i32
      %get3A_670 = arith.constant 1 : i32
      %get3A_671 = arith.index_cast %get3A_669 : i32 to index
      %get3A_672 = arith.index_cast %get3A_670 : i32 to index
      %get3A_673 = arith.constant 16 : index
      %get3A_674 = tpu.vector_load %arg6[%get3A_671, %get3A_672, %get3A_673] {strides = array<i32>} : memref<8x4x128xf32, #tpu.memory_space<vmem>>, vector<1x1x16xf32>,
      %get3A_675 = vector.shape_cast %get3A_674 : vector<1x1x16xf32> to vector<16xf32>
      %mul3A_676 = arith.mulf %exp3A_668, %get3A_675 : vector<16xf32>
      %get3A_677 = arith.constant 9 : i32
      %get3A_678 = arith.index_cast %get3A_677 : i32 to index
      %get3A_679 = arith.constant 16 : index
      %get3A_680 = tpu.vector_load %arg5[%get3A_678, %get3A_679] {strides = array<i32>} : memref<32x128xf32, #tpu.memory_space<vmem>>, vector<1x16xf32>,
      %get3A_681 = vector.shape_cast %get3A_680 : vector<1x16xf32> to vector<16xf32>
      %exp3A_682 = math.exp %get3A_681 : vector<16xf32>
      %get3A_683 = arith.constant 1 : i32
      %get3A_684 = arith.constant 1 : i32
      %get3A_685 = arith.index_cast %get3A_683 : i32 to index
      %get3A_686 = arith.index_cast %get3A_684 : i32 to index
      %get3A_687 = arith.constant 16 : index
      %get3A_688 = tpu.vector_load %arg6[%get3A_685, %get3A_686, %get3A_687] {strides = array<i32>} : memref<8x4x128xf32, #tpu.memory_space<vmem>>, vector<1x1x16xf32>,
      %get3A_689 = vector.shape_cast %get3A_688 : vector<1x1x16xf32> to vector<16xf32>
      %mul3A_690 = arith.mulf %exp3A_682, %get3A_689 : vector<16xf32>
      %add3A_691 = arith.addf %mul3A_676, %mul3A_690 : vector<16xf32>
      %add3A_692 = arith.addf %exp3A_668, %exp3A_682 : vector<16xf32>
      %get3A_693 = arith.constant 10 : i32
      %get3A_694 = arith.index_cast %get3A_693 : i32 to index
      %get3A_695 = arith.constant 16 : index
      %get3A_696 = tpu.vector_load %arg5[%get3A_694, %get3A_695] {strides = array<i32>} : memref<32x128xf32, #tpu.memory_space<vmem>>, vector<1x16xf32>,
      %get3A_697 = vector.shape_cast %get3A_696 : vector<1x16xf32> to vector<16xf32>
      %exp3A_698 = math.exp %get3A_697 : vector<16xf32>
      %get3A_699 = arith.constant 2 : i32
      %get3A_700 = arith.constant 1 : i32
      %get3A_701 = arith.index_cast %get3A_699 : i32 to index
      %get3A_702 = arith.index_cast %get3A_700 : i32 to index
      %get3A_703 = arith.constant 16 : index
      %get3A_704 = tpu.vector_load %arg6[%get3A_701, %get3A_702, %get3A_703] {strides = array<i32>} : memref<8x4x128xf32, #tpu.memory_space<vmem>>, vector<1x1x16xf32>,
      %get3A_705 = vector.shape_cast %get3A_704 : vector<1x1x16xf32> to vector<16xf32>
      %mul3A_706 = arith.mulf %exp3A_698, %get3A_705 : vector<16xf32>
      %add3A_707 = arith.addf %add3A_691, %mul3A_706 : vector<16xf32>
      %add3A_708 = arith.addf %add3A_692, %exp3A_698 : vector<16xf32>
      %get3A_709 = arith.constant 11 : i32
      %get3A_710 = arith.index_cast %get3A_709 : i32 to index
      %get3A_711 = arith.constant 16 : index
      %get3A_712 = tpu.vector_load %arg5[%get3A_710, %get3A_711] {strides = array<i32>} : memref<32x128xf32, #tpu.memory_space<vmem>>, vector<1x16xf32>,
      %get3A_713 = vector.shape_cast %get3A_712 : vector<1x16xf32> to vector<16xf32>
      %exp3A_714 = math.exp %get3A_713 : vector<16xf32>
      %get3A_715 = arith.constant 3 : i32
      %get3A_716 = arith.constant 1 : i32
      %get3A_717 = arith.index_cast %get3A_715 : i32 to index
      %get3A_718 = arith.index_cast %get3A_716 : i32 to index
      %get3A_719 = arith.constant 16 : index
      %get3A_720 = tpu.vector_load %arg6[%get3A_717, %get3A_718, %get3A_719] {strides = array<i32>} : memref<8x4x128xf32, #tpu.memory_space<vmem>>, vector<1x1x16xf32>,
      %get3A_721 = vector.shape_cast %get3A_720 : vector<1x1x16xf32> to vector<16xf32>
      %mul3A_722 = arith.mulf %exp3A_714, %get3A_721 : vector<16xf32>
      %add3A_723 = arith.addf %add3A_707, %mul3A_722 : vector<16xf32>
      %add3A_724 = arith.addf %add3A_708, %exp3A_714 : vector<16xf32>
      %get3A_725 = arith.constant 12 : i32
      %get3A_726 = arith.index_cast %get3A_725 : i32 to index
      %get3A_727 = arith.constant 16 : index
      %get3A_728 = tpu.vector_load %arg5[%get3A_726, %get3A_727] {strides = array<i32>} : memref<32x128xf32, #tpu.memory_space<vmem>>, vector<1x16xf32>,
      %get3A_729 = vector.shape_cast %get3A_728 : vector<1x16xf32> to vector<16xf32>
      %exp3A_730 = math.exp %get3A_729 : vector<16xf32>
      %get3A_731 = arith.constant 4 : i32
      %get3A_732 = arith.constant 1 : i32
      %get3A_733 = arith.index_cast %get3A_731 : i32 to index
      %get3A_734 = arith.index_cast %get3A_732 : i32 to index
      %get3A_735 = arith.constant 16 : index
      %get3A_736 = tpu.vector_load %arg6[%get3A_733, %get3A_734, %get3A_735] {strides = array<i32>} : memref<8x4x128xf32, #tpu.memory_space<vmem>>, vector<1x1x16xf32>,
      %get3A_737 = vector.shape_cast %get3A_736 : vector<1x1x16xf32> to vector<16xf32>
      %mul3A_738 = arith.mulf %exp3A_730, %get3A_737 : vector<16xf32>
      %add3A_739 = arith.addf %add3A_723, %mul3A_738 : vector<16xf32>
      %add3A_740 = arith.addf %add3A_724, %exp3A_730 : vector<16xf32>
      %get3A_741 = arith.constant 13 : i32
      %get3A_742 = arith.index_cast %get3A_741 : i32 to index
      %get3A_743 = arith.constant 16 : index
      %get3A_744 = tpu.vector_load %arg5[%get3A_742, %get3A_743] {strides = array<i32>} : memref<32x128xf32, #tpu.memory_space<vmem>>, vector<1x16xf32>,
      %get3A_745 = vector.shape_cast %get3A_744 : vector<1x16xf32> to vector<16xf32>
      %exp3A_746 = math.exp %get3A_745 : vector<16xf32>
      %get3A_747 = arith.constant 5 : i32
      %get3A_748 = arith.constant 1 : i32
      %get3A_749 = arith.index_cast %get3A_747 : i32 to index
      %get3A_750 = arith.index_cast %get3A_748 : i32 to index
      %get3A_751 = arith.constant 16 : index
      %get3A_752 = tpu.vector_load %arg6[%get3A_749, %get3A_750, %get3A_751] {strides = array<i32>} : memref<8x4x128xf32, #tpu.memory_space<vmem>>, vector<1x1x16xf32>,
      %get3A_753 = vector.shape_cast %get3A_752 : vector<1x1x16xf32> to vector<16xf32>
      %mul3A_754 = arith.mulf %exp3A_746, %get3A_753 : vector<16xf32>
      %add3A_755 = arith.addf %add3A_739, %mul3A_754 : vector<16xf32>
      %add3A_756 = arith.addf %add3A_740, %exp3A_746 : vector<16xf32>
      %get3A_757 = arith.constant 14 : i32
      %get3A_758 = arith.index_cast %get3A_757 : i32 to index
      %get3A_759 = arith.constant 16 : index
      %get3A_760 = tpu.vector_load %arg5[%get3A_758, %get3A_759] {strides = array<i32>} : memref<32x128xf32, #tpu.memory_space<vmem>>, vector<1x16xf32>,
      %get3A_761 = vector.shape_cast %get3A_760 : vector<1x16xf32> to vector<16xf32>
      %exp3A_762 = math.exp %get3A_761 : vector<16xf32>
      %get3A_763 = arith.constant 6 : i32
      %get3A_764 = arith.constant 1 : i32
      %get3A_765 = arith.index_cast %get3A_763 : i32 to index
      %get3A_766 = arith.index_cast %get3A_764 : i32 to index
      %get3A_767 = arith.constant 16 : index
      %get3A_768 = tpu.vector_load %arg6[%get3A_765, %get3A_766, %get3A_767] {strides = array<i32>} : memref<8x4x128xf32, #tpu.memory_space<vmem>>, vector<1x1x16xf32>,
      %get3A_769 = vector.shape_cast %get3A_768 : vector<1x1x16xf32> to vector<16xf32>
      %mul3A_770 = arith.mulf %exp3A_762, %get3A_769 : vector<16xf32>
      %add3A_771 = arith.addf %add3A_755, %mul3A_770 : vector<16xf32>
      %add3A_772 = arith.addf %add3A_756, %exp3A_762 : vector<16xf32>
      %get3A_773 = arith.constant 15 : i32
      %get3A_774 = arith.index_cast %get3A_773 : i32 to index
      %get3A_775 = arith.constant 16 : index
      %get3A_776 = tpu.vector_load %arg5[%get3A_774, %get3A_775] {strides = array<i32>} : memref<32x128xf32, #tpu.memory_space<vmem>>, vector<1x16xf32>,
      %get3A_777 = vector.shape_cast %get3A_776 : vector<1x16xf32> to vector<16xf32>
      %exp3A_778 = math.exp %get3A_777 : vector<16xf32>
      %get3A_779 = arith.constant 7 : i32
      %get3A_780 = arith.constant 1 : i32
      %get3A_781 = arith.index_cast %get3A_779 : i32 to index
      %get3A_782 = arith.index_cast %get3A_780 : i32 to index
      %get3A_783 = arith.constant 16 : index
      %get3A_784 = tpu.vector_load %arg6[%get3A_781, %get3A_782, %get3A_783] {strides = array<i32>} : memref<8x4x128xf32, #tpu.memory_space<vmem>>, vector<1x1x16xf32>,
      %get3A_785 = vector.shape_cast %get3A_784 : vector<1x1x16xf32> to vector<16xf32>
      %mul3A_786 = arith.mulf %exp3A_778, %get3A_785 : vector<16xf32>
      %add3A_787 = arith.addf %add3A_771, %mul3A_786 : vector<16xf32>
      %add3A_788 = arith.addf %add3A_772, %exp3A_778 : vector<16xf32>
      %div3A_789 = arith.divf %add3A_787, %add3A_788 : vector<16xf32>
      %swap3A_790 = arith.constant 1 : i32
      %swap3A_791 = arith.index_cast %swap3A_790 : i32 to index
      %swap3A_792 = arith.constant 16 : index
      %swap3A_793 = tpu.vector_load %arg7[%swap3A_791, %swap3A_792] {strides = array<i32>} : memref<4x128xf32, #tpu.memory_space<vmem>>, vector<1x16xf32>,
      %swap3A_794 = vector.shape_cast %swap3A_793 : vector<1x16xf32> to vector<16xf32>
      %swap3A_795 = vector.shape_cast %div3A_789 : vector<16xf32> to vector<1x16xf32>
      tpu.vector_store %arg7[%swap3A_791, %swap3A_792], %swap3A_795 {strides = array<i32>} : memref<4x128xf32, #tpu.memory_space<vmem>>, vector<1x16xf32>,
      %get3A_796 = arith.constant 16 : i32
      %get3A_797 = arith.index_cast %get3A_796 : i32 to index
      %get3A_798 = arith.constant 16 : index
      %get3A_799 = tpu.vector_load %arg5[%get3A_797, %get3A_798] {strides = array<i32>} : memref<32x128xf32, #tpu.memory_space<vmem>>, vector<1x16xf32>,
      %get3A_800 = vector.shape_cast %get3A_799 : vector<1x16xf32> to vector<16xf32>
      %exp3A_801 = math.exp %get3A_800 : vector<16xf32>
      %get3A_802 = arith.constant 0 : i32
      %get3A_803 = arith.constant 2 : i32
      %get3A_804 = arith.index_cast %get3A_802 : i32 to index
      %get3A_805 = arith.index_cast %get3A_803 : i32 to index
      %get3A_806 = arith.constant 16 : index
      %get3A_807 = tpu.vector_load %arg6[%get3A_804, %get3A_805, %get3A_806] {strides = array<i32>} : memref<8x4x128xf32, #tpu.memory_space<vmem>>, vector<1x1x16xf32>,
      %get3A_808 = vector.shape_cast %get3A_807 : vector<1x1x16xf32> to vector<16xf32>
      %mul3A_809 = arith.mulf %exp3A_801, %get3A_808 : vector<16xf32>
      %get3A_810 = arith.constant 17 : i32
      %get3A_811 = arith.index_cast %get3A_810 : i32 to index
      %get3A_812 = arith.constant 16 : index
      %get3A_813 = tpu.vector_load %arg5[%get3A_811, %get3A_812] {strides = array<i32>} : memref<32x128xf32, #tpu.memory_space<vmem>>, vector<1x16xf32>,
      %get3A_814 = vector.shape_cast %get3A_813 : vector<1x16xf32> to vector<16xf32>
      %exp3A_815 = math.exp %get3A_814 : vector<16xf32>
      %get3A_816 = arith.constant 1 : i32
      %get3A_817 = arith.constant 2 : i32
      %get3A_818 = arith.index_cast %get3A_816 : i32 to index
      %get3A_819 = arith.index_cast %get3A_817 : i32 to index
      %get3A_820 = arith.constant 16 : index
      %get3A_821 = tpu.vector_load %arg6[%get3A_818, %get3A_819, %get3A_820] {strides = array<i32>} : memref<8x4x128xf32, #tpu.memory_space<vmem>>, vector<1x1x16xf32>,
      %get3A_822 = vector.shape_cast %get3A_821 : vector<1x1x16xf32> to vector<16xf32>
      %mul3A_823 = arith.mulf %exp3A_815, %get3A_822 : vector<16xf32>
      %add3A_824 = arith.addf %mul3A_809, %mul3A_823 : vector<16xf32>
      %add3A_825 = arith.addf %exp3A_801, %exp3A_815 : vector<16xf32>
      %get3A_826 = arith.constant 18 : i32
      %get3A_827 = arith.index_cast %get3A_826 : i32 to index
      %get3A_828 = arith.constant 16 : index
      %get3A_829 = tpu.vector_load %arg5[%get3A_827, %get3A_828] {strides = array<i32>} : memref<32x128xf32, #tpu.memory_space<vmem>>, vector<1x16xf32>,
      %get3A_830 = vector.shape_cast %get3A_829 : vector<1x16xf32> to vector<16xf32>
      %exp3A_831 = math.exp %get3A_830 : vector<16xf32>
      %get3A_832 = arith.constant 2 : i32
      %get3A_833 = arith.constant 2 : i32
      %get3A_834 = arith.index_cast %get3A_832 : i32 to index
      %get3A_835 = arith.index_cast %get3A_833 : i32 to index
      %get3A_836 = arith.constant 16 : index
      %get3A_837 = tpu.vector_load %arg6[%get3A_834, %get3A_835, %get3A_836] {strides = array<i32>} : memref<8x4x128xf32, #tpu.memory_space<vmem>>, vector<1x1x16xf32>,
      %get3A_838 = vector.shape_cast %get3A_837 : vector<1x1x16xf32> to vector<16xf32>
      %mul3A_839 = arith.mulf %exp3A_831, %get3A_838 : vector<16xf32>
      %add3A_840 = arith.addf %add3A_824, %mul3A_839 : vector<16xf32>
      %add3A_841 = arith.addf %add3A_825, %exp3A_831 : vector<16xf32>
      %get3A_842 = arith.constant 19 : i32
      %get3A_843 = arith.index_cast %get3A_842 : i32 to index
      %get3A_844 = arith.constant 16 : index
      %get3A_845 = tpu.vector_load %arg5[%get3A_843, %get3A_844] {strides = array<i32>} : memref<32x128xf32, #tpu.memory_space<vmem>>, vector<1x16xf32>,
      %get3A_846 = vector.shape_cast %get3A_845 : vector<1x16xf32> to vector<16xf32>
      %exp3A_847 = math.exp %get3A_846 : vector<16xf32>
      %get3A_848 = arith.constant 3 : i32
      %get3A_849 = arith.constant 2 : i32
      %get3A_850 = arith.index_cast %get3A_848 : i32 to index
      %get3A_851 = arith.index_cast %get3A_849 : i32 to index
      %get3A_852 = arith.constant 16 : index
      %get3A_853 = tpu.vector_load %arg6[%get3A_850, %get3A_851, %get3A_852] {strides = array<i32>} : memref<8x4x128xf32, #tpu.memory_space<vmem>>, vector<1x1x16xf32>,
      %get3A_854 = vector.shape_cast %get3A_853 : vector<1x1x16xf32> to vector<16xf32>
      %mul3A_855 = arith.mulf %exp3A_847, %get3A_854 : vector<16xf32>
      %add3A_856 = arith.addf %add3A_840, %mul3A_855 : vector<16xf32>
      %add3A_857 = arith.addf %add3A_841, %exp3A_847 : vector<16xf32>
      %get3A_858 = arith.constant 20 : i32
      %get3A_859 = arith.index_cast %get3A_858 : i32 to index
      %get3A_860 = arith.constant 16 : index
      %get3A_861 = tpu.vector_load %arg5[%get3A_859, %get3A_860] {strides = array<i32>} : memref<32x128xf32, #tpu.memory_space<vmem>>, vector<1x16xf32>,
      %get3A_862 = vector.shape_cast %get3A_861 : vector<1x16xf32> to vector<16xf32>
      %exp3A_863 = math.exp %get3A_862 : vector<16xf32>
      %get3A_864 = arith.constant 4 : i32
      %get3A_865 = arith.constant 2 : i32
      %get3A_866 = arith.index_cast %get3A_864 : i32 to index
      %get3A_867 = arith.index_cast %get3A_865 : i32 to index
      %get3A_868 = arith.constant 16 : index
      %get3A_869 = tpu.vector_load %arg6[%get3A_866, %get3A_867, %get3A_868] {strides = array<i32>} : memref<8x4x128xf32, #tpu.memory_space<vmem>>, vector<1x1x16xf32>,
      %get3A_870 = vector.shape_cast %get3A_869 : vector<1x1x16xf32> to vector<16xf32>
      %mul3A_871 = arith.mulf %exp3A_863, %get3A_870 : vector<16xf32>
      %add3A_872 = arith.addf %add3A_856, %mul3A_871 : vector<16xf32>
      %add3A_873 = arith.addf %add3A_857, %exp3A_863 : vector<16xf32>
      %get3A_874 = arith.constant 21 : i32
      %get3A_875 = arith.index_cast %get3A_874 : i32 to index
      %get3A_876 = arith.constant 16 : index
      %get3A_877 = tpu.vector_load %arg5[%get3A_875, %get3A_876] {strides = array<i32>} : memref<32x128xf32, #tpu.memory_space<vmem>>, vector<1x16xf32>,
      %get3A_878 = vector.shape_cast %get3A_877 : vector<1x16xf32> to vector<16xf32>
      %exp3A_879 = math.exp %get3A_878 : vector<16xf32>
      %get3A_880 = arith.constant 5 : i32
      %get3A_881 = arith.constant 2 : i32
      %get3A_882 = arith.index_cast %get3A_880 : i32 to index
      %get3A_883 = arith.index_cast %get3A_881 : i32 to index
      %get3A_884 = arith.constant 16 : index
      %get3A_885 = tpu.vector_load %arg6[%get3A_882, %get3A_883, %get3A_884] {strides = array<i32>} : memref<8x4x128xf32, #tpu.memory_space<vmem>>, vector<1x1x16xf32>,
      %get3A_886 = vector.shape_cast %get3A_885 : vector<1x1x16xf32> to vector<16xf32>
      %mul3A_887 = arith.mulf %exp3A_879, %get3A_886 : vector<16xf32>
      %add3A_888 = arith.addf %add3A_872, %mul3A_887 : vector<16xf32>
      %add3A_889 = arith.addf %add3A_873, %exp3A_879 : vector<16xf32>
      %get3A_890 = arith.constant 22 : i32
      %get3A_891 = arith.index_cast %get3A_890 : i32 to index
      %get3A_892 = arith.constant 16 : index
      %get3A_893 = tpu.vector_load %arg5[%get3A_891, %get3A_892] {strides = array<i32>} : memref<32x128xf32, #tpu.memory_space<vmem>>, vector<1x16xf32>,
      %get3A_894 = vector.shape_cast %get3A_893 : vector<1x16xf32> to vector<16xf32>
      %exp3A_895 = math.exp %get3A_894 : vector<16xf32>
      %get3A_896 = arith.constant 6 : i32
      %get3A_897 = arith.constant 2 : i32
      %get3A_898 = arith.index_cast %get3A_896 : i32 to index
      %get3A_899 = arith.index_cast %get3A_897 : i32 to index
      %get3A_900 = arith.constant 16 : index
      %get3A_901 = tpu.vector_load %arg6[%get3A_898, %get3A_899, %get3A_900] {strides = array<i32>} : memref<8x4x128xf32, #tpu.memory_space<vmem>>, vector<1x1x16xf32>,
      %get3A_902 = vector.shape_cast %get3A_901 : vector<1x1x16xf32> to vector<16xf32>
      %mul3A_903 = arith.mulf %exp3A_895, %get3A_902 : vector<16xf32>
      %add3A_904 = arith.addf %add3A_888, %mul3A_903 : vector<16xf32>
      %add3A_905 = arith.addf %add3A_889, %exp3A_895 : vector<16xf32>
      %get3A_906 = arith.constant 23 : i32
      %get3A_907 = arith.index_cast %get3A_906 : i32 to index
      %get3A_908 = arith.constant 16 : index
      %get3A_909 = tpu.vector_load %arg5[%get3A_907, %get3A_908] {strides = array<i32>} : memref<32x128xf32, #tpu.memory_space<vmem>>, vector<1x16xf32>,
      %get3A_910 = vector.shape_cast %get3A_909 : vector<1x16xf32> to vector<16xf32>
      %exp3A_911 = math.exp %get3A_910 : vector<16xf32>
      %get3A_912 = arith.constant 7 : i32
      %get3A_913 = arith.constant 2 : i32
      %get3A_914 = arith.index_cast %get3A_912 : i32 to index
      %get3A_915 = arith.index_cast %get3A_913 : i32 to index
      %get3A_916 = arith.constant 16 : index
      %get3A_917 = tpu.vector_load %arg6[%get3A_914, %get3A_915, %get3A_916] {strides = array<i32>} : memref<8x4x128xf32, #tpu.memory_space<vmem>>, vector<1x1x16xf32>,
      %get3A_918 = vector.shape_cast %get3A_917 : vector<1x1x16xf32> to vector<16xf32>
      %mul3A_919 = arith.mulf %exp3A_911, %get3A_918 : vector<16xf32>
      %add3A_920 = arith.addf %add3A_904, %mul3A_919 : vector<16xf32>
      %add3A_921 = arith.addf %add3A_905, %exp3A_911 : vector<16xf32>
      %div3A_922 = arith.divf %add3A_920, %add3A_921 : vector<16xf32>
      %swap3A_923 = arith.constant 2 : i32
      %swap3A_924 = arith.index_cast %swap3A_923 : i32 to index
      %swap3A_925 = arith.constant 16 : index
      %swap3A_926 = tpu.vector_load %arg7[%swap3A_924, %swap3A_925] {strides = array<i32>} : memref<4x128xf32, #tpu.memory_space<vmem>>, vector<1x16xf32>,
      %swap3A_927 = vector.shape_cast %swap3A_926 : vector<1x16xf32> to vector<16xf32>
      %swap3A_928 = vector.shape_cast %div3A_922 : vector<16xf32> to vector<1x16xf32>
      tpu.vector_store %arg7[%swap3A_924, %swap3A_925], %swap3A_928 {strides = array<i32>} : memref<4x128xf32, #tpu.memory_space<vmem>>, vector<1x16xf32>,
      %get3A_929 = arith.constant 24 : i32
      %get3A_930 = arith.index_cast %get3A_929 : i32 to index
      %get3A_931 = arith.constant 16 : index
      %get3A_932 = tpu.vector_load %arg5[%get3A_930, %get3A_931] {strides = array<i32>} : memref<32x128xf32, #tpu.memory_space<vmem>>, vector<1x16xf32>,
      %get3A_933 = vector.shape_cast %get3A_932 : vector<1x16xf32> to vector<16xf32>
      %exp3A_934 = math.exp %get3A_933 : vector<16xf32>
      %get3A_935 = arith.constant 0 : i32
      %get3A_936 = arith.constant 3 : i32
      %get3A_937 = arith.index_cast %get3A_935 : i32 to index
      %get3A_938 = arith.index_cast %get3A_936 : i32 to index
      %get3A_939 = arith.constant 16 : index
      %get3A_940 = tpu.vector_load %arg6[%get3A_937, %get3A_938, %get3A_939] {strides = array<i32>} : memref<8x4x128xf32, #tpu.memory_space<vmem>>, vector<1x1x16xf32>,
      %get3A_941 = vector.shape_cast %get3A_940 : vector<1x1x16xf32> to vector<16xf32>
      %mul3A_942 = arith.mulf %exp3A_934, %get3A_941 : vector<16xf32>
      %get3A_943 = arith.constant 25 : i32
      %get3A_944 = arith.index_cast %get3A_943 : i32 to index
      %get3A_945 = arith.constant 16 : index
      %get3A_946 = tpu.vector_load %arg5[%get3A_944, %get3A_945] {strides = array<i32>} : memref<32x128xf32, #tpu.memory_space<vmem>>, vector<1x16xf32>,
      %get3A_947 = vector.shape_cast %get3A_946 : vector<1x16xf32> to vector<16xf32>
      %exp3A_948 = math.exp %get3A_947 : vector<16xf32>
      %get3A_949 = arith.constant 1 : i32
      %get3A_950 = arith.constant 3 : i32
      %get3A_951 = arith.index_cast %get3A_949 : i32 to index
      %get3A_952 = arith.index_cast %get3A_950 : i32 to index
      %get3A_953 = arith.constant 16 : index
      %get3A_954 = tpu.vector_load %arg6[%get3A_951, %get3A_952, %get3A_953] {strides = array<i32>} : memref<8x4x128xf32, #tpu.memory_space<vmem>>, vector<1x1x16xf32>,
      %get3A_955 = vector.shape_cast %get3A_954 : vector<1x1x16xf32> to vector<16xf32>
      %mul3A_956 = arith.mulf %exp3A_948, %get3A_955 : vector<16xf32>
      %add3A_957 = arith.addf %mul3A_942, %mul3A_956 : vector<16xf32>
      %add3A_958 = arith.addf %exp3A_934, %exp3A_948 : vector<16xf32>
      %get3A_959 = arith.constant 26 : i32
      %get3A_960 = arith.index_cast %get3A_959 : i32 to index
      %get3A_961 = arith.constant 16 : index
      %get3A_962 = tpu.vector_load %arg5[%get3A_960, %get3A_961] {strides = array<i32>} : memref<32x128xf32, #tpu.memory_space<vmem>>, vector<1x16xf32>,
      %get3A_963 = vector.shape_cast %get3A_962 : vector<1x16xf32> to vector<16xf32>
      %exp3A_964 = math.exp %get3A_963 : vector<16xf32>
      %get3A_965 = arith.constant 2 : i32
      %get3A_966 = arith.constant 3 : i32
      %get3A_967 = arith.index_cast %get3A_965 : i32 to index
      %get3A_968 = arith.index_cast %get3A_966 : i32 to index
      %get3A_969 = arith.constant 16 : index
      %get3A_970 = tpu.vector_load %arg6[%get3A_967, %get3A_968, %get3A_969] {strides = array<i32>} : memref<8x4x128xf32, #tpu.memory_space<vmem>>, vector<1x1x16xf32>,
      %get3A_971 = vector.shape_cast %get3A_970 : vector<1x1x16xf32> to vector<16xf32>
      %mul3A_972 = arith.mulf %exp3A_964, %get3A_971 : vector<16xf32>
      %add3A_973 = arith.addf %add3A_957, %mul3A_972 : vector<16xf32>
      %add3A_974 = arith.addf %add3A_958, %exp3A_964 : vector<16xf32>
      %get3A_975 = arith.constant 27 : i32
      %get3A_976 = arith.index_cast %get3A_975 : i32 to index
      %get3A_977 = arith.constant 16 : index
      %get3A_978 = tpu.vector_load %arg5[%get3A_976, %get3A_977] {strides = array<i32>} : memref<32x128xf32, #tpu.memory_space<vmem>>, vector<1x16xf32>,
      %get3A_979 = vector.shape_cast %get3A_978 : vector<1x16xf32> to vector<16xf32>
      %exp3A_980 = math.exp %get3A_979 : vector<16xf32>
      %get3A_981 = arith.constant 3 : i32
      %get3A_982 = arith.constant 3 : i32
      %get3A_983 = arith.index_cast %get3A_981 : i32 to index
      %get3A_984 = arith.index_cast %get3A_982 : i32 to index
      %get3A_985 = arith.constant 16 : index
      %get3A_986 = tpu.vector_load %arg6[%get3A_983, %get3A_984, %get3A_985] {strides = array<i32>} : memref<8x4x128xf32, #tpu.memory_space<vmem>>, vector<1x1x16xf32>,
      %get3A_987 = vector.shape_cast %get3A_986 : vector<1x1x16xf32> to vector<16xf32>
      %mul3A_988 = arith.mulf %exp3A_980, %get3A_987 : vector<16xf32>
      %add3A_989 = arith.addf %add3A_973, %mul3A_988 : vector<16xf32>
      %add3A_990 = arith.addf %add3A_974, %exp3A_980 : vector<16xf32>
      %get3A_991 = arith.constant 28 : i32
      %get3A_992 = arith.index_cast %get3A_991 : i32 to index
      %get3A_993 = arith.constant 16 : index
      %get3A_994 = tpu.vector_load %arg5[%get3A_992, %get3A_993] {strides = array<i32>} : memref<32x128xf32, #tpu.memory_space<vmem>>, vector<1x16xf32>,
      %get3A_995 = vector.shape_cast %get3A_994 : vector<1x16xf32> to vector<16xf32>
      %exp3A_996 = math.exp %get3A_995 : vector<16xf32>
      %get3A_997 = arith.constant 4 : i32
      %get3A_998 = arith.constant 3 : i32
      %get3A_999 = arith.index_cast %get3A_997 : i32 to index
      %get3A_1000 = arith.index_cast %get3A_998 : i32 to index
      %get3A_1001 = arith.constant 16 : index
      %get3A_1002 = tpu.vector_load %arg6[%get3A_999, %get3A_1000, %get3A_1001] {strides = array<i32>} : memref<8x4x128xf32, #tpu.memory_space<vmem>>, vector<1x1x16xf32>,
      %get3A_1003 = vector.shape_cast %get3A_1002 : vector<1x1x16xf32> to vector<16xf32>
      %mul3A_1004 = arith.mulf %exp3A_996, %get3A_1003 : vector<16xf32>
      %add3A_1005 = arith.addf %add3A_989, %mul3A_1004 : vector<16xf32>
      %add3A_1006 = arith.addf %add3A_990, %exp3A_996 : vector<16xf32>
      %get3A_1007 = arith.constant 29 : i32
      %get3A_1008 = arith.index_cast %get3A_1007 : i32 to index
      %get3A_1009 = arith.constant 16 : index
      %get3A_1010 = tpu.vector_load %arg5[%get3A_1008, %get3A_1009] {strides = array<i32>} : memref<32x128xf32, #tpu.memory_space<vmem>>, vector<1x16xf32>,
      %get3A_1011 = vector.shape_cast %get3A_1010 : vector<1x16xf32> to vector<16xf32>
      %exp3A_1012 = math.exp %get3A_1011 : vector<16xf32>
      %get3A_1013 = arith.constant 5 : i32
      %get3A_1014 = arith.constant 3 : i32
      %get3A_1015 = arith.index_cast %get3A_1013 : i32 to index
      %get3A_1016 = arith.index_cast %get3A_1014 : i32 to index
      %get3A_1017 = arith.constant 16 : index
      %get3A_1018 = tpu.vector_load %arg6[%get3A_1015, %get3A_1016, %get3A_1017] {strides = array<i32>} : memref<8x4x128xf32, #tpu.memory_space<vmem>>, vector<1x1x16xf32>,
      %get3A_1019 = vector.shape_cast %get3A_1018 : vector<1x1x16xf32> to vector<16xf32>
      %mul3A_1020 = arith.mulf %exp3A_1012, %get3A_1019 : vector<16xf32>
      %add3A_1021 = arith.addf %add3A_1005, %mul3A_1020 : vector<16xf32>
      %add3A_1022 = arith.addf %add3A_1006, %exp3A_1012 : vector<16xf32>
      %get3A_1023 = arith.constant 30 : i32
      %get3A_1024 = arith.index_cast %get3A_1023 : i32 to index
      %get3A_1025 = arith.constant 16 : index
      %get3A_1026 = tpu.vector_load %arg5[%get3A_1024, %get3A_1025] {strides = array<i32>} : memref<32x128xf32, #tpu.memory_space<vmem>>, vector<1x16xf32>,
      %get3A_1027 = vector.shape_cast %get3A_1026 : vector<1x16xf32> to vector<16xf32>
      %exp3A_1028 = math.exp %get3A_1027 : vector<16xf32>
      %get3A_1029 = arith.constant 6 : i32
      %get3A_1030 = arith.constant 3 : i32
      %get3A_1031 = arith.index_cast %get3A_1029 : i32 to index
      %get3A_1032 = arith.index_cast %get3A_1030 : i32 to index
      %get3A_1033 = arith.constant 16 : index
      %get3A_1034 = tpu.vector_load %arg6[%get3A_1031, %get3A_1032, %get3A_1033] {strides = array<i32>} : memref<8x4x128xf32, #tpu.memory_space<vmem>>, vector<1x1x16xf32>,
      %get3A_1035 = vector.shape_cast %get3A_1034 : vector<1x1x16xf32> to vector<16xf32>
      %mul3A_1036 = arith.mulf %exp3A_1028, %get3A_1035 : vector<16xf32>
      %add3A_1037 = arith.addf %add3A_1021, %mul3A_1036 : vector<16xf32>
      %add3A_1038 = arith.addf %add3A_1022, %exp3A_1028 : vector<16xf32>
      %get3A_1039 = arith.constant 31 : i32
      %get3A_1040 = arith.index_cast %get3A_1039 : i32 to index
      %get3A_1041 = arith.constant 16 : index
      %get3A_1042 = tpu.vector_load %arg5[%get3A_1040, %get3A_1041] {strides = array<i32>} : memref<32x128xf32, #tpu.memory_space<vmem>>, vector<1x16xf32>,
      %get3A_1043 = vector.shape_cast %get3A_1042 : vector<1x16xf32> to vector<16xf32>
      %exp3A_1044 = math.exp %get3A_1043 : vector<16xf32>
      %get3A_1045 = arith.constant 7 : i32
      %get3A_1046 = arith.constant 3 : i32
      %get3A_1047 = arith.index_cast %get3A_1045 : i32 to index
      %get3A_1048 = arith.index_cast %get3A_1046 : i32 to index
      %get3A_1049 = arith.constant 16 : index
      %get3A_1050 = tpu.vector_load %arg6[%get3A_1047, %get3A_1048, %get3A_1049] {strides = array<i32>} : memref<8x4x128xf32, #tpu.memory_space<vmem>>, vector<1x1x16xf32>,
      %get3A_1051 = vector.shape_cast %get3A_1050 : vector<1x1x16xf32> to vector<16xf32>
      %mul3A_1052 = arith.mulf %exp3A_1044, %get3A_1051 : vector<16xf32>
      %add3A_1053 = arith.addf %add3A_1037, %mul3A_1052 : vector<16xf32>
      %add3A_1054 = arith.addf %add3A_1038, %exp3A_1044 : vector<16xf32>
      %div3A_1055 = arith.divf %add3A_1053, %add3A_1054 : vector<16xf32>
      %swap3A_1056 = arith.constant 3 : i32
      %swap3A_1057 = arith.index_cast %swap3A_1056 : i32 to index
      %swap3A_1058 = arith.constant 16 : index
      %swap3A_1059 = tpu.vector_load %arg7[%swap3A_1057, %swap3A_1058] {strides = array<i32>} : memref<4x128xf32, #tpu.memory_space<vmem>>, vector<1x16xf32>,
      %swap3A_1060 = vector.shape_cast %swap3A_1059 : vector<1x16xf32> to vector<16xf32>
      %swap3A_1061 = vector.shape_cast %div3A_1055 : vector<16xf32> to vector<1x16xf32>
      tpu.vector_store %arg7[%swap3A_1057, %swap3A_1058], %swap3A_1061 {strides = array<i32>} : memref<4x128xf32, #tpu.memory_space<vmem>>, vector<1x16xf32>,
      %get3A_1062 = arith.constant 0 : i32
      %get3A_1063 = arith.index_cast %get3A_1062 : i32 to index
      %get3A_1064 = arith.constant 32 : index
      %get3A_1065 = tpu.vector_load %arg5[%get3A_1063, %get3A_1064] {strides = array<i32>} : memref<32x128xf32, #tpu.memory_space<vmem>>, vector<1x16xf32>,
      %get3A_1066 = vector.shape_cast %get3A_1065 : vector<1x16xf32> to vector<16xf32>
      %exp3A_1067 = math.exp %get3A_1066 : vector<16xf32>
      %get3A_1068 = arith.constant 0 : i32
      %get3A_1069 = arith.constant 0 : i32
      %get3A_1070 = arith.index_cast %get3A_1068 : i32 to index
      %get3A_1071 = arith.index_cast %get3A_1069 : i32 to index
      %get3A_1072 = arith.constant 32 : index
      %get3A_1073 = tpu.vector_load %arg6[%get3A_1070, %get3A_1071, %get3A_1072] {strides = array<i32>} : memref<8x4x128xf32, #tpu.memory_space<vmem>>, vector<1x1x16xf32>,
      %get3A_1074 = vector.shape_cast %get3A_1073 : vector<1x1x16xf32> to vector<16xf32>
      %mul3A_1075 = arith.mulf %exp3A_1067, %get3A_1074 : vector<16xf32>
      %get3A_1076 = arith.constant 1 : i32
      %get3A_1077 = arith.index_cast %get3A_1076 : i32 to index
      %get3A_1078 = arith.constant 32 : index
      %get3A_1079 = tpu.vector_load %arg5[%get3A_1077, %get3A_1078] {strides = array<i32>} : memref<32x128xf32, #tpu.memory_space<vmem>>, vector<1x16xf32>,
      %get3A_1080 = vector.shape_cast %get3A_1079 : vector<1x16xf32> to vector<16xf32>
      %exp3A_1081 = math.exp %get3A_1080 : vector<16xf32>
      %get3A_1082 = arith.constant 1 : i32
      %get3A_1083 = arith.constant 0 : i32
      %get3A_1084 = arith.index_cast %get3A_1082 : i32 to index
      %get3A_1085 = arith.index_cast %get3A_1083 : i32 to index
      %get3A_1086 = arith.constant 32 : index
      %get3A_1087 = tpu.vector_load %arg6[%get3A_1084, %get3A_1085, %get3A_1086] {strides = array<i32>} : memref<8x4x128xf32, #tpu.memory_space<vmem>>, vector<1x1x16xf32>,
      %get3A_1088 = vector.shape_cast %get3A_1087 : vector<1x1x16xf32> to vector<16xf32>
      %mul3A_1089 = arith.mulf %exp3A_1081, %get3A_1088 : vector<16xf32>
      %add3A_1090 = arith.addf %mul3A_1075, %mul3A_1089 : vector<16xf32>
      %add3A_1091 = arith.addf %exp3A_1067, %exp3A_1081 : vector<16xf32>
      %get3A_1092 = arith.constant 2 : i32
      %get3A_1093 = arith.index_cast %get3A_1092 : i32 to index
      %get3A_1094 = arith.constant 32 : index
      %get3A_1095 = tpu.vector_load %arg5[%get3A_1093, %get3A_1094] {strides = array<i32>} : memref<32x128xf32, #tpu.memory_space<vmem>>, vector<1x16xf32>,
      %get3A_1096 = vector.shape_cast %get3A_1095 : vector<1x16xf32> to vector<16xf32>
      %exp3A_1097 = math.exp %get3A_1096 : vector<16xf32>
      %get3A_1098 = arith.constant 2 : i32
      %get3A_1099 = arith.constant 0 : i32
      %get3A_1100 = arith.index_cast %get3A_1098 : i32 to index
      %get3A_1101 = arith.index_cast %get3A_1099 : i32 to index
      %get3A_1102 = arith.constant 32 : index
      %get3A_1103 = tpu.vector_load %arg6[%get3A_1100, %get3A_1101, %get3A_1102] {strides = array<i32>} : memref<8x4x128xf32, #tpu.memory_space<vmem>>, vector<1x1x16xf32>,
      %get3A_1104 = vector.shape_cast %get3A_1103 : vector<1x1x16xf32> to vector<16xf32>
      %mul3A_1105 = arith.mulf %exp3A_1097, %get3A_1104 : vector<16xf32>
      %add3A_1106 = arith.addf %add3A_1090, %mul3A_1105 : vector<16xf32>
      %add3A_1107 = arith.addf %add3A_1091, %exp3A_1097 : vector<16xf32>
      %get3A_1108 = arith.constant 3 : i32
      %get3A_1109 = arith.index_cast %get3A_1108 : i32 to index
      %get3A_1110 = arith.constant 32 : index
      %get3A_1111 = tpu.vector_load %arg5[%get3A_1109, %get3A_1110] {strides = array<i32>} : memref<32x128xf32, #tpu.memory_space<vmem>>, vector<1x16xf32>,
      %get3A_1112 = vector.shape_cast %get3A_1111 : vector<1x16xf32> to vector<16xf32>
      %exp3A_1113 = math.exp %get3A_1112 : vector<16xf32>
      %get3A_1114 = arith.constant 3 : i32
      %get3A_1115 = arith.constant 0 : i32
      %get3A_1116 = arith.index_cast %get3A_1114 : i32 to index
      %get3A_1117 = arith.index_cast %get3A_1115 : i32 to index
      %get3A_1118 = arith.constant 32 : index
      %get3A_1119 = tpu.vector_load %arg6[%get3A_1116, %get3A_1117, %get3A_1118] {strides = array<i32>} : memref<8x4x128xf32, #tpu.memory_space<vmem>>, vector<1x1x16xf32>,
      %get3A_1120 = vector.shape_cast %get3A_1119 : vector<1x1x16xf32> to vector<16xf32>
      %mul3A_1121 = arith.mulf %exp3A_1113, %get3A_1120 : vector<16xf32>
      %add3A_1122 = arith.addf %add3A_1106, %mul3A_1121 : vector<16xf32>
      %add3A_1123 = arith.addf %add3A_1107, %exp3A_1113 : vector<16xf32>
      %get3A_1124 = arith.constant 4 : i32
      %get3A_1125 = arith.index_cast %get3A_1124 : i32 to index
      %get3A_1126 = arith.constant 32 : index
      %get3A_1127 = tpu.vector_load %arg5[%get3A_1125, %get3A_1126] {strides = array<i32>} : memref<32x128xf32, #tpu.memory_space<vmem>>, vector<1x16xf32>,
      %get3A_1128 = vector.shape_cast %get3A_1127 : vector<1x16xf32> to vector<16xf32>
      %exp3A_1129 = math.exp %get3A_1128 : vector<16xf32>
      %get3A_1130 = arith.constant 4 : i32
      %get3A_1131 = arith.constant 0 : i32
      %get3A_1132 = arith.index_cast %get3A_1130 : i32 to index
      %get3A_1133 = arith.index_cast %get3A_1131 : i32 to index
      %get3A_1134 = arith.constant 32 : index
      %get3A_1135 = tpu.vector_load %arg6[%get3A_1132, %get3A_1133, %get3A_1134] {strides = array<i32>} : memref<8x4x128xf32, #tpu.memory_space<vmem>>, vector<1x1x16xf32>,
      %get3A_1136 = vector.shape_cast %get3A_1135 : vector<1x1x16xf32> to vector<16xf32>
      %mul3A_1137 = arith.mulf %exp3A_1129, %get3A_1136 : vector<16xf32>
      %add3A_1138 = arith.addf %add3A_1122, %mul3A_1137 : vector<16xf32>
      %add3A_1139 = arith.addf %add3A_1123, %exp3A_1129 : vector<16xf32>
      %get3A_1140 = arith.constant 5 : i32
      %get3A_1141 = arith.index_cast %get3A_1140 : i32 to index
      %get3A_1142 = arith.constant 32 : index
      %get3A_1143 = tpu.vector_load %arg5[%get3A_1141, %get3A_1142] {strides = array<i32>} : memref<32x128xf32, #tpu.memory_space<vmem>>, vector<1x16xf32>,
      %get3A_1144 = vector.shape_cast %get3A_1143 : vector<1x16xf32> to vector<16xf32>
      %exp3A_1145 = math.exp %get3A_1144 : vector<16xf32>
      %get3A_1146 = arith.constant 5 : i32
      %get3A_1147 = arith.constant 0 : i32
      %get3A_1148 = arith.index_cast %get3A_1146 : i32 to index
      %get3A_1149 = arith.index_cast %get3A_1147 : i32 to index
      %get3A_1150 = arith.constant 32 : index
      %get3A_1151 = tpu.vector_load %arg6[%get3A_1148, %get3A_1149, %get3A_1150] {strides = array<i32>} : memref<8x4x128xf32, #tpu.memory_space<vmem>>, vector<1x1x16xf32>,
      %get3A_1152 = vector.shape_cast %get3A_1151 : vector<1x1x16xf32> to vector<16xf32>
      %mul3A_1153 = arith.mulf %exp3A_1145, %get3A_1152 : vector<16xf32>
      %add3A_1154 = arith.addf %add3A_1138, %mul3A_1153 : vector<16xf32>
      %add3A_1155 = arith.addf %add3A_1139, %exp3A_1145 : vector<16xf32>
      %get3A_1156 = arith.constant 6 : i32
      %get3A_1157 = arith.index_cast %get3A_1156 : i32 to index
      %get3A_1158 = arith.constant 32 : index
      %get3A_1159 = tpu.vector_load %arg5[%get3A_1157, %get3A_1158] {strides = array<i32>} : memref<32x128xf32, #tpu.memory_space<vmem>>, vector<1x16xf32>,
      %get3A_1160 = vector.shape_cast %get3A_1159 : vector<1x16xf32> to vector<16xf32>
      %exp3A_1161 = math.exp %get3A_1160 : vector<16xf32>
      %get3A_1162 = arith.constant 6 : i32
      %get3A_1163 = arith.constant 0 : i32
      %get3A_1164 = arith.index_cast %get3A_1162 : i32 to index
      %get3A_1165 = arith.index_cast %get3A_1163 : i32 to index
      %get3A_1166 = arith.constant 32 : index
      %get3A_1167 = tpu.vector_load %arg6[%get3A_1164, %get3A_1165, %get3A_1166] {strides = array<i32>} : memref<8x4x128xf32, #tpu.memory_space<vmem>>, vector<1x1x16xf32>,
      %get3A_1168 = vector.shape_cast %get3A_1167 : vector<1x1x16xf32> to vector<16xf32>
      %mul3A_1169 = arith.mulf %exp3A_1161, %get3A_1168 : vector<16xf32>
      %add3A_1170 = arith.addf %add3A_1154, %mul3A_1169 : vector<16xf32>
      %add3A_1171 = arith.addf %add3A_1155, %exp3A_1161 : vector<16xf32>
      %get3A_1172 = arith.constant 7 : i32
      %get3A_1173 = arith.index_cast %get3A_1172 : i32 to index
      %get3A_1174 = arith.constant 32 : index
      %get3A_1175 = tpu.vector_load %arg5[%get3A_1173, %get3A_1174] {strides = array<i32>} : memref<32x128xf32, #tpu.memory_space<vmem>>, vector<1x16xf32>,
      %get3A_1176 = vector.shape_cast %get3A_1175 : vector<1x16xf32> to vector<16xf32>
      %exp3A_1177 = math.exp %get3A_1176 : vector<16xf32>
      %get3A_1178 = arith.constant 7 : i32
      %get3A_1179 = arith.constant 0 : i32
      %get3A_1180 = arith.index_cast %get3A_1178 : i32 to index
      %get3A_1181 = arith.index_cast %get3A_1179 : i32 to index
      %get3A_1182 = arith.constant 32 : index
      %get3A_1183 = tpu.vector_load %arg6[%get3A_1180, %get3A_1181, %get3A_1182] {strides = array<i32>} : memref<8x4x128xf32, #tpu.memory_space<vmem>>, vector<1x1x16xf32>,
      %get3A_1184 = vector.shape_cast %get3A_1183 : vector<1x1x16xf32> to vector<16xf32>
      %mul3A_1185 = arith.mulf %exp3A_1177, %get3A_1184 : vector<16xf32>
      %add3A_1186 = arith.addf %add3A_1170, %mul3A_1185 : vector<16xf32>
      %add3A_1187 = arith.addf %add3A_1171, %exp3A_1177 : vector<16xf32>
      %div3A_1188 = arith.divf %add3A_1186, %add3A_1187 : vector<16xf32>
      %swap3A_1189 = arith.constant 0 : i32
      %swap3A_1190 = arith.index_cast %swap3A_1189 : i32 to index
      %swap3A_1191 = arith.constant 32 : index
      %swap3A_1192 = tpu.vector_load %arg7[%swap3A_1190, %swap3A_1191] {strides = array<i32>} : memref<4x128xf32, #tpu.memory_space<vmem>>, vector<1x16xf32>,
      %swap3A_1193 = vector.shape_cast %swap3A_1192 : vector<1x16xf32> to vector<16xf32>
      %swap3A_1194 = vector.shape_cast %div3A_1188 : vector<16xf32> to vector<1x16xf32>
      tpu.vector_store %arg7[%swap3A_1190, %swap3A_1191], %swap3A_1194 {strides = array<i32>} : memref<4x128xf32, #tpu.memory_space<vmem>>, vector<1x16xf32>,
      %get3A_1195 = arith.constant 8 : i32
      %get3A_1196 = arith.index_cast %get3A_1195 : i32 to index
      %get3A_1197 = arith.constant 32 : index
      %get3A_1198 = tpu.vector_load %arg5[%get3A_1196, %get3A_1197] {strides = array<i32>} : memref<32x128xf32, #tpu.memory_space<vmem>>, vector<1x16xf32>,
      %get3A_1199 = vector.shape_cast %get3A_1198 : vector<1x16xf32> to vector<16xf32>
      %exp3A_1200 = math.exp %get3A_1199 : vector<16xf32>
      %get3A_1201 = arith.constant 0 : i32
      %get3A_1202 = arith.constant 1 : i32
      %get3A_1203 = arith.index_cast %get3A_1201 : i32 to index
      %get3A_1204 = arith.index_cast %get3A_1202 : i32 to index
      %get3A_1205 = arith.constant 32 : index
      %get3A_1206 = tpu.vector_load %arg6[%get3A_1203, %get3A_1204, %get3A_1205] {strides = array<i32>} : memref<8x4x128xf32, #tpu.memory_space<vmem>>, vector<1x1x16xf32>,
      %get3A_1207 = vector.shape_cast %get3A_1206 : vector<1x1x16xf32> to vector<16xf32>
      %mul3A_1208 = arith.mulf %exp3A_1200, %get3A_1207 : vector<16xf32>
      %get3A_1209 = arith.constant 9 : i32
      %get3A_1210 = arith.index_cast %get3A_1209 : i32 to index
      %get3A_1211 = arith.constant 32 : index
      %get3A_1212 = tpu.vector_load %arg5[%get3A_1210, %get3A_1211] {strides = array<i32>} : memref<32x128xf32, #tpu.memory_space<vmem>>, vector<1x16xf32>,
      %get3A_1213 = vector.shape_cast %get3A_1212 : vector<1x16xf32> to vector<16xf32>
      %exp3A_1214 = math.exp %get3A_1213 : vector<16xf32>
      %get3A_1215 = arith.constant 1 : i32
      %get3A_1216 = arith.constant 1 : i32
      %get3A_1217 = arith.index_cast %get3A_1215 : i32 to index
      %get3A_1218 = arith.index_cast %get3A_1216 : i32 to index
      %get3A_1219 = arith.constant 32 : index
      %get3A_1220 = tpu.vector_load %arg6[%get3A_1217, %get3A_1218, %get3A_1219] {strides = array<i32>} : memref<8x4x128xf32, #tpu.memory_space<vmem>>, vector<1x1x16xf32>,
      %get3A_1221 = vector.shape_cast %get3A_1220 : vector<1x1x16xf32> to vector<16xf32>
      %mul3A_1222 = arith.mulf %exp3A_1214, %get3A_1221 : vector<16xf32>
      %add3A_1223 = arith.addf %mul3A_1208, %mul3A_1222 : vector<16xf32>
      %add3A_1224 = arith.addf %exp3A_1200, %exp3A_1214 : vector<16xf32>
      %get3A_1225 = arith.constant 10 : i32
      %get3A_1226 = arith.index_cast %get3A_1225 : i32 to index
      %get3A_1227 = arith.constant 32 : index
      %get3A_1228 = tpu.vector_load %arg5[%get3A_1226, %get3A_1227] {strides = array<i32>} : memref<32x128xf32, #tpu.memory_space<vmem>>, vector<1x16xf32>,
      %get3A_1229 = vector.shape_cast %get3A_1228 : vector<1x16xf32> to vector<16xf32>
      %exp3A_1230 = math.exp %get3A_1229 : vector<16xf32>
      %get3A_1231 = arith.constant 2 : i32
      %get3A_1232 = arith.constant 1 : i32
      %get3A_1233 = arith.index_cast %get3A_1231 : i32 to index
      %get3A_1234 = arith.index_cast %get3A_1232 : i32 to index
      %get3A_1235 = arith.constant 32 : index
      %get3A_1236 = tpu.vector_load %arg6[%get3A_1233, %get3A_1234, %get3A_1235] {strides = array<i32>} : memref<8x4x128xf32, #tpu.memory_space<vmem>>, vector<1x1x16xf32>,
      %get3A_1237 = vector.shape_cast %get3A_1236 : vector<1x1x16xf32> to vector<16xf32>
      %mul3A_1238 = arith.mulf %exp3A_1230, %get3A_1237 : vector<16xf32>
      %add3A_1239 = arith.addf %add3A_1223, %mul3A_1238 : vector<16xf32>
      %add3A_1240 = arith.addf %add3A_1224, %exp3A_1230 : vector<16xf32>
      %get3A_1241 = arith.constant 11 : i32
      %get3A_1242 = arith.index_cast %get3A_1241 : i32 to index
      %get3A_1243 = arith.constant 32 : index
      %get3A_1244 = tpu.vector_load %arg5[%get3A_1242, %get3A_1243] {strides = array<i32>} : memref<32x128xf32, #tpu.memory_space<vmem>>, vector<1x16xf32>,
      %get3A_1245 = vector.shape_cast %get3A_1244 : vector<1x16xf32> to vector<16xf32>
      %exp3A_1246 = math.exp %get3A_1245 : vector<16xf32>
      %get3A_1247 = arith.constant 3 : i32
      %get3A_1248 = arith.constant 1 : i32
      %get3A_1249 = arith.index_cast %get3A_1247 : i32 to index
      %get3A_1250 = arith.index_cast %get3A_1248 : i32 to index
      %get3A_1251 = arith.constant 32 : index
      %get3A_1252 = tpu.vector_load %arg6[%get3A_1249, %get3A_1250, %get3A_1251] {strides = array<i32>} : memref<8x4x128xf32, #tpu.memory_space<vmem>>, vector<1x1x16xf32>,
      %get3A_1253 = vector.shape_cast %get3A_1252 : vector<1x1x16xf32> to vector<16xf32>
      %mul3A_1254 = arith.mulf %exp3A_1246, %get3A_1253 : vector<16xf32>
      %add3A_1255 = arith.addf %add3A_1239, %mul3A_1254 : vector<16xf32>
      %add3A_1256 = arith.addf %add3A_1240, %exp3A_1246 : vector<16xf32>
      %get3A_1257 = arith.constant 12 : i32
      %get3A_1258 = arith.index_cast %get3A_1257 : i32 to index
      %get3A_1259 = arith.constant 32 : index
      %get3A_1260 = tpu.vector_load %arg5[%get3A_1258, %get3A_1259] {strides = array<i32>} : memref<32x128xf32, #tpu.memory_space<vmem>>, vector<1x16xf32>,
      %get3A_1261 = vector.shape_cast %get3A_1260 : vector<1x16xf32> to vector<16xf32>
      %exp3A_1262 = math.exp %get3A_1261 : vector<16xf32>
      %get3A_1263 = arith.constant 4 : i32
      %get3A_1264 = arith.constant 1 : i32
      %get3A_1265 = arith.index_cast %get3A_1263 : i32 to index
      %get3A_1266 = arith.index_cast %get3A_1264 : i32 to index
      %get3A_1267 = arith.constant 32 : index
      %get3A_1268 = tpu.vector_load %arg6[%get3A_1265, %get3A_1266, %get3A_1267] {strides = array<i32>} : memref<8x4x128xf32, #tpu.memory_space<vmem>>, vector<1x1x16xf32>,
      %get3A_1269 = vector.shape_cast %get3A_1268 : vector<1x1x16xf32> to vector<16xf32>
      %mul3A_1270 = arith.mulf %exp3A_1262, %get3A_1269 : vector<16xf32>
      %add3A_1271 = arith.addf %add3A_1255, %mul3A_1270 : vector<16xf32>
      %add3A_1272 = arith.addf %add3A_1256, %exp3A_1262 : vector<16xf32>
      %get3A_1273 = arith.constant 13 : i32
      %get3A_1274 = arith.index_cast %get3A_1273 : i32 to index
      %get3A_1275 = arith.constant 32 : index
      %get3A_1276 = tpu.vector_load %arg5[%get3A_1274, %get3A_1275] {strides = array<i32>} : memref<32x128xf32, #tpu.memory_space<vmem>>, vector<1x16xf32>,
      %get3A_1277 = vector.shape_cast %get3A_1276 : vector<1x16xf32> to vector<16xf32>
      %exp3A_1278 = math.exp %get3A_1277 : vector<16xf32>
      %get3A_1279 = arith.constant 5 : i32
      %get3A_1280 = arith.constant 1 : i32
      %get3A_1281 = arith.index_cast %get3A_1279 : i32 to index
      %get3A_1282 = arith.index_cast %get3A_1280 : i32 to index
      %get3A_1283 = arith.constant 32 : index
      %get3A_1284 = tpu.vector_load %arg6[%get3A_1281, %get3A_1282, %get3A_1283] {strides = array<i32>} : memref<8x4x128xf32, #tpu.memory_space<vmem>>, vector<1x1x16xf32>,
      %get3A_1285 = vector.shape_cast %get3A_1284 : vector<1x1x16xf32> to vector<16xf32>
      %mul3A_1286 = arith.mulf %exp3A_1278, %get3A_1285 : vector<16xf32>
      %add3A_1287 = arith.addf %add3A_1271, %mul3A_1286 : vector<16xf32>
      %add3A_1288 = arith.addf %add3A_1272, %exp3A_1278 : vector<16xf32>
      %get3A_1289 = arith.constant 14 : i32
      %get3A_1290 = arith.index_cast %get3A_1289 : i32 to index
      %get3A_1291 = arith.constant 32 : index
      %get3A_1292 = tpu.vector_load %arg5[%get3A_1290, %get3A_1291] {strides = array<i32>} : memref<32x128xf32, #tpu.memory_space<vmem>>, vector<1x16xf32>,
      %get3A_1293 = vector.shape_cast %get3A_1292 : vector<1x16xf32> to vector<16xf32>
      %exp3A_1294 = math.exp %get3A_1293 : vector<16xf32>
      %get3A_1295 = arith.constant 6 : i32
      %get3A_1296 = arith.constant 1 : i32
      %get3A_1297 = arith.index_cast %get3A_1295 : i32 to index
      %get3A_1298 = arith.index_cast %get3A_1296 : i32 to index
      %get3A_1299 = arith.constant 32 : index
      %get3A_1300 = tpu.vector_load %arg6[%get3A_1297, %get3A_1298, %get3A_1299] {strides = array<i32>} : memref<8x4x128xf32, #tpu.memory_space<vmem>>, vector<1x1x16xf32>,
      %get3A_1301 = vector.shape_cast %get3A_1300 : vector<1x1x16xf32> to vector<16xf32>
      %mul3A_1302 = arith.mulf %exp3A_1294, %get3A_1301 : vector<16xf32>
      %add3A_1303 = arith.addf %add3A_1287, %mul3A_1302 : vector<16xf32>
      %add3A_1304 = arith.addf %add3A_1288, %exp3A_1294 : vector<16xf32>
      %get3A_1305 = arith.constant 15 : i32
      %get3A_1306 = arith.index_cast %get3A_1305 : i32 to index
      %get3A_1307 = arith.constant 32 : index
      %get3A_1308 = tpu.vector_load %arg5[%get3A_1306, %get3A_1307] {strides = array<i32>} : memref<32x128xf32, #tpu.memory_space<vmem>>, vector<1x16xf32>,
      %get3A_1309 = vector.shape_cast %get3A_1308 : vector<1x16xf32> to vector<16xf32>
      %exp3A_1310 = math.exp %get3A_1309 : vector<16xf32>
      %get3A_1311 = arith.constant 7 : i32
      %get3A_1312 = arith.constant 1 : i32
      %get3A_1313 = arith.index_cast %get3A_1311 : i32 to index
      %get3A_1314 = arith.index_cast %get3A_1312 : i32 to index
      %get3A_1315 = arith.constant 32 : index
      %get3A_1316 = tpu.vector_load %arg6[%get3A_1313, %get3A_1314, %get3A_1315] {strides = array<i32>} : memref<8x4x128xf32, #tpu.memory_space<vmem>>, vector<1x1x16xf32>,
      %get3A_1317 = vector.shape_cast %get3A_1316 : vector<1x1x16xf32> to vector<16xf32>
      %mul3A_1318 = arith.mulf %exp3A_1310, %get3A_1317 : vector<16xf32>
      %add3A_1319 = arith.addf %add3A_1303, %mul3A_1318 : vector<16xf32>
      %add3A_1320 = arith.addf %add3A_1304, %exp3A_1310 : vector<16xf32>
      %div3A_1321 = arith.divf %add3A_1319, %add3A_1320 : vector<16xf32>
      %swap3A_1322 = arith.constant 1 : i32
      %swap3A_1323 = arith.index_cast %swap3A_1322 : i32 to index
      %swap3A_1324 = arith.constant 32 : index
      %swap3A_1325 = tpu.vector_load %arg7[%swap3A_1323, %swap3A_1324] {strides = array<i32>} : memref<4x128xf32, #tpu.memory_space<vmem>>, vector<1x16xf32>,
      %swap3A_1326 = vector.shape_cast %swap3A_1325 : vector<1x16xf32> to vector<16xf32>
      %swap3A_1327 = vector.shape_cast %div3A_1321 : vector<16xf32> to vector<1x16xf32>
      tpu.vector_store %arg7[%swap3A_1323, %swap3A_1324], %swap3A_1327 {strides = array<i32>} : memref<4x128xf32, #tpu.memory_space<vmem>>, vector<1x16xf32>,
      %get3A_1328 = arith.constant 16 : i32
      %get3A_1329 = arith.index_cast %get3A_1328 : i32 to index
      %get3A_1330 = arith.constant 32 : index
      %get3A_1331 = tpu.vector_load %arg5[%get3A_1329, %get3A_1330] {strides = array<i32>} : memref<32x128xf32, #tpu.memory_space<vmem>>, vector<1x16xf32>,
      %get3A_1332 = vector.shape_cast %get3A_1331 : vector<1x16xf32> to vector<16xf32>
      %exp3A_1333 = math.exp %get3A_1332 : vector<16xf32>
      %get3A_1334 = arith.constant 0 : i32
      %get3A_1335 = arith.constant 2 : i32
      %get3A_1336 = arith.index_cast %get3A_1334 : i32 to index
      %get3A_1337 = arith.index_cast %get3A_1335 : i32 to index
      %get3A_1338 = arith.constant 32 : index
      %get3A_1339 = tpu.vector_load %arg6[%get3A_1336, %get3A_1337, %get3A_1338] {strides = array<i32>} : memref<8x4x128xf32, #tpu.memory_space<vmem>>, vector<1x1x16xf32>,
      %get3A_1340 = vector.shape_cast %get3A_1339 : vector<1x1x16xf32> to vector<16xf32>
      %mul3A_1341 = arith.mulf %exp3A_1333, %get3A_1340 : vector<16xf32>
      %get3A_1342 = arith.constant 17 : i32
      %get3A_1343 = arith.index_cast %get3A_1342 : i32 to index
      %get3A_1344 = arith.constant 32 : index
      %get3A_1345 = tpu.vector_load %arg5[%get3A_1343, %get3A_1344] {strides = array<i32>} : memref<32x128xf32, #tpu.memory_space<vmem>>, vector<1x16xf32>,
      %get3A_1346 = vector.shape_cast %get3A_1345 : vector<1x16xf32> to vector<16xf32>
      %exp3A_1347 = math.exp %get3A_1346 : vector<16xf32>
      %get3A_1348 = arith.constant 1 : i32
      %get3A_1349 = arith.constant 2 : i32
      %get3A_1350 = arith.index_cast %get3A_1348 : i32 to index
      %get3A_1351 = arith.index_cast %get3A_1349 : i32 to index
      %get3A_1352 = arith.constant 32 : index
      %get3A_1353 = tpu.vector_load %arg6[%get3A_1350, %get3A_1351, %get3A_1352] {strides = array<i32>} : memref<8x4x128xf32, #tpu.memory_space<vmem>>, vector<1x1x16xf32>,
      %get3A_1354 = vector.shape_cast %get3A_1353 : vector<1x1x16xf32> to vector<16xf32>
      %mul3A_1355 = arith.mulf %exp3A_1347, %get3A_1354 : vector<16xf32>
      %add3A_1356 = arith.addf %mul3A_1341, %mul3A_1355 : vector<16xf32>
      %add3A_1357 = arith.addf %exp3A_1333, %exp3A_1347 : vector<16xf32>
      %get3A_1358 = arith.constant 18 : i32
      %get3A_1359 = arith.index_cast %get3A_1358 : i32 to index
      %get3A_1360 = arith.constant 32 : index
      %get3A_1361 = tpu.vector_load %arg5[%get3A_1359, %get3A_1360] {strides = array<i32>} : memref<32x128xf32, #tpu.memory_space<vmem>>, vector<1x16xf32>,
      %get3A_1362 = vector.shape_cast %get3A_1361 : vector<1x16xf32> to vector<16xf32>
      %exp3A_1363 = math.exp %get3A_1362 : vector<16xf32>
      %get3A_1364 = arith.constant 2 : i32
      %get3A_1365 = arith.constant 2 : i32
      %get3A_1366 = arith.index_cast %get3A_1364 : i32 to index
      %get3A_1367 = arith.index_cast %get3A_1365 : i32 to index
      %get3A_1368 = arith.constant 32 : index
      %get3A_1369 = tpu.vector_load %arg6[%get3A_1366, %get3A_1367, %get3A_1368] {strides = array<i32>} : memref<8x4x128xf32, #tpu.memory_space<vmem>>, vector<1x1x16xf32>,
      %get3A_1370 = vector.shape_cast %get3A_1369 : vector<1x1x16xf32> to vector<16xf32>
      %mul3A_1371 = arith.mulf %exp3A_1363, %get3A_1370 : vector<16xf32>
      %add3A_1372 = arith.addf %add3A_1356, %mul3A_1371 : vector<16xf32>
      %add3A_1373 = arith.addf %add3A_1357, %exp3A_1363 : vector<16xf32>
      %get3A_1374 = arith.constant 19 : i32
      %get3A_1375 = arith.index_cast %get3A_1374 : i32 to index
      %get3A_1376 = arith.constant 32 : index
      %get3A_1377 = tpu.vector_load %arg5[%get3A_1375, %get3A_1376] {strides = array<i32>} : memref<32x128xf32, #tpu.memory_space<vmem>>, vector<1x16xf32>,
      %get3A_1378 = vector.shape_cast %get3A_1377 : vector<1x16xf32> to vector<16xf32>
      %exp3A_1379 = math.exp %get3A_1378 : vector<16xf32>
      %get3A_1380 = arith.constant 3 : i32
      %get3A_1381 = arith.constant 2 : i32
      %get3A_1382 = arith.index_cast %get3A_1380 : i32 to index
      %get3A_1383 = arith.index_cast %get3A_1381 : i32 to index
      %get3A_1384 = arith.constant 32 : index
      %get3A_1385 = tpu.vector_load %arg6[%get3A_1382, %get3A_1383, %get3A_1384] {strides = array<i32>} : memref<8x4x128xf32, #tpu.memory_space<vmem>>, vector<1x1x16xf32>,
      %get3A_1386 = vector.shape_cast %get3A_1385 : vector<1x1x16xf32> to vector<16xf32>
      %mul3A_1387 = arith.mulf %exp3A_1379, %get3A_1386 : vector<16xf32>
      %add3A_1388 = arith.addf %add3A_1372, %mul3A_1387 : vector<16xf32>
      %add3A_1389 = arith.addf %add3A_1373, %exp3A_1379 : vector<16xf32>
      %get3A_1390 = arith.constant 20 : i32
      %get3A_1391 = arith.index_cast %get3A_1390 : i32 to index
      %get3A_1392 = arith.constant 32 : index
      %get3A_1393 = tpu.vector_load %arg5[%get3A_1391, %get3A_1392] {strides = array<i32>} : memref<32x128xf32, #tpu.memory_space<vmem>>, vector<1x16xf32>,
      %get3A_1394 = vector.shape_cast %get3A_1393 : vector<1x16xf32> to vector<16xf32>
      %exp3A_1395 = math.exp %get3A_1394 : vector<16xf32>
      %get3A_1396 = arith.constant 4 : i32
      %get3A_1397 = arith.constant 2 : i32
      %get3A_1398 = arith.index_cast %get3A_1396 : i32 to index
      %get3A_1399 = arith.index_cast %get3A_1397 : i32 to index
      %get3A_1400 = arith.constant 32 : index
      %get3A_1401 = tpu.vector_load %arg6[%get3A_1398, %get3A_1399, %get3A_1400] {strides = array<i32>} : memref<8x4x128xf32, #tpu.memory_space<vmem>>, vector<1x1x16xf32>,
      %get3A_1402 = vector.shape_cast %get3A_1401 : vector<1x1x16xf32> to vector<16xf32>
      %mul3A_1403 = arith.mulf %exp3A_1395, %get3A_1402 : vector<16xf32>
      %add3A_1404 = arith.addf %add3A_1388, %mul3A_1403 : vector<16xf32>
      %add3A_1405 = arith.addf %add3A_1389, %exp3A_1395 : vector<16xf32>
      %get3A_1406 = arith.constant 21 : i32
      %get3A_1407 = arith.index_cast %get3A_1406 : i32 to index
      %get3A_1408 = arith.constant 32 : index
      %get3A_1409 = tpu.vector_load %arg5[%get3A_1407, %get3A_1408] {strides = array<i32>} : memref<32x128xf32, #tpu.memory_space<vmem>>, vector<1x16xf32>,
      %get3A_1410 = vector.shape_cast %get3A_1409 : vector<1x16xf32> to vector<16xf32>
      %exp3A_1411 = math.exp %get3A_1410 : vector<16xf32>
      %get3A_1412 = arith.constant 5 : i32
      %get3A_1413 = arith.constant 2 : i32
      %get3A_1414 = arith.index_cast %get3A_1412 : i32 to index
      %get3A_1415 = arith.index_cast %get3A_1413 : i32 to index
      %get3A_1416 = arith.constant 32 : index
      %get3A_1417 = tpu.vector_load %arg6[%get3A_1414, %get3A_1415, %get3A_1416] {strides = array<i32>} : memref<8x4x128xf32, #tpu.memory_space<vmem>>, vector<1x1x16xf32>,
      %get3A_1418 = vector.shape_cast %get3A_1417 : vector<1x1x16xf32> to vector<16xf32>
      %mul3A_1419 = arith.mulf %exp3A_1411, %get3A_1418 : vector<16xf32>
      %add3A_1420 = arith.addf %add3A_1404, %mul3A_1419 : vector<16xf32>
      %add3A_1421 = arith.addf %add3A_1405, %exp3A_1411 : vector<16xf32>
      %get3A_1422 = arith.constant 22 : i32
      %get3A_1423 = arith.index_cast %get3A_1422 : i32 to index
      %get3A_1424 = arith.constant 32 : index
      %get3A_1425 = tpu.vector_load %arg5[%get3A_1423, %get3A_1424] {strides = array<i32>} : memref<32x128xf32, #tpu.memory_space<vmem>>, vector<1x16xf32>,
      %get3A_1426 = vector.shape_cast %get3A_1425 : vector<1x16xf32> to vector<16xf32>
      %exp3A_1427 = math.exp %get3A_1426 : vector<16xf32>
      %get3A_1428 = arith.constant 6 : i32
      %get3A_1429 = arith.constant 2 : i32
      %get3A_1430 = arith.index_cast %get3A_1428 : i32 to index
      %get3A_1431 = arith.index_cast %get3A_1429 : i32 to index
      %get3A_1432 = arith.constant 32 : index
      %get3A_1433 = tpu.vector_load %arg6[%get3A_1430, %get3A_1431, %get3A_1432] {strides = array<i32>} : memref<8x4x128xf32, #tpu.memory_space<vmem>>, vector<1x1x16xf32>,
      %get3A_1434 = vector.shape_cast %get3A_1433 : vector<1x1x16xf32> to vector<16xf32>
      %mul3A_1435 = arith.mulf %exp3A_1427, %get3A_1434 : vector<16xf32>
      %add3A_1436 = arith.addf %add3A_1420, %mul3A_1435 : vector<16xf32>
      %add3A_1437 = arith.addf %add3A_1421, %exp3A_1427 : vector<16xf32>
      %get3A_1438 = arith.constant 23 : i32
      %get3A_1439 = arith.index_cast %get3A_1438 : i32 to index
      %get3A_1440 = arith.constant 32 : index
      %get3A_1441 = tpu.vector_load %arg5[%get3A_1439, %get3A_1440] {strides = array<i32>} : memref<32x128xf32, #tpu.memory_space<vmem>>, vector<1x16xf32>,
      %get3A_1442 = vector.shape_cast %get3A_1441 : vector<1x16xf32> to vector<16xf32>
      %exp3A_1443 = math.exp %get3A_1442 : vector<16xf32>
      %get3A_1444 = arith.constant 7 : i32
      %get3A_1445 = arith.constant 2 : i32
      %get3A_1446 = arith.index_cast %get3A_1444 : i32 to index
      %get3A_1447 = arith.index_cast %get3A_1445 : i32 to index
      %get3A_1448 = arith.constant 32 : index
      %get3A_1449 = tpu.vector_load %arg6[%get3A_1446, %get3A_1447, %get3A_1448] {strides = array<i32>} : memref<8x4x128xf32, #tpu.memory_space<vmem>>, vector<1x1x16xf32>,
      %get3A_1450 = vector.shape_cast %get3A_1449 : vector<1x1x16xf32> to vector<16xf32>
      %mul3A_1451 = arith.mulf %exp3A_1443, %get3A_1450 : vector<16xf32>
      %add3A_1452 = arith.addf %add3A_1436, %mul3A_1451 : vector<16xf32>
      %add3A_1453 = arith.addf %add3A_1437, %exp3A_1443 : vector<16xf32>
      %div3A_1454 = arith.divf %add3A_1452, %add3A_1453 : vector<16xf32>
      %swap3A_1455 = arith.constant 2 : i32
      %swap3A_1456 = arith.index_cast %swap3A_1455 : i32 to index
      %swap3A_1457 = arith.constant 32 : index
      %swap3A_1458 = tpu.vector_load %arg7[%swap3A_1456, %swap3A_1457] {strides = array<i32>} : memref<4x128xf32, #tpu.memory_space<vmem>>, vector<1x16xf32>,
      %swap3A_1459 = vector.shape_cast %swap3A_1458 : vector<1x16xf32> to vector<16xf32>
      %swap3A_1460 = vector.shape_cast %div3A_1454 : vector<16xf32> to vector<1x16xf32>
      tpu.vector_store %arg7[%swap3A_1456, %swap3A_1457], %swap3A_1460 {strides = array<i32>} : memref<4x128xf32, #tpu.memory_space<vmem>>, vector<1x16xf32>,
      %get3A_1461 = arith.constant 24 : i32
      %get3A_1462 = arith.index_cast %get3A_1461 : i32 to index
      %get3A_1463 = arith.constant 32 : index
      %get3A_1464 = tpu.vector_load %arg5[%get3A_1462, %get3A_1463] {strides = array<i32>} : memref<32x128xf32, #tpu.memory_space<vmem>>, vector<1x16xf32>,
      %get3A_1465 = vector.shape_cast %get3A_1464 : vector<1x16xf32> to vector<16xf32>
      %exp3A_1466 = math.exp %get3A_1465 : vector<16xf32>
      %get3A_1467 = arith.constant 0 : i32
      %get3A_1468 = arith.constant 3 : i32
      %get3A_1469 = arith.index_cast %get3A_1467 : i32 to index
      %get3A_1470 = arith.index_cast %get3A_1468 : i32 to index
      %get3A_1471 = arith.constant 32 : index
      %get3A_1472 = tpu.vector_load %arg6[%get3A_1469, %get3A_1470, %get3A_1471] {strides = array<i32>} : memref<8x4x128xf32, #tpu.memory_space<vmem>>, vector<1x1x16xf32>,
      %get3A_1473 = vector.shape_cast %get3A_1472 : vector<1x1x16xf32> to vector<16xf32>
      %mul3A_1474 = arith.mulf %exp3A_1466, %get3A_1473 : vector<16xf32>
      %get3A_1475 = arith.constant 25 : i32
      %get3A_1476 = arith.index_cast %get3A_1475 : i32 to index
      %get3A_1477 = arith.constant 32 : index
      %get3A_1478 = tpu.vector_load %arg5[%get3A_1476, %get3A_1477] {strides = array<i32>} : memref<32x128xf32, #tpu.memory_space<vmem>>, vector<1x16xf32>,
      %get3A_1479 = vector.shape_cast %get3A_1478 : vector<1x16xf32> to vector<16xf32>
      %exp3A_1480 = math.exp %get3A_1479 : vector<16xf32>
      %get3A_1481 = arith.constant 1 : i32
      %get3A_1482 = arith.constant 3 : i32
      %get3A_1483 = arith.index_cast %get3A_1481 : i32 to index
      %get3A_1484 = arith.index_cast %get3A_1482 : i32 to index
      %get3A_1485 = arith.constant 32 : index
      %get3A_1486 = tpu.vector_load %arg6[%get3A_1483, %get3A_1484, %get3A_1485] {strides = array<i32>} : memref<8x4x128xf32, #tpu.memory_space<vmem>>, vector<1x1x16xf32>,
      %get3A_1487 = vector.shape_cast %get3A_1486 : vector<1x1x16xf32> to vector<16xf32>
      %mul3A_1488 = arith.mulf %exp3A_1480, %get3A_1487 : vector<16xf32>
      %add3A_1489 = arith.addf %mul3A_1474, %mul3A_1488 : vector<16xf32>
      %add3A_1490 = arith.addf %exp3A_1466, %exp3A_1480 : vector<16xf32>
      %get3A_1491 = arith.constant 26 : i32
      %get3A_1492 = arith.index_cast %get3A_1491 : i32 to index
      %get3A_1493 = arith.constant 32 : index
      %get3A_1494 = tpu.vector_load %arg5[%get3A_1492, %get3A_1493] {strides = array<i32>} : memref<32x128xf32, #tpu.memory_space<vmem>>, vector<1x16xf32>,
      %get3A_1495 = vector.shape_cast %get3A_1494 : vector<1x16xf32> to vector<16xf32>
      %exp3A_1496 = math.exp %get3A_1495 : vector<16xf32>
      %get3A_1497 = arith.constant 2 : i32
      %get3A_1498 = arith.constant 3 : i32
      %get3A_1499 = arith.index_cast %get3A_1497 : i32 to index
      %get3A_1500 = arith.index_cast %get3A_1498 : i32 to index
      %get3A_1501 = arith.constant 32 : index
      %get3A_1502 = tpu.vector_load %arg6[%get3A_1499, %get3A_1500, %get3A_1501] {strides = array<i32>} : memref<8x4x128xf32, #tpu.memory_space<vmem>>, vector<1x1x16xf32>,
      %get3A_1503 = vector.shape_cast %get3A_1502 : vector<1x1x16xf32> to vector<16xf32>
      %mul3A_1504 = arith.mulf %exp3A_1496, %get3A_1503 : vector<16xf32>
      %add3A_1505 = arith.addf %add3A_1489, %mul3A_1504 : vector<16xf32>
      %add3A_1506 = arith.addf %add3A_1490, %exp3A_1496 : vector<16xf32>
      %get3A_1507 = arith.constant 27 : i32
      %get3A_1508 = arith.index_cast %get3A_1507 : i32 to index
      %get3A_1509 = arith.constant 32 : index
      %get3A_1510 = tpu.vector_load %arg5[%get3A_1508, %get3A_1509] {strides = array<i32>} : memref<32x128xf32, #tpu.memory_space<vmem>>, vector<1x16xf32>,
      %get3A_1511 = vector.shape_cast %get3A_1510 : vector<1x16xf32> to vector<16xf32>
      %exp3A_1512 = math.exp %get3A_1511 : vector<16xf32>
      %get3A_1513 = arith.constant 3 : i32
      %get3A_1514 = arith.constant 3 : i32
      %get3A_1515 = arith.index_cast %get3A_1513 : i32 to index
      %get3A_1516 = arith.index_cast %get3A_1514 : i32 to index
      %get3A_1517 = arith.constant 32 : index
      %get3A_1518 = tpu.vector_load %arg6[%get3A_1515, %get3A_1516, %get3A_1517] {strides = array<i32>} : memref<8x4x128xf32, #tpu.memory_space<vmem>>, vector<1x1x16xf32>,
      %get3A_1519 = vector.shape_cast %get3A_1518 : vector<1x1x16xf32> to vector<16xf32>
      %mul3A_1520 = arith.mulf %exp3A_1512, %get3A_1519 : vector<16xf32>
      %add3A_1521 = arith.addf %add3A_1505, %mul3A_1520 : vector<16xf32>
      %add3A_1522 = arith.addf %add3A_1506, %exp3A_1512 : vector<16xf32>
      %get3A_1523 = arith.constant 28 : i32
      %get3A_1524 = arith.index_cast %get3A_1523 : i32 to index
      %get3A_1525 = arith.constant 32 : index
      %get3A_1526 = tpu.vector_load %arg5[%get3A_1524, %get3A_1525] {strides = array<i32>} : memref<32x128xf32, #tpu.memory_space<vmem>>, vector<1x16xf32>,
      %get3A_1527 = vector.shape_cast %get3A_1526 : vector<1x16xf32> to vector<16xf32>
      %exp3A_1528 = math.exp %get3A_1527 : vector<16xf32>
      %get3A_1529 = arith.constant 4 : i32
      %get3A_1530 = arith.constant 3 : i32
      %get3A_1531 = arith.index_cast %get3A_1529 : i32 to index
      %get3A_1532 = arith.index_cast %get3A_1530 : i32 to index
      %get3A_1533 = arith.constant 32 : index
      %get3A_1534 = tpu.vector_load %arg6[%get3A_1531, %get3A_1532, %get3A_1533] {strides = array<i32>} : memref<8x4x128xf32, #tpu.memory_space<vmem>>, vector<1x1x16xf32>,
      %get3A_1535 = vector.shape_cast %get3A_1534 : vector<1x1x16xf32> to vector<16xf32>
      %mul3A_1536 = arith.mulf %exp3A_1528, %get3A_1535 : vector<16xf32>
      %add3A_1537 = arith.addf %add3A_1521, %mul3A_1536 : vector<16xf32>
      %add3A_1538 = arith.addf %add3A_1522, %exp3A_1528 : vector<16xf32>
      %get3A_1539 = arith.constant 29 : i32
      %get3A_1540 = arith.index_cast %get3A_1539 : i32 to index
      %get3A_1541 = arith.constant 32 : index
      %get3A_1542 = tpu.vector_load %arg5[%get3A_1540, %get3A_1541] {strides = array<i32>} : memref<32x128xf32, #tpu.memory_space<vmem>>, vector<1x16xf32>,
      %get3A_1543 = vector.shape_cast %get3A_1542 : vector<1x16xf32> to vector<16xf32>
      %exp3A_1544 = math.exp %get3A_1543 : vector<16xf32>
      %get3A_1545 = arith.constant 5 : i32
      %get3A_1546 = arith.constant 3 : i32
      %get3A_1547 = arith.index_cast %get3A_1545 : i32 to index
      %get3A_1548 = arith.index_cast %get3A_1546 : i32 to index
      %get3A_1549 = arith.constant 32 : index
      %get3A_1550 = tpu.vector_load %arg6[%get3A_1547, %get3A_1548, %get3A_1549] {strides = array<i32>} : memref<8x4x128xf32, #tpu.memory_space<vmem>>, vector<1x1x16xf32>,
      %get3A_1551 = vector.shape_cast %get3A_1550 : vector<1x1x16xf32> to vector<16xf32>
      %mul3A_1552 = arith.mulf %exp3A_1544, %get3A_1551 : vector<16xf32>
      %add3A_1553 = arith.addf %add3A_1537, %mul3A_1552 : vector<16xf32>
      %add3A_1554 = arith.addf %add3A_1538, %exp3A_1544 : vector<16xf32>
      %get3A_1555 = arith.constant 30 : i32
      %get3A_1556 = arith.index_cast %get3A_1555 : i32 to index
      %get3A_1557 = arith.constant 32 : index
      %get3A_1558 = tpu.vector_load %arg5[%get3A_1556, %get3A_1557] {strides = array<i32>} : memref<32x128xf32, #tpu.memory_space<vmem>>, vector<1x16xf32>,
      %get3A_1559 = vector.shape_cast %get3A_1558 : vector<1x16xf32> to vector<16xf32>
      %exp3A_1560 = math.exp %get3A_1559 : vector<16xf32>
      %get3A_1561 = arith.constant 6 : i32
      %get3A_1562 = arith.constant 3 : i32
      %get3A_1563 = arith.index_cast %get3A_1561 : i32 to index
      %get3A_1564 = arith.index_cast %get3A_1562 : i32 to index
      %get3A_1565 = arith.constant 32 : index
      %get3A_1566 = tpu.vector_load %arg6[%get3A_1563, %get3A_1564, %get3A_1565] {strides = array<i32>} : memref<8x4x128xf32, #tpu.memory_space<vmem>>, vector<1x1x16xf32>,
      %get3A_1567 = vector.shape_cast %get3A_1566 : vector<1x1x16xf32> to vector<16xf32>
      %mul3A_1568 = arith.mulf %exp3A_1560, %get3A_1567 : vector<16xf32>
      %add3A_1569 = arith.addf %add3A_1553, %mul3A_1568 : vector<16xf32>
      %add3A_1570 = arith.addf %add3A_1554, %exp3A_1560 : vector<16xf32>
      %get3A_1571 = arith.constant 31 : i32
      %get3A_1572 = arith.index_cast %get3A_1571 : i32 to index
      %get3A_1573 = arith.constant 32 : index
      %get3A_1574 = tpu.vector_load %arg5[%get3A_1572, %get3A_1573] {strides = array<i32>} : memref<32x128xf32, #tpu.memory_space<vmem>>, vector<1x16xf32>,
      %get3A_1575 = vector.shape_cast %get3A_1574 : vector<1x16xf32> to vector<16xf32>
      %exp3A_1576 = math.exp %get3A_1575 : vector<16xf32>
      %get3A_1577 = arith.constant 7 : i32
      %get3A_1578 = arith.constant 3 : i32
      %get3A_1579 = arith.index_cast %get3A_1577 : i32 to index
      %get3A_1580 = arith.index_cast %get3A_1578 : i32 to index
      %get3A_1581 = arith.constant 32 : index
      %get3A_1582 = tpu.vector_load %arg6[%get3A_1579, %get3A_1580, %get3A_1581] {strides = array<i32>} : memref<8x4x128xf32, #tpu.memory_space<vmem>>, vector<1x1x16xf32>,
      %get3A_1583 = vector.shape_cast %get3A_1582 : vector<1x1x16xf32> to vector<16xf32>
      %mul3A_1584 = arith.mulf %exp3A_1576, %get3A_1583 : vector<16xf32>
      %add3A_1585 = arith.addf %add3A_1569, %mul3A_1584 : vector<16xf32>
      %add3A_1586 = arith.addf %add3A_1570, %exp3A_1576 : vector<16xf32>
      %div3A_1587 = arith.divf %add3A_1585, %add3A_1586 : vector<16xf32>
      %swap3A_1588 = arith.constant 3 : i32
      %swap3A_1589 = arith.index_cast %swap3A_1588 : i32 to index
      %swap3A_1590 = arith.constant 32 : index
      %swap3A_1591 = tpu.vector_load %arg7[%swap3A_1589, %swap3A_1590] {strides = array<i32>} : memref<4x128xf32, #tpu.memory_space<vmem>>, vector<1x16xf32>,
      %swap3A_1592 = vector.shape_cast %swap3A_1591 : vector<1x16xf32> to vector<16xf32>
      %swap3A_1593 = vector.shape_cast %div3A_1587 : vector<16xf32> to vector<1x16xf32>
      tpu.vector_store %arg7[%swap3A_1589, %swap3A_1590], %swap3A_1593 {strides = array<i32>} : memref<4x128xf32, #tpu.memory_space<vmem>>, vector<1x16xf32>,
      %get3A_1594 = arith.constant 0 : i32
      %get3A_1595 = arith.index_cast %get3A_1594 : i32 to index
      %get3A_1596 = arith.constant 48 : index
      %get3A_1597 = tpu.vector_load %arg5[%get3A_1595, %get3A_1596] {strides = array<i32>} : memref<32x128xf32, #tpu.memory_space<vmem>>, vector<1x16xf32>,
      %get3A_1598 = vector.shape_cast %get3A_1597 : vector<1x16xf32> to vector<16xf32>
      %exp3A_1599 = math.exp %get3A_1598 : vector<16xf32>
      %get3A_1600 = arith.constant 0 : i32
      %get3A_1601 = arith.constant 0 : i32
      %get3A_1602 = arith.index_cast %get3A_1600 : i32 to index
      %get3A_1603 = arith.index_cast %get3A_1601 : i32 to index
      %get3A_1604 = arith.constant 48 : index
      %get3A_1605 = tpu.vector_load %arg6[%get3A_1602, %get3A_1603, %get3A_1604] {strides = array<i32>} : memref<8x4x128xf32, #tpu.memory_space<vmem>>, vector<1x1x16xf32>,
      %get3A_1606 = vector.shape_cast %get3A_1605 : vector<1x1x16xf32> to vector<16xf32>
      %mul3A_1607 = arith.mulf %exp3A_1599, %get3A_1606 : vector<16xf32>
      %get3A_1608 = arith.constant 1 : i32
      %get3A_1609 = arith.index_cast %get3A_1608 : i32 to index
      %get3A_1610 = arith.constant 48 : index
      %get3A_1611 = tpu.vector_load %arg5[%get3A_1609, %get3A_1610] {strides = array<i32>} : memref<32x128xf32, #tpu.memory_space<vmem>>, vector<1x16xf32>,
      %get3A_1612 = vector.shape_cast %get3A_1611 : vector<1x16xf32> to vector<16xf32>
      %exp3A_1613 = math.exp %get3A_1612 : vector<16xf32>
      %get3A_1614 = arith.constant 1 : i32
      %get3A_1615 = arith.constant 0 : i32
      %get3A_1616 = arith.index_cast %get3A_1614 : i32 to index
      %get3A_1617 = arith.index_cast %get3A_1615 : i32 to index
      %get3A_1618 = arith.constant 48 : index
      %get3A_1619 = tpu.vector_load %arg6[%get3A_1616, %get3A_1617, %get3A_1618] {strides = array<i32>} : memref<8x4x128xf32, #tpu.memory_space<vmem>>, vector<1x1x16xf32>,
      %get3A_1620 = vector.shape_cast %get3A_1619 : vector<1x1x16xf32> to vector<16xf32>
      %mul3A_1621 = arith.mulf %exp3A_1613, %get3A_1620 : vector<16xf32>
      %add3A_1622 = arith.addf %mul3A_1607, %mul3A_1621 : vector<16xf32>
      %add3A_1623 = arith.addf %exp3A_1599, %exp3A_1613 : vector<16xf32>
      %get3A_1624 = arith.constant 2 : i32
      %get3A_1625 = arith.index_cast %get3A_1624 : i32 to index
      %get3A_1626 = arith.constant 48 : index
      %get3A_1627 = tpu.vector_load %arg5[%get3A_1625, %get3A_1626] {strides = array<i32>} : memref<32x128xf32, #tpu.memory_space<vmem>>, vector<1x16xf32>,
      %get3A_1628 = vector.shape_cast %get3A_1627 : vector<1x16xf32> to vector<16xf32>
      %exp3A_1629 = math.exp %get3A_1628 : vector<16xf32>
      %get3A_1630 = arith.constant 2 : i32
      %get3A_1631 = arith.constant 0 : i32
      %get3A_1632 = arith.index_cast %get3A_1630 : i32 to index
      %get3A_1633 = arith.index_cast %get3A_1631 : i32 to index
      %get3A_1634 = arith.constant 48 : index
      %get3A_1635 = tpu.vector_load %arg6[%get3A_1632, %get3A_1633, %get3A_1634] {strides = array<i32>} : memref<8x4x128xf32, #tpu.memory_space<vmem>>, vector<1x1x16xf32>,
      %get3A_1636 = vector.shape_cast %get3A_1635 : vector<1x1x16xf32> to vector<16xf32>
      %mul3A_1637 = arith.mulf %exp3A_1629, %get3A_1636 : vector<16xf32>
      %add3A_1638 = arith.addf %add3A_1622, %mul3A_1637 : vector<16xf32>
      %add3A_1639 = arith.addf %add3A_1623, %exp3A_1629 : vector<16xf32>
      %get3A_1640 = arith.constant 3 : i32
      %get3A_1641 = arith.index_cast %get3A_1640 : i32 to index
      %get3A_1642 = arith.constant 48 : index
      %get3A_1643 = tpu.vector_load %arg5[%get3A_1641, %get3A_1642] {strides = array<i32>} : memref<32x128xf32, #tpu.memory_space<vmem>>, vector<1x16xf32>,
      %get3A_1644 = vector.shape_cast %get3A_1643 : vector<1x16xf32> to vector<16xf32>
      %exp3A_1645 = math.exp %get3A_1644 : vector<16xf32>
      %get3A_1646 = arith.constant 3 : i32
      %get3A_1647 = arith.constant 0 : i32
      %get3A_1648 = arith.index_cast %get3A_1646 : i32 to index
      %get3A_1649 = arith.index_cast %get3A_1647 : i32 to index
      %get3A_1650 = arith.constant 48 : index
      %get3A_1651 = tpu.vector_load %arg6[%get3A_1648, %get3A_1649, %get3A_1650] {strides = array<i32>} : memref<8x4x128xf32, #tpu.memory_space<vmem>>, vector<1x1x16xf32>,
      %get3A_1652 = vector.shape_cast %get3A_1651 : vector<1x1x16xf32> to vector<16xf32>
      %mul3A_1653 = arith.mulf %exp3A_1645, %get3A_1652 : vector<16xf32>
      %add3A_1654 = arith.addf %add3A_1638, %mul3A_1653 : vector<16xf32>
      %add3A_1655 = arith.addf %add3A_1639, %exp3A_1645 : vector<16xf32>
      %get3A_1656 = arith.constant 4 : i32
      %get3A_1657 = arith.index_cast %get3A_1656 : i32 to index
      %get3A_1658 = arith.constant 48 : index
      %get3A_1659 = tpu.vector_load %arg5[%get3A_1657, %get3A_1658] {strides = array<i32>} : memref<32x128xf32, #tpu.memory_space<vmem>>, vector<1x16xf32>,
      %get3A_1660 = vector.shape_cast %get3A_1659 : vector<1x16xf32> to vector<16xf32>
      %exp3A_1661 = math.exp %get3A_1660 : vector<16xf32>
      %get3A_1662 = arith.constant 4 : i32
      %get3A_1663 = arith.constant 0 : i32
      %get3A_1664 = arith.index_cast %get3A_1662 : i32 to index
      %get3A_1665 = arith.index_cast %get3A_1663 : i32 to index
      %get3A_1666 = arith.constant 48 : index
      %get3A_1667 = tpu.vector_load %arg6[%get3A_1664, %get3A_1665, %get3A_1666] {strides = array<i32>} : memref<8x4x128xf32, #tpu.memory_space<vmem>>, vector<1x1x16xf32>,
      %get3A_1668 = vector.shape_cast %get3A_1667 : vector<1x1x16xf32> to vector<16xf32>
      %mul3A_1669 = arith.mulf %exp3A_1661, %get3A_1668 : vector<16xf32>
      %add3A_1670 = arith.addf %add3A_1654, %mul3A_1669 : vector<16xf32>
      %add3A_1671 = arith.addf %add3A_1655, %exp3A_1661 : vector<16xf32>
      %get3A_1672 = arith.constant 5 : i32
      %get3A_1673 = arith.index_cast %get3A_1672 : i32 to index
      %get3A_1674 = arith.constant 48 : index
      %get3A_1675 = tpu.vector_load %arg5[%get3A_1673, %get3A_1674] {strides = array<i32>} : memref<32x128xf32, #tpu.memory_space<vmem>>, vector<1x16xf32>,
      %get3A_1676 = vector.shape_cast %get3A_1675 : vector<1x16xf32> to vector<16xf32>
      %exp3A_1677 = math.exp %get3A_1676 : vector<16xf32>
      %get3A_1678 = arith.constant 5 : i32
      %get3A_1679 = arith.constant 0 : i32
      %get3A_1680 = arith.index_cast %get3A_1678 : i32 to index
      %get3A_1681 = arith.index_cast %get3A_1679 : i32 to index
      %get3A_1682 = arith.constant 48 : index
      %get3A_1683 = tpu.vector_load %arg6[%get3A_1680, %get3A_1681, %get3A_1682] {strides = array<i32>} : memref<8x4x128xf32, #tpu.memory_space<vmem>>, vector<1x1x16xf32>,
      %get3A_1684 = vector.shape_cast %get3A_1683 : vector<1x1x16xf32> to vector<16xf32>
      %mul3A_1685 = arith.mulf %exp3A_1677, %get3A_1684 : vector<16xf32>
      %add3A_1686 = arith.addf %add3A_1670, %mul3A_1685 : vector<16xf32>
      %add3A_1687 = arith.addf %add3A_1671, %exp3A_1677 : vector<16xf32>
      %get3A_1688 = arith.constant 6 : i32
      %get3A_1689 = arith.index_cast %get3A_1688 : i32 to index
      %get3A_1690 = arith.constant 48 : index
      %get3A_1691 = tpu.vector_load %arg5[%get3A_1689, %get3A_1690] {strides = array<i32>} : memref<32x128xf32, #tpu.memory_space<vmem>>, vector<1x16xf32>,
      %get3A_1692 = vector.shape_cast %get3A_1691 : vector<1x16xf32> to vector<16xf32>
      %exp3A_1693 = math.exp %get3A_1692 : vector<16xf32>
      %get3A_1694 = arith.constant 6 : i32
      %get3A_1695 = arith.constant 0 : i32
      %get3A_1696 = arith.index_cast %get3A_1694 : i32 to index
      %get3A_1697 = arith.index_cast %get3A_1695 : i32 to index
      %get3A_1698 = arith.constant 48 : index
      %get3A_1699 = tpu.vector_load %arg6[%get3A_1696, %get3A_1697, %get3A_1698] {strides = array<i32>} : memref<8x4x128xf32, #tpu.memory_space<vmem>>, vector<1x1x16xf32>,
      %get3A_1700 = vector.shape_cast %get3A_1699 : vector<1x1x16xf32> to vector<16xf32>
      %mul3A_1701 = arith.mulf %exp3A_1693, %get3A_1700 : vector<16xf32>
      %add3A_1702 = arith.addf %add3A_1686, %mul3A_1701 : vector<16xf32>
      %add3A_1703 = arith.addf %add3A_1687, %exp3A_1693 : vector<16xf32>
      %get3A_1704 = arith.constant 7 : i32
      %get3A_1705 = arith.index_cast %get3A_1704 : i32 to index
      %get3A_1706 = arith.constant 48 : index
      %get3A_1707 = tpu.vector_load %arg5[%get3A_1705, %get3A_1706] {strides = array<i32>} : memref<32x128xf32, #tpu.memory_space<vmem>>, vector<1x16xf32>,
      %get3A_1708 = vector.shape_cast %get3A_1707 : vector<1x16xf32> to vector<16xf32>
      %exp3A_1709 = math.exp %get3A_1708 : vector<16xf32>
      %get3A_1710 = arith.constant 7 : i32
      %get3A_1711 = arith.constant 0 : i32
      %get3A_1712 = arith.index_cast %get3A_1710 : i32 to index
      %get3A_1713 = arith.index_cast %get3A_1711 : i32 to index
      %get3A_1714 = arith.constant 48 : index
      %get3A_1715 = tpu.vector_load %arg6[%get3A_1712, %get3A_1713, %get3A_1714] {strides = array<i32>} : memref<8x4x128xf32, #tpu.memory_space<vmem>>, vector<1x1x16xf32>,
      %get3A_1716 = vector.shape_cast %get3A_1715 : vector<1x1x16xf32> to vector<16xf32>
      %mul3A_1717 = arith.mulf %exp3A_1709, %get3A_1716 : vector<16xf32>
      %add3A_1718 = arith.addf %add3A_1702, %mul3A_1717 : vector<16xf32>
      %add3A_1719 = arith.addf %add3A_1703, %exp3A_1709 : vector<16xf32>
      %div3A_1720 = arith.divf %add3A_1718, %add3A_1719 : vector<16xf32>
      %swap3A_1721 = arith.constant 0 : i32
      %swap3A_1722 = arith.index_cast %swap3A_1721 : i32 to index
      %swap3A_1723 = arith.constant 48 : index
      %swap3A_1724 = tpu.vector_load %arg7[%swap3A_1722, %swap3A_1723] {strides = array<i32>} : memref<4x128xf32, #tpu.memory_space<vmem>>, vector<1x16xf32>,
      %swap3A_1725 = vector.shape_cast %swap3A_1724 : vector<1x16xf32> to vector<16xf32>
      %swap3A_1726 = vector.shape_cast %div3A_1720 : vector<16xf32> to vector<1x16xf32>
      tpu.vector_store %arg7[%swap3A_1722, %swap3A_1723], %swap3A_1726 {strides = array<i32>} : memref<4x128xf32, #tpu.memory_space<vmem>>, vector<1x16xf32>,
      %get3A_1727 = arith.constant 8 : i32
      %get3A_1728 = arith.index_cast %get3A_1727 : i32 to index
      %get3A_1729 = arith.constant 48 : index
      %get3A_1730 = tpu.vector_load %arg5[%get3A_1728, %get3A_1729] {strides = array<i32>} : memref<32x128xf32, #tpu.memory_space<vmem>>, vector<1x16xf32>,
      %get3A_1731 = vector.shape_cast %get3A_1730 : vector<1x16xf32> to vector<16xf32>
      %exp3A_1732 = math.exp %get3A_1731 : vector<16xf32>
      %get3A_1733 = arith.constant 0 : i32
      %get3A_1734 = arith.constant 1 : i32
      %get3A_1735 = arith.index_cast %get3A_1733 : i32 to index
      %get3A_1736 = arith.index_cast %get3A_1734 : i32 to index
      %get3A_1737 = arith.constant 48 : index
      %get3A_1738 = tpu.vector_load %arg6[%get3A_1735, %get3A_1736, %get3A_1737] {strides = array<i32>} : memref<8x4x128xf32, #tpu.memory_space<vmem>>, vector<1x1x16xf32>,
      %get3A_1739 = vector.shape_cast %get3A_1738 : vector<1x1x16xf32> to vector<16xf32>
      %mul3A_1740 = arith.mulf %exp3A_1732, %get3A_1739 : vector<16xf32>
      %get3A_1741 = arith.constant 9 : i32
      %get3A_1742 = arith.index_cast %get3A_1741 : i32 to index
      %get3A_1743 = arith.constant 48 : index
      %get3A_1744 = tpu.vector_load %arg5[%get3A_1742, %get3A_1743] {strides = array<i32>} : memref<32x128xf32, #tpu.memory_space<vmem>>, vector<1x16xf32>,
      %get3A_1745 = vector.shape_cast %get3A_1744 : vector<1x16xf32> to vector<16xf32>
      %exp3A_1746 = math.exp %get3A_1745 : vector<16xf32>
      %get3A_1747 = arith.constant 1 : i32
      %get3A_1748 = arith.constant 1 : i32
      %get3A_1749 = arith.index_cast %get3A_1747 : i32 to index
      %get3A_1750 = arith.index_cast %get3A_1748 : i32 to index
      %get3A_1751 = arith.constant 48 : index
      %get3A_1752 = tpu.vector_load %arg6[%get3A_1749, %get3A_1750, %get3A_1751] {strides = array<i32>} : memref<8x4x128xf32, #tpu.memory_space<vmem>>, vector<1x1x16xf32>,
      %get3A_1753 = vector.shape_cast %get3A_1752 : vector<1x1x16xf32> to vector<16xf32>
      %mul3A_1754 = arith.mulf %exp3A_1746, %get3A_1753 : vector<16xf32>
      %add3A_1755 = arith.addf %mul3A_1740, %mul3A_1754 : vector<16xf32>
      %add3A_1756 = arith.addf %exp3A_1732, %exp3A_1746 : vector<16xf32>
      %get3A_1757 = arith.constant 10 : i32
      %get3A_1758 = arith.index_cast %get3A_1757 : i32 to index
      %get3A_1759 = arith.constant 48 : index
      %get3A_1760 = tpu.vector_load %arg5[%get3A_1758, %get3A_1759] {strides = array<i32>} : memref<32x128xf32, #tpu.memory_space<vmem>>, vector<1x16xf32>,
      %get3A_1761 = vector.shape_cast %get3A_1760 : vector<1x16xf32> to vector<16xf32>
      %exp3A_1762 = math.exp %get3A_1761 : vector<16xf32>
      %get3A_1763 = arith.constant 2 : i32
      %get3A_1764 = arith.constant 1 : i32
      %get3A_1765 = arith.index_cast %get3A_1763 : i32 to index
      %get3A_1766 = arith.index_cast %get3A_1764 : i32 to index
      %get3A_1767 = arith.constant 48 : index
      %get3A_1768 = tpu.vector_load %arg6[%get3A_1765, %get3A_1766, %get3A_1767] {strides = array<i32>} : memref<8x4x128xf32, #tpu.memory_space<vmem>>, vector<1x1x16xf32>,
      %get3A_1769 = vector.shape_cast %get3A_1768 : vector<1x1x16xf32> to vector<16xf32>
      %mul3A_1770 = arith.mulf %exp3A_1762, %get3A_1769 : vector<16xf32>
      %add3A_1771 = arith.addf %add3A_1755, %mul3A_1770 : vector<16xf32>
      %add3A_1772 = arith.addf %add3A_1756, %exp3A_1762 : vector<16xf32>
      %get3A_1773 = arith.constant 11 : i32
      %get3A_1774 = arith.index_cast %get3A_1773 : i32 to index
      %get3A_1775 = arith.constant 48 : index
      %get3A_1776 = tpu.vector_load %arg5[%get3A_1774, %get3A_1775] {strides = array<i32>} : memref<32x128xf32, #tpu.memory_space<vmem>>, vector<1x16xf32>,
      %get3A_1777 = vector.shape_cast %get3A_1776 : vector<1x16xf32> to vector<16xf32>
      %exp3A_1778 = math.exp %get3A_1777 : vector<16xf32>
      %get3A_1779 = arith.constant 3 : i32
      %get3A_1780 = arith.constant 1 : i32
      %get3A_1781 = arith.index_cast %get3A_1779 : i32 to index
      %get3A_1782 = arith.index_cast %get3A_1780 : i32 to index
      %get3A_1783 = arith.constant 48 : index
      %get3A_1784 = tpu.vector_load %arg6[%get3A_1781, %get3A_1782, %get3A_1783] {strides = array<i32>} : memref<8x4x128xf32, #tpu.memory_space<vmem>>, vector<1x1x16xf32>,
      %get3A_1785 = vector.shape_cast %get3A_1784 : vector<1x1x16xf32> to vector<16xf32>
      %mul3A_1786 = arith.mulf %exp3A_1778, %get3A_1785 : vector<16xf32>
      %add3A_1787 = arith.addf %add3A_1771, %mul3A_1786 : vector<16xf32>
      %add3A_1788 = arith.addf %add3A_1772, %exp3A_1778 : vector<16xf32>
      %get3A_1789 = arith.constant 12 : i32
      %get3A_1790 = arith.index_cast %get3A_1789 : i32 to index
      %get3A_1791 = arith.constant 48 : index
      %get3A_1792 = tpu.vector_load %arg5[%get3A_1790, %get3A_1791] {strides = array<i32>} : memref<32x128xf32, #tpu.memory_space<vmem>>, vector<1x16xf32>,
      %get3A_1793 = vector.shape_cast %get3A_1792 : vector<1x16xf32> to vector<16xf32>
      %exp3A_1794 = math.exp %get3A_1793 : vector<16xf32>
      %get3A_1795 = arith.constant 4 : i32
      %get3A_1796 = arith.constant 1 : i32
      %get3A_1797 = arith.index_cast %get3A_1795 : i32 to index
      %get3A_1798 = arith.index_cast %get3A_1796 : i32 to index
      %get3A_1799 = arith.constant 48 : index
      %get3A_1800 = tpu.vector_load %arg6[%get3A_1797, %get3A_1798, %get3A_1799] {strides = array<i32>} : memref<8x4x128xf32, #tpu.memory_space<vmem>>, vector<1x1x16xf32>,
      %get3A_1801 = vector.shape_cast %get3A_1800 : vector<1x1x16xf32> to vector<16xf32>
      %mul3A_1802 = arith.mulf %exp3A_1794, %get3A_1801 : vector<16xf32>
      %add3A_1803 = arith.addf %add3A_1787, %mul3A_1802 : vector<16xf32>
      %add3A_1804 = arith.addf %add3A_1788, %exp3A_1794 : vector<16xf32>
      %get3A_1805 = arith.constant 13 : i32
      %get3A_1806 = arith.index_cast %get3A_1805 : i32 to index
      %get3A_1807 = arith.constant 48 : index
      %get3A_1808 = tpu.vector_load %arg5[%get3A_1806, %get3A_1807] {strides = array<i32>} : memref<32x128xf32, #tpu.memory_space<vmem>>, vector<1x16xf32>,
      %get3A_1809 = vector.shape_cast %get3A_1808 : vector<1x16xf32> to vector<16xf32>
      %exp3A_1810 = math.exp %get3A_1809 : vector<16xf32>
      %get3A_1811 = arith.constant 5 : i32
      %get3A_1812 = arith.constant 1 : i32
      %get3A_1813 = arith.index_cast %get3A_1811 : i32 to index
      %get3A_1814 = arith.index_cast %get3A_1812 : i32 to index
      %get3A_1815 = arith.constant 48 : index
      %get3A_1816 = tpu.vector_load %arg6[%get3A_1813, %get3A_1814, %get3A_1815] {strides = array<i32>} : memref<8x4x128xf32, #tpu.memory_space<vmem>>, vector<1x1x16xf32>,
      %get3A_1817 = vector.shape_cast %get3A_1816 : vector<1x1x16xf32> to vector<16xf32>
      %mul3A_1818 = arith.mulf %exp3A_1810, %get3A_1817 : vector<16xf32>
      %add3A_1819 = arith.addf %add3A_1803, %mul3A_1818 : vector<16xf32>
      %add3A_1820 = arith.addf %add3A_1804, %exp3A_1810 : vector<16xf32>
      %get3A_1821 = arith.constant 14 : i32
      %get3A_1822 = arith.index_cast %get3A_1821 : i32 to index
      %get3A_1823 = arith.constant 48 : index
      %get3A_1824 = tpu.vector_load %arg5[%get3A_1822, %get3A_1823] {strides = array<i32>} : memref<32x128xf32, #tpu.memory_space<vmem>>, vector<1x16xf32>,
      %get3A_1825 = vector.shape_cast %get3A_1824 : vector<1x16xf32> to vector<16xf32>
      %exp3A_1826 = math.exp %get3A_1825 : vector<16xf32>
      %get3A_1827 = arith.constant 6 : i32
      %get3A_1828 = arith.constant 1 : i32
      %get3A_1829 = arith.index_cast %get3A_1827 : i32 to index
      %get3A_1830 = arith.index_cast %get3A_1828 : i32 to index
      %get3A_1831 = arith.constant 48 : index
      %get3A_1832 = tpu.vector_load %arg6[%get3A_1829, %get3A_1830, %get3A_1831] {strides = array<i32>} : memref<8x4x128xf32, #tpu.memory_space<vmem>>, vector<1x1x16xf32>,
      %get3A_1833 = vector.shape_cast %get3A_1832 : vector<1x1x16xf32> to vector<16xf32>
      %mul3A_1834 = arith.mulf %exp3A_1826, %get3A_1833 : vector<16xf32>
      %add3A_1835 = arith.addf %add3A_1819, %mul3A_1834 : vector<16xf32>
      %add3A_1836 = arith.addf %add3A_1820, %exp3A_1826 : vector<16xf32>
      %get3A_1837 = arith.constant 15 : i32
      %get3A_1838 = arith.index_cast %get3A_1837 : i32 to index
      %get3A_1839 = arith.constant 48 : index
      %get3A_1840 = tpu.vector_load %arg5[%get3A_1838, %get3A_1839] {strides = array<i32>} : memref<32x128xf32, #tpu.memory_space<vmem>>, vector<1x16xf32>,
      %get3A_1841 = vector.shape_cast %get3A_1840 : vector<1x16xf32> to vector<16xf32>
      %exp3A_1842 = math.exp %get3A_1841 : vector<16xf32>
      %get3A_1843 = arith.constant 7 : i32
      %get3A_1844 = arith.constant 1 : i32
      %get3A_1845 = arith.index_cast %get3A_1843 : i32 to index
      %get3A_1846 = arith.index_cast %get3A_1844 : i32 to index
      %get3A_1847 = arith.constant 48 : index
      %get3A_1848 = tpu.vector_load %arg6[%get3A_1845, %get3A_1846, %get3A_1847] {strides = array<i32>} : memref<8x4x128xf32, #tpu.memory_space<vmem>>, vector<1x1x16xf32>,
      %get3A_1849 = vector.shape_cast %get3A_1848 : vector<1x1x16xf32> to vector<16xf32>
      %mul3A_1850 = arith.mulf %exp3A_1842, %get3A_1849 : vector<16xf32>
      %add3A_1851 = arith.addf %add3A_1835, %mul3A_1850 : vector<16xf32>
      %add3A_1852 = arith.addf %add3A_1836, %exp3A_1842 : vector<16xf32>
      %div3A_1853 = arith.divf %add3A_1851, %add3A_1852 : vector<16xf32>
      %swap3A_1854 = arith.constant 1 : i32
      %swap3A_1855 = arith.index_cast %swap3A_1854 : i32 to index
      %swap3A_1856 = arith.constant 48 : index
      %swap3A_1857 = tpu.vector_load %arg7[%swap3A_1855, %swap3A_1856] {strides = array<i32>} : memref<4x128xf32, #tpu.memory_space<vmem>>, vector<1x16xf32>,
      %swap3A_1858 = vector.shape_cast %swap3A_1857 : vector<1x16xf32> to vector<16xf32>
      %swap3A_1859 = vector.shape_cast %div3A_1853 : vector<16xf32> to vector<1x16xf32>
      tpu.vector_store %arg7[%swap3A_1855, %swap3A_1856], %swap3A_1859 {strides = array<i32>} : memref<4x128xf32, #tpu.memory_space<vmem>>, vector<1x16xf32>,
      %get3A_1860 = arith.constant 16 : i32
      %get3A_1861 = arith.index_cast %get3A_1860 : i32 to index
      %get3A_1862 = arith.constant 48 : index
      %get3A_1863 = tpu.vector_load %arg5[%get3A_1861, %get3A_1862] {strides = array<i32>} : memref<32x128xf32, #tpu.memory_space<vmem>>, vector<1x16xf32>,
      %get3A_1864 = vector.shape_cast %get3A_1863 : vector<1x16xf32> to vector<16xf32>
      %exp3A_1865 = math.exp %get3A_1864 : vector<16xf32>
      %get3A_1866 = arith.constant 0 : i32
      %get3A_1867 = arith.constant 2 : i32
      %get3A_1868 = arith.index_cast %get3A_1866 : i32 to index
      %get3A_1869 = arith.index_cast %get3A_1867 : i32 to index
      %get3A_1870 = arith.constant 48 : index
      %get3A_1871 = tpu.vector_load %arg6[%get3A_1868, %get3A_1869, %get3A_1870] {strides = array<i32>} : memref<8x4x128xf32, #tpu.memory_space<vmem>>, vector<1x1x16xf32>,
      %get3A_1872 = vector.shape_cast %get3A_1871 : vector<1x1x16xf32> to vector<16xf32>
      %mul3A_1873 = arith.mulf %exp3A_1865, %get3A_1872 : vector<16xf32>
      %get3A_1874 = arith.constant 17 : i32
      %get3A_1875 = arith.index_cast %get3A_1874 : i32 to index
      %get3A_1876 = arith.constant 48 : index
      %get3A_1877 = tpu.vector_load %arg5[%get3A_1875, %get3A_1876] {strides = array<i32>} : memref<32x128xf32, #tpu.memory_space<vmem>>, vector<1x16xf32>,
      %get3A_1878 = vector.shape_cast %get3A_1877 : vector<1x16xf32> to vector<16xf32>
      %exp3A_1879 = math.exp %get3A_1878 : vector<16xf32>
      %get3A_1880 = arith.constant 1 : i32
      %get3A_1881 = arith.constant 2 : i32
      %get3A_1882 = arith.index_cast %get3A_1880 : i32 to index
      %get3A_1883 = arith.index_cast %get3A_1881 : i32 to index
      %get3A_1884 = arith.constant 48 : index
      %get3A_1885 = tpu.vector_load %arg6[%get3A_1882, %get3A_1883, %get3A_1884] {strides = array<i32>} : memref<8x4x128xf32, #tpu.memory_space<vmem>>, vector<1x1x16xf32>,
      %get3A_1886 = vector.shape_cast %get3A_1885 : vector<1x1x16xf32> to vector<16xf32>
      %mul3A_1887 = arith.mulf %exp3A_1879, %get3A_1886 : vector<16xf32>
      %add3A_1888 = arith.addf %mul3A_1873, %mul3A_1887 : vector<16xf32>
      %add3A_1889 = arith.addf %exp3A_1865, %exp3A_1879 : vector<16xf32>
      %get3A_1890 = arith.constant 18 : i32
      %get3A_1891 = arith.index_cast %get3A_1890 : i32 to index
      %get3A_1892 = arith.constant 48 : index
      %get3A_1893 = tpu.vector_load %arg5[%get3A_1891, %get3A_1892] {strides = array<i32>} : memref<32x128xf32, #tpu.memory_space<vmem>>, vector<1x16xf32>,
      %get3A_1894 = vector.shape_cast %get3A_1893 : vector<1x16xf32> to vector<16xf32>
      %exp3A_1895 = math.exp %get3A_1894 : vector<16xf32>
      %get3A_1896 = arith.constant 2 : i32
      %get3A_1897 = arith.constant 2 : i32
      %get3A_1898 = arith.index_cast %get3A_1896 : i32 to index
      %get3A_1899 = arith.index_cast %get3A_1897 : i32 to index
      %get3A_1900 = arith.constant 48 : index
      %get3A_1901 = tpu.vector_load %arg6[%get3A_1898, %get3A_1899, %get3A_1900] {strides = array<i32>} : memref<8x4x128xf32, #tpu.memory_space<vmem>>, vector<1x1x16xf32>,
      %get3A_1902 = vector.shape_cast %get3A_1901 : vector<1x1x16xf32> to vector<16xf32>
      %mul3A_1903 = arith.mulf %exp3A_1895, %get3A_1902 : vector<16xf32>
      %add3A_1904 = arith.addf %add3A_1888, %mul3A_1903 : vector<16xf32>
      %add3A_1905 = arith.addf %add3A_1889, %exp3A_1895 : vector<16xf32>
      %get3A_1906 = arith.constant 19 : i32
      %get3A_1907 = arith.index_cast %get3A_1906 : i32 to index
      %get3A_1908 = arith.constant 48 : index
      %get3A_1909 = tpu.vector_load %arg5[%get3A_1907, %get3A_1908] {strides = array<i32>} : memref<32x128xf32, #tpu.memory_space<vmem>>, vector<1x16xf32>,
      %get3A_1910 = vector.shape_cast %get3A_1909 : vector<1x16xf32> to vector<16xf32>
      %exp3A_1911 = math.exp %get3A_1910 : vector<16xf32>
      %get3A_1912 = arith.constant 3 : i32
      %get3A_1913 = arith.constant 2 : i32
      %get3A_1914 = arith.index_cast %get3A_1912 : i32 to index
      %get3A_1915 = arith.index_cast %get3A_1913 : i32 to index
      %get3A_1916 = arith.constant 48 : index
      %get3A_1917 = tpu.vector_load %arg6[%get3A_1914, %get3A_1915, %get3A_1916] {strides = array<i32>} : memref<8x4x128xf32, #tpu.memory_space<vmem>>, vector<1x1x16xf32>,
      %get3A_1918 = vector.shape_cast %get3A_1917 : vector<1x1x16xf32> to vector<16xf32>
      %mul3A_1919 = arith.mulf %exp3A_1911, %get3A_1918 : vector<16xf32>
      %add3A_1920 = arith.addf %add3A_1904, %mul3A_1919 : vector<16xf32>
      %add3A_1921 = arith.addf %add3A_1905, %exp3A_1911 : vector<16xf32>
      %get3A_1922 = arith.constant 20 : i32
      %get3A_1923 = arith.index_cast %get3A_1922 : i32 to index
      %get3A_1924 = arith.constant 48 : index
      %get3A_1925 = tpu.vector_load %arg5[%get3A_1923, %get3A_1924] {strides = array<i32>} : memref<32x128xf32, #tpu.memory_space<vmem>>, vector<1x16xf32>,
      %get3A_1926 = vector.shape_cast %get3A_1925 : vector<1x16xf32> to vector<16xf32>
      %exp3A_1927 = math.exp %get3A_1926 : vector<16xf32>
      %get3A_1928 = arith.constant 4 : i32
      %get3A_1929 = arith.constant 2 : i32
      %get3A_1930 = arith.index_cast %get3A_1928 : i32 to index
      %get3A_1931 = arith.index_cast %get3A_1929 : i32 to index
      %get3A_1932 = arith.constant 48 : index
      %get3A_1933 = tpu.vector_load %arg6[%get3A_1930, %get3A_1931, %get3A_1932] {strides = array<i32>} : memref<8x4x128xf32, #tpu.memory_space<vmem>>, vector<1x1x16xf32>,
      %get3A_1934 = vector.shape_cast %get3A_1933 : vector<1x1x16xf32> to vector<16xf32>
      %mul3A_1935 = arith.mulf %exp3A_1927, %get3A_1934 : vector<16xf32>
      %add3A_1936 = arith.addf %add3A_1920, %mul3A_1935 : vector<16xf32>
      %add3A_1937 = arith.addf %add3A_1921, %exp3A_1927 : vector<16xf32>
      %get3A_1938 = arith.constant 21 : i32
      %get3A_1939 = arith.index_cast %get3A_1938 : i32 to index
      %get3A_1940 = arith.constant 48 : index
      %get3A_1941 = tpu.vector_load %arg5[%get3A_1939, %get3A_1940] {strides = array<i32>} : memref<32x128xf32, #tpu.memory_space<vmem>>, vector<1x16xf32>,
      %get3A_1942 = vector.shape_cast %get3A_1941 : vector<1x16xf32> to vector<16xf32>
      %exp3A_1943 = math.exp %get3A_1942 : vector<16xf32>
      %get3A_1944 = arith.constant 5 : i32
      %get3A_1945 = arith.constant 2 : i32
      %get3A_1946 = arith.index_cast %get3A_1944 : i32 to index
      %get3A_1947 = arith.index_cast %get3A_1945 : i32 to index
      %get3A_1948 = arith.constant 48 : index
      %get3A_1949 = tpu.vector_load %arg6[%get3A_1946, %get3A_1947, %get3A_1948] {strides = array<i32>} : memref<8x4x128xf32, #tpu.memory_space<vmem>>, vector<1x1x16xf32>,
      %get3A_1950 = vector.shape_cast %get3A_1949 : vector<1x1x16xf32> to vector<16xf32>
      %mul3A_1951 = arith.mulf %exp3A_1943, %get3A_1950 : vector<16xf32>
      %add3A_1952 = arith.addf %add3A_1936, %mul3A_1951 : vector<16xf32>
      %add3A_1953 = arith.addf %add3A_1937, %exp3A_1943 : vector<16xf32>
      %get3A_1954 = arith.constant 22 : i32
      %get3A_1955 = arith.index_cast %get3A_1954 : i32 to index
      %get3A_1956 = arith.constant 48 : index
      %get3A_1957 = tpu.vector_load %arg5[%get3A_1955, %get3A_1956] {strides = array<i32>} : memref<32x128xf32, #tpu.memory_space<vmem>>, vector<1x16xf32>,
      %get3A_1958 = vector.shape_cast %get3A_1957 : vector<1x16xf32> to vector<16xf32>
      %exp3A_1959 = math.exp %get3A_1958 : vector<16xf32>
      %get3A_1960 = arith.constant 6 : i32
      %get3A_1961 = arith.constant 2 : i32
      %get3A_1962 = arith.index_cast %get3A_1960 : i32 to index
      %get3A_1963 = arith.index_cast %get3A_1961 : i32 to index
      %get3A_1964 = arith.constant 48 : index
      %get3A_1965 = tpu.vector_load %arg6[%get3A_1962, %get3A_1963, %get3A_1964] {strides = array<i32>} : memref<8x4x128xf32, #tpu.memory_space<vmem>>, vector<1x1x16xf32>,
      %get3A_1966 = vector.shape_cast %get3A_1965 : vector<1x1x16xf32> to vector<16xf32>
      %mul3A_1967 = arith.mulf %exp3A_1959, %get3A_1966 : vector<16xf32>
      %add3A_1968 = arith.addf %add3A_1952, %mul3A_1967 : vector<16xf32>
      %add3A_1969 = arith.addf %add3A_1953, %exp3A_1959 : vector<16xf32>
      %get3A_1970 = arith.constant 23 : i32
      %get3A_1971 = arith.index_cast %get3A_1970 : i32 to index
      %get3A_1972 = arith.constant 48 : index
      %get3A_1973 = tpu.vector_load %arg5[%get3A_1971, %get3A_1972] {strides = array<i32>} : memref<32x128xf32, #tpu.memory_space<vmem>>, vector<1x16xf32>,
      %get3A_1974 = vector.shape_cast %get3A_1973 : vector<1x16xf32> to vector<16xf32>
      %exp3A_1975 = math.exp %get3A_1974 : vector<16xf32>
      %get3A_1976 = arith.constant 7 : i32
      %get3A_1977 = arith.constant 2 : i32
      %get3A_1978 = arith.index_cast %get3A_1976 : i32 to index
      %get3A_1979 = arith.index_cast %get3A_1977 : i32 to index
      %get3A_1980 = arith.constant 48 : index
      %get3A_1981 = tpu.vector_load %arg6[%get3A_1978, %get3A_1979, %get3A_1980] {strides = array<i32>} : memref<8x4x128xf32, #tpu.memory_space<vmem>>, vector<1x1x16xf32>,
      %get3A_1982 = vector.shape_cast %get3A_1981 : vector<1x1x16xf32> to vector<16xf32>
      %mul3A_1983 = arith.mulf %exp3A_1975, %get3A_1982 : vector<16xf32>
      %add3A_1984 = arith.addf %add3A_1968, %mul3A_1983 : vector<16xf32>
      %add3A_1985 = arith.addf %add3A_1969, %exp3A_1975 : vector<16xf32>
      %div3A_1986 = arith.divf %add3A_1984, %add3A_1985 : vector<16xf32>
      %swap3A_1987 = arith.constant 2 : i32
      %swap3A_1988 = arith.index_cast %swap3A_1987 : i32 to index
      %swap3A_1989 = arith.constant 48 : index
      %swap3A_1990 = tpu.vector_load %arg7[%swap3A_1988, %swap3A_1989] {strides = array<i32>} : memref<4x128xf32, #tpu.memory_space<vmem>>, vector<1x16xf32>,
      %swap3A_1991 = vector.shape_cast %swap3A_1990 : vector<1x16xf32> to vector<16xf32>
      %swap3A_1992 = vector.shape_cast %div3A_1986 : vector<16xf32> to vector<1x16xf32>
      tpu.vector_store %arg7[%swap3A_1988, %swap3A_1989], %swap3A_1992 {strides = array<i32>} : memref<4x128xf32, #tpu.memory_space<vmem>>, vector<1x16xf32>,
      %get3A_1993 = arith.constant 24 : i32
      %get3A_1994 = arith.index_cast %get3A_1993 : i32 to index
      %get3A_1995 = arith.constant 48 : index
      %get3A_1996 = tpu.vector_load %arg5[%get3A_1994, %get3A_1995] {strides = array<i32>} : memref<32x128xf32, #tpu.memory_space<vmem>>, vector<1x16xf32>,
      %get3A_1997 = vector.shape_cast %get3A_1996 : vector<1x16xf32> to vector<16xf32>
      %exp3A_1998 = math.exp %get3A_1997 : vector<16xf32>
      %get3A_1999 = arith.constant 0 : i32
      %get3A_2000 = arith.constant 3 : i32
      %get3A_2001 = arith.index_cast %get3A_1999 : i32 to index
      %get3A_2002 = arith.index_cast %get3A_2000 : i32 to index
      %get3A_2003 = arith.constant 48 : index
      %get3A_2004 = tpu.vector_load %arg6[%get3A_2001, %get3A_2002, %get3A_2003] {strides = array<i32>} : memref<8x4x128xf32, #tpu.memory_space<vmem>>, vector<1x1x16xf32>,
      %get3A_2005 = vector.shape_cast %get3A_2004 : vector<1x1x16xf32> to vector<16xf32>
      %mul3A_2006 = arith.mulf %exp3A_1998, %get3A_2005 : vector<16xf32>
      %get3A_2007 = arith.constant 25 : i32
      %get3A_2008 = arith.index_cast %get3A_2007 : i32 to index
      %get3A_2009 = arith.constant 48 : index
      %get3A_2010 = tpu.vector_load %arg5[%get3A_2008, %get3A_2009] {strides = array<i32>} : memref<32x128xf32, #tpu.memory_space<vmem>>, vector<1x16xf32>,
      %get3A_2011 = vector.shape_cast %get3A_2010 : vector<1x16xf32> to vector<16xf32>
      %exp3A_2012 = math.exp %get3A_2011 : vector<16xf32>
      %get3A_2013 = arith.constant 1 : i32
      %get3A_2014 = arith.constant 3 : i32
      %get3A_2015 = arith.index_cast %get3A_2013 : i32 to index
      %get3A_2016 = arith.index_cast %get3A_2014 : i32 to index
      %get3A_2017 = arith.constant 48 : index
      %get3A_2018 = tpu.vector_load %arg6[%get3A_2015, %get3A_2016, %get3A_2017] {strides = array<i32>} : memref<8x4x128xf32, #tpu.memory_space<vmem>>, vector<1x1x16xf32>,
      %get3A_2019 = vector.shape_cast %get3A_2018 : vector<1x1x16xf32> to vector<16xf32>
      %mul3A_2020 = arith.mulf %exp3A_2012, %get3A_2019 : vector<16xf32>
      %add3A_2021 = arith.addf %mul3A_2006, %mul3A_2020 : vector<16xf32>
      %add3A_2022 = arith.addf %exp3A_1998, %exp3A_2012 : vector<16xf32>
      %get3A_2023 = arith.constant 26 : i32
      %get3A_2024 = arith.index_cast %get3A_2023 : i32 to index
      %get3A_2025 = arith.constant 48 : index
      %get3A_2026 = tpu.vector_load %arg5[%get3A_2024, %get3A_2025] {strides = array<i32>} : memref<32x128xf32, #tpu.memory_space<vmem>>, vector<1x16xf32>,
      %get3A_2027 = vector.shape_cast %get3A_2026 : vector<1x16xf32> to vector<16xf32>
      %exp3A_2028 = math.exp %get3A_2027 : vector<16xf32>
      %get3A_2029 = arith.constant 2 : i32
      %get3A_2030 = arith.constant 3 : i32
      %get3A_2031 = arith.index_cast %get3A_2029 : i32 to index
      %get3A_2032 = arith.index_cast %get3A_2030 : i32 to index
      %get3A_2033 = arith.constant 48 : index
      %get3A_2034 = tpu.vector_load %arg6[%get3A_2031, %get3A_2032, %get3A_2033] {strides = array<i32>} : memref<8x4x128xf32, #tpu.memory_space<vmem>>, vector<1x1x16xf32>,
      %get3A_2035 = vector.shape_cast %get3A_2034 : vector<1x1x16xf32> to vector<16xf32>
      %mul3A_2036 = arith.mulf %exp3A_2028, %get3A_2035 : vector<16xf32>
      %add3A_2037 = arith.addf %add3A_2021, %mul3A_2036 : vector<16xf32>
      %add3A_2038 = arith.addf %add3A_2022, %exp3A_2028 : vector<16xf32>
      %get3A_2039 = arith.constant 27 : i32
      %get3A_2040 = arith.index_cast %get3A_2039 : i32 to index
      %get3A_2041 = arith.constant 48 : index
      %get3A_2042 = tpu.vector_load %arg5[%get3A_2040, %get3A_2041] {strides = array<i32>} : memref<32x128xf32, #tpu.memory_space<vmem>>, vector<1x16xf32>,
      %get3A_2043 = vector.shape_cast %get3A_2042 : vector<1x16xf32> to vector<16xf32>
      %exp3A_2044 = math.exp %get3A_2043 : vector<16xf32>
      %get3A_2045 = arith.constant 3 : i32
      %get3A_2046 = arith.constant 3 : i32
      %get3A_2047 = arith.index_cast %get3A_2045 : i32 to index
      %get3A_2048 = arith.index_cast %get3A_2046 : i32 to index
      %get3A_2049 = arith.constant 48 : index
      %get3A_2050 = tpu.vector_load %arg6[%get3A_2047, %get3A_2048, %get3A_2049] {strides = array<i32>} : memref<8x4x128xf32, #tpu.memory_space<vmem>>, vector<1x1x16xf32>,
      %get3A_2051 = vector.shape_cast %get3A_2050 : vector<1x1x16xf32> to vector<16xf32>
      %mul3A_2052 = arith.mulf %exp3A_2044, %get3A_2051 : vector<16xf32>
      %add3A_2053 = arith.addf %add3A_2037, %mul3A_2052 : vector<16xf32>
      %add3A_2054 = arith.addf %add3A_2038, %exp3A_2044 : vector<16xf32>
      %get3A_2055 = arith.constant 28 : i32
      %get3A_2056 = arith.index_cast %get3A_2055 : i32 to index
      %get3A_2057 = arith.constant 48 : index
      %get3A_2058 = tpu.vector_load %arg5[%get3A_2056, %get3A_2057] {strides = array<i32>} : memref<32x128xf32, #tpu.memory_space<vmem>>, vector<1x16xf32>,
      %get3A_2059 = vector.shape_cast %get3A_2058 : vector<1x16xf32> to vector<16xf32>
      %exp3A_2060 = math.exp %get3A_2059 : vector<16xf32>
      %get3A_2061 = arith.constant 4 : i32
      %get3A_2062 = arith.constant 3 : i32
      %get3A_2063 = arith.index_cast %get3A_2061 : i32 to index
      %get3A_2064 = arith.index_cast %get3A_2062 : i32 to index
      %get3A_2065 = arith.constant 48 : index
      %get3A_2066 = tpu.vector_load %arg6[%get3A_2063, %get3A_2064, %get3A_2065] {strides = array<i32>} : memref<8x4x128xf32, #tpu.memory_space<vmem>>, vector<1x1x16xf32>,
      %get3A_2067 = vector.shape_cast %get3A_2066 : vector<1x1x16xf32> to vector<16xf32>
      %mul3A_2068 = arith.mulf %exp3A_2060, %get3A_2067 : vector<16xf32>
      %add3A_2069 = arith.addf %add3A_2053, %mul3A_2068 : vector<16xf32>
      %add3A_2070 = arith.addf %add3A_2054, %exp3A_2060 : vector<16xf32>
      %get3A_2071 = arith.constant 29 : i32
      %get3A_2072 = arith.index_cast %get3A_2071 : i32 to index
      %get3A_2073 = arith.constant 48 : index
      %get3A_2074 = tpu.vector_load %arg5[%get3A_2072, %get3A_2073] {strides = array<i32>} : memref<32x128xf32, #tpu.memory_space<vmem>>, vector<1x16xf32>,
      %get3A_2075 = vector.shape_cast %get3A_2074 : vector<1x16xf32> to vector<16xf32>
      %exp3A_2076 = math.exp %get3A_2075 : vector<16xf32>
      %get3A_2077 = arith.constant 5 : i32
      %get3A_2078 = arith.constant 3 : i32
      %get3A_2079 = arith.index_cast %get3A_2077 : i32 to index
      %get3A_2080 = arith.index_cast %get3A_2078 : i32 to index
      %get3A_2081 = arith.constant 48 : index
      %get3A_2082 = tpu.vector_load %arg6[%get3A_2079, %get3A_2080, %get3A_2081] {strides = array<i32>} : memref<8x4x128xf32, #tpu.memory_space<vmem>>, vector<1x1x16xf32>,
      %get3A_2083 = vector.shape_cast %get3A_2082 : vector<1x1x16xf32> to vector<16xf32>
      %mul3A_2084 = arith.mulf %exp3A_2076, %get3A_2083 : vector<16xf32>
      %add3A_2085 = arith.addf %add3A_2069, %mul3A_2084 : vector<16xf32>
      %add3A_2086 = arith.addf %add3A_2070, %exp3A_2076 : vector<16xf32>
      %get3A_2087 = arith.constant 30 : i32
      %get3A_2088 = arith.index_cast %get3A_2087 : i32 to index
      %get3A_2089 = arith.constant 48 : index
      %get3A_2090 = tpu.vector_load %arg5[%get3A_2088, %get3A_2089] {strides = array<i32>} : memref<32x128xf32, #tpu.memory_space<vmem>>, vector<1x16xf32>,
      %get3A_2091 = vector.shape_cast %get3A_2090 : vector<1x16xf32> to vector<16xf32>
      %exp3A_2092 = math.exp %get3A_2091 : vector<16xf32>
      %get3A_2093 = arith.constant 6 : i32
      %get3A_2094 = arith.constant 3 : i32
      %get3A_2095 = arith.index_cast %get3A_2093 : i32 to index
      %get3A_2096 = arith.index_cast %get3A_2094 : i32 to index
      %get3A_2097 = arith.constant 48 : index
      %get3A_2098 = tpu.vector_load %arg6[%get3A_2095, %get3A_2096, %get3A_2097] {strides = array<i32>} : memref<8x4x128xf32, #tpu.memory_space<vmem>>, vector<1x1x16xf32>,
      %get3A_2099 = vector.shape_cast %get3A_2098 : vector<1x1x16xf32> to vector<16xf32>
      %mul3A_2100 = arith.mulf %exp3A_2092, %get3A_2099 : vector<16xf32>
      %add3A_2101 = arith.addf %add3A_2085, %mul3A_2100 : vector<16xf32>
      %add3A_2102 = arith.addf %add3A_2086, %exp3A_2092 : vector<16xf32>
      %get3A_2103 = arith.constant 31 : i32
      %get3A_2104 = arith.index_cast %get3A_2103 : i32 to index
      %get3A_2105 = arith.constant 48 : index
      %get3A_2106 = tpu.vector_load %arg5[%get3A_2104, %get3A_2105] {strides = array<i32>} : memref<32x128xf32, #tpu.memory_space<vmem>>, vector<1x16xf32>,
      %get3A_2107 = vector.shape_cast %get3A_2106 : vector<1x16xf32> to vector<16xf32>
      %exp3A_2108 = math.exp %get3A_2107 : vector<16xf32>
      %get3A_2109 = arith.constant 7 : i32
      %get3A_2110 = arith.constant 3 : i32
      %get3A_2111 = arith.index_cast %get3A_2109 : i32 to index
      %get3A_2112 = arith.index_cast %get3A_2110 : i32 to index
      %get3A_2113 = arith.constant 48 : index
      %get3A_2114 = tpu.vector_load %arg6[%get3A_2111, %get3A_2112, %get3A_2113] {strides = array<i32>} : memref<8x4x128xf32, #tpu.memory_space<vmem>>, vector<1x1x16xf32>,
      %get3A_2115 = vector.shape_cast %get3A_2114 : vector<1x1x16xf32> to vector<16xf32>
      %mul3A_2116 = arith.mulf %exp3A_2108, %get3A_2115 : vector<16xf32>
      %add3A_2117 = arith.addf %add3A_2101, %mul3A_2116 : vector<16xf32>
      %add3A_2118 = arith.addf %add3A_2102, %exp3A_2108 : vector<16xf32>
      %div3A_2119 = arith.divf %add3A_2117, %add3A_2118 : vector<16xf32>
      %swap3A_2120 = arith.constant 3 : i32
      %swap3A_2121 = arith.index_cast %swap3A_2120 : i32 to index
      %swap3A_2122 = arith.constant 48 : index
      %swap3A_2123 = tpu.vector_load %arg7[%swap3A_2121, %swap3A_2122] {strides = array<i32>} : memref<4x128xf32, #tpu.memory_space<vmem>>, vector<1x16xf32>,
      %swap3A_2124 = vector.shape_cast %swap3A_2123 : vector<1x16xf32> to vector<16xf32>
      %swap3A_2125 = vector.shape_cast %div3A_2119 : vector<16xf32> to vector<1x16xf32>
      tpu.vector_store %arg7[%swap3A_2121, %swap3A_2122], %swap3A_2125 {strides = array<i32>} : memref<4x128xf32, #tpu.memory_space<vmem>>, vector<1x16xf32>,
      %get3A_2126 = arith.constant 0 : i32
      %get3A_2127 = arith.index_cast %get3A_2126 : i32 to index
      %get3A_2128 = arith.constant 64 : index
      %get3A_2129 = tpu.vector_load %arg5[%get3A_2127, %get3A_2128] {strides = array<i32>} : memref<32x128xf32, #tpu.memory_space<vmem>>, vector<1x16xf32>,
      %get3A_2130 = vector.shape_cast %get3A_2129 : vector<1x16xf32> to vector<16xf32>
      %exp3A_2131 = math.exp %get3A_2130 : vector<16xf32>
      %get3A_2132 = arith.constant 0 : i32
      %get3A_2133 = arith.constant 0 : i32
      %get3A_2134 = arith.index_cast %get3A_2132 : i32 to index
      %get3A_2135 = arith.index_cast %get3A_2133 : i32 to index
      %get3A_2136 = arith.constant 64 : index
      %get3A_2137 = tpu.vector_load %arg6[%get3A_2134, %get3A_2135, %get3A_2136] {strides = array<i32>} : memref<8x4x128xf32, #tpu.memory_space<vmem>>, vector<1x1x16xf32>,
      %get3A_2138 = vector.shape_cast %get3A_2137 : vector<1x1x16xf32> to vector<16xf32>
      %mul3A_2139 = arith.mulf %exp3A_2131, %get3A_2138 : vector<16xf32>
      %get3A_2140 = arith.constant 1 : i32
      %get3A_2141 = arith.index_cast %get3A_2140 : i32 to index
      %get3A_2142 = arith.constant 64 : index
      %get3A_2143 = tpu.vector_load %arg5[%get3A_2141, %get3A_2142] {strides = array<i32>} : memref<32x128xf32, #tpu.memory_space<vmem>>, vector<1x16xf32>,
      %get3A_2144 = vector.shape_cast %get3A_2143 : vector<1x16xf32> to vector<16xf32>
      %exp3A_2145 = math.exp %get3A_2144 : vector<16xf32>
      %get3A_2146 = arith.constant 1 : i32
      %get3A_2147 = arith.constant 0 : i32
      %get3A_2148 = arith.index_cast %get3A_2146 : i32 to index
      %get3A_2149 = arith.index_cast %get3A_2147 : i32 to index
      %get3A_2150 = arith.constant 64 : index
      %get3A_2151 = tpu.vector_load %arg6[%get3A_2148, %get3A_2149, %get3A_2150] {strides = array<i32>} : memref<8x4x128xf32, #tpu.memory_space<vmem>>, vector<1x1x16xf32>,
      %get3A_2152 = vector.shape_cast %get3A_2151 : vector<1x1x16xf32> to vector<16xf32>
      %mul3A_2153 = arith.mulf %exp3A_2145, %get3A_2152 : vector<16xf32>
      %add3A_2154 = arith.addf %mul3A_2139, %mul3A_2153 : vector<16xf32>
      %add3A_2155 = arith.addf %exp3A_2131, %exp3A_2145 : vector<16xf32>
      %get3A_2156 = arith.constant 2 : i32
      %get3A_2157 = arith.index_cast %get3A_2156 : i32 to index
      %get3A_2158 = arith.constant 64 : index
      %get3A_2159 = tpu.vector_load %arg5[%get3A_2157, %get3A_2158] {strides = array<i32>} : memref<32x128xf32, #tpu.memory_space<vmem>>, vector<1x16xf32>,
      %get3A_2160 = vector.shape_cast %get3A_2159 : vector<1x16xf32> to vector<16xf32>
      %exp3A_2161 = math.exp %get3A_2160 : vector<16xf32>
      %get3A_2162 = arith.constant 2 : i32
      %get3A_2163 = arith.constant 0 : i32
      %get3A_2164 = arith.index_cast %get3A_2162 : i32 to index
      %get3A_2165 = arith.index_cast %get3A_2163 : i32 to index
      %get3A_2166 = arith.constant 64 : index
      %get3A_2167 = tpu.vector_load %arg6[%get3A_2164, %get3A_2165, %get3A_2166] {strides = array<i32>} : memref<8x4x128xf32, #tpu.memory_space<vmem>>, vector<1x1x16xf32>,
      %get3A_2168 = vector.shape_cast %get3A_2167 : vector<1x1x16xf32> to vector<16xf32>
      %mul3A_2169 = arith.mulf %exp3A_2161, %get3A_2168 : vector<16xf32>
      %add3A_2170 = arith.addf %add3A_2154, %mul3A_2169 : vector<16xf32>
      %add3A_2171 = arith.addf %add3A_2155, %exp3A_2161 : vector<16xf32>
      %get3A_2172 = arith.constant 3 : i32
      %get3A_2173 = arith.index_cast %get3A_2172 : i32 to index
      %get3A_2174 = arith.constant 64 : index
      %get3A_2175 = tpu.vector_load %arg5[%get3A_2173, %get3A_2174] {strides = array<i32>} : memref<32x128xf32, #tpu.memory_space<vmem>>, vector<1x16xf32>,
      %get3A_2176 = vector.shape_cast %get3A_2175 : vector<1x16xf32> to vector<16xf32>
      %exp3A_2177 = math.exp %get3A_2176 : vector<16xf32>
      %get3A_2178 = arith.constant 3 : i32
      %get3A_2179 = arith.constant 0 : i32
      %get3A_2180 = arith.index_cast %get3A_2178 : i32 to index
      %get3A_2181 = arith.index_cast %get3A_2179 : i32 to index
      %get3A_2182 = arith.constant 64 : index
      %get3A_2183 = tpu.vector_load %arg6[%get3A_2180, %get3A_2181, %get3A_2182] {strides = array<i32>} : memref<8x4x128xf32, #tpu.memory_space<vmem>>, vector<1x1x16xf32>,
      %get3A_2184 = vector.shape_cast %get3A_2183 : vector<1x1x16xf32> to vector<16xf32>
      %mul3A_2185 = arith.mulf %exp3A_2177, %get3A_2184 : vector<16xf32>
      %add3A_2186 = arith.addf %add3A_2170, %mul3A_2185 : vector<16xf32>
      %add3A_2187 = arith.addf %add3A_2171, %exp3A_2177 : vector<16xf32>
      %get3A_2188 = arith.constant 4 : i32
      %get3A_2189 = arith.index_cast %get3A_2188 : i32 to index
      %get3A_2190 = arith.constant 64 : index
      %get3A_2191 = tpu.vector_load %arg5[%get3A_2189, %get3A_2190] {strides = array<i32>} : memref<32x128xf32, #tpu.memory_space<vmem>>, vector<1x16xf32>,
      %get3A_2192 = vector.shape_cast %get3A_2191 : vector<1x16xf32> to vector<16xf32>
      %exp3A_2193 = math.exp %get3A_2192 : vector<16xf32>
      %get3A_2194 = arith.constant 4 : i32
      %get3A_2195 = arith.constant 0 : i32
      %get3A_2196 = arith.index_cast %get3A_2194 : i32 to index
      %get3A_2197 = arith.index_cast %get3A_2195 : i32 to index
      %get3A_2198 = arith.constant 64 : index
      %get3A_2199 = tpu.vector_load %arg6[%get3A_2196, %get3A_2197, %get3A_2198] {strides = array<i32>} : memref<8x4x128xf32, #tpu.memory_space<vmem>>, vector<1x1x16xf32>,
      %get3A_2200 = vector.shape_cast %get3A_2199 : vector<1x1x16xf32> to vector<16xf32>
      %mul3A_2201 = arith.mulf %exp3A_2193, %get3A_2200 : vector<16xf32>
      %add3A_2202 = arith.addf %add3A_2186, %mul3A_2201 : vector<16xf32>
      %add3A_2203 = arith.addf %add3A_2187, %exp3A_2193 : vector<16xf32>
      %get3A_2204 = arith.constant 5 : i32
      %get3A_2205 = arith.index_cast %get3A_2204 : i32 to index
      %get3A_2206 = arith.constant 64 : index
      %get3A_2207 = tpu.vector_load %arg5[%get3A_2205, %get3A_2206] {strides = array<i32>} : memref<32x128xf32, #tpu.memory_space<vmem>>, vector<1x16xf32>,
      %get3A_2208 = vector.shape_cast %get3A_2207 : vector<1x16xf32> to vector<16xf32>
      %exp3A_2209 = math.exp %get3A_2208 : vector<16xf32>
      %get3A_2210 = arith.constant 5 : i32
      %get3A_2211 = arith.constant 0 : i32
      %get3A_2212 = arith.index_cast %get3A_2210 : i32 to index
      %get3A_2213 = arith.index_cast %get3A_2211 : i32 to index
      %get3A_2214 = arith.constant 64 : index
      %get3A_2215 = tpu.vector_load %arg6[%get3A_2212, %get3A_2213, %get3A_2214] {strides = array<i32>} : memref<8x4x128xf32, #tpu.memory_space<vmem>>, vector<1x1x16xf32>,
      %get3A_2216 = vector.shape_cast %get3A_2215 : vector<1x1x16xf32> to vector<16xf32>
      %mul3A_2217 = arith.mulf %exp3A_2209, %get3A_2216 : vector<16xf32>
      %add3A_2218 = arith.addf %add3A_2202, %mul3A_2217 : vector<16xf32>
      %add3A_2219 = arith.addf %add3A_2203, %exp3A_2209 : vector<16xf32>
      %get3A_2220 = arith.constant 6 : i32
      %get3A_2221 = arith.index_cast %get3A_2220 : i32 to index
      %get3A_2222 = arith.constant 64 : index
      %get3A_2223 = tpu.vector_load %arg5[%get3A_2221, %get3A_2222] {strides = array<i32>} : memref<32x128xf32, #tpu.memory_space<vmem>>, vector<1x16xf32>,
      %get3A_2224 = vector.shape_cast %get3A_2223 : vector<1x16xf32> to vector<16xf32>
      %exp3A_2225 = math.exp %get3A_2224 : vector<16xf32>
      %get3A_2226 = arith.constant 6 : i32
      %get3A_2227 = arith.constant 0 : i32
      %get3A_2228 = arith.index_cast %get3A_2226 : i32 to index
      %get3A_2229 = arith.index_cast %get3A_2227 : i32 to index
      %get3A_2230 = arith.constant 64 : index
      %get3A_2231 = tpu.vector_load %arg6[%get3A_2228, %get3A_2229, %get3A_2230] {strides = array<i32>} : memref<8x4x128xf32, #tpu.memory_space<vmem>>, vector<1x1x16xf32>,
      %get3A_2232 = vector.shape_cast %get3A_2231 : vector<1x1x16xf32> to vector<16xf32>
      %mul3A_2233 = arith.mulf %exp3A_2225, %get3A_2232 : vector<16xf32>
      %add3A_2234 = arith.addf %add3A_2218, %mul3A_2233 : vector<16xf32>
      %add3A_2235 = arith.addf %add3A_2219, %exp3A_2225 : vector<16xf32>
      %get3A_2236 = arith.constant 7 : i32
      %get3A_2237 = arith.index_cast %get3A_2236 : i32 to index
      %get3A_2238 = arith.constant 64 : index
      %get3A_2239 = tpu.vector_load %arg5[%get3A_2237, %get3A_2238] {strides = array<i32>} : memref<32x128xf32, #tpu.memory_space<vmem>>, vector<1x16xf32>,
      %get3A_2240 = vector.shape_cast %get3A_2239 : vector<1x16xf32> to vector<16xf32>
      %exp3A_2241 = math.exp %get3A_2240 : vector<16xf32>
      %get3A_2242 = arith.constant 7 : i32
      %get3A_2243 = arith.constant 0 : i32
      %get3A_2244 = arith.index_cast %get3A_2242 : i32 to index
      %get3A_2245 = arith.index_cast %get3A_2243 : i32 to index
      %get3A_2246 = arith.constant 64 : index
      %get3A_2247 = tpu.vector_load %arg6[%get3A_2244, %get3A_2245, %get3A_2246] {strides = array<i32>} : memref<8x4x128xf32, #tpu.memory_space<vmem>>, vector<1x1x16xf32>,
      %get3A_2248 = vector.shape_cast %get3A_2247 : vector<1x1x16xf32> to vector<16xf32>
      %mul3A_2249 = arith.mulf %exp3A_2241, %get3A_2248 : vector<16xf32>
      %add3A_2250 = arith.addf %add3A_2234, %mul3A_2249 : vector<16xf32>
      %add3A_2251 = arith.addf %add3A_2235, %exp3A_2241 : vector<16xf32>
      %div3A_2252 = arith.divf %add3A_2250, %add3A_2251 : vector<16xf32>
      %swap3A_2253 = arith.constant 0 : i32
      %swap3A_2254 = arith.index_cast %swap3A_2253 : i32 to index
      %swap3A_2255 = arith.constant 64 : index
      %swap3A_2256 = tpu.vector_load %arg7[%swap3A_2254, %swap3A_2255] {strides = array<i32>} : memref<4x128xf32, #tpu.memory_space<vmem>>, vector<1x16xf32>,
      %swap3A_2257 = vector.shape_cast %swap3A_2256 : vector<1x16xf32> to vector<16xf32>
      %swap3A_2258 = vector.shape_cast %div3A_2252 : vector<16xf32> to vector<1x16xf32>
      tpu.vector_store %arg7[%swap3A_2254, %swap3A_2255], %swap3A_2258 {strides = array<i32>} : memref<4x128xf32, #tpu.memory_space<vmem>>, vector<1x16xf32>,
      %get3A_2259 = arith.constant 8 : i32
      %get3A_2260 = arith.index_cast %get3A_2259 : i32 to index
      %get3A_2261 = arith.constant 64 : index
      %get3A_2262 = tpu.vector_load %arg5[%get3A_2260, %get3A_2261] {strides = array<i32>} : memref<32x128xf32, #tpu.memory_space<vmem>>, vector<1x16xf32>,
      %get3A_2263 = vector.shape_cast %get3A_2262 : vector<1x16xf32> to vector<16xf32>
      %exp3A_2264 = math.exp %get3A_2263 : vector<16xf32>
      %get3A_2265 = arith.constant 0 : i32
      %get3A_2266 = arith.constant 1 : i32
      %get3A_2267 = arith.index_cast %get3A_2265 : i32 to index
      %get3A_2268 = arith.index_cast %get3A_2266 : i32 to index
      %get3A_2269 = arith.constant 64 : index
      %get3A_2270 = tpu.vector_load %arg6[%get3A_2267, %get3A_2268, %get3A_2269] {strides = array<i32>} : memref<8x4x128xf32, #tpu.memory_space<vmem>>, vector<1x1x16xf32>,
      %get3A_2271 = vector.shape_cast %get3A_2270 : vector<1x1x16xf32> to vector<16xf32>
      %mul3A_2272 = arith.mulf %exp3A_2264, %get3A_2271 : vector<16xf32>
      %get3A_2273 = arith.constant 9 : i32
      %get3A_2274 = arith.index_cast %get3A_2273 : i32 to index
      %get3A_2275 = arith.constant 64 : index
      %get3A_2276 = tpu.vector_load %arg5[%get3A_2274, %get3A_2275] {strides = array<i32>} : memref<32x128xf32, #tpu.memory_space<vmem>>, vector<1x16xf32>,
      %get3A_2277 = vector.shape_cast %get3A_2276 : vector<1x16xf32> to vector<16xf32>
      %exp3A_2278 = math.exp %get3A_2277 : vector<16xf32>
      %get3A_2279 = arith.constant 1 : i32
      %get3A_2280 = arith.constant 1 : i32
      %get3A_2281 = arith.index_cast %get3A_2279 : i32 to index
      %get3A_2282 = arith.index_cast %get3A_2280 : i32 to index
      %get3A_2283 = arith.constant 64 : index
      %get3A_2284 = tpu.vector_load %arg6[%get3A_2281, %get3A_2282, %get3A_2283] {strides = array<i32>} : memref<8x4x128xf32, #tpu.memory_space<vmem>>, vector<1x1x16xf32>,
      %get3A_2285 = vector.shape_cast %get3A_2284 : vector<1x1x16xf32> to vector<16xf32>
      %mul3A_2286 = arith.mulf %exp3A_2278, %get3A_2285 : vector<16xf32>
      %add3A_2287 = arith.addf %mul3A_2272, %mul3A_2286 : vector<16xf32>
      %add3A_2288 = arith.addf %exp3A_2264, %exp3A_2278 : vector<16xf32>
      %get3A_2289 = arith.constant 10 : i32
      %get3A_2290 = arith.index_cast %get3A_2289 : i32 to index
      %get3A_2291 = arith.constant 64 : index
      %get3A_2292 = tpu.vector_load %arg5[%get3A_2290, %get3A_2291] {strides = array<i32>} : memref<32x128xf32, #tpu.memory_space<vmem>>, vector<1x16xf32>,
      %get3A_2293 = vector.shape_cast %get3A_2292 : vector<1x16xf32> to vector<16xf32>
      %exp3A_2294 = math.exp %get3A_2293 : vector<16xf32>
      %get3A_2295 = arith.constant 2 : i32
      %get3A_2296 = arith.constant 1 : i32
      %get3A_2297 = arith.index_cast %get3A_2295 : i32 to index
      %get3A_2298 = arith.index_cast %get3A_2296 : i32 to index
      %get3A_2299 = arith.constant 64 : index
      %get3A_2300 = tpu.vector_load %arg6[%get3A_2297, %get3A_2298, %get3A_2299] {strides = array<i32>} : memref<8x4x128xf32, #tpu.memory_space<vmem>>, vector<1x1x16xf32>,
      %get3A_2301 = vector.shape_cast %get3A_2300 : vector<1x1x16xf32> to vector<16xf32>
      %mul3A_2302 = arith.mulf %exp3A_2294, %get3A_2301 : vector<16xf32>
      %add3A_2303 = arith.addf %add3A_2287, %mul3A_2302 : vector<16xf32>
      %add3A_2304 = arith.addf %add3A_2288, %exp3A_2294 : vector<16xf32>
      %get3A_2305 = arith.constant 11 : i32
      %get3A_2306 = arith.index_cast %get3A_2305 : i32 to index
      %get3A_2307 = arith.constant 64 : index
      %get3A_2308 = tpu.vector_load %arg5[%get3A_2306, %get3A_2307] {strides = array<i32>} : memref<32x128xf32, #tpu.memory_space<vmem>>, vector<1x16xf32>,
      %get3A_2309 = vector.shape_cast %get3A_2308 : vector<1x16xf32> to vector<16xf32>
      %exp3A_2310 = math.exp %get3A_2309 : vector<16xf32>
      %get3A_2311 = arith.constant 3 : i32
      %get3A_2312 = arith.constant 1 : i32
      %get3A_2313 = arith.index_cast %get3A_2311 : i32 to index
      %get3A_2314 = arith.index_cast %get3A_2312 : i32 to index
      %get3A_2315 = arith.constant 64 : index
      %get3A_2316 = tpu.vector_load %arg6[%get3A_2313, %get3A_2314, %get3A_2315] {strides = array<i32>} : memref<8x4x128xf32, #tpu.memory_space<vmem>>, vector<1x1x16xf32>,
      %get3A_2317 = vector.shape_cast %get3A_2316 : vector<1x1x16xf32> to vector<16xf32>
      %mul3A_2318 = arith.mulf %exp3A_2310, %get3A_2317 : vector<16xf32>
      %add3A_2319 = arith.addf %add3A_2303, %mul3A_2318 : vector<16xf32>
      %add3A_2320 = arith.addf %add3A_2304, %exp3A_2310 : vector<16xf32>
      %get3A_2321 = arith.constant 12 : i32
      %get3A_2322 = arith.index_cast %get3A_2321 : i32 to index
      %get3A_2323 = arith.constant 64 : index
      %get3A_2324 = tpu.vector_load %arg5[%get3A_2322, %get3A_2323] {strides = array<i32>} : memref<32x128xf32, #tpu.memory_space<vmem>>, vector<1x16xf32>,
      %get3A_2325 = vector.shape_cast %get3A_2324 : vector<1x16xf32> to vector<16xf32>
      %exp3A_2326 = math.exp %get3A_2325 : vector<16xf32>
      %get3A_2327 = arith.constant 4 : i32
      %get3A_2328 = arith.constant 1 : i32
      %get3A_2329 = arith.index_cast %get3A_2327 : i32 to index
      %get3A_2330 = arith.index_cast %get3A_2328 : i32 to index
      %get3A_2331 = arith.constant 64 : index
      %get3A_2332 = tpu.vector_load %arg6[%get3A_2329, %get3A_2330, %get3A_2331] {strides = array<i32>} : memref<8x4x128xf32, #tpu.memory_space<vmem>>, vector<1x1x16xf32>,
      %get3A_2333 = vector.shape_cast %get3A_2332 : vector<1x1x16xf32> to vector<16xf32>
      %mul3A_2334 = arith.mulf %exp3A_2326, %get3A_2333 : vector<16xf32>
      %add3A_2335 = arith.addf %add3A_2319, %mul3A_2334 : vector<16xf32>
      %add3A_2336 = arith.addf %add3A_2320, %exp3A_2326 : vector<16xf32>
      %get3A_2337 = arith.constant 13 : i32
      %get3A_2338 = arith.index_cast %get3A_2337 : i32 to index
      %get3A_2339 = arith.constant 64 : index
      %get3A_2340 = tpu.vector_load %arg5[%get3A_2338, %get3A_2339] {strides = array<i32>} : memref<32x128xf32, #tpu.memory_space<vmem>>, vector<1x16xf32>,
      %get3A_2341 = vector.shape_cast %get3A_2340 : vector<1x16xf32> to vector<16xf32>
      %exp3A_2342 = math.exp %get3A_2341 : vector<16xf32>
      %get3A_2343 = arith.constant 5 : i32
      %get3A_2344 = arith.constant 1 : i32
      %get3A_2345 = arith.index_cast %get3A_2343 : i32 to index
      %get3A_2346 = arith.index_cast %get3A_2344 : i32 to index
      %get3A_2347 = arith.constant 64 : index
      %get3A_2348 = tpu.vector_load %arg6[%get3A_2345, %get3A_2346, %get3A_2347] {strides = array<i32>} : memref<8x4x128xf32, #tpu.memory_space<vmem>>, vector<1x1x16xf32>,
      %get3A_2349 = vector.shape_cast %get3A_2348 : vector<1x1x16xf32> to vector<16xf32>
      %mul3A_2350 = arith.mulf %exp3A_2342, %get3A_2349 : vector<16xf32>
      %add3A_2351 = arith.addf %add3A_2335, %mul3A_2350 : vector<16xf32>
      %add3A_2352 = arith.addf %add3A_2336, %exp3A_2342 : vector<16xf32>
      %get3A_2353 = arith.constant 14 : i32
      %get3A_2354 = arith.index_cast %get3A_2353 : i32 to index
      %get3A_2355 = arith.constant 64 : index
      %get3A_2356 = tpu.vector_load %arg5[%get3A_2354, %get3A_2355] {strides = array<i32>} : memref<32x128xf32, #tpu.memory_space<vmem>>, vector<1x16xf32>,
      %get3A_2357 = vector.shape_cast %get3A_2356 : vector<1x16xf32> to vector<16xf32>
      %exp3A_2358 = math.exp %get3A_2357 : vector<16xf32>
      %get3A_2359 = arith.constant 6 : i32
      %get3A_2360 = arith.constant 1 : i32
      %get3A_2361 = arith.index_cast %get3A_2359 : i32 to index
      %get3A_2362 = arith.index_cast %get3A_2360 : i32 to index
      %get3A_2363 = arith.constant 64 : index
      %get3A_2364 = tpu.vector_load %arg6[%get3A_2361, %get3A_2362, %get3A_2363] {strides = array<i32>} : memref<8x4x128xf32, #tpu.memory_space<vmem>>, vector<1x1x16xf32>,
      %get3A_2365 = vector.shape_cast %get3A_2364 : vector<1x1x16xf32> to vector<16xf32>
      %mul3A_2366 = arith.mulf %exp3A_2358, %get3A_2365 : vector<16xf32>
      %add3A_2367 = arith.addf %add3A_2351, %mul3A_2366 : vector<16xf32>
      %add3A_2368 = arith.addf %add3A_2352, %exp3A_2358 : vector<16xf32>
      %get3A_2369 = arith.constant 15 : i32
      %get3A_2370 = arith.index_cast %get3A_2369 : i32 to index
      %get3A_2371 = arith.constant 64 : index
      %get3A_2372 = tpu.vector_load %arg5[%get3A_2370, %get3A_2371] {strides = array<i32>} : memref<32x128xf32, #tpu.memory_space<vmem>>, vector<1x16xf32>,
      %get3A_2373 = vector.shape_cast %get3A_2372 : vector<1x16xf32> to vector<16xf32>
      %exp3A_2374 = math.exp %get3A_2373 : vector<16xf32>
      %get3A_2375 = arith.constant 7 : i32
      %get3A_2376 = arith.constant 1 : i32
      %get3A_2377 = arith.index_cast %get3A_2375 : i32 to index
      %get3A_2378 = arith.index_cast %get3A_2376 : i32 to index
      %get3A_2379 = arith.constant 64 : index
      %get3A_2380 = tpu.vector_load %arg6[%get3A_2377, %get3A_2378, %get3A_2379] {strides = array<i32>} : memref<8x4x128xf32, #tpu.memory_space<vmem>>, vector<1x1x16xf32>,
      %get3A_2381 = vector.shape_cast %get3A_2380 : vector<1x1x16xf32> to vector<16xf32>
      %mul3A_2382 = arith.mulf %exp3A_2374, %get3A_2381 : vector<16xf32>
      %add3A_2383 = arith.addf %add3A_2367, %mul3A_2382 : vector<16xf32>
      %add3A_2384 = arith.addf %add3A_2368, %exp3A_2374 : vector<16xf32>
      %div3A_2385 = arith.divf %add3A_2383, %add3A_2384 : vector<16xf32>
      %swap3A_2386 = arith.constant 1 : i32
      %swap3A_2387 = arith.index_cast %swap3A_2386 : i32 to index
      %swap3A_2388 = arith.constant 64 : index
      %swap3A_2389 = tpu.vector_load %arg7[%swap3A_2387, %swap3A_2388] {strides = array<i32>} : memref<4x128xf32, #tpu.memory_space<vmem>>, vector<1x16xf32>,
      %swap3A_2390 = vector.shape_cast %swap3A_2389 : vector<1x16xf32> to vector<16xf32>
      %swap3A_2391 = vector.shape_cast %div3A_2385 : vector<16xf32> to vector<1x16xf32>
      tpu.vector_store %arg7[%swap3A_2387, %swap3A_2388], %swap3A_2391 {strides = array<i32>} : memref<4x128xf32, #tpu.memory_space<vmem>>, vector<1x16xf32>,
      %get3A_2392 = arith.constant 16 : i32
      %get3A_2393 = arith.index_cast %get3A_2392 : i32 to index
      %get3A_2394 = arith.constant 64 : index
      %get3A_2395 = tpu.vector_load %arg5[%get3A_2393, %get3A_2394] {strides = array<i32>} : memref<32x128xf32, #tpu.memory_space<vmem>>, vector<1x16xf32>,
      %get3A_2396 = vector.shape_cast %get3A_2395 : vector<1x16xf32> to vector<16xf32>
      %exp3A_2397 = math.exp %get3A_2396 : vector<16xf32>
      %get3A_2398 = arith.constant 0 : i32
      %get3A_2399 = arith.constant 2 : i32
      %get3A_2400 = arith.index_cast %get3A_2398 : i32 to index
      %get3A_2401 = arith.index_cast %get3A_2399 : i32 to index
      %get3A_2402 = arith.constant 64 : index
      %get3A_2403 = tpu.vector_load %arg6[%get3A_2400, %get3A_2401, %get3A_2402] {strides = array<i32>} : memref<8x4x128xf32, #tpu.memory_space<vmem>>, vector<1x1x16xf32>,
      %get3A_2404 = vector.shape_cast %get3A_2403 : vector<1x1x16xf32> to vector<16xf32>
      %mul3A_2405 = arith.mulf %exp3A_2397, %get3A_2404 : vector<16xf32>
      %get3A_2406 = arith.constant 17 : i32
      %get3A_2407 = arith.index_cast %get3A_2406 : i32 to index
      %get3A_2408 = arith.constant 64 : index
      %get3A_2409 = tpu.vector_load %arg5[%get3A_2407, %get3A_2408] {strides = array<i32>} : memref<32x128xf32, #tpu.memory_space<vmem>>, vector<1x16xf32>,
      %get3A_2410 = vector.shape_cast %get3A_2409 : vector<1x16xf32> to vector<16xf32>
      %exp3A_2411 = math.exp %get3A_2410 : vector<16xf32>
      %get3A_2412 = arith.constant 1 : i32
      %get3A_2413 = arith.constant 2 : i32
      %get3A_2414 = arith.index_cast %get3A_2412 : i32 to index
      %get3A_2415 = arith.index_cast %get3A_2413 : i32 to index
      %get3A_2416 = arith.constant 64 : index
      %get3A_2417 = tpu.vector_load %arg6[%get3A_2414, %get3A_2415, %get3A_2416] {strides = array<i32>} : memref<8x4x128xf32, #tpu.memory_space<vmem>>, vector<1x1x16xf32>,
      %get3A_2418 = vector.shape_cast %get3A_2417 : vector<1x1x16xf32> to vector<16xf32>
      %mul3A_2419 = arith.mulf %exp3A_2411, %get3A_2418 : vector<16xf32>
      %add3A_2420 = arith.addf %mul3A_2405, %mul3A_2419 : vector<16xf32>
      %add3A_2421 = arith.addf %exp3A_2397, %exp3A_2411 : vector<16xf32>
      %get3A_2422 = arith.constant 18 : i32
      %get3A_2423 = arith.index_cast %get3A_2422 : i32 to index
      %get3A_2424 = arith.constant 64 : index
      %get3A_2425 = tpu.vector_load %arg5[%get3A_2423, %get3A_2424] {strides = array<i32>} : memref<32x128xf32, #tpu.memory_space<vmem>>, vector<1x16xf32>,
      %get3A_2426 = vector.shape_cast %get3A_2425 : vector<1x16xf32> to vector<16xf32>
      %exp3A_2427 = math.exp %get3A_2426 : vector<16xf32>
      %get3A_2428 = arith.constant 2 : i32
      %get3A_2429 = arith.constant 2 : i32
      %get3A_2430 = arith.index_cast %get3A_2428 : i32 to index
      %get3A_2431 = arith.index_cast %get3A_2429 : i32 to index
      %get3A_2432 = arith.constant 64 : index
      %get3A_2433 = tpu.vector_load %arg6[%get3A_2430, %get3A_2431, %get3A_2432] {strides = array<i32>} : memref<8x4x128xf32, #tpu.memory_space<vmem>>, vector<1x1x16xf32>,
      %get3A_2434 = vector.shape_cast %get3A_2433 : vector<1x1x16xf32> to vector<16xf32>
      %mul3A_2435 = arith.mulf %exp3A_2427, %get3A_2434 : vector<16xf32>
      %add3A_2436 = arith.addf %add3A_2420, %mul3A_2435 : vector<16xf32>
      %add3A_2437 = arith.addf %add3A_2421, %exp3A_2427 : vector<16xf32>
      %get3A_2438 = arith.constant 19 : i32
      %get3A_2439 = arith.index_cast %get3A_2438 : i32 to index
      %get3A_2440 = arith.constant 64 : index
      %get3A_2441 = tpu.vector_load %arg5[%get3A_2439, %get3A_2440] {strides = array<i32>} : memref<32x128xf32, #tpu.memory_space<vmem>>, vector<1x16xf32>,
      %get3A_2442 = vector.shape_cast %get3A_2441 : vector<1x16xf32> to vector<16xf32>
      %exp3A_2443 = math.exp %get3A_2442 : vector<16xf32>
      %get3A_2444 = arith.constant 3 : i32
      %get3A_2445 = arith.constant 2 : i32
      %get3A_2446 = arith.index_cast %get3A_2444 : i32 to index
      %get3A_2447 = arith.index_cast %get3A_2445 : i32 to index
      %get3A_2448 = arith.constant 64 : index
      %get3A_2449 = tpu.vector_load %arg6[%get3A_2446, %get3A_2447, %get3A_2448] {strides = array<i32>} : memref<8x4x128xf32, #tpu.memory_space<vmem>>, vector<1x1x16xf32>,
      %get3A_2450 = vector.shape_cast %get3A_2449 : vector<1x1x16xf32> to vector<16xf32>
      %mul3A_2451 = arith.mulf %exp3A_2443, %get3A_2450 : vector<16xf32>
      %add3A_2452 = arith.addf %add3A_2436, %mul3A_2451 : vector<16xf32>
      %add3A_2453 = arith.addf %add3A_2437, %exp3A_2443 : vector<16xf32>
      %get3A_2454 = arith.constant 20 : i32
      %get3A_2455 = arith.index_cast %get3A_2454 : i32 to index
      %get3A_2456 = arith.constant 64 : index
      %get3A_2457 = tpu.vector_load %arg5[%get3A_2455, %get3A_2456] {strides = array<i32>} : memref<32x128xf32, #tpu.memory_space<vmem>>, vector<1x16xf32>,
      %get3A_2458 = vector.shape_cast %get3A_2457 : vector<1x16xf32> to vector<16xf32>
      %exp3A_2459 = math.exp %get3A_2458 : vector<16xf32>
      %get3A_2460 = arith.constant 4 : i32
      %get3A_2461 = arith.constant 2 : i32
      %get3A_2462 = arith.index_cast %get3A_2460 : i32 to index
      %get3A_2463 = arith.index_cast %get3A_2461 : i32 to index
      %get3A_2464 = arith.constant 64 : index
      %get3A_2465 = tpu.vector_load %arg6[%get3A_2462, %get3A_2463, %get3A_2464] {strides = array<i32>} : memref<8x4x128xf32, #tpu.memory_space<vmem>>, vector<1x1x16xf32>,
      %get3A_2466 = vector.shape_cast %get3A_2465 : vector<1x1x16xf32> to vector<16xf32>
      %mul3A_2467 = arith.mulf %exp3A_2459, %get3A_2466 : vector<16xf32>
      %add3A_2468 = arith.addf %add3A_2452, %mul3A_2467 : vector<16xf32>
      %add3A_2469 = arith.addf %add3A_2453, %exp3A_2459 : vector<16xf32>
      %get3A_2470 = arith.constant 21 : i32
      %get3A_2471 = arith.index_cast %get3A_2470 : i32 to index
      %get3A_2472 = arith.constant 64 : index
      %get3A_2473 = tpu.vector_load %arg5[%get3A_2471, %get3A_2472] {strides = array<i32>} : memref<32x128xf32, #tpu.memory_space<vmem>>, vector<1x16xf32>,
      %get3A_2474 = vector.shape_cast %get3A_2473 : vector<1x16xf32> to vector<16xf32>
      %exp3A_2475 = math.exp %get3A_2474 : vector<16xf32>
      %get3A_2476 = arith.constant 5 : i32
      %get3A_2477 = arith.constant 2 : i32
      %get3A_2478 = arith.index_cast %get3A_2476 : i32 to index
      %get3A_2479 = arith.index_cast %get3A_2477 : i32 to index
      %get3A_2480 = arith.constant 64 : index
      %get3A_2481 = tpu.vector_load %arg6[%get3A_2478, %get3A_2479, %get3A_2480] {strides = array<i32>} : memref<8x4x128xf32, #tpu.memory_space<vmem>>, vector<1x1x16xf32>,
      %get3A_2482 = vector.shape_cast %get3A_2481 : vector<1x1x16xf32> to vector<16xf32>
      %mul3A_2483 = arith.mulf %exp3A_2475, %get3A_2482 : vector<16xf32>
      %add3A_2484 = arith.addf %add3A_2468, %mul3A_2483 : vector<16xf32>
      %add3A_2485 = arith.addf %add3A_2469, %exp3A_2475 : vector<16xf32>
      %get3A_2486 = arith.constant 22 : i32
      %get3A_2487 = arith.index_cast %get3A_2486 : i32 to index
      %get3A_2488 = arith.constant 64 : index
      %get3A_2489 = tpu.vector_load %arg5[%get3A_2487, %get3A_2488] {strides = array<i32>} : memref<32x128xf32, #tpu.memory_space<vmem>>, vector<1x16xf32>,
      %get3A_2490 = vector.shape_cast %get3A_2489 : vector<1x16xf32> to vector<16xf32>
      %exp3A_2491 = math.exp %get3A_2490 : vector<16xf32>
      %get3A_2492 = arith.constant 6 : i32
      %get3A_2493 = arith.constant 2 : i32
      %get3A_2494 = arith.index_cast %get3A_2492 : i32 to index
      %get3A_2495 = arith.index_cast %get3A_2493 : i32 to index
      %get3A_2496 = arith.constant 64 : index
      %get3A_2497 = tpu.vector_load %arg6[%get3A_2494, %get3A_2495, %get3A_2496] {strides = array<i32>} : memref<8x4x128xf32, #tpu.memory_space<vmem>>, vector<1x1x16xf32>,
      %get3A_2498 = vector.shape_cast %get3A_2497 : vector<1x1x16xf32> to vector<16xf32>
      %mul3A_2499 = arith.mulf %exp3A_2491, %get3A_2498 : vector<16xf32>
      %add3A_2500 = arith.addf %add3A_2484, %mul3A_2499 : vector<16xf32>
      %add3A_2501 = arith.addf %add3A_2485, %exp3A_2491 : vector<16xf32>
      %get3A_2502 = arith.constant 23 : i32
      %get3A_2503 = arith.index_cast %get3A_2502 : i32 to index
      %get3A_2504 = arith.constant 64 : index
      %get3A_2505 = tpu.vector_load %arg5[%get3A_2503, %get3A_2504] {strides = array<i32>} : memref<32x128xf32, #tpu.memory_space<vmem>>, vector<1x16xf32>,
      %get3A_2506 = vector.shape_cast %get3A_2505 : vector<1x16xf32> to vector<16xf32>
      %exp3A_2507 = math.exp %get3A_2506 : vector<16xf32>
      %get3A_2508 = arith.constant 7 : i32
      %get3A_2509 = arith.constant 2 : i32
      %get3A_2510 = arith.index_cast %get3A_2508 : i32 to index
      %get3A_2511 = arith.index_cast %get3A_2509 : i32 to index
      %get3A_2512 = arith.constant 64 : index
      %get3A_2513 = tpu.vector_load %arg6[%get3A_2510, %get3A_2511, %get3A_2512] {strides = array<i32>} : memref<8x4x128xf32, #tpu.memory_space<vmem>>, vector<1x1x16xf32>,
      %get3A_2514 = vector.shape_cast %get3A_2513 : vector<1x1x16xf32> to vector<16xf32>
      %mul3A_2515 = arith.mulf %exp3A_2507, %get3A_2514 : vector<16xf32>
      %add3A_2516 = arith.addf %add3A_2500, %mul3A_2515 : vector<16xf32>
      %add3A_2517 = arith.addf %add3A_2501, %exp3A_2507 : vector<16xf32>
      %div3A_2518 = arith.divf %add3A_2516, %add3A_2517 : vector<16xf32>
      %swap3A_2519 = arith.constant 2 : i32
      %swap3A_2520 = arith.index_cast %swap3A_2519 : i32 to index
      %swap3A_2521 = arith.constant 64 : index
      %swap3A_2522 = tpu.vector_load %arg7[%swap3A_2520, %swap3A_2521] {strides = array<i32>} : memref<4x128xf32, #tpu.memory_space<vmem>>, vector<1x16xf32>,
      %swap3A_2523 = vector.shape_cast %swap3A_2522 : vector<1x16xf32> to vector<16xf32>
      %swap3A_2524 = vector.shape_cast %div3A_2518 : vector<16xf32> to vector<1x16xf32>
      tpu.vector_store %arg7[%swap3A_2520, %swap3A_2521], %swap3A_2524 {strides = array<i32>} : memref<4x128xf32, #tpu.memory_space<vmem>>, vector<1x16xf32>,
      %get3A_2525 = arith.constant 24 : i32
      %get3A_2526 = arith.index_cast %get3A_2525 : i32 to index
      %get3A_2527 = arith.constant 64 : index
      %get3A_2528 = tpu.vector_load %arg5[%get3A_2526, %get3A_2527] {strides = array<i32>} : memref<32x128xf32, #tpu.memory_space<vmem>>, vector<1x16xf32>,
      %get3A_2529 = vector.shape_cast %get3A_2528 : vector<1x16xf32> to vector<16xf32>
      %exp3A_2530 = math.exp %get3A_2529 : vector<16xf32>
      %get3A_2531 = arith.constant 0 : i32
      %get3A_2532 = arith.constant 3 : i32
      %get3A_2533 = arith.index_cast %get3A_2531 : i32 to index
      %get3A_2534 = arith.index_cast %get3A_2532 : i32 to index
      %get3A_2535 = arith.constant 64 : index
      %get3A_2536 = tpu.vector_load %arg6[%get3A_2533, %get3A_2534, %get3A_2535] {strides = array<i32>} : memref<8x4x128xf32, #tpu.memory_space<vmem>>, vector<1x1x16xf32>,
      %get3A_2537 = vector.shape_cast %get3A_2536 : vector<1x1x16xf32> to vector<16xf32>
      %mul3A_2538 = arith.mulf %exp3A_2530, %get3A_2537 : vector<16xf32>
      %get3A_2539 = arith.constant 25 : i32
      %get3A_2540 = arith.index_cast %get3A_2539 : i32 to index
      %get3A_2541 = arith.constant 64 : index
      %get3A_2542 = tpu.vector_load %arg5[%get3A_2540, %get3A_2541] {strides = array<i32>} : memref<32x128xf32, #tpu.memory_space<vmem>>, vector<1x16xf32>,
      %get3A_2543 = vector.shape_cast %get3A_2542 : vector<1x16xf32> to vector<16xf32>
      %exp3A_2544 = math.exp %get3A_2543 : vector<16xf32>
      %get3A_2545 = arith.constant 1 : i32
      %get3A_2546 = arith.constant 3 : i32
      %get3A_2547 = arith.index_cast %get3A_2545 : i32 to index
      %get3A_2548 = arith.index_cast %get3A_2546 : i32 to index
      %get3A_2549 = arith.constant 64 : index
      %get3A_2550 = tpu.vector_load %arg6[%get3A_2547, %get3A_2548, %get3A_2549] {strides = array<i32>} : memref<8x4x128xf32, #tpu.memory_space<vmem>>, vector<1x1x16xf32>,
      %get3A_2551 = vector.shape_cast %get3A_2550 : vector<1x1x16xf32> to vector<16xf32>
      %mul3A_2552 = arith.mulf %exp3A_2544, %get3A_2551 : vector<16xf32>
      %add3A_2553 = arith.addf %mul3A_2538, %mul3A_2552 : vector<16xf32>
      %add3A_2554 = arith.addf %exp3A_2530, %exp3A_2544 : vector<16xf32>
      %get3A_2555 = arith.constant 26 : i32
      %get3A_2556 = arith.index_cast %get3A_2555 : i32 to index
      %get3A_2557 = arith.constant 64 : index
      %get3A_2558 = tpu.vector_load %arg5[%get3A_2556, %get3A_2557] {strides = array<i32>} : memref<32x128xf32, #tpu.memory_space<vmem>>, vector<1x16xf32>,
      %get3A_2559 = vector.shape_cast %get3A_2558 : vector<1x16xf32> to vector<16xf32>
      %exp3A_2560 = math.exp %get3A_2559 : vector<16xf32>
      %get3A_2561 = arith.constant 2 : i32
      %get3A_2562 = arith.constant 3 : i32
      %get3A_2563 = arith.index_cast %get3A_2561 : i32 to index
      %get3A_2564 = arith.index_cast %get3A_2562 : i32 to index
      %get3A_2565 = arith.constant 64 : index
      %get3A_2566 = tpu.vector_load %arg6[%get3A_2563, %get3A_2564, %get3A_2565] {strides = array<i32>} : memref<8x4x128xf32, #tpu.memory_space<vmem>>, vector<1x1x16xf32>,
      %get3A_2567 = vector.shape_cast %get3A_2566 : vector<1x1x16xf32> to vector<16xf32>
      %mul3A_2568 = arith.mulf %exp3A_2560, %get3A_2567 : vector<16xf32>
      %add3A_2569 = arith.addf %add3A_2553, %mul3A_2568 : vector<16xf32>
      %add3A_2570 = arith.addf %add3A_2554, %exp3A_2560 : vector<16xf32>
      %get3A_2571 = arith.constant 27 : i32
      %get3A_2572 = arith.index_cast %get3A_2571 : i32 to index
      %get3A_2573 = arith.constant 64 : index
      %get3A_2574 = tpu.vector_load %arg5[%get3A_2572, %get3A_2573] {strides = array<i32>} : memref<32x128xf32, #tpu.memory_space<vmem>>, vector<1x16xf32>,
      %get3A_2575 = vector.shape_cast %get3A_2574 : vector<1x16xf32> to vector<16xf32>
      %exp3A_2576 = math.exp %get3A_2575 : vector<16xf32>
      %get3A_2577 = arith.constant 3 : i32
      %get3A_2578 = arith.constant 3 : i32
      %get3A_2579 = arith.index_cast %get3A_2577 : i32 to index
      %get3A_2580 = arith.index_cast %get3A_2578 : i32 to index
      %get3A_2581 = arith.constant 64 : index
      %get3A_2582 = tpu.vector_load %arg6[%get3A_2579, %get3A_2580, %get3A_2581] {strides = array<i32>} : memref<8x4x128xf32, #tpu.memory_space<vmem>>, vector<1x1x16xf32>,
      %get3A_2583 = vector.shape_cast %get3A_2582 : vector<1x1x16xf32> to vector<16xf32>
      %mul3A_2584 = arith.mulf %exp3A_2576, %get3A_2583 : vector<16xf32>
      %add3A_2585 = arith.addf %add3A_2569, %mul3A_2584 : vector<16xf32>
      %add3A_2586 = arith.addf %add3A_2570, %exp3A_2576 : vector<16xf32>
      %get3A_2587 = arith.constant 28 : i32
      %get3A_2588 = arith.index_cast %get3A_2587 : i32 to index
      %get3A_2589 = arith.constant 64 : index
      %get3A_2590 = tpu.vector_load %arg5[%get3A_2588, %get3A_2589] {strides = array<i32>} : memref<32x128xf32, #tpu.memory_space<vmem>>, vector<1x16xf32>,
      %get3A_2591 = vector.shape_cast %get3A_2590 : vector<1x16xf32> to vector<16xf32>
      %exp3A_2592 = math.exp %get3A_2591 : vector<16xf32>
      %get3A_2593 = arith.constant 4 : i32
      %get3A_2594 = arith.constant 3 : i32
      %get3A_2595 = arith.index_cast %get3A_2593 : i32 to index
      %get3A_2596 = arith.index_cast %get3A_2594 : i32 to index
      %get3A_2597 = arith.constant 64 : index
      %get3A_2598 = tpu.vector_load %arg6[%get3A_2595, %get3A_2596, %get3A_2597] {strides = array<i32>} : memref<8x4x128xf32, #tpu.memory_space<vmem>>, vector<1x1x16xf32>,
      %get3A_2599 = vector.shape_cast %get3A_2598 : vector<1x1x16xf32> to vector<16xf32>
      %mul3A_2600 = arith.mulf %exp3A_2592, %get3A_2599 : vector<16xf32>
      %add3A_2601 = arith.addf %add3A_2585, %mul3A_2600 : vector<16xf32>
      %add3A_2602 = arith.addf %add3A_2586, %exp3A_2592 : vector<16xf32>
      %get3A_2603 = arith.constant 29 : i32
      %get3A_2604 = arith.index_cast %get3A_2603 : i32 to index
      %get3A_2605 = arith.constant 64 : index
      %get3A_2606 = tpu.vector_load %arg5[%get3A_2604, %get3A_2605] {strides = array<i32>} : memref<32x128xf32, #tpu.memory_space<vmem>>, vector<1x16xf32>,
      %get3A_2607 = vector.shape_cast %get3A_2606 : vector<1x16xf32> to vector<16xf32>
      %exp3A_2608 = math.exp %get3A_2607 : vector<16xf32>
      %get3A_2609 = arith.constant 5 : i32
      %get3A_2610 = arith.constant 3 : i32
      %get3A_2611 = arith.index_cast %get3A_2609 : i32 to index
      %get3A_2612 = arith.index_cast %get3A_2610 : i32 to index
      %get3A_2613 = arith.constant 64 : index
      %get3A_2614 = tpu.vector_load %arg6[%get3A_2611, %get3A_2612, %get3A_2613] {strides = array<i32>} : memref<8x4x128xf32, #tpu.memory_space<vmem>>, vector<1x1x16xf32>,
      %get3A_2615 = vector.shape_cast %get3A_2614 : vector<1x1x16xf32> to vector<16xf32>
      %mul3A_2616 = arith.mulf %exp3A_2608, %get3A_2615 : vector<16xf32>
      %add3A_2617 = arith.addf %add3A_2601, %mul3A_2616 : vector<16xf32>
      %add3A_2618 = arith.addf %add3A_2602, %exp3A_2608 : vector<16xf32>
      %get3A_2619 = arith.constant 30 : i32
      %get3A_2620 = arith.index_cast %get3A_2619 : i32 to index
      %get3A_2621 = arith.constant 64 : index
      %get3A_2622 = tpu.vector_load %arg5[%get3A_2620, %get3A_2621] {strides = array<i32>} : memref<32x128xf32, #tpu.memory_space<vmem>>, vector<1x16xf32>,
      %get3A_2623 = vector.shape_cast %get3A_2622 : vector<1x16xf32> to vector<16xf32>
      %exp3A_2624 = math.exp %get3A_2623 : vector<16xf32>
      %get3A_2625 = arith.constant 6 : i32
      %get3A_2626 = arith.constant 3 : i32
      %get3A_2627 = arith.index_cast %get3A_2625 : i32 to index
      %get3A_2628 = arith.index_cast %get3A_2626 : i32 to index
      %get3A_2629 = arith.constant 64 : index
      %get3A_2630 = tpu.vector_load %arg6[%get3A_2627, %get3A_2628, %get3A_2629] {strides = array<i32>} : memref<8x4x128xf32, #tpu.memory_space<vmem>>, vector<1x1x16xf32>,
      %get3A_2631 = vector.shape_cast %get3A_2630 : vector<1x1x16xf32> to vector<16xf32>
      %mul3A_2632 = arith.mulf %exp3A_2624, %get3A_2631 : vector<16xf32>
      %add3A_2633 = arith.addf %add3A_2617, %mul3A_2632 : vector<16xf32>
      %add3A_2634 = arith.addf %add3A_2618, %exp3A_2624 : vector<16xf32>
      %get3A_2635 = arith.constant 31 : i32
      %get3A_2636 = arith.index_cast %get3A_2635 : i32 to index
      %get3A_2637 = arith.constant 64 : index
      %get3A_2638 = tpu.vector_load %arg5[%get3A_2636, %get3A_2637] {strides = array<i32>} : memref<32x128xf32, #tpu.memory_space<vmem>>, vector<1x16xf32>,
      %get3A_2639 = vector.shape_cast %get3A_2638 : vector<1x16xf32> to vector<16xf32>
      %exp3A_2640 = math.exp %get3A_2639 : vector<16xf32>
      %get3A_2641 = arith.constant 7 : i32
      %get3A_2642 = arith.constant 3 : i32
      %get3A_2643 = arith.index_cast %get3A_2641 : i32 to index
      %get3A_2644 = arith.index_cast %get3A_2642 : i32 to index
      %get3A_2645 = arith.constant 64 : index
      %get3A_2646 = tpu.vector_load %arg6[%get3A_2643, %get3A_2644, %get3A_2645] {strides = array<i32>} : memref<8x4x128xf32, #tpu.memory_space<vmem>>, vector<1x1x16xf32>,
      %get3A_2647 = vector.shape_cast %get3A_2646 : vector<1x1x16xf32> to vector<16xf32>
      %mul3A_2648 = arith.mulf %exp3A_2640, %get3A_2647 : vector<16xf32>
      %add3A_2649 = arith.addf %add3A_2633, %mul3A_2648 : vector<16xf32>
      %add3A_2650 = arith.addf %add3A_2634, %exp3A_2640 : vector<16xf32>
      %div3A_2651 = arith.divf %add3A_2649, %add3A_2650 : vector<16xf32>
      %swap3A_2652 = arith.constant 3 : i32
      %swap3A_2653 = arith.index_cast %swap3A_2652 : i32 to index
      %swap3A_2654 = arith.constant 64 : index
      %swap3A_2655 = tpu.vector_load %arg7[%swap3A_2653, %swap3A_2654] {strides = array<i32>} : memref<4x128xf32, #tpu.memory_space<vmem>>, vector<1x16xf32>,
      %swap3A_2656 = vector.shape_cast %swap3A_2655 : vector<1x16xf32> to vector<16xf32>
      %swap3A_2657 = vector.shape_cast %div3A_2651 : vector<16xf32> to vector<1x16xf32>
      tpu.vector_store %arg7[%swap3A_2653, %swap3A_2654], %swap3A_2657 {strides = array<i32>} : memref<4x128xf32, #tpu.memory_space<vmem>>, vector<1x16xf32>,
      %get3A_2658 = arith.constant 0 : i32
      %get3A_2659 = arith.index_cast %get3A_2658 : i32 to index
      %get3A_2660 = arith.constant 80 : index
      %get3A_2661 = tpu.vector_load %arg5[%get3A_2659, %get3A_2660] {strides = array<i32>} : memref<32x128xf32, #tpu.memory_space<vmem>>, vector<1x16xf32>,
      %get3A_2662 = vector.shape_cast %get3A_2661 : vector<1x16xf32> to vector<16xf32>
      %exp3A_2663 = math.exp %get3A_2662 : vector<16xf32>
      %get3A_2664 = arith.constant 0 : i32
      %get3A_2665 = arith.constant 0 : i32
      %get3A_2666 = arith.index_cast %get3A_2664 : i32 to index
      %get3A_2667 = arith.index_cast %get3A_2665 : i32 to index
      %get3A_2668 = arith.constant 80 : index
      %get3A_2669 = tpu.vector_load %arg6[%get3A_2666, %get3A_2667, %get3A_2668] {strides = array<i32>} : memref<8x4x128xf32, #tpu.memory_space<vmem>>, vector<1x1x16xf32>,
      %get3A_2670 = vector.shape_cast %get3A_2669 : vector<1x1x16xf32> to vector<16xf32>
      %mul3A_2671 = arith.mulf %exp3A_2663, %get3A_2670 : vector<16xf32>
      %get3A_2672 = arith.constant 1 : i32
      %get3A_2673 = arith.index_cast %get3A_2672 : i32 to index
      %get3A_2674 = arith.constant 80 : index
      %get3A_2675 = tpu.vector_load %arg5[%get3A_2673, %get3A_2674] {strides = array<i32>} : memref<32x128xf32, #tpu.memory_space<vmem>>, vector<1x16xf32>,
      %get3A_2676 = vector.shape_cast %get3A_2675 : vector<1x16xf32> to vector<16xf32>
      %exp3A_2677 = math.exp %get3A_2676 : vector<16xf32>
      %get3A_2678 = arith.constant 1 : i32
      %get3A_2679 = arith.constant 0 : i32
      %get3A_2680 = arith.index_cast %get3A_2678 : i32 to index
      %get3A_2681 = arith.index_cast %get3A_2679 : i32 to index
      %get3A_2682 = arith.constant 80 : index
      %get3A_2683 = tpu.vector_load %arg6[%get3A_2680, %get3A_2681, %get3A_2682] {strides = array<i32>} : memref<8x4x128xf32, #tpu.memory_space<vmem>>, vector<1x1x16xf32>,
      %get3A_2684 = vector.shape_cast %get3A_2683 : vector<1x1x16xf32> to vector<16xf32>
      %mul3A_2685 = arith.mulf %exp3A_2677, %get3A_2684 : vector<16xf32>
      %add3A_2686 = arith.addf %mul3A_2671, %mul3A_2685 : vector<16xf32>
      %add3A_2687 = arith.addf %exp3A_2663, %exp3A_2677 : vector<16xf32>
      %get3A_2688 = arith.constant 2 : i32
      %get3A_2689 = arith.index_cast %get3A_2688 : i32 to index
      %get3A_2690 = arith.constant 80 : index
      %get3A_2691 = tpu.vector_load %arg5[%get3A_2689, %get3A_2690] {strides = array<i32>} : memref<32x128xf32, #tpu.memory_space<vmem>>, vector<1x16xf32>,
      %get3A_2692 = vector.shape_cast %get3A_2691 : vector<1x16xf32> to vector<16xf32>
      %exp3A_2693 = math.exp %get3A_2692 : vector<16xf32>
      %get3A_2694 = arith.constant 2 : i32
      %get3A_2695 = arith.constant 0 : i32
      %get3A_2696 = arith.index_cast %get3A_2694 : i32 to index
      %get3A_2697 = arith.index_cast %get3A_2695 : i32 to index
      %get3A_2698 = arith.constant 80 : index
      %get3A_2699 = tpu.vector_load %arg6[%get3A_2696, %get3A_2697, %get3A_2698] {strides = array<i32>} : memref<8x4x128xf32, #tpu.memory_space<vmem>>, vector<1x1x16xf32>,
      %get3A_2700 = vector.shape_cast %get3A_2699 : vector<1x1x16xf32> to vector<16xf32>
      %mul3A_2701 = arith.mulf %exp3A_2693, %get3A_2700 : vector<16xf32>
      %add3A_2702 = arith.addf %add3A_2686, %mul3A_2701 : vector<16xf32>
      %add3A_2703 = arith.addf %add3A_2687, %exp3A_2693 : vector<16xf32>
      %get3A_2704 = arith.constant 3 : i32
      %get3A_2705 = arith.index_cast %get3A_2704 : i32 to index
      %get3A_2706 = arith.constant 80 : index
      %get3A_2707 = tpu.vector_load %arg5[%get3A_2705, %get3A_2706] {strides = array<i32>} : memref<32x128xf32, #tpu.memory_space<vmem>>, vector<1x16xf32>,
      %get3A_2708 = vector.shape_cast %get3A_2707 : vector<1x16xf32> to vector<16xf32>
      %exp3A_2709 = math.exp %get3A_2708 : vector<16xf32>
      %get3A_2710 = arith.constant 3 : i32
      %get3A_2711 = arith.constant 0 : i32
      %get3A_2712 = arith.index_cast %get3A_2710 : i32 to index
      %get3A_2713 = arith.index_cast %get3A_2711 : i32 to index
      %get3A_2714 = arith.constant 80 : index
      %get3A_2715 = tpu.vector_load %arg6[%get3A_2712, %get3A_2713, %get3A_2714] {strides = array<i32>} : memref<8x4x128xf32, #tpu.memory_space<vmem>>, vector<1x1x16xf32>,
      %get3A_2716 = vector.shape_cast %get3A_2715 : vector<1x1x16xf32> to vector<16xf32>
      %mul3A_2717 = arith.mulf %exp3A_2709, %get3A_2716 : vector<16xf32>
      %add3A_2718 = arith.addf %add3A_2702, %mul3A_2717 : vector<16xf32>
      %add3A_2719 = arith.addf %add3A_2703, %exp3A_2709 : vector<16xf32>
      %get3A_2720 = arith.constant 4 : i32
      %get3A_2721 = arith.index_cast %get3A_2720 : i32 to index
      %get3A_2722 = arith.constant 80 : index
      %get3A_2723 = tpu.vector_load %arg5[%get3A_2721, %get3A_2722] {strides = array<i32>} : memref<32x128xf32, #tpu.memory_space<vmem>>, vector<1x16xf32>,
      %get3A_2724 = vector.shape_cast %get3A_2723 : vector<1x16xf32> to vector<16xf32>
      %exp3A_2725 = math.exp %get3A_2724 : vector<16xf32>
      %get3A_2726 = arith.constant 4 : i32
      %get3A_2727 = arith.constant 0 : i32
      %get3A_2728 = arith.index_cast %get3A_2726 : i32 to index
      %get3A_2729 = arith.index_cast %get3A_2727 : i32 to index
      %get3A_2730 = arith.constant 80 : index
      %get3A_2731 = tpu.vector_load %arg6[%get3A_2728, %get3A_2729, %get3A_2730] {strides = array<i32>} : memref<8x4x128xf32, #tpu.memory_space<vmem>>, vector<1x1x16xf32>,
      %get3A_2732 = vector.shape_cast %get3A_2731 : vector<1x1x16xf32> to vector<16xf32>
      %mul3A_2733 = arith.mulf %exp3A_2725, %get3A_2732 : vector<16xf32>
      %add3A_2734 = arith.addf %add3A_2718, %mul3A_2733 : vector<16xf32>
      %add3A_2735 = arith.addf %add3A_2719, %exp3A_2725 : vector<16xf32>
      %get3A_2736 = arith.constant 5 : i32
      %get3A_2737 = arith.index_cast %get3A_2736 : i32 to index
      %get3A_2738 = arith.constant 80 : index
      %get3A_2739 = tpu.vector_load %arg5[%get3A_2737, %get3A_2738] {strides = array<i32>} : memref<32x128xf32, #tpu.memory_space<vmem>>, vector<1x16xf32>,
      %get3A_2740 = vector.shape_cast %get3A_2739 : vector<1x16xf32> to vector<16xf32>
      %exp3A_2741 = math.exp %get3A_2740 : vector<16xf32>
      %get3A_2742 = arith.constant 5 : i32
      %get3A_2743 = arith.constant 0 : i32
      %get3A_2744 = arith.index_cast %get3A_2742 : i32 to index
      %get3A_2745 = arith.index_cast %get3A_2743 : i32 to index
      %get3A_2746 = arith.constant 80 : index
      %get3A_2747 = tpu.vector_load %arg6[%get3A_2744, %get3A_2745, %get3A_2746] {strides = array<i32>} : memref<8x4x128xf32, #tpu.memory_space<vmem>>, vector<1x1x16xf32>,
      %get3A_2748 = vector.shape_cast %get3A_2747 : vector<1x1x16xf32> to vector<16xf32>
      %mul3A_2749 = arith.mulf %exp3A_2741, %get3A_2748 : vector<16xf32>
      %add3A_2750 = arith.addf %add3A_2734, %mul3A_2749 : vector<16xf32>
      %add3A_2751 = arith.addf %add3A_2735, %exp3A_2741 : vector<16xf32>
      %get3A_2752 = arith.constant 6 : i32
      %get3A_2753 = arith.index_cast %get3A_2752 : i32 to index
      %get3A_2754 = arith.constant 80 : index
      %get3A_2755 = tpu.vector_load %arg5[%get3A_2753, %get3A_2754] {strides = array<i32>} : memref<32x128xf32, #tpu.memory_space<vmem>>, vector<1x16xf32>,
      %get3A_2756 = vector.shape_cast %get3A_2755 : vector<1x16xf32> to vector<16xf32>
      %exp3A_2757 = math.exp %get3A_2756 : vector<16xf32>
      %get3A_2758 = arith.constant 6 : i32
      %get3A_2759 = arith.constant 0 : i32
      %get3A_2760 = arith.index_cast %get3A_2758 : i32 to index
      %get3A_2761 = arith.index_cast %get3A_2759 : i32 to index
      %get3A_2762 = arith.constant 80 : index
      %get3A_2763 = tpu.vector_load %arg6[%get3A_2760, %get3A_2761, %get3A_2762] {strides = array<i32>} : memref<8x4x128xf32, #tpu.memory_space<vmem>>, vector<1x1x16xf32>,
      %get3A_2764 = vector.shape_cast %get3A_2763 : vector<1x1x16xf32> to vector<16xf32>
      %mul3A_2765 = arith.mulf %exp3A_2757, %get3A_2764 : vector<16xf32>
      %add3A_2766 = arith.addf %add3A_2750, %mul3A_2765 : vector<16xf32>
      %add3A_2767 = arith.addf %add3A_2751, %exp3A_2757 : vector<16xf32>
      %get3A_2768 = arith.constant 7 : i32
      %get3A_2769 = arith.index_cast %get3A_2768 : i32 to index
      %get3A_2770 = arith.constant 80 : index
      %get3A_2771 = tpu.vector_load %arg5[%get3A_2769, %get3A_2770] {strides = array<i32>} : memref<32x128xf32, #tpu.memory_space<vmem>>, vector<1x16xf32>,
      %get3A_2772 = vector.shape_cast %get3A_2771 : vector<1x16xf32> to vector<16xf32>
      %exp3A_2773 = math.exp %get3A_2772 : vector<16xf32>
      %get3A_2774 = arith.constant 7 : i32
      %get3A_2775 = arith.constant 0 : i32
      %get3A_2776 = arith.index_cast %get3A_2774 : i32 to index
      %get3A_2777 = arith.index_cast %get3A_2775 : i32 to index
      %get3A_2778 = arith.constant 80 : index
      %get3A_2779 = tpu.vector_load %arg6[%get3A_2776, %get3A_2777, %get3A_2778] {strides = array<i32>} : memref<8x4x128xf32, #tpu.memory_space<vmem>>, vector<1x1x16xf32>,
      %get3A_2780 = vector.shape_cast %get3A_2779 : vector<1x1x16xf32> to vector<16xf32>
      %mul3A_2781 = arith.mulf %exp3A_2773, %get3A_2780 : vector<16xf32>
      %add3A_2782 = arith.addf %add3A_2766, %mul3A_2781 : vector<16xf32>
      %add3A_2783 = arith.addf %add3A_2767, %exp3A_2773 : vector<16xf32>
      %div3A_2784 = arith.divf %add3A_2782, %add3A_2783 : vector<16xf32>
      %swap3A_2785 = arith.constant 0 : i32
      %swap3A_2786 = arith.index_cast %swap3A_2785 : i32 to index
      %swap3A_2787 = arith.constant 80 : index
      %swap3A_2788 = tpu.vector_load %arg7[%swap3A_2786, %swap3A_2787] {strides = array<i32>} : memref<4x128xf32, #tpu.memory_space<vmem>>, vector<1x16xf32>,
      %swap3A_2789 = vector.shape_cast %swap3A_2788 : vector<1x16xf32> to vector<16xf32>
      %swap3A_2790 = vector.shape_cast %div3A_2784 : vector<16xf32> to vector<1x16xf32>
      tpu.vector_store %arg7[%swap3A_2786, %swap3A_2787], %swap3A_2790 {strides = array<i32>} : memref<4x128xf32, #tpu.memory_space<vmem>>, vector<1x16xf32>,
      %get3A_2791 = arith.constant 8 : i32
      %get3A_2792 = arith.index_cast %get3A_2791 : i32 to index
      %get3A_2793 = arith.constant 80 : index
      %get3A_2794 = tpu.vector_load %arg5[%get3A_2792, %get3A_2793] {strides = array<i32>} : memref<32x128xf32, #tpu.memory_space<vmem>>, vector<1x16xf32>,
      %get3A_2795 = vector.shape_cast %get3A_2794 : vector<1x16xf32> to vector<16xf32>
      %exp3A_2796 = math.exp %get3A_2795 : vector<16xf32>
      %get3A_2797 = arith.constant 0 : i32
      %get3A_2798 = arith.constant 1 : i32
      %get3A_2799 = arith.index_cast %get3A_2797 : i32 to index
      %get3A_2800 = arith.index_cast %get3A_2798 : i32 to index
      %get3A_2801 = arith.constant 80 : index
      %get3A_2802 = tpu.vector_load %arg6[%get3A_2799, %get3A_2800, %get3A_2801] {strides = array<i32>} : memref<8x4x128xf32, #tpu.memory_space<vmem>>, vector<1x1x16xf32>,
      %get3A_2803 = vector.shape_cast %get3A_2802 : vector<1x1x16xf32> to vector<16xf32>
      %mul3A_2804 = arith.mulf %exp3A_2796, %get3A_2803 : vector<16xf32>
      %get3A_2805 = arith.constant 9 : i32
      %get3A_2806 = arith.index_cast %get3A_2805 : i32 to index
      %get3A_2807 = arith.constant 80 : index
      %get3A_2808 = tpu.vector_load %arg5[%get3A_2806, %get3A_2807] {strides = array<i32>} : memref<32x128xf32, #tpu.memory_space<vmem>>, vector<1x16xf32>,
      %get3A_2809 = vector.shape_cast %get3A_2808 : vector<1x16xf32> to vector<16xf32>
      %exp3A_2810 = math.exp %get3A_2809 : vector<16xf32>
      %get3A_2811 = arith.constant 1 : i32
      %get3A_2812 = arith.constant 1 : i32
      %get3A_2813 = arith.index_cast %get3A_2811 : i32 to index
      %get3A_2814 = arith.index_cast %get3A_2812 : i32 to index
      %get3A_2815 = arith.constant 80 : index
      %get3A_2816 = tpu.vector_load %arg6[%get3A_2813, %get3A_2814, %get3A_2815] {strides = array<i32>} : memref<8x4x128xf32, #tpu.memory_space<vmem>>, vector<1x1x16xf32>,
      %get3A_2817 = vector.shape_cast %get3A_2816 : vector<1x1x16xf32> to vector<16xf32>
      %mul3A_2818 = arith.mulf %exp3A_2810, %get3A_2817 : vector<16xf32>
      %add3A_2819 = arith.addf %mul3A_2804, %mul3A_2818 : vector<16xf32>
      %add3A_2820 = arith.addf %exp3A_2796, %exp3A_2810 : vector<16xf32>
      %get3A_2821 = arith.constant 10 : i32
      %get3A_2822 = arith.index_cast %get3A_2821 : i32 to index
      %get3A_2823 = arith.constant 80 : index
      %get3A_2824 = tpu.vector_load %arg5[%get3A_2822, %get3A_2823] {strides = array<i32>} : memref<32x128xf32, #tpu.memory_space<vmem>>, vector<1x16xf32>,
      %get3A_2825 = vector.shape_cast %get3A_2824 : vector<1x16xf32> to vector<16xf32>
      %exp3A_2826 = math.exp %get3A_2825 : vector<16xf32>
      %get3A_2827 = arith.constant 2 : i32
      %get3A_2828 = arith.constant 1 : i32
      %get3A_2829 = arith.index_cast %get3A_2827 : i32 to index
      %get3A_2830 = arith.index_cast %get3A_2828 : i32 to index
      %get3A_2831 = arith.constant 80 : index
      %get3A_2832 = tpu.vector_load %arg6[%get3A_2829, %get3A_2830, %get3A_2831] {strides = array<i32>} : memref<8x4x128xf32, #tpu.memory_space<vmem>>, vector<1x1x16xf32>,
      %get3A_2833 = vector.shape_cast %get3A_2832 : vector<1x1x16xf32> to vector<16xf32>
      %mul3A_2834 = arith.mulf %exp3A_2826, %get3A_2833 : vector<16xf32>
      %add3A_2835 = arith.addf %add3A_2819, %mul3A_2834 : vector<16xf32>
      %add3A_2836 = arith.addf %add3A_2820, %exp3A_2826 : vector<16xf32>
      %get3A_2837 = arith.constant 11 : i32
      %get3A_2838 = arith.index_cast %get3A_2837 : i32 to index
      %get3A_2839 = arith.constant 80 : index
      %get3A_2840 = tpu.vector_load %arg5[%get3A_2838, %get3A_2839] {strides = array<i32>} : memref<32x128xf32, #tpu.memory_space<vmem>>, vector<1x16xf32>,
      %get3A_2841 = vector.shape_cast %get3A_2840 : vector<1x16xf32> to vector<16xf32>
      %exp3A_2842 = math.exp %get3A_2841 : vector<16xf32>
      %get3A_2843 = arith.constant 3 : i32
      %get3A_2844 = arith.constant 1 : i32
      %get3A_2845 = arith.index_cast %get3A_2843 : i32 to index
      %get3A_2846 = arith.index_cast %get3A_2844 : i32 to index
      %get3A_2847 = arith.constant 80 : index
      %get3A_2848 = tpu.vector_load %arg6[%get3A_2845, %get3A_2846, %get3A_2847] {strides = array<i32>} : memref<8x4x128xf32, #tpu.memory_space<vmem>>, vector<1x1x16xf32>,
      %get3A_2849 = vector.shape_cast %get3A_2848 : vector<1x1x16xf32> to vector<16xf32>
      %mul3A_2850 = arith.mulf %exp3A_2842, %get3A_2849 : vector<16xf32>
      %add3A_2851 = arith.addf %add3A_2835, %mul3A_2850 : vector<16xf32>
      %add3A_2852 = arith.addf %add3A_2836, %exp3A_2842 : vector<16xf32>
      %get3A_2853 = arith.constant 12 : i32
      %get3A_2854 = arith.index_cast %get3A_2853 : i32 to index
      %get3A_2855 = arith.constant 80 : index
      %get3A_2856 = tpu.vector_load %arg5[%get3A_2854, %get3A_2855] {strides = array<i32>} : memref<32x128xf32, #tpu.memory_space<vmem>>, vector<1x16xf32>,
      %get3A_2857 = vector.shape_cast %get3A_2856 : vector<1x16xf32> to vector<16xf32>
      %exp3A_2858 = math.exp %get3A_2857 : vector<16xf32>
      %get3A_2859 = arith.constant 4 : i32
      %get3A_2860 = arith.constant 1 : i32
      %get3A_2861 = arith.index_cast %get3A_2859 : i32 to index
      %get3A_2862 = arith.index_cast %get3A_2860 : i32 to index
      %get3A_2863 = arith.constant 80 : index
      %get3A_2864 = tpu.vector_load %arg6[%get3A_2861, %get3A_2862, %get3A_2863] {strides = array<i32>} : memref<8x4x128xf32, #tpu.memory_space<vmem>>, vector<1x1x16xf32>,
      %get3A_2865 = vector.shape_cast %get3A_2864 : vector<1x1x16xf32> to vector<16xf32>
      %mul3A_2866 = arith.mulf %exp3A_2858, %get3A_2865 : vector<16xf32>
      %add3A_2867 = arith.addf %add3A_2851, %mul3A_2866 : vector<16xf32>
      %add3A_2868 = arith.addf %add3A_2852, %exp3A_2858 : vector<16xf32>
      %get3A_2869 = arith.constant 13 : i32
      %get3A_2870 = arith.index_cast %get3A_2869 : i32 to index
      %get3A_2871 = arith.constant 80 : index
      %get3A_2872 = tpu.vector_load %arg5[%get3A_2870, %get3A_2871] {strides = array<i32>} : memref<32x128xf32, #tpu.memory_space<vmem>>, vector<1x16xf32>,
      %get3A_2873 = vector.shape_cast %get3A_2872 : vector<1x16xf32> to vector<16xf32>
      %exp3A_2874 = math.exp %get3A_2873 : vector<16xf32>
      %get3A_2875 = arith.constant 5 : i32
      %get3A_2876 = arith.constant 1 : i32
      %get3A_2877 = arith.index_cast %get3A_2875 : i32 to index
      %get3A_2878 = arith.index_cast %get3A_2876 : i32 to index
      %get3A_2879 = arith.constant 80 : index
      %get3A_2880 = tpu.vector_load %arg6[%get3A_2877, %get3A_2878, %get3A_2879] {strides = array<i32>} : memref<8x4x128xf32, #tpu.memory_space<vmem>>, vector<1x1x16xf32>,
      %get3A_2881 = vector.shape_cast %get3A_2880 : vector<1x1x16xf32> to vector<16xf32>
      %mul3A_2882 = arith.mulf %exp3A_2874, %get3A_2881 : vector<16xf32>
      %add3A_2883 = arith.addf %add3A_2867, %mul3A_2882 : vector<16xf32>
      %add3A_2884 = arith.addf %add3A_2868, %exp3A_2874 : vector<16xf32>
      %get3A_2885 = arith.constant 14 : i32
      %get3A_2886 = arith.index_cast %get3A_2885 : i32 to index
      %get3A_2887 = arith.constant 80 : index
      %get3A_2888 = tpu.vector_load %arg5[%get3A_2886, %get3A_2887] {strides = array<i32>} : memref<32x128xf32, #tpu.memory_space<vmem>>, vector<1x16xf32>,
      %get3A_2889 = vector.shape_cast %get3A_2888 : vector<1x16xf32> to vector<16xf32>
      %exp3A_2890 = math.exp %get3A_2889 : vector<16xf32>
      %get3A_2891 = arith.constant 6 : i32
      %get3A_2892 = arith.constant 1 : i32
      %get3A_2893 = arith.index_cast %get3A_2891 : i32 to index
      %get3A_2894 = arith.index_cast %get3A_2892 : i32 to index
      %get3A_2895 = arith.constant 80 : index
      %get3A_2896 = tpu.vector_load %arg6[%get3A_2893, %get3A_2894, %get3A_2895] {strides = array<i32>} : memref<8x4x128xf32, #tpu.memory_space<vmem>>, vector<1x1x16xf32>,
      %get3A_2897 = vector.shape_cast %get3A_2896 : vector<1x1x16xf32> to vector<16xf32>
      %mul3A_2898 = arith.mulf %exp3A_2890, %get3A_2897 : vector<16xf32>
      %add3A_2899 = arith.addf %add3A_2883, %mul3A_2898 : vector<16xf32>
      %add3A_2900 = arith.addf %add3A_2884, %exp3A_2890 : vector<16xf32>
      %get3A_2901 = arith.constant 15 : i32
      %get3A_2902 = arith.index_cast %get3A_2901 : i32 to index
      %get3A_2903 = arith.constant 80 : index
      %get3A_2904 = tpu.vector_load %arg5[%get3A_2902, %get3A_2903] {strides = array<i32>} : memref<32x128xf32, #tpu.memory_space<vmem>>, vector<1x16xf32>,
      %get3A_2905 = vector.shape_cast %get3A_2904 : vector<1x16xf32> to vector<16xf32>
      %exp3A_2906 = math.exp %get3A_2905 : vector<16xf32>
      %get3A_2907 = arith.constant 7 : i32
      %get3A_2908 = arith.constant 1 : i32
      %get3A_2909 = arith.index_cast %get3A_2907 : i32 to index
      %get3A_2910 = arith.index_cast %get3A_2908 : i32 to index
      %get3A_2911 = arith.constant 80 : index
      %get3A_2912 = tpu.vector_load %arg6[%get3A_2909, %get3A_2910, %get3A_2911] {strides = array<i32>} : memref<8x4x128xf32, #tpu.memory_space<vmem>>, vector<1x1x16xf32>,
      %get3A_2913 = vector.shape_cast %get3A_2912 : vector<1x1x16xf32> to vector<16xf32>
      %mul3A_2914 = arith.mulf %exp3A_2906, %get3A_2913 : vector<16xf32>
      %add3A_2915 = arith.addf %add3A_2899, %mul3A_2914 : vector<16xf32>
      %add3A_2916 = arith.addf %add3A_2900, %exp3A_2906 : vector<16xf32>
      %div3A_2917 = arith.divf %add3A_2915, %add3A_2916 : vector<16xf32>
      %swap3A_2918 = arith.constant 1 : i32
      %swap3A_2919 = arith.index_cast %swap3A_2918 : i32 to index
      %swap3A_2920 = arith.constant 80 : index
      %swap3A_2921 = tpu.vector_load %arg7[%swap3A_2919, %swap3A_2920] {strides = array<i32>} : memref<4x128xf32, #tpu.memory_space<vmem>>, vector<1x16xf32>,
      %swap3A_2922 = vector.shape_cast %swap3A_2921 : vector<1x16xf32> to vector<16xf32>
      %swap3A_2923 = vector.shape_cast %div3A_2917 : vector<16xf32> to vector<1x16xf32>
      tpu.vector_store %arg7[%swap3A_2919, %swap3A_2920], %swap3A_2923 {strides = array<i32>} : memref<4x128xf32, #tpu.memory_space<vmem>>, vector<1x16xf32>,
      %get3A_2924 = arith.constant 16 : i32
      %get3A_2925 = arith.index_cast %get3A_2924 : i32 to index
      %get3A_2926 = arith.constant 80 : index
      %get3A_2927 = tpu.vector_load %arg5[%get3A_2925, %get3A_2926] {strides = array<i32>} : memref<32x128xf32, #tpu.memory_space<vmem>>, vector<1x16xf32>,
      %get3A_2928 = vector.shape_cast %get3A_2927 : vector<1x16xf32> to vector<16xf32>
      %exp3A_2929 = math.exp %get3A_2928 : vector<16xf32>
      %get3A_2930 = arith.constant 0 : i32
      %get3A_2931 = arith.constant 2 : i32
      %get3A_2932 = arith.index_cast %get3A_2930 : i32 to index
      %get3A_2933 = arith.index_cast %get3A_2931 : i32 to index
      %get3A_2934 = arith.constant 80 : index
      %get3A_2935 = tpu.vector_load %arg6[%get3A_2932, %get3A_2933, %get3A_2934] {strides = array<i32>} : memref<8x4x128xf32, #tpu.memory_space<vmem>>, vector<1x1x16xf32>,
      %get3A_2936 = vector.shape_cast %get3A_2935 : vector<1x1x16xf32> to vector<16xf32>
      %mul3A_2937 = arith.mulf %exp3A_2929, %get3A_2936 : vector<16xf32>
      %get3A_2938 = arith.constant 17 : i32
      %get3A_2939 = arith.index_cast %get3A_2938 : i32 to index
      %get3A_2940 = arith.constant 80 : index
      %get3A_2941 = tpu.vector_load %arg5[%get3A_2939, %get3A_2940] {strides = array<i32>} : memref<32x128xf32, #tpu.memory_space<vmem>>, vector<1x16xf32>,
      %get3A_2942 = vector.shape_cast %get3A_2941 : vector<1x16xf32> to vector<16xf32>
      %exp3A_2943 = math.exp %get3A_2942 : vector<16xf32>
      %get3A_2944 = arith.constant 1 : i32
      %get3A_2945 = arith.constant 2 : i32
      %get3A_2946 = arith.index_cast %get3A_2944 : i32 to index
      %get3A_2947 = arith.index_cast %get3A_2945 : i32 to index
      %get3A_2948 = arith.constant 80 : index
      %get3A_2949 = tpu.vector_load %arg6[%get3A_2946, %get3A_2947, %get3A_2948] {strides = array<i32>} : memref<8x4x128xf32, #tpu.memory_space<vmem>>, vector<1x1x16xf32>,
      %get3A_2950 = vector.shape_cast %get3A_2949 : vector<1x1x16xf32> to vector<16xf32>
      %mul3A_2951 = arith.mulf %exp3A_2943, %get3A_2950 : vector<16xf32>
      %add3A_2952 = arith.addf %mul3A_2937, %mul3A_2951 : vector<16xf32>
      %add3A_2953 = arith.addf %exp3A_2929, %exp3A_2943 : vector<16xf32>
      %get3A_2954 = arith.constant 18 : i32
      %get3A_2955 = arith.index_cast %get3A_2954 : i32 to index
      %get3A_2956 = arith.constant 80 : index
      %get3A_2957 = tpu.vector_load %arg5[%get3A_2955, %get3A_2956] {strides = array<i32>} : memref<32x128xf32, #tpu.memory_space<vmem>>, vector<1x16xf32>,
      %get3A_2958 = vector.shape_cast %get3A_2957 : vector<1x16xf32> to vector<16xf32>
      %exp3A_2959 = math.exp %get3A_2958 : vector<16xf32>
      %get3A_2960 = arith.constant 2 : i32
      %get3A_2961 = arith.constant 2 : i32
      %get3A_2962 = arith.index_cast %get3A_2960 : i32 to index
      %get3A_2963 = arith.index_cast %get3A_2961 : i32 to index
      %get3A_2964 = arith.constant 80 : index
      %get3A_2965 = tpu.vector_load %arg6[%get3A_2962, %get3A_2963, %get3A_2964] {strides = array<i32>} : memref<8x4x128xf32, #tpu.memory_space<vmem>>, vector<1x1x16xf32>,
      %get3A_2966 = vector.shape_cast %get3A_2965 : vector<1x1x16xf32> to vector<16xf32>
      %mul3A_2967 = arith.mulf %exp3A_2959, %get3A_2966 : vector<16xf32>
      %add3A_2968 = arith.addf %add3A_2952, %mul3A_2967 : vector<16xf32>
      %add3A_2969 = arith.addf %add3A_2953, %exp3A_2959 : vector<16xf32>
      %get3A_2970 = arith.constant 19 : i32
      %get3A_2971 = arith.index_cast %get3A_2970 : i32 to index
      %get3A_2972 = arith.constant 80 : index
      %get3A_2973 = tpu.vector_load %arg5[%get3A_2971, %get3A_2972] {strides = array<i32>} : memref<32x128xf32, #tpu.memory_space<vmem>>, vector<1x16xf32>,
      %get3A_2974 = vector.shape_cast %get3A_2973 : vector<1x16xf32> to vector<16xf32>
      %exp3A_2975 = math.exp %get3A_2974 : vector<16xf32>
      %get3A_2976 = arith.constant 3 : i32
      %get3A_2977 = arith.constant 2 : i32
      %get3A_2978 = arith.index_cast %get3A_2976 : i32 to index
      %get3A_2979 = arith.index_cast %get3A_2977 : i32 to index
      %get3A_2980 = arith.constant 80 : index
      %get3A_2981 = tpu.vector_load %arg6[%get3A_2978, %get3A_2979, %get3A_2980] {strides = array<i32>} : memref<8x4x128xf32, #tpu.memory_space<vmem>>, vector<1x1x16xf32>,
      %get3A_2982 = vector.shape_cast %get3A_2981 : vector<1x1x16xf32> to vector<16xf32>
      %mul3A_2983 = arith.mulf %exp3A_2975, %get3A_2982 : vector<16xf32>
      %add3A_2984 = arith.addf %add3A_2968, %mul3A_2983 : vector<16xf32>
      %add3A_2985 = arith.addf %add3A_2969, %exp3A_2975 : vector<16xf32>
      %get3A_2986 = arith.constant 20 : i32
      %get3A_2987 = arith.index_cast %get3A_2986 : i32 to index
      %get3A_2988 = arith.constant 80 : index
      %get3A_2989 = tpu.vector_load %arg5[%get3A_2987, %get3A_2988] {strides = array<i32>} : memref<32x128xf32, #tpu.memory_space<vmem>>, vector<1x16xf32>,
      %get3A_2990 = vector.shape_cast %get3A_2989 : vector<1x16xf32> to vector<16xf32>
      %exp3A_2991 = math.exp %get3A_2990 : vector<16xf32>
      %get3A_2992 = arith.constant 4 : i32
      %get3A_2993 = arith.constant 2 : i32
      %get3A_2994 = arith.index_cast %get3A_2992 : i32 to index
      %get3A_2995 = arith.index_cast %get3A_2993 : i32 to index
      %get3A_2996 = arith.constant 80 : index
      %get3A_2997 = tpu.vector_load %arg6[%get3A_2994, %get3A_2995, %get3A_2996] {strides = array<i32>} : memref<8x4x128xf32, #tpu.memory_space<vmem>>, vector<1x1x16xf32>,
      %get3A_2998 = vector.shape_cast %get3A_2997 : vector<1x1x16xf32> to vector<16xf32>
      %mul3A_2999 = arith.mulf %exp3A_2991, %get3A_2998 : vector<16xf32>
      %add3A_3000 = arith.addf %add3A_2984, %mul3A_2999 : vector<16xf32>
      %add3A_3001 = arith.addf %add3A_2985, %exp3A_2991 : vector<16xf32>
      %get3A_3002 = arith.constant 21 : i32
      %get3A_3003 = arith.index_cast %get3A_3002 : i32 to index
      %get3A_3004 = arith.constant 80 : index
      %get3A_3005 = tpu.vector_load %arg5[%get3A_3003, %get3A_3004] {strides = array<i32>} : memref<32x128xf32, #tpu.memory_space<vmem>>, vector<1x16xf32>,
      %get3A_3006 = vector.shape_cast %get3A_3005 : vector<1x16xf32> to vector<16xf32>
      %exp3A_3007 = math.exp %get3A_3006 : vector<16xf32>
      %get3A_3008 = arith.constant 5 : i32
      %get3A_3009 = arith.constant 2 : i32
      %get3A_3010 = arith.index_cast %get3A_3008 : i32 to index
      %get3A_3011 = arith.index_cast %get3A_3009 : i32 to index
      %get3A_3012 = arith.constant 80 : index
      %get3A_3013 = tpu.vector_load %arg6[%get3A_3010, %get3A_3011, %get3A_3012] {strides = array<i32>} : memref<8x4x128xf32, #tpu.memory_space<vmem>>, vector<1x1x16xf32>,
      %get3A_3014 = vector.shape_cast %get3A_3013 : vector<1x1x16xf32> to vector<16xf32>
      %mul3A_3015 = arith.mulf %exp3A_3007, %get3A_3014 : vector<16xf32>
      %add3A_3016 = arith.addf %add3A_3000, %mul3A_3015 : vector<16xf32>
      %add3A_3017 = arith.addf %add3A_3001, %exp3A_3007 : vector<16xf32>
      %get3A_3018 = arith.constant 22 : i32
      %get3A_3019 = arith.index_cast %get3A_3018 : i32 to index
      %get3A_3020 = arith.constant 80 : index
      %get3A_3021 = tpu.vector_load %arg5[%get3A_3019, %get3A_3020] {strides = array<i32>} : memref<32x128xf32, #tpu.memory_space<vmem>>, vector<1x16xf32>,
      %get3A_3022 = vector.shape_cast %get3A_3021 : vector<1x16xf32> to vector<16xf32>
      %exp3A_3023 = math.exp %get3A_3022 : vector<16xf32>
      %get3A_3024 = arith.constant 6 : i32
      %get3A_3025 = arith.constant 2 : i32
      %get3A_3026 = arith.index_cast %get3A_3024 : i32 to index
      %get3A_3027 = arith.index_cast %get3A_3025 : i32 to index
      %get3A_3028 = arith.constant 80 : index
      %get3A_3029 = tpu.vector_load %arg6[%get3A_3026, %get3A_3027, %get3A_3028] {strides = array<i32>} : memref<8x4x128xf32, #tpu.memory_space<vmem>>, vector<1x1x16xf32>,
      %get3A_3030 = vector.shape_cast %get3A_3029 : vector<1x1x16xf32> to vector<16xf32>
      %mul3A_3031 = arith.mulf %exp3A_3023, %get3A_3030 : vector<16xf32>
      %add3A_3032 = arith.addf %add3A_3016, %mul3A_3031 : vector<16xf32>
      %add3A_3033 = arith.addf %add3A_3017, %exp3A_3023 : vector<16xf32>
      %get3A_3034 = arith.constant 23 : i32
      %get3A_3035 = arith.index_cast %get3A_3034 : i32 to index
      %get3A_3036 = arith.constant 80 : index
      %get3A_3037 = tpu.vector_load %arg5[%get3A_3035, %get3A_3036] {strides = array<i32>} : memref<32x128xf32, #tpu.memory_space<vmem>>, vector<1x16xf32>,
      %get3A_3038 = vector.shape_cast %get3A_3037 : vector<1x16xf32> to vector<16xf32>
      %exp3A_3039 = math.exp %get3A_3038 : vector<16xf32>
      %get3A_3040 = arith.constant 7 : i32
      %get3A_3041 = arith.constant 2 : i32
      %get3A_3042 = arith.index_cast %get3A_3040 : i32 to index
      %get3A_3043 = arith.index_cast %get3A_3041 : i32 to index
      %get3A_3044 = arith.constant 80 : index
      %get3A_3045 = tpu.vector_load %arg6[%get3A_3042, %get3A_3043, %get3A_3044] {strides = array<i32>} : memref<8x4x128xf32, #tpu.memory_space<vmem>>, vector<1x1x16xf32>,
      %get3A_3046 = vector.shape_cast %get3A_3045 : vector<1x1x16xf32> to vector<16xf32>
      %mul3A_3047 = arith.mulf %exp3A_3039, %get3A_3046 : vector<16xf32>
      %add3A_3048 = arith.addf %add3A_3032, %mul3A_3047 : vector<16xf32>
      %add3A_3049 = arith.addf %add3A_3033, %exp3A_3039 : vector<16xf32>
      %div3A_3050 = arith.divf %add3A_3048, %add3A_3049 : vector<16xf32>
      %swap3A_3051 = arith.constant 2 : i32
      %swap3A_3052 = arith.index_cast %swap3A_3051 : i32 to index
      %swap3A_3053 = arith.constant 80 : index
      %swap3A_3054 = tpu.vector_load %arg7[%swap3A_3052, %swap3A_3053] {strides = array<i32>} : memref<4x128xf32, #tpu.memory_space<vmem>>, vector<1x16xf32>,
      %swap3A_3055 = vector.shape_cast %swap3A_3054 : vector<1x16xf32> to vector<16xf32>
      %swap3A_3056 = vector.shape_cast %div3A_3050 : vector<16xf32> to vector<1x16xf32>
      tpu.vector_store %arg7[%swap3A_3052, %swap3A_3053], %swap3A_3056 {strides = array<i32>} : memref<4x128xf32, #tpu.memory_space<vmem>>, vector<1x16xf32>,
      %get3A_3057 = arith.constant 24 : i32
      %get3A_3058 = arith.index_cast %get3A_3057 : i32 to index
      %get3A_3059 = arith.constant 80 : index
      %get3A_3060 = tpu.vector_load %arg5[%get3A_3058, %get3A_3059] {strides = array<i32>} : memref<32x128xf32, #tpu.memory_space<vmem>>, vector<1x16xf32>,
      %get3A_3061 = vector.shape_cast %get3A_3060 : vector<1x16xf32> to vector<16xf32>
      %exp3A_3062 = math.exp %get3A_3061 : vector<16xf32>
      %get3A_3063 = arith.constant 0 : i32
      %get3A_3064 = arith.constant 3 : i32
      %get3A_3065 = arith.index_cast %get3A_3063 : i32 to index
      %get3A_3066 = arith.index_cast %get3A_3064 : i32 to index
      %get3A_3067 = arith.constant 80 : index
      %get3A_3068 = tpu.vector_load %arg6[%get3A_3065, %get3A_3066, %get3A_3067] {strides = array<i32>} : memref<8x4x128xf32, #tpu.memory_space<vmem>>, vector<1x1x16xf32>,
      %get3A_3069 = vector.shape_cast %get3A_3068 : vector<1x1x16xf32> to vector<16xf32>
      %mul3A_3070 = arith.mulf %exp3A_3062, %get3A_3069 : vector<16xf32>
      %get3A_3071 = arith.constant 25 : i32
      %get3A_3072 = arith.index_cast %get3A_3071 : i32 to index
      %get3A_3073 = arith.constant 80 : index
      %get3A_3074 = tpu.vector_load %arg5[%get3A_3072, %get3A_3073] {strides = array<i32>} : memref<32x128xf32, #tpu.memory_space<vmem>>, vector<1x16xf32>,
      %get3A_3075 = vector.shape_cast %get3A_3074 : vector<1x16xf32> to vector<16xf32>
      %exp3A_3076 = math.exp %get3A_3075 : vector<16xf32>
      %get3A_3077 = arith.constant 1 : i32
      %get3A_3078 = arith.constant 3 : i32
      %get3A_3079 = arith.index_cast %get3A_3077 : i32 to index
      %get3A_3080 = arith.index_cast %get3A_3078 : i32 to index
      %get3A_3081 = arith.constant 80 : index
      %get3A_3082 = tpu.vector_load %arg6[%get3A_3079, %get3A_3080, %get3A_3081] {strides = array<i32>} : memref<8x4x128xf32, #tpu.memory_space<vmem>>, vector<1x1x16xf32>,
      %get3A_3083 = vector.shape_cast %get3A_3082 : vector<1x1x16xf32> to vector<16xf32>
      %mul3A_3084 = arith.mulf %exp3A_3076, %get3A_3083 : vector<16xf32>
      %add3A_3085 = arith.addf %mul3A_3070, %mul3A_3084 : vector<16xf32>
      %add3A_3086 = arith.addf %exp3A_3062, %exp3A_3076 : vector<16xf32>
      %get3A_3087 = arith.constant 26 : i32
      %get3A_3088 = arith.index_cast %get3A_3087 : i32 to index
      %get3A_3089 = arith.constant 80 : index
      %get3A_3090 = tpu.vector_load %arg5[%get3A_3088, %get3A_3089] {strides = array<i32>} : memref<32x128xf32, #tpu.memory_space<vmem>>, vector<1x16xf32>,
      %get3A_3091 = vector.shape_cast %get3A_3090 : vector<1x16xf32> to vector<16xf32>
      %exp3A_3092 = math.exp %get3A_3091 : vector<16xf32>
      %get3A_3093 = arith.constant 2 : i32
      %get3A_3094 = arith.constant 3 : i32
      %get3A_3095 = arith.index_cast %get3A_3093 : i32 to index
      %get3A_3096 = arith.index_cast %get3A_3094 : i32 to index
      %get3A_3097 = arith.constant 80 : index
      %get3A_3098 = tpu.vector_load %arg6[%get3A_3095, %get3A_3096, %get3A_3097] {strides = array<i32>} : memref<8x4x128xf32, #tpu.memory_space<vmem>>, vector<1x1x16xf32>,
      %get3A_3099 = vector.shape_cast %get3A_3098 : vector<1x1x16xf32> to vector<16xf32>
      %mul3A_3100 = arith.mulf %exp3A_3092, %get3A_3099 : vector<16xf32>
      %add3A_3101 = arith.addf %add3A_3085, %mul3A_3100 : vector<16xf32>
      %add3A_3102 = arith.addf %add3A_3086, %exp3A_3092 : vector<16xf32>
      %get3A_3103 = arith.constant 27 : i32
      %get3A_3104 = arith.index_cast %get3A_3103 : i32 to index
      %get3A_3105 = arith.constant 80 : index
      %get3A_3106 = tpu.vector_load %arg5[%get3A_3104, %get3A_3105] {strides = array<i32>} : memref<32x128xf32, #tpu.memory_space<vmem>>, vector<1x16xf32>,
      %get3A_3107 = vector.shape_cast %get3A_3106 : vector<1x16xf32> to vector<16xf32>
      %exp3A_3108 = math.exp %get3A_3107 : vector<16xf32>
      %get3A_3109 = arith.constant 3 : i32
      %get3A_3110 = arith.constant 3 : i32
      %get3A_3111 = arith.index_cast %get3A_3109 : i32 to index
      %get3A_3112 = arith.index_cast %get3A_3110 : i32 to index
      %get3A_3113 = arith.constant 80 : index
      %get3A_3114 = tpu.vector_load %arg6[%get3A_3111, %get3A_3112, %get3A_3113] {strides = array<i32>} : memref<8x4x128xf32, #tpu.memory_space<vmem>>, vector<1x1x16xf32>,
      %get3A_3115 = vector.shape_cast %get3A_3114 : vector<1x1x16xf32> to vector<16xf32>
      %mul3A_3116 = arith.mulf %exp3A_3108, %get3A_3115 : vector<16xf32>
      %add3A_3117 = arith.addf %add3A_3101, %mul3A_3116 : vector<16xf32>
      %add3A_3118 = arith.addf %add3A_3102, %exp3A_3108 : vector<16xf32>
      %get3A_3119 = arith.constant 28 : i32
      %get3A_3120 = arith.index_cast %get3A_3119 : i32 to index
      %get3A_3121 = arith.constant 80 : index
      %get3A_3122 = tpu.vector_load %arg5[%get3A_3120, %get3A_3121] {strides = array<i32>} : memref<32x128xf32, #tpu.memory_space<vmem>>, vector<1x16xf32>,
      %get3A_3123 = vector.shape_cast %get3A_3122 : vector<1x16xf32> to vector<16xf32>
      %exp3A_3124 = math.exp %get3A_3123 : vector<16xf32>
      %get3A_3125 = arith.constant 4 : i32
      %get3A_3126 = arith.constant 3 : i32
      %get3A_3127 = arith.index_cast %get3A_3125 : i32 to index
      %get3A_3128 = arith.index_cast %get3A_3126 : i32 to index
      %get3A_3129 = arith.constant 80 : index
      %get3A_3130 = tpu.vector_load %arg6[%get3A_3127, %get3A_3128, %get3A_3129] {strides = array<i32>} : memref<8x4x128xf32, #tpu.memory_space<vmem>>, vector<1x1x16xf32>,
      %get3A_3131 = vector.shape_cast %get3A_3130 : vector<1x1x16xf32> to vector<16xf32>
      %mul3A_3132 = arith.mulf %exp3A_3124, %get3A_3131 : vector<16xf32>
      %add3A_3133 = arith.addf %add3A_3117, %mul3A_3132 : vector<16xf32>
      %add3A_3134 = arith.addf %add3A_3118, %exp3A_3124 : vector<16xf32>
      %get3A_3135 = arith.constant 29 : i32
      %get3A_3136 = arith.index_cast %get3A_3135 : i32 to index
      %get3A_3137 = arith.constant 80 : index
      %get3A_3138 = tpu.vector_load %arg5[%get3A_3136, %get3A_3137] {strides = array<i32>} : memref<32x128xf32, #tpu.memory_space<vmem>>, vector<1x16xf32>,
      %get3A_3139 = vector.shape_cast %get3A_3138 : vector<1x16xf32> to vector<16xf32>
      %exp3A_3140 = math.exp %get3A_3139 : vector<16xf32>
      %get3A_3141 = arith.constant 5 : i32
      %get3A_3142 = arith.constant 3 : i32
      %get3A_3143 = arith.index_cast %get3A_3141 : i32 to index
      %get3A_3144 = arith.index_cast %get3A_3142 : i32 to index
      %get3A_3145 = arith.constant 80 : index
      %get3A_3146 = tpu.vector_load %arg6[%get3A_3143, %get3A_3144, %get3A_3145] {strides = array<i32>} : memref<8x4x128xf32, #tpu.memory_space<vmem>>, vector<1x1x16xf32>,
      %get3A_3147 = vector.shape_cast %get3A_3146 : vector<1x1x16xf32> to vector<16xf32>
      %mul3A_3148 = arith.mulf %exp3A_3140, %get3A_3147 : vector<16xf32>
      %add3A_3149 = arith.addf %add3A_3133, %mul3A_3148 : vector<16xf32>
      %add3A_3150 = arith.addf %add3A_3134, %exp3A_3140 : vector<16xf32>
      %get3A_3151 = arith.constant 30 : i32
      %get3A_3152 = arith.index_cast %get3A_3151 : i32 to index
      %get3A_3153 = arith.constant 80 : index
      %get3A_3154 = tpu.vector_load %arg5[%get3A_3152, %get3A_3153] {strides = array<i32>} : memref<32x128xf32, #tpu.memory_space<vmem>>, vector<1x16xf32>,
      %get3A_3155 = vector.shape_cast %get3A_3154 : vector<1x16xf32> to vector<16xf32>
      %exp3A_3156 = math.exp %get3A_3155 : vector<16xf32>
      %get3A_3157 = arith.constant 6 : i32
      %get3A_3158 = arith.constant 3 : i32
      %get3A_3159 = arith.index_cast %get3A_3157 : i32 to index
      %get3A_3160 = arith.index_cast %get3A_3158 : i32 to index
      %get3A_3161 = arith.constant 80 : index
      %get3A_3162 = tpu.vector_load %arg6[%get3A_3159, %get3A_3160, %get3A_3161] {strides = array<i32>} : memref<8x4x128xf32, #tpu.memory_space<vmem>>, vector<1x1x16xf32>,
      %get3A_3163 = vector.shape_cast %get3A_3162 : vector<1x1x16xf32> to vector<16xf32>
      %mul3A_3164 = arith.mulf %exp3A_3156, %get3A_3163 : vector<16xf32>
      %add3A_3165 = arith.addf %add3A_3149, %mul3A_3164 : vector<16xf32>
      %add3A_3166 = arith.addf %add3A_3150, %exp3A_3156 : vector<16xf32>
      %get3A_3167 = arith.constant 31 : i32
      %get3A_3168 = arith.index_cast %get3A_3167 : i32 to index
      %get3A_3169 = arith.constant 80 : index
      %get3A_3170 = tpu.vector_load %arg5[%get3A_3168, %get3A_3169] {strides = array<i32>} : memref<32x128xf32, #tpu.memory_space<vmem>>, vector<1x16xf32>,
      %get3A_3171 = vector.shape_cast %get3A_3170 : vector<1x16xf32> to vector<16xf32>
      %exp3A_3172 = math.exp %get3A_3171 : vector<16xf32>
      %get3A_3173 = arith.constant 7 : i32
      %get3A_3174 = arith.constant 3 : i32
      %get3A_3175 = arith.index_cast %get3A_3173 : i32 to index
      %get3A_3176 = arith.index_cast %get3A_3174 : i32 to index
      %get3A_3177 = arith.constant 80 : index
      %get3A_3178 = tpu.vector_load %arg6[%get3A_3175, %get3A_3176, %get3A_3177] {strides = array<i32>} : memref<8x4x128xf32, #tpu.memory_space<vmem>>, vector<1x1x16xf32>,
      %get3A_3179 = vector.shape_cast %get3A_3178 : vector<1x1x16xf32> to vector<16xf32>
      %mul3A_3180 = arith.mulf %exp3A_3172, %get3A_3179 : vector<16xf32>
      %add3A_3181 = arith.addf %add3A_3165, %mul3A_3180 : vector<16xf32>
      %add3A_3182 = arith.addf %add3A_3166, %exp3A_3172 : vector<16xf32>
      %div3A_3183 = arith.divf %add3A_3181, %add3A_3182 : vector<16xf32>
      %swap3A_3184 = arith.constant 3 : i32
      %swap3A_3185 = arith.index_cast %swap3A_3184 : i32 to index
      %swap3A_3186 = arith.constant 80 : index
      %swap3A_3187 = tpu.vector_load %arg7[%swap3A_3185, %swap3A_3186] {strides = array<i32>} : memref<4x128xf32, #tpu.memory_space<vmem>>, vector<1x16xf32>,
      %swap3A_3188 = vector.shape_cast %swap3A_3187 : vector<1x16xf32> to vector<16xf32>
      %swap3A_3189 = vector.shape_cast %div3A_3183 : vector<16xf32> to vector<1x16xf32>
      tpu.vector_store %arg7[%swap3A_3185, %swap3A_3186], %swap3A_3189 {strides = array<i32>} : memref<4x128xf32, #tpu.memory_space<vmem>>, vector<1x16xf32>,
      %get3A_3190 = arith.constant 0 : i32
      %get3A_3191 = arith.index_cast %get3A_3190 : i32 to index
      %get3A_3192 = arith.constant 96 : index
      %get3A_3193 = tpu.vector_load %arg5[%get3A_3191, %get3A_3192] {strides = array<i32>} : memref<32x128xf32, #tpu.memory_space<vmem>>, vector<1x16xf32>,
      %get3A_3194 = vector.shape_cast %get3A_3193 : vector<1x16xf32> to vector<16xf32>
      %exp3A_3195 = math.exp %get3A_3194 : vector<16xf32>
      %get3A_3196 = arith.constant 0 : i32
      %get3A_3197 = arith.constant 0 : i32
      %get3A_3198 = arith.index_cast %get3A_3196 : i32 to index
      %get3A_3199 = arith.index_cast %get3A_3197 : i32 to index
      %get3A_3200 = arith.constant 96 : index
      %get3A_3201 = tpu.vector_load %arg6[%get3A_3198, %get3A_3199, %get3A_3200] {strides = array<i32>} : memref<8x4x128xf32, #tpu.memory_space<vmem>>, vector<1x1x16xf32>,
      %get3A_3202 = vector.shape_cast %get3A_3201 : vector<1x1x16xf32> to vector<16xf32>
      %mul3A_3203 = arith.mulf %exp3A_3195, %get3A_3202 : vector<16xf32>
      %get3A_3204 = arith.constant 1 : i32
      %get3A_3205 = arith.index_cast %get3A_3204 : i32 to index
      %get3A_3206 = arith.constant 96 : index
      %get3A_3207 = tpu.vector_load %arg5[%get3A_3205, %get3A_3206] {strides = array<i32>} : memref<32x128xf32, #tpu.memory_space<vmem>>, vector<1x16xf32>,
      %get3A_3208 = vector.shape_cast %get3A_3207 : vector<1x16xf32> to vector<16xf32>
      %exp3A_3209 = math.exp %get3A_3208 : vector<16xf32>
      %get3A_3210 = arith.constant 1 : i32
      %get3A_3211 = arith.constant 0 : i32
      %get3A_3212 = arith.index_cast %get3A_3210 : i32 to index
      %get3A_3213 = arith.index_cast %get3A_3211 : i32 to index
      %get3A_3214 = arith.constant 96 : index
      %get3A_3215 = tpu.vector_load %arg6[%get3A_3212, %get3A_3213, %get3A_3214] {strides = array<i32>} : memref<8x4x128xf32, #tpu.memory_space<vmem>>, vector<1x1x16xf32>,
      %get3A_3216 = vector.shape_cast %get3A_3215 : vector<1x1x16xf32> to vector<16xf32>
      %mul3A_3217 = arith.mulf %exp3A_3209, %get3A_3216 : vector<16xf32>
      %add3A_3218 = arith.addf %mul3A_3203, %mul3A_3217 : vector<16xf32>
      %add3A_3219 = arith.addf %exp3A_3195, %exp3A_3209 : vector<16xf32>
      %get3A_3220 = arith.constant 2 : i32
      %get3A_3221 = arith.index_cast %get3A_3220 : i32 to index
      %get3A_3222 = arith.constant 96 : index
      %get3A_3223 = tpu.vector_load %arg5[%get3A_3221, %get3A_3222] {strides = array<i32>} : memref<32x128xf32, #tpu.memory_space<vmem>>, vector<1x16xf32>,
      %get3A_3224 = vector.shape_cast %get3A_3223 : vector<1x16xf32> to vector<16xf32>
      %exp3A_3225 = math.exp %get3A_3224 : vector<16xf32>
      %get3A_3226 = arith.constant 2 : i32
      %get3A_3227 = arith.constant 0 : i32
      %get3A_3228 = arith.index_cast %get3A_3226 : i32 to index
      %get3A_3229 = arith.index_cast %get3A_3227 : i32 to index
      %get3A_3230 = arith.constant 96 : index
      %get3A_3231 = tpu.vector_load %arg6[%get3A_3228, %get3A_3229, %get3A_3230] {strides = array<i32>} : memref<8x4x128xf32, #tpu.memory_space<vmem>>, vector<1x1x16xf32>,
      %get3A_3232 = vector.shape_cast %get3A_3231 : vector<1x1x16xf32> to vector<16xf32>
      %mul3A_3233 = arith.mulf %exp3A_3225, %get3A_3232 : vector<16xf32>
      %add3A_3234 = arith.addf %add3A_3218, %mul3A_3233 : vector<16xf32>
      %add3A_3235 = arith.addf %add3A_3219, %exp3A_3225 : vector<16xf32>
      %get3A_3236 = arith.constant 3 : i32
      %get3A_3237 = arith.index_cast %get3A_3236 : i32 to index
      %get3A_3238 = arith.constant 96 : index
      %get3A_3239 = tpu.vector_load %arg5[%get3A_3237, %get3A_3238] {strides = array<i32>} : memref<32x128xf32, #tpu.memory_space<vmem>>, vector<1x16xf32>,
      %get3A_3240 = vector.shape_cast %get3A_3239 : vector<1x16xf32> to vector<16xf32>
      %exp3A_3241 = math.exp %get3A_3240 : vector<16xf32>
      %get3A_3242 = arith.constant 3 : i32
      %get3A_3243 = arith.constant 0 : i32
      %get3A_3244 = arith.index_cast %get3A_3242 : i32 to index
      %get3A_3245 = arith.index_cast %get3A_3243 : i32 to index
      %get3A_3246 = arith.constant 96 : index
      %get3A_3247 = tpu.vector_load %arg6[%get3A_3244, %get3A_3245, %get3A_3246] {strides = array<i32>} : memref<8x4x128xf32, #tpu.memory_space<vmem>>, vector<1x1x16xf32>,
      %get3A_3248 = vector.shape_cast %get3A_3247 : vector<1x1x16xf32> to vector<16xf32>
      %mul3A_3249 = arith.mulf %exp3A_3241, %get3A_3248 : vector<16xf32>
      %add3A_3250 = arith.addf %add3A_3234, %mul3A_3249 : vector<16xf32>
      %add3A_3251 = arith.addf %add3A_3235, %exp3A_3241 : vector<16xf32>
      %get3A_3252 = arith.constant 4 : i32
      %get3A_3253 = arith.index_cast %get3A_3252 : i32 to index
      %get3A_3254 = arith.constant 96 : index
      %get3A_3255 = tpu.vector_load %arg5[%get3A_3253, %get3A_3254] {strides = array<i32>} : memref<32x128xf32, #tpu.memory_space<vmem>>, vector<1x16xf32>,
      %get3A_3256 = vector.shape_cast %get3A_3255 : vector<1x16xf32> to vector<16xf32>
      %exp3A_3257 = math.exp %get3A_3256 : vector<16xf32>
      %get3A_3258 = arith.constant 4 : i32
      %get3A_3259 = arith.constant 0 : i32
      %get3A_3260 = arith.index_cast %get3A_3258 : i32 to index
      %get3A_3261 = arith.index_cast %get3A_3259 : i32 to index
      %get3A_3262 = arith.constant 96 : index
      %get3A_3263 = tpu.vector_load %arg6[%get3A_3260, %get3A_3261, %get3A_3262] {strides = array<i32>} : memref<8x4x128xf32, #tpu.memory_space<vmem>>, vector<1x1x16xf32>,
      %get3A_3264 = vector.shape_cast %get3A_3263 : vector<1x1x16xf32> to vector<16xf32>
      %mul3A_3265 = arith.mulf %exp3A_3257, %get3A_3264 : vector<16xf32>
      %add3A_3266 = arith.addf %add3A_3250, %mul3A_3265 : vector<16xf32>
      %add3A_3267 = arith.addf %add3A_3251, %exp3A_3257 : vector<16xf32>
      %get3A_3268 = arith.constant 5 : i32
      %get3A_3269 = arith.index_cast %get3A_3268 : i32 to index
      %get3A_3270 = arith.constant 96 : index
      %get3A_3271 = tpu.vector_load %arg5[%get3A_3269, %get3A_3270] {strides = array<i32>} : memref<32x128xf32, #tpu.memory_space<vmem>>, vector<1x16xf32>,
      %get3A_3272 = vector.shape_cast %get3A_3271 : vector<1x16xf32> to vector<16xf32>
      %exp3A_3273 = math.exp %get3A_3272 : vector<16xf32>
      %get3A_3274 = arith.constant 5 : i32
      %get3A_3275 = arith.constant 0 : i32
      %get3A_3276 = arith.index_cast %get3A_3274 : i32 to index
      %get3A_3277 = arith.index_cast %get3A_3275 : i32 to index
      %get3A_3278 = arith.constant 96 : index
      %get3A_3279 = tpu.vector_load %arg6[%get3A_3276, %get3A_3277, %get3A_3278] {strides = array<i32>} : memref<8x4x128xf32, #tpu.memory_space<vmem>>, vector<1x1x16xf32>,
      %get3A_3280 = vector.shape_cast %get3A_3279 : vector<1x1x16xf32> to vector<16xf32>
      %mul3A_3281 = arith.mulf %exp3A_3273, %get3A_3280 : vector<16xf32>
      %add3A_3282 = arith.addf %add3A_3266, %mul3A_3281 : vector<16xf32>
      %add3A_3283 = arith.addf %add3A_3267, %exp3A_3273 : vector<16xf32>
      %get3A_3284 = arith.constant 6 : i32
      %get3A_3285 = arith.index_cast %get3A_3284 : i32 to index
      %get3A_3286 = arith.constant 96 : index
      %get3A_3287 = tpu.vector_load %arg5[%get3A_3285, %get3A_3286] {strides = array<i32>} : memref<32x128xf32, #tpu.memory_space<vmem>>, vector<1x16xf32>,
      %get3A_3288 = vector.shape_cast %get3A_3287 : vector<1x16xf32> to vector<16xf32>
      %exp3A_3289 = math.exp %get3A_3288 : vector<16xf32>
      %get3A_3290 = arith.constant 6 : i32
      %get3A_3291 = arith.constant 0 : i32
      %get3A_3292 = arith.index_cast %get3A_3290 : i32 to index
      %get3A_3293 = arith.index_cast %get3A_3291 : i32 to index
      %get3A_3294 = arith.constant 96 : index
      %get3A_3295 = tpu.vector_load %arg6[%get3A_3292, %get3A_3293, %get3A_3294] {strides = array<i32>} : memref<8x4x128xf32, #tpu.memory_space<vmem>>, vector<1x1x16xf32>,
      %get3A_3296 = vector.shape_cast %get3A_3295 : vector<1x1x16xf32> to vector<16xf32>
      %mul3A_3297 = arith.mulf %exp3A_3289, %get3A_3296 : vector<16xf32>
      %add3A_3298 = arith.addf %add3A_3282, %mul3A_3297 : vector<16xf32>
      %add3A_3299 = arith.addf %add3A_3283, %exp3A_3289 : vector<16xf32>
      %get3A_3300 = arith.constant 7 : i32
      %get3A_3301 = arith.index_cast %get3A_3300 : i32 to index
      %get3A_3302 = arith.constant 96 : index
      %get3A_3303 = tpu.vector_load %arg5[%get3A_3301, %get3A_3302] {strides = array<i32>} : memref<32x128xf32, #tpu.memory_space<vmem>>, vector<1x16xf32>,
      %get3A_3304 = vector.shape_cast %get3A_3303 : vector<1x16xf32> to vector<16xf32>
      %exp3A_3305 = math.exp %get3A_3304 : vector<16xf32>
      %get3A_3306 = arith.constant 7 : i32
      %get3A_3307 = arith.constant 0 : i32
      %get3A_3308 = arith.index_cast %get3A_3306 : i32 to index
      %get3A_3309 = arith.index_cast %get3A_3307 : i32 to index
      %get3A_3310 = arith.constant 96 : index
      %get3A_3311 = tpu.vector_load %arg6[%get3A_3308, %get3A_3309, %get3A_3310] {strides = array<i32>} : memref<8x4x128xf32, #tpu.memory_space<vmem>>, vector<1x1x16xf32>,
      %get3A_3312 = vector.shape_cast %get3A_3311 : vector<1x1x16xf32> to vector<16xf32>
      %mul3A_3313 = arith.mulf %exp3A_3305, %get3A_3312 : vector<16xf32>
      %add3A_3314 = arith.addf %add3A_3298, %mul3A_3313 : vector<16xf32>
      %add3A_3315 = arith.addf %add3A_3299, %exp3A_3305 : vector<16xf32>
      %div3A_3316 = arith.divf %add3A_3314, %add3A_3315 : vector<16xf32>
      %swap3A_3317 = arith.constant 0 : i32
      %swap3A_3318 = arith.index_cast %swap3A_3317 : i32 to index
      %swap3A_3319 = arith.constant 96 : index
      %swap3A_3320 = tpu.vector_load %arg7[%swap3A_3318, %swap3A_3319] {strides = array<i32>} : memref<4x128xf32, #tpu.memory_space<vmem>>, vector<1x16xf32>,
      %swap3A_3321 = vector.shape_cast %swap3A_3320 : vector<1x16xf32> to vector<16xf32>
      %swap3A_3322 = vector.shape_cast %div3A_3316 : vector<16xf32> to vector<1x16xf32>
      tpu.vector_store %arg7[%swap3A_3318, %swap3A_3319], %swap3A_3322 {strides = array<i32>} : memref<4x128xf32, #tpu.memory_space<vmem>>, vector<1x16xf32>,
      %get3A_3323 = arith.constant 8 : i32
      %get3A_3324 = arith.index_cast %get3A_3323 : i32 to index
      %get3A_3325 = arith.constant 96 : index
      %get3A_3326 = tpu.vector_load %arg5[%get3A_3324, %get3A_3325] {strides = array<i32>} : memref<32x128xf32, #tpu.memory_space<vmem>>, vector<1x16xf32>,
      %get3A_3327 = vector.shape_cast %get3A_3326 : vector<1x16xf32> to vector<16xf32>
      %exp3A_3328 = math.exp %get3A_3327 : vector<16xf32>
      %get3A_3329 = arith.constant 0 : i32
      %get3A_3330 = arith.constant 1 : i32
      %get3A_3331 = arith.index_cast %get3A_3329 : i32 to index
      %get3A_3332 = arith.index_cast %get3A_3330 : i32 to index
      %get3A_3333 = arith.constant 96 : index
      %get3A_3334 = tpu.vector_load %arg6[%get3A_3331, %get3A_3332, %get3A_3333] {strides = array<i32>} : memref<8x4x128xf32, #tpu.memory_space<vmem>>, vector<1x1x16xf32>,
      %get3A_3335 = vector.shape_cast %get3A_3334 : vector<1x1x16xf32> to vector<16xf32>
      %mul3A_3336 = arith.mulf %exp3A_3328, %get3A_3335 : vector<16xf32>
      %get3A_3337 = arith.constant 9 : i32
      %get3A_3338 = arith.index_cast %get3A_3337 : i32 to index
      %get3A_3339 = arith.constant 96 : index
      %get3A_3340 = tpu.vector_load %arg5[%get3A_3338, %get3A_3339] {strides = array<i32>} : memref<32x128xf32, #tpu.memory_space<vmem>>, vector<1x16xf32>,
      %get3A_3341 = vector.shape_cast %get3A_3340 : vector<1x16xf32> to vector<16xf32>
      %exp3A_3342 = math.exp %get3A_3341 : vector<16xf32>
      %get3A_3343 = arith.constant 1 : i32
      %get3A_3344 = arith.constant 1 : i32
      %get3A_3345 = arith.index_cast %get3A_3343 : i32 to index
      %get3A_3346 = arith.index_cast %get3A_3344 : i32 to index
      %get3A_3347 = arith.constant 96 : index
      %get3A_3348 = tpu.vector_load %arg6[%get3A_3345, %get3A_3346, %get3A_3347] {strides = array<i32>} : memref<8x4x128xf32, #tpu.memory_space<vmem>>, vector<1x1x16xf32>,
      %get3A_3349 = vector.shape_cast %get3A_3348 : vector<1x1x16xf32> to vector<16xf32>
      %mul3A_3350 = arith.mulf %exp3A_3342, %get3A_3349 : vector<16xf32>
      %add3A_3351 = arith.addf %mul3A_3336, %mul3A_3350 : vector<16xf32>
      %add3A_3352 = arith.addf %exp3A_3328, %exp3A_3342 : vector<16xf32>
      %get3A_3353 = arith.constant 10 : i32
      %get3A_3354 = arith.index_cast %get3A_3353 : i32 to index
      %get3A_3355 = arith.constant 96 : index
      %get3A_3356 = tpu.vector_load %arg5[%get3A_3354, %get3A_3355] {strides = array<i32>} : memref<32x128xf32, #tpu.memory_space<vmem>>, vector<1x16xf32>,
      %get3A_3357 = vector.shape_cast %get3A_3356 : vector<1x16xf32> to vector<16xf32>
      %exp3A_3358 = math.exp %get3A_3357 : vector<16xf32>
      %get3A_3359 = arith.constant 2 : i32
      %get3A_3360 = arith.constant 1 : i32
      %get3A_3361 = arith.index_cast %get3A_3359 : i32 to index
      %get3A_3362 = arith.index_cast %get3A_3360 : i32 to index
      %get3A_3363 = arith.constant 96 : index
      %get3A_3364 = tpu.vector_load %arg6[%get3A_3361, %get3A_3362, %get3A_3363] {strides = array<i32>} : memref<8x4x128xf32, #tpu.memory_space<vmem>>, vector<1x1x16xf32>,
      %get3A_3365 = vector.shape_cast %get3A_3364 : vector<1x1x16xf32> to vector<16xf32>
      %mul3A_3366 = arith.mulf %exp3A_3358, %get3A_3365 : vector<16xf32>
      %add3A_3367 = arith.addf %add3A_3351, %mul3A_3366 : vector<16xf32>
      %add3A_3368 = arith.addf %add3A_3352, %exp3A_3358 : vector<16xf32>
      %get3A_3369 = arith.constant 11 : i32
      %get3A_3370 = arith.index_cast %get3A_3369 : i32 to index
      %get3A_3371 = arith.constant 96 : index
      %get3A_3372 = tpu.vector_load %arg5[%get3A_3370, %get3A_3371] {strides = array<i32>} : memref<32x128xf32, #tpu.memory_space<vmem>>, vector<1x16xf32>,
      %get3A_3373 = vector.shape_cast %get3A_3372 : vector<1x16xf32> to vector<16xf32>
      %exp3A_3374 = math.exp %get3A_3373 : vector<16xf32>
      %get3A_3375 = arith.constant 3 : i32
      %get3A_3376 = arith.constant 1 : i32
      %get3A_3377 = arith.index_cast %get3A_3375 : i32 to index
      %get3A_3378 = arith.index_cast %get3A_3376 : i32 to index
      %get3A_3379 = arith.constant 96 : index
      %get3A_3380 = tpu.vector_load %arg6[%get3A_3377, %get3A_3378, %get3A_3379] {strides = array<i32>} : memref<8x4x128xf32, #tpu.memory_space<vmem>>, vector<1x1x16xf32>,
      %get3A_3381 = vector.shape_cast %get3A_3380 : vector<1x1x16xf32> to vector<16xf32>
      %mul3A_3382 = arith.mulf %exp3A_3374, %get3A_3381 : vector<16xf32>
      %add3A_3383 = arith.addf %add3A_3367, %mul3A_3382 : vector<16xf32>
      %add3A_3384 = arith.addf %add3A_3368, %exp3A_3374 : vector<16xf32>
      %get3A_3385 = arith.constant 12 : i32
      %get3A_3386 = arith.index_cast %get3A_3385 : i32 to index
      %get3A_3387 = arith.constant 96 : index
      %get3A_3388 = tpu.vector_load %arg5[%get3A_3386, %get3A_3387] {strides = array<i32>} : memref<32x128xf32, #tpu.memory_space<vmem>>, vector<1x16xf32>,
      %get3A_3389 = vector.shape_cast %get3A_3388 : vector<1x16xf32> to vector<16xf32>
      %exp3A_3390 = math.exp %get3A_3389 : vector<16xf32>
      %get3A_3391 = arith.constant 4 : i32
      %get3A_3392 = arith.constant 1 : i32
      %get3A_3393 = arith.index_cast %get3A_3391 : i32 to index
      %get3A_3394 = arith.index_cast %get3A_3392 : i32 to index
      %get3A_3395 = arith.constant 96 : index
      %get3A_3396 = tpu.vector_load %arg6[%get3A_3393, %get3A_3394, %get3A_3395] {strides = array<i32>} : memref<8x4x128xf32, #tpu.memory_space<vmem>>, vector<1x1x16xf32>,
      %get3A_3397 = vector.shape_cast %get3A_3396 : vector<1x1x16xf32> to vector<16xf32>
      %mul3A_3398 = arith.mulf %exp3A_3390, %get3A_3397 : vector<16xf32>
      %add3A_3399 = arith.addf %add3A_3383, %mul3A_3398 : vector<16xf32>
      %add3A_3400 = arith.addf %add3A_3384, %exp3A_3390 : vector<16xf32>
      %get3A_3401 = arith.constant 13 : i32
      %get3A_3402 = arith.index_cast %get3A_3401 : i32 to index
      %get3A_3403 = arith.constant 96 : index
      %get3A_3404 = tpu.vector_load %arg5[%get3A_3402, %get3A_3403] {strides = array<i32>} : memref<32x128xf32, #tpu.memory_space<vmem>>, vector<1x16xf32>,
      %get3A_3405 = vector.shape_cast %get3A_3404 : vector<1x16xf32> to vector<16xf32>
      %exp3A_3406 = math.exp %get3A_3405 : vector<16xf32>
      %get3A_3407 = arith.constant 5 : i32
      %get3A_3408 = arith.constant 1 : i32
      %get3A_3409 = arith.index_cast %get3A_3407 : i32 to index
      %get3A_3410 = arith.index_cast %get3A_3408 : i32 to index
      %get3A_3411 = arith.constant 96 : index
      %get3A_3412 = tpu.vector_load %arg6[%get3A_3409, %get3A_3410, %get3A_3411] {strides = array<i32>} : memref<8x4x128xf32, #tpu.memory_space<vmem>>, vector<1x1x16xf32>,
      %get3A_3413 = vector.shape_cast %get3A_3412 : vector<1x1x16xf32> to vector<16xf32>
      %mul3A_3414 = arith.mulf %exp3A_3406, %get3A_3413 : vector<16xf32>
      %add3A_3415 = arith.addf %add3A_3399, %mul3A_3414 : vector<16xf32>
      %add3A_3416 = arith.addf %add3A_3400, %exp3A_3406 : vector<16xf32>
      %get3A_3417 = arith.constant 14 : i32
      %get3A_3418 = arith.index_cast %get3A_3417 : i32 to index
      %get3A_3419 = arith.constant 96 : index
      %get3A_3420 = tpu.vector_load %arg5[%get3A_3418, %get3A_3419] {strides = array<i32>} : memref<32x128xf32, #tpu.memory_space<vmem>>, vector<1x16xf32>,
      %get3A_3421 = vector.shape_cast %get3A_3420 : vector<1x16xf32> to vector<16xf32>
      %exp3A_3422 = math.exp %get3A_3421 : vector<16xf32>
      %get3A_3423 = arith.constant 6 : i32
      %get3A_3424 = arith.constant 1 : i32
      %get3A_3425 = arith.index_cast %get3A_3423 : i32 to index
      %get3A_3426 = arith.index_cast %get3A_3424 : i32 to index
      %get3A_3427 = arith.constant 96 : index
      %get3A_3428 = tpu.vector_load %arg6[%get3A_3425, %get3A_3426, %get3A_3427] {strides = array<i32>} : memref<8x4x128xf32, #tpu.memory_space<vmem>>, vector<1x1x16xf32>,
      %get3A_3429 = vector.shape_cast %get3A_3428 : vector<1x1x16xf32> to vector<16xf32>
      %mul3A_3430 = arith.mulf %exp3A_3422, %get3A_3429 : vector<16xf32>
      %add3A_3431 = arith.addf %add3A_3415, %mul3A_3430 : vector<16xf32>
      %add3A_3432 = arith.addf %add3A_3416, %exp3A_3422 : vector<16xf32>
      %get3A_3433 = arith.constant 15 : i32
      %get3A_3434 = arith.index_cast %get3A_3433 : i32 to index
      %get3A_3435 = arith.constant 96 : index
      %get3A_3436 = tpu.vector_load %arg5[%get3A_3434, %get3A_3435] {strides = array<i32>} : memref<32x128xf32, #tpu.memory_space<vmem>>, vector<1x16xf32>,
      %get3A_3437 = vector.shape_cast %get3A_3436 : vector<1x16xf32> to vector<16xf32>
      %exp3A_3438 = math.exp %get3A_3437 : vector<16xf32>
      %get3A_3439 = arith.constant 7 : i32
      %get3A_3440 = arith.constant 1 : i32
      %get3A_3441 = arith.index_cast %get3A_3439 : i32 to index
      %get3A_3442 = arith.index_cast %get3A_3440 : i32 to index
      %get3A_3443 = arith.constant 96 : index
      %get3A_3444 = tpu.vector_load %arg6[%get3A_3441, %get3A_3442, %get3A_3443] {strides = array<i32>} : memref<8x4x128xf32, #tpu.memory_space<vmem>>, vector<1x1x16xf32>,
      %get3A_3445 = vector.shape_cast %get3A_3444 : vector<1x1x16xf32> to vector<16xf32>
      %mul3A_3446 = arith.mulf %exp3A_3438, %get3A_3445 : vector<16xf32>
      %add3A_3447 = arith.addf %add3A_3431, %mul3A_3446 : vector<16xf32>
      %add3A_3448 = arith.addf %add3A_3432, %exp3A_3438 : vector<16xf32>
      %div3A_3449 = arith.divf %add3A_3447, %add3A_3448 : vector<16xf32>
      %swap3A_3450 = arith.constant 1 : i32
      %swap3A_3451 = arith.index_cast %swap3A_3450 : i32 to index
      %swap3A_3452 = arith.constant 96 : index
      %swap3A_3453 = tpu.vector_load %arg7[%swap3A_3451, %swap3A_3452] {strides = array<i32>} : memref<4x128xf32, #tpu.memory_space<vmem>>, vector<1x16xf32>,
      %swap3A_3454 = vector.shape_cast %swap3A_3453 : vector<1x16xf32> to vector<16xf32>
      %swap3A_3455 = vector.shape_cast %div3A_3449 : vector<16xf32> to vector<1x16xf32>
      tpu.vector_store %arg7[%swap3A_3451, %swap3A_3452], %swap3A_3455 {strides = array<i32>} : memref<4x128xf32, #tpu.memory_space<vmem>>, vector<1x16xf32>,
      %get3A_3456 = arith.constant 16 : i32
      %get3A_3457 = arith.index_cast %get3A_3456 : i32 to index
      %get3A_3458 = arith.constant 96 : index
      %get3A_3459 = tpu.vector_load %arg5[%get3A_3457, %get3A_3458] {strides = array<i32>} : memref<32x128xf32, #tpu.memory_space<vmem>>, vector<1x16xf32>,
      %get3A_3460 = vector.shape_cast %get3A_3459 : vector<1x16xf32> to vector<16xf32>
      %exp3A_3461 = math.exp %get3A_3460 : vector<16xf32>
      %get3A_3462 = arith.constant 0 : i32
      %get3A_3463 = arith.constant 2 : i32
      %get3A_3464 = arith.index_cast %get3A_3462 : i32 to index
      %get3A_3465 = arith.index_cast %get3A_3463 : i32 to index
      %get3A_3466 = arith.constant 96 : index
      %get3A_3467 = tpu.vector_load %arg6[%get3A_3464, %get3A_3465, %get3A_3466] {strides = array<i32>} : memref<8x4x128xf32, #tpu.memory_space<vmem>>, vector<1x1x16xf32>,
      %get3A_3468 = vector.shape_cast %get3A_3467 : vector<1x1x16xf32> to vector<16xf32>
      %mul3A_3469 = arith.mulf %exp3A_3461, %get3A_3468 : vector<16xf32>
      %get3A_3470 = arith.constant 17 : i32
      %get3A_3471 = arith.index_cast %get3A_3470 : i32 to index
      %get3A_3472 = arith.constant 96 : index
      %get3A_3473 = tpu.vector_load %arg5[%get3A_3471, %get3A_3472] {strides = array<i32>} : memref<32x128xf32, #tpu.memory_space<vmem>>, vector<1x16xf32>,
      %get3A_3474 = vector.shape_cast %get3A_3473 : vector<1x16xf32> to vector<16xf32>
      %exp3A_3475 = math.exp %get3A_3474 : vector<16xf32>
      %get3A_3476 = arith.constant 1 : i32
      %get3A_3477 = arith.constant 2 : i32
      %get3A_3478 = arith.index_cast %get3A_3476 : i32 to index
      %get3A_3479 = arith.index_cast %get3A_3477 : i32 to index
      %get3A_3480 = arith.constant 96 : index
      %get3A_3481 = tpu.vector_load %arg6[%get3A_3478, %get3A_3479, %get3A_3480] {strides = array<i32>} : memref<8x4x128xf32, #tpu.memory_space<vmem>>, vector<1x1x16xf32>,
      %get3A_3482 = vector.shape_cast %get3A_3481 : vector<1x1x16xf32> to vector<16xf32>
      %mul3A_3483 = arith.mulf %exp3A_3475, %get3A_3482 : vector<16xf32>
      %add3A_3484 = arith.addf %mul3A_3469, %mul3A_3483 : vector<16xf32>
      %add3A_3485 = arith.addf %exp3A_3461, %exp3A_3475 : vector<16xf32>
      %get3A_3486 = arith.constant 18 : i32
      %get3A_3487 = arith.index_cast %get3A_3486 : i32 to index
      %get3A_3488 = arith.constant 96 : index
      %get3A_3489 = tpu.vector_load %arg5[%get3A_3487, %get3A_3488] {strides = array<i32>} : memref<32x128xf32, #tpu.memory_space<vmem>>, vector<1x16xf32>,
      %get3A_3490 = vector.shape_cast %get3A_3489 : vector<1x16xf32> to vector<16xf32>
      %exp3A_3491 = math.exp %get3A_3490 : vector<16xf32>
      %get3A_3492 = arith.constant 2 : i32
      %get3A_3493 = arith.constant 2 : i32
      %get3A_3494 = arith.index_cast %get3A_3492 : i32 to index
      %get3A_3495 = arith.index_cast %get3A_3493 : i32 to index
      %get3A_3496 = arith.constant 96 : index
      %get3A_3497 = tpu.vector_load %arg6[%get3A_3494, %get3A_3495, %get3A_3496] {strides = array<i32>} : memref<8x4x128xf32, #tpu.memory_space<vmem>>, vector<1x1x16xf32>,
      %get3A_3498 = vector.shape_cast %get3A_3497 : vector<1x1x16xf32> to vector<16xf32>
      %mul3A_3499 = arith.mulf %exp3A_3491, %get3A_3498 : vector<16xf32>
      %add3A_3500 = arith.addf %add3A_3484, %mul3A_3499 : vector<16xf32>
      %add3A_3501 = arith.addf %add3A_3485, %exp3A_3491 : vector<16xf32>
      %get3A_3502 = arith.constant 19 : i32
      %get3A_3503 = arith.index_cast %get3A_3502 : i32 to index
      %get3A_3504 = arith.constant 96 : index
      %get3A_3505 = tpu.vector_load %arg5[%get3A_3503, %get3A_3504] {strides = array<i32>} : memref<32x128xf32, #tpu.memory_space<vmem>>, vector<1x16xf32>,
      %get3A_3506 = vector.shape_cast %get3A_3505 : vector<1x16xf32> to vector<16xf32>
      %exp3A_3507 = math.exp %get3A_3506 : vector<16xf32>
      %get3A_3508 = arith.constant 3 : i32
      %get3A_3509 = arith.constant 2 : i32
      %get3A_3510 = arith.index_cast %get3A_3508 : i32 to index
      %get3A_3511 = arith.index_cast %get3A_3509 : i32 to index
      %get3A_3512 = arith.constant 96 : index
      %get3A_3513 = tpu.vector_load %arg6[%get3A_3510, %get3A_3511, %get3A_3512] {strides = array<i32>} : memref<8x4x128xf32, #tpu.memory_space<vmem>>, vector<1x1x16xf32>,
      %get3A_3514 = vector.shape_cast %get3A_3513 : vector<1x1x16xf32> to vector<16xf32>
      %mul3A_3515 = arith.mulf %exp3A_3507, %get3A_3514 : vector<16xf32>
      %add3A_3516 = arith.addf %add3A_3500, %mul3A_3515 : vector<16xf32>
      %add3A_3517 = arith.addf %add3A_3501, %exp3A_3507 : vector<16xf32>
      %get3A_3518 = arith.constant 20 : i32
      %get3A_3519 = arith.index_cast %get3A_3518 : i32 to index
      %get3A_3520 = arith.constant 96 : index
      %get3A_3521 = tpu.vector_load %arg5[%get3A_3519, %get3A_3520] {strides = array<i32>} : memref<32x128xf32, #tpu.memory_space<vmem>>, vector<1x16xf32>,
      %get3A_3522 = vector.shape_cast %get3A_3521 : vector<1x16xf32> to vector<16xf32>
      %exp3A_3523 = math.exp %get3A_3522 : vector<16xf32>
      %get3A_3524 = arith.constant 4 : i32
      %get3A_3525 = arith.constant 2 : i32
      %get3A_3526 = arith.index_cast %get3A_3524 : i32 to index
      %get3A_3527 = arith.index_cast %get3A_3525 : i32 to index
      %get3A_3528 = arith.constant 96 : index
      %get3A_3529 = tpu.vector_load %arg6[%get3A_3526, %get3A_3527, %get3A_3528] {strides = array<i32>} : memref<8x4x128xf32, #tpu.memory_space<vmem>>, vector<1x1x16xf32>,
      %get3A_3530 = vector.shape_cast %get3A_3529 : vector<1x1x16xf32> to vector<16xf32>
      %mul3A_3531 = arith.mulf %exp3A_3523, %get3A_3530 : vector<16xf32>
      %add3A_3532 = arith.addf %add3A_3516, %mul3A_3531 : vector<16xf32>
      %add3A_3533 = arith.addf %add3A_3517, %exp3A_3523 : vector<16xf32>
      %get3A_3534 = arith.constant 21 : i32
      %get3A_3535 = arith.index_cast %get3A_3534 : i32 to index
      %get3A_3536 = arith.constant 96 : index
      %get3A_3537 = tpu.vector_load %arg5[%get3A_3535, %get3A_3536] {strides = array<i32>} : memref<32x128xf32, #tpu.memory_space<vmem>>, vector<1x16xf32>,
      %get3A_3538 = vector.shape_cast %get3A_3537 : vector<1x16xf32> to vector<16xf32>
      %exp3A_3539 = math.exp %get3A_3538 : vector<16xf32>
      %get3A_3540 = arith.constant 5 : i32
      %get3A_3541 = arith.constant 2 : i32
      %get3A_3542 = arith.index_cast %get3A_3540 : i32 to index
      %get3A_3543 = arith.index_cast %get3A_3541 : i32 to index
      %get3A_3544 = arith.constant 96 : index
      %get3A_3545 = tpu.vector_load %arg6[%get3A_3542, %get3A_3543, %get3A_3544] {strides = array<i32>} : memref<8x4x128xf32, #tpu.memory_space<vmem>>, vector<1x1x16xf32>,
      %get3A_3546 = vector.shape_cast %get3A_3545 : vector<1x1x16xf32> to vector<16xf32>
      %mul3A_3547 = arith.mulf %exp3A_3539, %get3A_3546 : vector<16xf32>
      %add3A_3548 = arith.addf %add3A_3532, %mul3A_3547 : vector<16xf32>
      %add3A_3549 = arith.addf %add3A_3533, %exp3A_3539 : vector<16xf32>
      %get3A_3550 = arith.constant 22 : i32
      %get3A_3551 = arith.index_cast %get3A_3550 : i32 to index
      %get3A_3552 = arith.constant 96 : index
      %get3A_3553 = tpu.vector_load %arg5[%get3A_3551, %get3A_3552] {strides = array<i32>} : memref<32x128xf32, #tpu.memory_space<vmem>>, vector<1x16xf32>,
      %get3A_3554 = vector.shape_cast %get3A_3553 : vector<1x16xf32> to vector<16xf32>
      %exp3A_3555 = math.exp %get3A_3554 : vector<16xf32>
      %get3A_3556 = arith.constant 6 : i32
      %get3A_3557 = arith.constant 2 : i32
      %get3A_3558 = arith.index_cast %get3A_3556 : i32 to index
      %get3A_3559 = arith.index_cast %get3A_3557 : i32 to index
      %get3A_3560 = arith.constant 96 : index
      %get3A_3561 = tpu.vector_load %arg6[%get3A_3558, %get3A_3559, %get3A_3560] {strides = array<i32>} : memref<8x4x128xf32, #tpu.memory_space<vmem>>, vector<1x1x16xf32>,
      %get3A_3562 = vector.shape_cast %get3A_3561 : vector<1x1x16xf32> to vector<16xf32>
      %mul3A_3563 = arith.mulf %exp3A_3555, %get3A_3562 : vector<16xf32>
      %add3A_3564 = arith.addf %add3A_3548, %mul3A_3563 : vector<16xf32>
      %add3A_3565 = arith.addf %add3A_3549, %exp3A_3555 : vector<16xf32>
      %get3A_3566 = arith.constant 23 : i32
      %get3A_3567 = arith.index_cast %get3A_3566 : i32 to index
      %get3A_3568 = arith.constant 96 : index
      %get3A_3569 = tpu.vector_load %arg5[%get3A_3567, %get3A_3568] {strides = array<i32>} : memref<32x128xf32, #tpu.memory_space<vmem>>, vector<1x16xf32>,
      %get3A_3570 = vector.shape_cast %get3A_3569 : vector<1x16xf32> to vector<16xf32>
      %exp3A_3571 = math.exp %get3A_3570 : vector<16xf32>
      %get3A_3572 = arith.constant 7 : i32
      %get3A_3573 = arith.constant 2 : i32
      %get3A_3574 = arith.index_cast %get3A_3572 : i32 to index
      %get3A_3575 = arith.index_cast %get3A_3573 : i32 to index
      %get3A_3576 = arith.constant 96 : index
      %get3A_3577 = tpu.vector_load %arg6[%get3A_3574, %get3A_3575, %get3A_3576] {strides = array<i32>} : memref<8x4x128xf32, #tpu.memory_space<vmem>>, vector<1x1x16xf32>,
      %get3A_3578 = vector.shape_cast %get3A_3577 : vector<1x1x16xf32> to vector<16xf32>
      %mul3A_3579 = arith.mulf %exp3A_3571, %get3A_3578 : vector<16xf32>
      %add3A_3580 = arith.addf %add3A_3564, %mul3A_3579 : vector<16xf32>
      %add3A_3581 = arith.addf %add3A_3565, %exp3A_3571 : vector<16xf32>
      %div3A_3582 = arith.divf %add3A_3580, %add3A_3581 : vector<16xf32>
      %swap3A_3583 = arith.constant 2 : i32
      %swap3A_3584 = arith.index_cast %swap3A_3583 : i32 to index
      %swap3A_3585 = arith.constant 96 : index
      %swap3A_3586 = tpu.vector_load %arg7[%swap3A_3584, %swap3A_3585] {strides = array<i32>} : memref<4x128xf32, #tpu.memory_space<vmem>>, vector<1x16xf32>,
      %swap3A_3587 = vector.shape_cast %swap3A_3586 : vector<1x16xf32> to vector<16xf32>
      %swap3A_3588 = vector.shape_cast %div3A_3582 : vector<16xf32> to vector<1x16xf32>
      tpu.vector_store %arg7[%swap3A_3584, %swap3A_3585], %swap3A_3588 {strides = array<i32>} : memref<4x128xf32, #tpu.memory_space<vmem>>, vector<1x16xf32>,
      %get3A_3589 = arith.constant 24 : i32
      %get3A_3590 = arith.index_cast %get3A_3589 : i32 to index
      %get3A_3591 = arith.constant 96 : index
      %get3A_3592 = tpu.vector_load %arg5[%get3A_3590, %get3A_3591] {strides = array<i32>} : memref<32x128xf32, #tpu.memory_space<vmem>>, vector<1x16xf32>,
      %get3A_3593 = vector.shape_cast %get3A_3592 : vector<1x16xf32> to vector<16xf32>
      %exp3A_3594 = math.exp %get3A_3593 : vector<16xf32>
      %get3A_3595 = arith.constant 0 : i32
      %get3A_3596 = arith.constant 3 : i32
      %get3A_3597 = arith.index_cast %get3A_3595 : i32 to index
      %get3A_3598 = arith.index_cast %get3A_3596 : i32 to index
      %get3A_3599 = arith.constant 96 : index
      %get3A_3600 = tpu.vector_load %arg6[%get3A_3597, %get3A_3598, %get3A_3599] {strides = array<i32>} : memref<8x4x128xf32, #tpu.memory_space<vmem>>, vector<1x1x16xf32>,
      %get3A_3601 = vector.shape_cast %get3A_3600 : vector<1x1x16xf32> to vector<16xf32>
      %mul3A_3602 = arith.mulf %exp3A_3594, %get3A_3601 : vector<16xf32>
      %get3A_3603 = arith.constant 25 : i32
      %get3A_3604 = arith.index_cast %get3A_3603 : i32 to index
      %get3A_3605 = arith.constant 96 : index
      %get3A_3606 = tpu.vector_load %arg5[%get3A_3604, %get3A_3605] {strides = array<i32>} : memref<32x128xf32, #tpu.memory_space<vmem>>, vector<1x16xf32>,
      %get3A_3607 = vector.shape_cast %get3A_3606 : vector<1x16xf32> to vector<16xf32>
      %exp3A_3608 = math.exp %get3A_3607 : vector<16xf32>
      %get3A_3609 = arith.constant 1 : i32
      %get3A_3610 = arith.constant 3 : i32
      %get3A_3611 = arith.index_cast %get3A_3609 : i32 to index
      %get3A_3612 = arith.index_cast %get3A_3610 : i32 to index
      %get3A_3613 = arith.constant 96 : index
      %get3A_3614 = tpu.vector_load %arg6[%get3A_3611, %get3A_3612, %get3A_3613] {strides = array<i32>} : memref<8x4x128xf32, #tpu.memory_space<vmem>>, vector<1x1x16xf32>,
      %get3A_3615 = vector.shape_cast %get3A_3614 : vector<1x1x16xf32> to vector<16xf32>
      %mul3A_3616 = arith.mulf %exp3A_3608, %get3A_3615 : vector<16xf32>
      %add3A_3617 = arith.addf %mul3A_3602, %mul3A_3616 : vector<16xf32>
      %add3A_3618 = arith.addf %exp3A_3594, %exp3A_3608 : vector<16xf32>
      %get3A_3619 = arith.constant 26 : i32
      %get3A_3620 = arith.index_cast %get3A_3619 : i32 to index
      %get3A_3621 = arith.constant 96 : index
      %get3A_3622 = tpu.vector_load %arg5[%get3A_3620, %get3A_3621] {strides = array<i32>} : memref<32x128xf32, #tpu.memory_space<vmem>>, vector<1x16xf32>,
      %get3A_3623 = vector.shape_cast %get3A_3622 : vector<1x16xf32> to vector<16xf32>
      %exp3A_3624 = math.exp %get3A_3623 : vector<16xf32>
      %get3A_3625 = arith.constant 2 : i32
      %get3A_3626 = arith.constant 3 : i32
      %get3A_3627 = arith.index_cast %get3A_3625 : i32 to index
      %get3A_3628 = arith.index_cast %get3A_3626 : i32 to index
      %get3A_3629 = arith.constant 96 : index
      %get3A_3630 = tpu.vector_load %arg6[%get3A_3627, %get3A_3628, %get3A_3629] {strides = array<i32>} : memref<8x4x128xf32, #tpu.memory_space<vmem>>, vector<1x1x16xf32>,
      %get3A_3631 = vector.shape_cast %get3A_3630 : vector<1x1x16xf32> to vector<16xf32>
      %mul3A_3632 = arith.mulf %exp3A_3624, %get3A_3631 : vector<16xf32>
      %add3A_3633 = arith.addf %add3A_3617, %mul3A_3632 : vector<16xf32>
      %add3A_3634 = arith.addf %add3A_3618, %exp3A_3624 : vector<16xf32>
      %get3A_3635 = arith.constant 27 : i32
      %get3A_3636 = arith.index_cast %get3A_3635 : i32 to index
      %get3A_3637 = arith.constant 96 : index
      %get3A_3638 = tpu.vector_load %arg5[%get3A_3636, %get3A_3637] {strides = array<i32>} : memref<32x128xf32, #tpu.memory_space<vmem>>, vector<1x16xf32>,
      %get3A_3639 = vector.shape_cast %get3A_3638 : vector<1x16xf32> to vector<16xf32>
      %exp3A_3640 = math.exp %get3A_3639 : vector<16xf32>
      %get3A_3641 = arith.constant 3 : i32
      %get3A_3642 = arith.constant 3 : i32
      %get3A_3643 = arith.index_cast %get3A_3641 : i32 to index
      %get3A_3644 = arith.index_cast %get3A_3642 : i32 to index
      %get3A_3645 = arith.constant 96 : index
      %get3A_3646 = tpu.vector_load %arg6[%get3A_3643, %get3A_3644, %get3A_3645] {strides = array<i32>} : memref<8x4x128xf32, #tpu.memory_space<vmem>>, vector<1x1x16xf32>,
      %get3A_3647 = vector.shape_cast %get3A_3646 : vector<1x1x16xf32> to vector<16xf32>
      %mul3A_3648 = arith.mulf %exp3A_3640, %get3A_3647 : vector<16xf32>
      %add3A_3649 = arith.addf %add3A_3633, %mul3A_3648 : vector<16xf32>
      %add3A_3650 = arith.addf %add3A_3634, %exp3A_3640 : vector<16xf32>
      %get3A_3651 = arith.constant 28 : i32
      %get3A_3652 = arith.index_cast %get3A_3651 : i32 to index
      %get3A_3653 = arith.constant 96 : index
      %get3A_3654 = tpu.vector_load %arg5[%get3A_3652, %get3A_3653] {strides = array<i32>} : memref<32x128xf32, #tpu.memory_space<vmem>>, vector<1x16xf32>,
      %get3A_3655 = vector.shape_cast %get3A_3654 : vector<1x16xf32> to vector<16xf32>
      %exp3A_3656 = math.exp %get3A_3655 : vector<16xf32>
      %get3A_3657 = arith.constant 4 : i32
      %get3A_3658 = arith.constant 3 : i32
      %get3A_3659 = arith.index_cast %get3A_3657 : i32 to index
      %get3A_3660 = arith.index_cast %get3A_3658 : i32 to index
      %get3A_3661 = arith.constant 96 : index
      %get3A_3662 = tpu.vector_load %arg6[%get3A_3659, %get3A_3660, %get3A_3661] {strides = array<i32>} : memref<8x4x128xf32, #tpu.memory_space<vmem>>, vector<1x1x16xf32>,
      %get3A_3663 = vector.shape_cast %get3A_3662 : vector<1x1x16xf32> to vector<16xf32>
      %mul3A_3664 = arith.mulf %exp3A_3656, %get3A_3663 : vector<16xf32>
      %add3A_3665 = arith.addf %add3A_3649, %mul3A_3664 : vector<16xf32>
      %add3A_3666 = arith.addf %add3A_3650, %exp3A_3656 : vector<16xf32>
      %get3A_3667 = arith.constant 29 : i32
      %get3A_3668 = arith.index_cast %get3A_3667 : i32 to index
      %get3A_3669 = arith.constant 96 : index
      %get3A_3670 = tpu.vector_load %arg5[%get3A_3668, %get3A_3669] {strides = array<i32>} : memref<32x128xf32, #tpu.memory_space<vmem>>, vector<1x16xf32>,
      %get3A_3671 = vector.shape_cast %get3A_3670 : vector<1x16xf32> to vector<16xf32>
      %exp3A_3672 = math.exp %get3A_3671 : vector<16xf32>
      %get3A_3673 = arith.constant 5 : i32
      %get3A_3674 = arith.constant 3 : i32
      %get3A_3675 = arith.index_cast %get3A_3673 : i32 to index
      %get3A_3676 = arith.index_cast %get3A_3674 : i32 to index
      %get3A_3677 = arith.constant 96 : index
      %get3A_3678 = tpu.vector_load %arg6[%get3A_3675, %get3A_3676, %get3A_3677] {strides = array<i32>} : memref<8x4x128xf32, #tpu.memory_space<vmem>>, vector<1x1x16xf32>,
      %get3A_3679 = vector.shape_cast %get3A_3678 : vector<1x1x16xf32> to vector<16xf32>
      %mul3A_3680 = arith.mulf %exp3A_3672, %get3A_3679 : vector<16xf32>
      %add3A_3681 = arith.addf %add3A_3665, %mul3A_3680 : vector<16xf32>
      %add3A_3682 = arith.addf %add3A_3666, %exp3A_3672 : vector<16xf32>
      %get3A_3683 = arith.constant 30 : i32
      %get3A_3684 = arith.index_cast %get3A_3683 : i32 to index
      %get3A_3685 = arith.constant 96 : index
      %get3A_3686 = tpu.vector_load %arg5[%get3A_3684, %get3A_3685] {strides = array<i32>} : memref<32x128xf32, #tpu.memory_space<vmem>>, vector<1x16xf32>,
      %get3A_3687 = vector.shape_cast %get3A_3686 : vector<1x16xf32> to vector<16xf32>
      %exp3A_3688 = math.exp %get3A_3687 : vector<16xf32>
      %get3A_3689 = arith.constant 6 : i32
      %get3A_3690 = arith.constant 3 : i32
      %get3A_3691 = arith.index_cast %get3A_3689 : i32 to index
      %get3A_3692 = arith.index_cast %get3A_3690 : i32 to index
      %get3A_3693 = arith.constant 96 : index
      %get3A_3694 = tpu.vector_load %arg6[%get3A_3691, %get3A_3692, %get3A_3693] {strides = array<i32>} : memref<8x4x128xf32, #tpu.memory_space<vmem>>, vector<1x1x16xf32>,
      %get3A_3695 = vector.shape_cast %get3A_3694 : vector<1x1x16xf32> to vector<16xf32>
      %mul3A_3696 = arith.mulf %exp3A_3688, %get3A_3695 : vector<16xf32>
      %add3A_3697 = arith.addf %add3A_3681, %mul3A_3696 : vector<16xf32>
      %add3A_3698 = arith.addf %add3A_3682, %exp3A_3688 : vector<16xf32>
      %get3A_3699 = arith.constant 31 : i32
      %get3A_3700 = arith.index_cast %get3A_3699 : i32 to index
      %get3A_3701 = arith.constant 96 : index
      %get3A_3702 = tpu.vector_load %arg5[%get3A_3700, %get3A_3701] {strides = array<i32>} : memref<32x128xf32, #tpu.memory_space<vmem>>, vector<1x16xf32>,
      %get3A_3703 = vector.shape_cast %get3A_3702 : vector<1x16xf32> to vector<16xf32>
      %exp3A_3704 = math.exp %get3A_3703 : vector<16xf32>
      %get3A_3705 = arith.constant 7 : i32
      %get3A_3706 = arith.constant 3 : i32
      %get3A_3707 = arith.index_cast %get3A_3705 : i32 to index
      %get3A_3708 = arith.index_cast %get3A_3706 : i32 to index
      %get3A_3709 = arith.constant 96 : index
      %get3A_3710 = tpu.vector_load %arg6[%get3A_3707, %get3A_3708, %get3A_3709] {strides = array<i32>} : memref<8x4x128xf32, #tpu.memory_space<vmem>>, vector<1x1x16xf32>,
      %get3A_3711 = vector.shape_cast %get3A_3710 : vector<1x1x16xf32> to vector<16xf32>
      %mul3A_3712 = arith.mulf %exp3A_3704, %get3A_3711 : vector<16xf32>
      %add3A_3713 = arith.addf %add3A_3697, %mul3A_3712 : vector<16xf32>
      %add3A_3714 = arith.addf %add3A_3698, %exp3A_3704 : vector<16xf32>
      %div3A_3715 = arith.divf %add3A_3713, %add3A_3714 : vector<16xf32>
      %swap3A_3716 = arith.constant 3 : i32
      %swap3A_3717 = arith.index_cast %swap3A_3716 : i32 to index
      %swap3A_3718 = arith.constant 96 : index
      %swap3A_3719 = tpu.vector_load %arg7[%swap3A_3717, %swap3A_3718] {strides = array<i32>} : memref<4x128xf32, #tpu.memory_space<vmem>>, vector<1x16xf32>,
      %swap3A_3720 = vector.shape_cast %swap3A_3719 : vector<1x16xf32> to vector<16xf32>
      %swap3A_3721 = vector.shape_cast %div3A_3715 : vector<16xf32> to vector<1x16xf32>
      tpu.vector_store %arg7[%swap3A_3717, %swap3A_3718], %swap3A_3721 {strides = array<i32>} : memref<4x128xf32, #tpu.memory_space<vmem>>, vector<1x16xf32>,
      %get3A_3722 = arith.constant 0 : i32
      %get3A_3723 = arith.index_cast %get3A_3722 : i32 to index
      %get3A_3724 = arith.constant 112 : index
      %get3A_3725 = tpu.vector_load %arg5[%get3A_3723, %get3A_3724] {strides = array<i32>} : memref<32x128xf32, #tpu.memory_space<vmem>>, vector<1x16xf32>,
      %get3A_3726 = vector.shape_cast %get3A_3725 : vector<1x16xf32> to vector<16xf32>
      %exp3A_3727 = math.exp %get3A_3726 : vector<16xf32>
      %get3A_3728 = arith.constant 0 : i32
      %get3A_3729 = arith.constant 0 : i32
      %get3A_3730 = arith.index_cast %get3A_3728 : i32 to index
      %get3A_3731 = arith.index_cast %get3A_3729 : i32 to index
      %get3A_3732 = arith.constant 112 : index
      %get3A_3733 = tpu.vector_load %arg6[%get3A_3730, %get3A_3731, %get3A_3732] {strides = array<i32>} : memref<8x4x128xf32, #tpu.memory_space<vmem>>, vector<1x1x16xf32>,
      %get3A_3734 = vector.shape_cast %get3A_3733 : vector<1x1x16xf32> to vector<16xf32>
      %mul3A_3735 = arith.mulf %exp3A_3727, %get3A_3734 : vector<16xf32>
      %get3A_3736 = arith.constant 1 : i32
      %get3A_3737 = arith.index_cast %get3A_3736 : i32 to index
      %get3A_3738 = arith.constant 112 : index
      %get3A_3739 = tpu.vector_load %arg5[%get3A_3737, %get3A_3738] {strides = array<i32>} : memref<32x128xf32, #tpu.memory_space<vmem>>, vector<1x16xf32>,
      %get3A_3740 = vector.shape_cast %get3A_3739 : vector<1x16xf32> to vector<16xf32>
      %exp3A_3741 = math.exp %get3A_3740 : vector<16xf32>
      %get3A_3742 = arith.constant 1 : i32
      %get3A_3743 = arith.constant 0 : i32
      %get3A_3744 = arith.index_cast %get3A_3742 : i32 to index
      %get3A_3745 = arith.index_cast %get3A_3743 : i32 to index
      %get3A_3746 = arith.constant 112 : index
      %get3A_3747 = tpu.vector_load %arg6[%get3A_3744, %get3A_3745, %get3A_3746] {strides = array<i32>} : memref<8x4x128xf32, #tpu.memory_space<vmem>>, vector<1x1x16xf32>,
      %get3A_3748 = vector.shape_cast %get3A_3747 : vector<1x1x16xf32> to vector<16xf32>
      %mul3A_3749 = arith.mulf %exp3A_3741, %get3A_3748 : vector<16xf32>
      %add3A_3750 = arith.addf %mul3A_3735, %mul3A_3749 : vector<16xf32>
      %add3A_3751 = arith.addf %exp3A_3727, %exp3A_3741 : vector<16xf32>
      %get3A_3752 = arith.constant 2 : i32
      %get3A_3753 = arith.index_cast %get3A_3752 : i32 to index
      %get3A_3754 = arith.constant 112 : index
      %get3A_3755 = tpu.vector_load %arg5[%get3A_3753, %get3A_3754] {strides = array<i32>} : memref<32x128xf32, #tpu.memory_space<vmem>>, vector<1x16xf32>,
      %get3A_3756 = vector.shape_cast %get3A_3755 : vector<1x16xf32> to vector<16xf32>
      %exp3A_3757 = math.exp %get3A_3756 : vector<16xf32>
      %get3A_3758 = arith.constant 2 : i32
      %get3A_3759 = arith.constant 0 : i32
      %get3A_3760 = arith.index_cast %get3A_3758 : i32 to index
      %get3A_3761 = arith.index_cast %get3A_3759 : i32 to index
      %get3A_3762 = arith.constant 112 : index
      %get3A_3763 = tpu.vector_load %arg6[%get3A_3760, %get3A_3761, %get3A_3762] {strides = array<i32>} : memref<8x4x128xf32, #tpu.memory_space<vmem>>, vector<1x1x16xf32>,
      %get3A_3764 = vector.shape_cast %get3A_3763 : vector<1x1x16xf32> to vector<16xf32>
      %mul3A_3765 = arith.mulf %exp3A_3757, %get3A_3764 : vector<16xf32>
      %add3A_3766 = arith.addf %add3A_3750, %mul3A_3765 : vector<16xf32>
      %add3A_3767 = arith.addf %add3A_3751, %exp3A_3757 : vector<16xf32>
      %get3A_3768 = arith.constant 3 : i32
      %get3A_3769 = arith.index_cast %get3A_3768 : i32 to index
      %get3A_3770 = arith.constant 112 : index
      %get3A_3771 = tpu.vector_load %arg5[%get3A_3769, %get3A_3770] {strides = array<i32>} : memref<32x128xf32, #tpu.memory_space<vmem>>, vector<1x16xf32>,
      %get3A_3772 = vector.shape_cast %get3A_3771 : vector<1x16xf32> to vector<16xf32>
      %exp3A_3773 = math.exp %get3A_3772 : vector<16xf32>
      %get3A_3774 = arith.constant 3 : i32
      %get3A_3775 = arith.constant 0 : i32
      %get3A_3776 = arith.index_cast %get3A_3774 : i32 to index
      %get3A_3777 = arith.index_cast %get3A_3775 : i32 to index
      %get3A_3778 = arith.constant 112 : index
      %get3A_3779 = tpu.vector_load %arg6[%get3A_3776, %get3A_3777, %get3A_3778] {strides = array<i32>} : memref<8x4x128xf32, #tpu.memory_space<vmem>>, vector<1x1x16xf32>,
      %get3A_3780 = vector.shape_cast %get3A_3779 : vector<1x1x16xf32> to vector<16xf32>
      %mul3A_3781 = arith.mulf %exp3A_3773, %get3A_3780 : vector<16xf32>
      %add3A_3782 = arith.addf %add3A_3766, %mul3A_3781 : vector<16xf32>
      %add3A_3783 = arith.addf %add3A_3767, %exp3A_3773 : vector<16xf32>
      %get3A_3784 = arith.constant 4 : i32
      %get3A_3785 = arith.index_cast %get3A_3784 : i32 to index
      %get3A_3786 = arith.constant 112 : index
      %get3A_3787 = tpu.vector_load %arg5[%get3A_3785, %get3A_3786] {strides = array<i32>} : memref<32x128xf32, #tpu.memory_space<vmem>>, vector<1x16xf32>,
      %get3A_3788 = vector.shape_cast %get3A_3787 : vector<1x16xf32> to vector<16xf32>
      %exp3A_3789 = math.exp %get3A_3788 : vector<16xf32>
      %get3A_3790 = arith.constant 4 : i32
      %get3A_3791 = arith.constant 0 : i32
      %get3A_3792 = arith.index_cast %get3A_3790 : i32 to index
      %get3A_3793 = arith.index_cast %get3A_3791 : i32 to index
      %get3A_3794 = arith.constant 112 : index
      %get3A_3795 = tpu.vector_load %arg6[%get3A_3792, %get3A_3793, %get3A_3794] {strides = array<i32>} : memref<8x4x128xf32, #tpu.memory_space<vmem>>, vector<1x1x16xf32>,
      %get3A_3796 = vector.shape_cast %get3A_3795 : vector<1x1x16xf32> to vector<16xf32>
      %mul3A_3797 = arith.mulf %exp3A_3789, %get3A_3796 : vector<16xf32>
      %add3A_3798 = arith.addf %add3A_3782, %mul3A_3797 : vector<16xf32>
      %add3A_3799 = arith.addf %add3A_3783, %exp3A_3789 : vector<16xf32>
      %get3A_3800 = arith.constant 5 : i32
      %get3A_3801 = arith.index_cast %get3A_3800 : i32 to index
      %get3A_3802 = arith.constant 112 : index
      %get3A_3803 = tpu.vector_load %arg5[%get3A_3801, %get3A_3802] {strides = array<i32>} : memref<32x128xf32, #tpu.memory_space<vmem>>, vector<1x16xf32>,
      %get3A_3804 = vector.shape_cast %get3A_3803 : vector<1x16xf32> to vector<16xf32>
      %exp3A_3805 = math.exp %get3A_3804 : vector<16xf32>
      %get3A_3806 = arith.constant 5 : i32
      %get3A_3807 = arith.constant 0 : i32
      %get3A_3808 = arith.index_cast %get3A_3806 : i32 to index
      %get3A_3809 = arith.index_cast %get3A_3807 : i32 to index
      %get3A_3810 = arith.constant 112 : index
      %get3A_3811 = tpu.vector_load %arg6[%get3A_3808, %get3A_3809, %get3A_3810] {strides = array<i32>} : memref<8x4x128xf32, #tpu.memory_space<vmem>>, vector<1x1x16xf32>,
      %get3A_3812 = vector.shape_cast %get3A_3811 : vector<1x1x16xf32> to vector<16xf32>
      %mul3A_3813 = arith.mulf %exp3A_3805, %get3A_3812 : vector<16xf32>
      %add3A_3814 = arith.addf %add3A_3798, %mul3A_3813 : vector<16xf32>
      %add3A_3815 = arith.addf %add3A_3799, %exp3A_3805 : vector<16xf32>
      %get3A_3816 = arith.constant 6 : i32
      %get3A_3817 = arith.index_cast %get3A_3816 : i32 to index
      %get3A_3818 = arith.constant 112 : index
      %get3A_3819 = tpu.vector_load %arg5[%get3A_3817, %get3A_3818] {strides = array<i32>} : memref<32x128xf32, #tpu.memory_space<vmem>>, vector<1x16xf32>,
      %get3A_3820 = vector.shape_cast %get3A_3819 : vector<1x16xf32> to vector<16xf32>
      %exp3A_3821 = math.exp %get3A_3820 : vector<16xf32>
      %get3A_3822 = arith.constant 6 : i32
      %get3A_3823 = arith.constant 0 : i32
      %get3A_3824 = arith.index_cast %get3A_3822 : i32 to index
      %get3A_3825 = arith.index_cast %get3A_3823 : i32 to index
      %get3A_3826 = arith.constant 112 : index
      %get3A_3827 = tpu.vector_load %arg6[%get3A_3824, %get3A_3825, %get3A_3826] {strides = array<i32>} : memref<8x4x128xf32, #tpu.memory_space<vmem>>, vector<1x1x16xf32>,
      %get3A_3828 = vector.shape_cast %get3A_3827 : vector<1x1x16xf32> to vector<16xf32>
      %mul3A_3829 = arith.mulf %exp3A_3821, %get3A_3828 : vector<16xf32>
      %add3A_3830 = arith.addf %add3A_3814, %mul3A_3829 : vector<16xf32>
      %add3A_3831 = arith.addf %add3A_3815, %exp3A_3821 : vector<16xf32>
      %get3A_3832 = arith.constant 7 : i32
      %get3A_3833 = arith.index_cast %get3A_3832 : i32 to index
      %get3A_3834 = arith.constant 112 : index
      %get3A_3835 = tpu.vector_load %arg5[%get3A_3833, %get3A_3834] {strides = array<i32>} : memref<32x128xf32, #tpu.memory_space<vmem>>, vector<1x16xf32>,
      %get3A_3836 = vector.shape_cast %get3A_3835 : vector<1x16xf32> to vector<16xf32>
      %exp3A_3837 = math.exp %get3A_3836 : vector<16xf32>
      %get3A_3838 = arith.constant 7 : i32
      %get3A_3839 = arith.constant 0 : i32
      %get3A_3840 = arith.index_cast %get3A_3838 : i32 to index
      %get3A_3841 = arith.index_cast %get3A_3839 : i32 to index
      %get3A_3842 = arith.constant 112 : index
      %get3A_3843 = tpu.vector_load %arg6[%get3A_3840, %get3A_3841, %get3A_3842] {strides = array<i32>} : memref<8x4x128xf32, #tpu.memory_space<vmem>>, vector<1x1x16xf32>,
      %get3A_3844 = vector.shape_cast %get3A_3843 : vector<1x1x16xf32> to vector<16xf32>
      %mul3A_3845 = arith.mulf %exp3A_3837, %get3A_3844 : vector<16xf32>
      %add3A_3846 = arith.addf %add3A_3830, %mul3A_3845 : vector<16xf32>
      %add3A_3847 = arith.addf %add3A_3831, %exp3A_3837 : vector<16xf32>
      %div3A_3848 = arith.divf %add3A_3846, %add3A_3847 : vector<16xf32>
      %swap3A_3849 = arith.constant 0 : i32
      %swap3A_3850 = arith.index_cast %swap3A_3849 : i32 to index
      %swap3A_3851 = arith.constant 112 : index
      %swap3A_3852 = tpu.vector_load %arg7[%swap3A_3850, %swap3A_3851] {strides = array<i32>} : memref<4x128xf32, #tpu.memory_space<vmem>>, vector<1x16xf32>,
      %swap3A_3853 = vector.shape_cast %swap3A_3852 : vector<1x16xf32> to vector<16xf32>
      %swap3A_3854 = vector.shape_cast %div3A_3848 : vector<16xf32> to vector<1x16xf32>
      tpu.vector_store %arg7[%swap3A_3850, %swap3A_3851], %swap3A_3854 {strides = array<i32>} : memref<4x128xf32, #tpu.memory_space<vmem>>, vector<1x16xf32>,
      %get3A_3855 = arith.constant 8 : i32
      %get3A_3856 = arith.index_cast %get3A_3855 : i32 to index
      %get3A_3857 = arith.constant 112 : index
      %get3A_3858 = tpu.vector_load %arg5[%get3A_3856, %get3A_3857] {strides = array<i32>} : memref<32x128xf32, #tpu.memory_space<vmem>>, vector<1x16xf32>,
      %get3A_3859 = vector.shape_cast %get3A_3858 : vector<1x16xf32> to vector<16xf32>
      %exp3A_3860 = math.exp %get3A_3859 : vector<16xf32>
      %get3A_3861 = arith.constant 0 : i32
      %get3A_3862 = arith.constant 1 : i32
      %get3A_3863 = arith.index_cast %get3A_3861 : i32 to index
      %get3A_3864 = arith.index_cast %get3A_3862 : i32 to index
      %get3A_3865 = arith.constant 112 : index
      %get3A_3866 = tpu.vector_load %arg6[%get3A_3863, %get3A_3864, %get3A_3865] {strides = array<i32>} : memref<8x4x128xf32, #tpu.memory_space<vmem>>, vector<1x1x16xf32>,
      %get3A_3867 = vector.shape_cast %get3A_3866 : vector<1x1x16xf32> to vector<16xf32>
      %mul3A_3868 = arith.mulf %exp3A_3860, %get3A_3867 : vector<16xf32>
      %get3A_3869 = arith.constant 9 : i32
      %get3A_3870 = arith.index_cast %get3A_3869 : i32 to index
      %get3A_3871 = arith.constant 112 : index
      %get3A_3872 = tpu.vector_load %arg5[%get3A_3870, %get3A_3871] {strides = array<i32>} : memref<32x128xf32, #tpu.memory_space<vmem>>, vector<1x16xf32>,
      %get3A_3873 = vector.shape_cast %get3A_3872 : vector<1x16xf32> to vector<16xf32>
      %exp3A_3874 = math.exp %get3A_3873 : vector<16xf32>
      %get3A_3875 = arith.constant 1 : i32
      %get3A_3876 = arith.constant 1 : i32
      %get3A_3877 = arith.index_cast %get3A_3875 : i32 to index
      %get3A_3878 = arith.index_cast %get3A_3876 : i32 to index
      %get3A_3879 = arith.constant 112 : index
      %get3A_3880 = tpu.vector_load %arg6[%get3A_3877, %get3A_3878, %get3A_3879] {strides = array<i32>} : memref<8x4x128xf32, #tpu.memory_space<vmem>>, vector<1x1x16xf32>,
      %get3A_3881 = vector.shape_cast %get3A_3880 : vector<1x1x16xf32> to vector<16xf32>
      %mul3A_3882 = arith.mulf %exp3A_3874, %get3A_3881 : vector<16xf32>
      %add3A_3883 = arith.addf %mul3A_3868, %mul3A_3882 : vector<16xf32>
      %add3A_3884 = arith.addf %exp3A_3860, %exp3A_3874 : vector<16xf32>
      %get3A_3885 = arith.constant 10 : i32
      %get3A_3886 = arith.index_cast %get3A_3885 : i32 to index
      %get3A_3887 = arith.constant 112 : index
      %get3A_3888 = tpu.vector_load %arg5[%get3A_3886, %get3A_3887] {strides = array<i32>} : memref<32x128xf32, #tpu.memory_space<vmem>>, vector<1x16xf32>,
      %get3A_3889 = vector.shape_cast %get3A_3888 : vector<1x16xf32> to vector<16xf32>
      %exp3A_3890 = math.exp %get3A_3889 : vector<16xf32>
      %get3A_3891 = arith.constant 2 : i32
      %get3A_3892 = arith.constant 1 : i32
      %get3A_3893 = arith.index_cast %get3A_3891 : i32 to index
      %get3A_3894 = arith.index_cast %get3A_3892 : i32 to index
      %get3A_3895 = arith.constant 112 : index
      %get3A_3896 = tpu.vector_load %arg6[%get3A_3893, %get3A_3894, %get3A_3895] {strides = array<i32>} : memref<8x4x128xf32, #tpu.memory_space<vmem>>, vector<1x1x16xf32>,
      %get3A_3897 = vector.shape_cast %get3A_3896 : vector<1x1x16xf32> to vector<16xf32>
      %mul3A_3898 = arith.mulf %exp3A_3890, %get3A_3897 : vector<16xf32>
      %add3A_3899 = arith.addf %add3A_3883, %mul3A_3898 : vector<16xf32>
      %add3A_3900 = arith.addf %add3A_3884, %exp3A_3890 : vector<16xf32>
      %get3A_3901 = arith.constant 11 : i32
      %get3A_3902 = arith.index_cast %get3A_3901 : i32 to index
      %get3A_3903 = arith.constant 112 : index
      %get3A_3904 = tpu.vector_load %arg5[%get3A_3902, %get3A_3903] {strides = array<i32>} : memref<32x128xf32, #tpu.memory_space<vmem>>, vector<1x16xf32>,
      %get3A_3905 = vector.shape_cast %get3A_3904 : vector<1x16xf32> to vector<16xf32>
      %exp3A_3906 = math.exp %get3A_3905 : vector<16xf32>
      %get3A_3907 = arith.constant 3 : i32
      %get3A_3908 = arith.constant 1 : i32
      %get3A_3909 = arith.index_cast %get3A_3907 : i32 to index
      %get3A_3910 = arith.index_cast %get3A_3908 : i32 to index
      %get3A_3911 = arith.constant 112 : index
      %get3A_3912 = tpu.vector_load %arg6[%get3A_3909, %get3A_3910, %get3A_3911] {strides = array<i32>} : memref<8x4x128xf32, #tpu.memory_space<vmem>>, vector<1x1x16xf32>,
      %get3A_3913 = vector.shape_cast %get3A_3912 : vector<1x1x16xf32> to vector<16xf32>
      %mul3A_3914 = arith.mulf %exp3A_3906, %get3A_3913 : vector<16xf32>
      %add3A_3915 = arith.addf %add3A_3899, %mul3A_3914 : vector<16xf32>
      %add3A_3916 = arith.addf %add3A_3900, %exp3A_3906 : vector<16xf32>
      %get3A_3917 = arith.constant 12 : i32
      %get3A_3918 = arith.index_cast %get3A_3917 : i32 to index
      %get3A_3919 = arith.constant 112 : index
      %get3A_3920 = tpu.vector_load %arg5[%get3A_3918, %get3A_3919] {strides = array<i32>} : memref<32x128xf32, #tpu.memory_space<vmem>>, vector<1x16xf32>,
      %get3A_3921 = vector.shape_cast %get3A_3920 : vector<1x16xf32> to vector<16xf32>
      %exp3A_3922 = math.exp %get3A_3921 : vector<16xf32>
      %get3A_3923 = arith.constant 4 : i32
      %get3A_3924 = arith.constant 1 : i32
      %get3A_3925 = arith.index_cast %get3A_3923 : i32 to index
      %get3A_3926 = arith.index_cast %get3A_3924 : i32 to index
      %get3A_3927 = arith.constant 112 : index
      %get3A_3928 = tpu.vector_load %arg6[%get3A_3925, %get3A_3926, %get3A_3927] {strides = array<i32>} : memref<8x4x128xf32, #tpu.memory_space<vmem>>, vector<1x1x16xf32>,
      %get3A_3929 = vector.shape_cast %get3A_3928 : vector<1x1x16xf32> to vector<16xf32>
      %mul3A_3930 = arith.mulf %exp3A_3922, %get3A_3929 : vector<16xf32>
      %add3A_3931 = arith.addf %add3A_3915, %mul3A_3930 : vector<16xf32>
      %add3A_3932 = arith.addf %add3A_3916, %exp3A_3922 : vector<16xf32>
      %get3A_3933 = arith.constant 13 : i32
      %get3A_3934 = arith.index_cast %get3A_3933 : i32 to index
      %get3A_3935 = arith.constant 112 : index
      %get3A_3936 = tpu.vector_load %arg5[%get3A_3934, %get3A_3935] {strides = array<i32>} : memref<32x128xf32, #tpu.memory_space<vmem>>, vector<1x16xf32>,
      %get3A_3937 = vector.shape_cast %get3A_3936 : vector<1x16xf32> to vector<16xf32>
      %exp3A_3938 = math.exp %get3A_3937 : vector<16xf32>
      %get3A_3939 = arith.constant 5 : i32
      %get3A_3940 = arith.constant 1 : i32
      %get3A_3941 = arith.index_cast %get3A_3939 : i32 to index
      %get3A_3942 = arith.index_cast %get3A_3940 : i32 to index
      %get3A_3943 = arith.constant 112 : index
      %get3A_3944 = tpu.vector_load %arg6[%get3A_3941, %get3A_3942, %get3A_3943] {strides = array<i32>} : memref<8x4x128xf32, #tpu.memory_space<vmem>>, vector<1x1x16xf32>,
      %get3A_3945 = vector.shape_cast %get3A_3944 : vector<1x1x16xf32> to vector<16xf32>
      %mul3A_3946 = arith.mulf %exp3A_3938, %get3A_3945 : vector<16xf32>
      %add3A_3947 = arith.addf %add3A_3931, %mul3A_3946 : vector<16xf32>
      %add3A_3948 = arith.addf %add3A_3932, %exp3A_3938 : vector<16xf32>
      %get3A_3949 = arith.constant 14 : i32
      %get3A_3950 = arith.index_cast %get3A_3949 : i32 to index
      %get3A_3951 = arith.constant 112 : index
      %get3A_3952 = tpu.vector_load %arg5[%get3A_3950, %get3A_3951] {strides = array<i32>} : memref<32x128xf32, #tpu.memory_space<vmem>>, vector<1x16xf32>,
      %get3A_3953 = vector.shape_cast %get3A_3952 : vector<1x16xf32> to vector<16xf32>
      %exp3A_3954 = math.exp %get3A_3953 : vector<16xf32>
      %get3A_3955 = arith.constant 6 : i32
      %get3A_3956 = arith.constant 1 : i32
      %get3A_3957 = arith.index_cast %get3A_3955 : i32 to index
      %get3A_3958 = arith.index_cast %get3A_3956 : i32 to index
      %get3A_3959 = arith.constant 112 : index
      %get3A_3960 = tpu.vector_load %arg6[%get3A_3957, %get3A_3958, %get3A_3959] {strides = array<i32>} : memref<8x4x128xf32, #tpu.memory_space<vmem>>, vector<1x1x16xf32>,
      %get3A_3961 = vector.shape_cast %get3A_3960 : vector<1x1x16xf32> to vector<16xf32>
      %mul3A_3962 = arith.mulf %exp3A_3954, %get3A_3961 : vector<16xf32>
      %add3A_3963 = arith.addf %add3A_3947, %mul3A_3962 : vector<16xf32>
      %add3A_3964 = arith.addf %add3A_3948, %exp3A_3954 : vector<16xf32>
      %get3A_3965 = arith.constant 15 : i32
      %get3A_3966 = arith.index_cast %get3A_3965 : i32 to index
      %get3A_3967 = arith.constant 112 : index
      %get3A_3968 = tpu.vector_load %arg5[%get3A_3966, %get3A_3967] {strides = array<i32>} : memref<32x128xf32, #tpu.memory_space<vmem>>, vector<1x16xf32>,
      %get3A_3969 = vector.shape_cast %get3A_3968 : vector<1x16xf32> to vector<16xf32>
      %exp3A_3970 = math.exp %get3A_3969 : vector<16xf32>
      %get3A_3971 = arith.constant 7 : i32
      %get3A_3972 = arith.constant 1 : i32
      %get3A_3973 = arith.index_cast %get3A_3971 : i32 to index
      %get3A_3974 = arith.index_cast %get3A_3972 : i32 to index
      %get3A_3975 = arith.constant 112 : index
      %get3A_3976 = tpu.vector_load %arg6[%get3A_3973, %get3A_3974, %get3A_3975] {strides = array<i32>} : memref<8x4x128xf32, #tpu.memory_space<vmem>>, vector<1x1x16xf32>,
      %get3A_3977 = vector.shape_cast %get3A_3976 : vector<1x1x16xf32> to vector<16xf32>
      %mul3A_3978 = arith.mulf %exp3A_3970, %get3A_3977 : vector<16xf32>
      %add3A_3979 = arith.addf %add3A_3963, %mul3A_3978 : vector<16xf32>
      %add3A_3980 = arith.addf %add3A_3964, %exp3A_3970 : vector<16xf32>
      %div3A_3981 = arith.divf %add3A_3979, %add3A_3980 : vector<16xf32>
      %swap3A_3982 = arith.constant 1 : i32
      %swap3A_3983 = arith.index_cast %swap3A_3982 : i32 to index
      %swap3A_3984 = arith.constant 112 : index
      %swap3A_3985 = tpu.vector_load %arg7[%swap3A_3983, %swap3A_3984] {strides = array<i32>} : memref<4x128xf32, #tpu.memory_space<vmem>>, vector<1x16xf32>,
      %swap3A_3986 = vector.shape_cast %swap3A_3985 : vector<1x16xf32> to vector<16xf32>
      %swap3A_3987 = vector.shape_cast %div3A_3981 : vector<16xf32> to vector<1x16xf32>
      tpu.vector_store %arg7[%swap3A_3983, %swap3A_3984], %swap3A_3987 {strides = array<i32>} : memref<4x128xf32, #tpu.memory_space<vmem>>, vector<1x16xf32>,
      %get3A_3988 = arith.constant 16 : i32
      %get3A_3989 = arith.index_cast %get3A_3988 : i32 to index
      %get3A_3990 = arith.constant 112 : index
      %get3A_3991 = tpu.vector_load %arg5[%get3A_3989, %get3A_3990] {strides = array<i32>} : memref<32x128xf32, #tpu.memory_space<vmem>>, vector<1x16xf32>,
      %get3A_3992 = vector.shape_cast %get3A_3991 : vector<1x16xf32> to vector<16xf32>
      %exp3A_3993 = math.exp %get3A_3992 : vector<16xf32>
      %get3A_3994 = arith.constant 0 : i32
      %get3A_3995 = arith.constant 2 : i32
      %get3A_3996 = arith.index_cast %get3A_3994 : i32 to index
      %get3A_3997 = arith.index_cast %get3A_3995 : i32 to index
      %get3A_3998 = arith.constant 112 : index
      %get3A_3999 = tpu.vector_load %arg6[%get3A_3996, %get3A_3997, %get3A_3998] {strides = array<i32>} : memref<8x4x128xf32, #tpu.memory_space<vmem>>, vector<1x1x16xf32>,
      %get3A_4000 = vector.shape_cast %get3A_3999 : vector<1x1x16xf32> to vector<16xf32>
      %mul3A_4001 = arith.mulf %exp3A_3993, %get3A_4000 : vector<16xf32>
      %get3A_4002 = arith.constant 17 : i32
      %get3A_4003 = arith.index_cast %get3A_4002 : i32 to index
      %get3A_4004 = arith.constant 112 : index
      %get3A_4005 = tpu.vector_load %arg5[%get3A_4003, %get3A_4004] {strides = array<i32>} : memref<32x128xf32, #tpu.memory_space<vmem>>, vector<1x16xf32>,
      %get3A_4006 = vector.shape_cast %get3A_4005 : vector<1x16xf32> to vector<16xf32>
      %exp3A_4007 = math.exp %get3A_4006 : vector<16xf32>
      %get3A_4008 = arith.constant 1 : i32
      %get3A_4009 = arith.constant 2 : i32
      %get3A_4010 = arith.index_cast %get3A_4008 : i32 to index
      %get3A_4011 = arith.index_cast %get3A_4009 : i32 to index
      %get3A_4012 = arith.constant 112 : index
      %get3A_4013 = tpu.vector_load %arg6[%get3A_4010, %get3A_4011, %get3A_4012] {strides = array<i32>} : memref<8x4x128xf32, #tpu.memory_space<vmem>>, vector<1x1x16xf32>,
      %get3A_4014 = vector.shape_cast %get3A_4013 : vector<1x1x16xf32> to vector<16xf32>
      %mul3A_4015 = arith.mulf %exp3A_4007, %get3A_4014 : vector<16xf32>
      %add3A_4016 = arith.addf %mul3A_4001, %mul3A_4015 : vector<16xf32>
      %add3A_4017 = arith.addf %exp3A_3993, %exp3A_4007 : vector<16xf32>
      %get3A_4018 = arith.constant 18 : i32
      %get3A_4019 = arith.index_cast %get3A_4018 : i32 to index
      %get3A_4020 = arith.constant 112 : index
      %get3A_4021 = tpu.vector_load %arg5[%get3A_4019, %get3A_4020] {strides = array<i32>} : memref<32x128xf32, #tpu.memory_space<vmem>>, vector<1x16xf32>,
      %get3A_4022 = vector.shape_cast %get3A_4021 : vector<1x16xf32> to vector<16xf32>
      %exp3A_4023 = math.exp %get3A_4022 : vector<16xf32>
      %get3A_4024 = arith.constant 2 : i32
      %get3A_4025 = arith.constant 2 : i32
      %get3A_4026 = arith.index_cast %get3A_4024 : i32 to index
      %get3A_4027 = arith.index_cast %get3A_4025 : i32 to index
      %get3A_4028 = arith.constant 112 : index
      %get3A_4029 = tpu.vector_load %arg6[%get3A_4026, %get3A_4027, %get3A_4028] {strides = array<i32>} : memref<8x4x128xf32, #tpu.memory_space<vmem>>, vector<1x1x16xf32>,
      %get3A_4030 = vector.shape_cast %get3A_4029 : vector<1x1x16xf32> to vector<16xf32>
      %mul3A_4031 = arith.mulf %exp3A_4023, %get3A_4030 : vector<16xf32>
      %add3A_4032 = arith.addf %add3A_4016, %mul3A_4031 : vector<16xf32>
      %add3A_4033 = arith.addf %add3A_4017, %exp3A_4023 : vector<16xf32>
      %get3A_4034 = arith.constant 19 : i32
      %get3A_4035 = arith.index_cast %get3A_4034 : i32 to index
      %get3A_4036 = arith.constant 112 : index
      %get3A_4037 = tpu.vector_load %arg5[%get3A_4035, %get3A_4036] {strides = array<i32>} : memref<32x128xf32, #tpu.memory_space<vmem>>, vector<1x16xf32>,
      %get3A_4038 = vector.shape_cast %get3A_4037 : vector<1x16xf32> to vector<16xf32>
      %exp3A_4039 = math.exp %get3A_4038 : vector<16xf32>
      %get3A_4040 = arith.constant 3 : i32
      %get3A_4041 = arith.constant 2 : i32
      %get3A_4042 = arith.index_cast %get3A_4040 : i32 to index
      %get3A_4043 = arith.index_cast %get3A_4041 : i32 to index
      %get3A_4044 = arith.constant 112 : index
      %get3A_4045 = tpu.vector_load %arg6[%get3A_4042, %get3A_4043, %get3A_4044] {strides = array<i32>} : memref<8x4x128xf32, #tpu.memory_space<vmem>>, vector<1x1x16xf32>,
      %get3A_4046 = vector.shape_cast %get3A_4045 : vector<1x1x16xf32> to vector<16xf32>
      %mul3A_4047 = arith.mulf %exp3A_4039, %get3A_4046 : vector<16xf32>
      %add3A_4048 = arith.addf %add3A_4032, %mul3A_4047 : vector<16xf32>
      %add3A_4049 = arith.addf %add3A_4033, %exp3A_4039 : vector<16xf32>
      %get3A_4050 = arith.constant 20 : i32
      %get3A_4051 = arith.index_cast %get3A_4050 : i32 to index
      %get3A_4052 = arith.constant 112 : index
      %get3A_4053 = tpu.vector_load %arg5[%get3A_4051, %get3A_4052] {strides = array<i32>} : memref<32x128xf32, #tpu.memory_space<vmem>>, vector<1x16xf32>,
      %get3A_4054 = vector.shape_cast %get3A_4053 : vector<1x16xf32> to vector<16xf32>
      %exp3A_4055 = math.exp %get3A_4054 : vector<16xf32>
      %get3A_4056 = arith.constant 4 : i32
      %get3A_4057 = arith.constant 2 : i32
      %get3A_4058 = arith.index_cast %get3A_4056 : i32 to index
      %get3A_4059 = arith.index_cast %get3A_4057 : i32 to index
      %get3A_4060 = arith.constant 112 : index
      %get3A_4061 = tpu.vector_load %arg6[%get3A_4058, %get3A_4059, %get3A_4060] {strides = array<i32>} : memref<8x4x128xf32, #tpu.memory_space<vmem>>, vector<1x1x16xf32>,
      %get3A_4062 = vector.shape_cast %get3A_4061 : vector<1x1x16xf32> to vector<16xf32>
      %mul3A_4063 = arith.mulf %exp3A_4055, %get3A_4062 : vector<16xf32>
      %add3A_4064 = arith.addf %add3A_4048, %mul3A_4063 : vector<16xf32>
      %add3A_4065 = arith.addf %add3A_4049, %exp3A_4055 : vector<16xf32>
      %get3A_4066 = arith.constant 21 : i32
      %get3A_4067 = arith.index_cast %get3A_4066 : i32 to index
      %get3A_4068 = arith.constant 112 : index
      %get3A_4069 = tpu.vector_load %arg5[%get3A_4067, %get3A_4068] {strides = array<i32>} : memref<32x128xf32, #tpu.memory_space<vmem>>, vector<1x16xf32>,
      %get3A_4070 = vector.shape_cast %get3A_4069 : vector<1x16xf32> to vector<16xf32>
      %exp3A_4071 = math.exp %get3A_4070 : vector<16xf32>
      %get3A_4072 = arith.constant 5 : i32
      %get3A_4073 = arith.constant 2 : i32
      %get3A_4074 = arith.index_cast %get3A_4072 : i32 to index
      %get3A_4075 = arith.index_cast %get3A_4073 : i32 to index
      %get3A_4076 = arith.constant 112 : index
      %get3A_4077 = tpu.vector_load %arg6[%get3A_4074, %get3A_4075, %get3A_4076] {strides = array<i32>} : memref<8x4x128xf32, #tpu.memory_space<vmem>>, vector<1x1x16xf32>,
      %get3A_4078 = vector.shape_cast %get3A_4077 : vector<1x1x16xf32> to vector<16xf32>
      %mul3A_4079 = arith.mulf %exp3A_4071, %get3A_4078 : vector<16xf32>
      %add3A_4080 = arith.addf %add3A_4064, %mul3A_4079 : vector<16xf32>
      %add3A_4081 = arith.addf %add3A_4065, %exp3A_4071 : vector<16xf32>
      %get3A_4082 = arith.constant 22 : i32
      %get3A_4083 = arith.index_cast %get3A_4082 : i32 to index
      %get3A_4084 = arith.constant 112 : index
      %get3A_4085 = tpu.vector_load %arg5[%get3A_4083, %get3A_4084] {strides = array<i32>} : memref<32x128xf32, #tpu.memory_space<vmem>>, vector<1x16xf32>,
      %get3A_4086 = vector.shape_cast %get3A_4085 : vector<1x16xf32> to vector<16xf32>
      %exp3A_4087 = math.exp %get3A_4086 : vector<16xf32>
      %get3A_4088 = arith.constant 6 : i32
      %get3A_4089 = arith.constant 2 : i32
      %get3A_4090 = arith.index_cast %get3A_4088 : i32 to index
      %get3A_4091 = arith.index_cast %get3A_4089 : i32 to index
      %get3A_4092 = arith.constant 112 : index
      %get3A_4093 = tpu.vector_load %arg6[%get3A_4090, %get3A_4091, %get3A_4092] {strides = array<i32>} : memref<8x4x128xf32, #tpu.memory_space<vmem>>, vector<1x1x16xf32>,
      %get3A_4094 = vector.shape_cast %get3A_4093 : vector<1x1x16xf32> to vector<16xf32>
      %mul3A_4095 = arith.mulf %exp3A_4087, %get3A_4094 : vector<16xf32>
      %add3A_4096 = arith.addf %add3A_4080, %mul3A_4095 : vector<16xf32>
      %add3A_4097 = arith.addf %add3A_4081, %exp3A_4087 : vector<16xf32>
      %get3A_4098 = arith.constant 23 : i32
      %get3A_4099 = arith.index_cast %get3A_4098 : i32 to index
      %get3A_4100 = arith.constant 112 : index
      %get3A_4101 = tpu.vector_load %arg5[%get3A_4099, %get3A_4100] {strides = array<i32>} : memref<32x128xf32, #tpu.memory_space<vmem>>, vector<1x16xf32>,
      %get3A_4102 = vector.shape_cast %get3A_4101 : vector<1x16xf32> to vector<16xf32>
      %exp3A_4103 = math.exp %get3A_4102 : vector<16xf32>
      %get3A_4104 = arith.constant 7 : i32
      %get3A_4105 = arith.constant 2 : i32
      %get3A_4106 = arith.index_cast %get3A_4104 : i32 to index
      %get3A_4107 = arith.index_cast %get3A_4105 : i32 to index
      %get3A_4108 = arith.constant 112 : index
      %get3A_4109 = tpu.vector_load %arg6[%get3A_4106, %get3A_4107, %get3A_4108] {strides = array<i32>} : memref<8x4x128xf32, #tpu.memory_space<vmem>>, vector<1x1x16xf32>,
      %get3A_4110 = vector.shape_cast %get3A_4109 : vector<1x1x16xf32> to vector<16xf32>
      %mul3A_4111 = arith.mulf %exp3A_4103, %get3A_4110 : vector<16xf32>
      %add3A_4112 = arith.addf %add3A_4096, %mul3A_4111 : vector<16xf32>
      %add3A_4113 = arith.addf %add3A_4097, %exp3A_4103 : vector<16xf32>
      %div3A_4114 = arith.divf %add3A_4112, %add3A_4113 : vector<16xf32>
      %swap3A_4115 = arith.constant 2 : i32
      %swap3A_4116 = arith.index_cast %swap3A_4115 : i32 to index
      %swap3A_4117 = arith.constant 112 : index
      %swap3A_4118 = tpu.vector_load %arg7[%swap3A_4116, %swap3A_4117] {strides = array<i32>} : memref<4x128xf32, #tpu.memory_space<vmem>>, vector<1x16xf32>,
      %swap3A_4119 = vector.shape_cast %swap3A_4118 : vector<1x16xf32> to vector<16xf32>
      %swap3A_4120 = vector.shape_cast %div3A_4114 : vector<16xf32> to vector<1x16xf32>
      tpu.vector_store %arg7[%swap3A_4116, %swap3A_4117], %swap3A_4120 {strides = array<i32>} : memref<4x128xf32, #tpu.memory_space<vmem>>, vector<1x16xf32>,
      %get3A_4121 = arith.constant 24 : i32
      %get3A_4122 = arith.index_cast %get3A_4121 : i32 to index
      %get3A_4123 = arith.constant 112 : index
      %get3A_4124 = tpu.vector_load %arg5[%get3A_4122, %get3A_4123] {strides = array<i32>} : memref<32x128xf32, #tpu.memory_space<vmem>>, vector<1x16xf32>,
      %get3A_4125 = vector.shape_cast %get3A_4124 : vector<1x16xf32> to vector<16xf32>
      %exp3A_4126 = math.exp %get3A_4125 : vector<16xf32>
      %get3A_4127 = arith.constant 0 : i32
      %get3A_4128 = arith.constant 3 : i32
      %get3A_4129 = arith.index_cast %get3A_4127 : i32 to index
      %get3A_4130 = arith.index_cast %get3A_4128 : i32 to index
      %get3A_4131 = arith.constant 112 : index
      %get3A_4132 = tpu.vector_load %arg6[%get3A_4129, %get3A_4130, %get3A_4131] {strides = array<i32>} : memref<8x4x128xf32, #tpu.memory_space<vmem>>, vector<1x1x16xf32>,
      %get3A_4133 = vector.shape_cast %get3A_4132 : vector<1x1x16xf32> to vector<16xf32>
      %mul3A_4134 = arith.mulf %exp3A_4126, %get3A_4133 : vector<16xf32>
      %get3A_4135 = arith.constant 25 : i32
      %get3A_4136 = arith.index_cast %get3A_4135 : i32 to index
      %get3A_4137 = arith.constant 112 : index
      %get3A_4138 = tpu.vector_load %arg5[%get3A_4136, %get3A_4137] {strides = array<i32>} : memref<32x128xf32, #tpu.memory_space<vmem>>, vector<1x16xf32>,
      %get3A_4139 = vector.shape_cast %get3A_4138 : vector<1x16xf32> to vector<16xf32>
      %exp3A_4140 = math.exp %get3A_4139 : vector<16xf32>
      %get3A_4141 = arith.constant 1 : i32
      %get3A_4142 = arith.constant 3 : i32
      %get3A_4143 = arith.index_cast %get3A_4141 : i32 to index
      %get3A_4144 = arith.index_cast %get3A_4142 : i32 to index
      %get3A_4145 = arith.constant 112 : index
      %get3A_4146 = tpu.vector_load %arg6[%get3A_4143, %get3A_4144, %get3A_4145] {strides = array<i32>} : memref<8x4x128xf32, #tpu.memory_space<vmem>>, vector<1x1x16xf32>,
      %get3A_4147 = vector.shape_cast %get3A_4146 : vector<1x1x16xf32> to vector<16xf32>
      %mul3A_4148 = arith.mulf %exp3A_4140, %get3A_4147 : vector<16xf32>
      %add3A_4149 = arith.addf %mul3A_4134, %mul3A_4148 : vector<16xf32>
      %add3A_4150 = arith.addf %exp3A_4126, %exp3A_4140 : vector<16xf32>
      %get3A_4151 = arith.constant 26 : i32
      %get3A_4152 = arith.index_cast %get3A_4151 : i32 to index
      %get3A_4153 = arith.constant 112 : index
      %get3A_4154 = tpu.vector_load %arg5[%get3A_4152, %get3A_4153] {strides = array<i32>} : memref<32x128xf32, #tpu.memory_space<vmem>>, vector<1x16xf32>,
      %get3A_4155 = vector.shape_cast %get3A_4154 : vector<1x16xf32> to vector<16xf32>
      %exp3A_4156 = math.exp %get3A_4155 : vector<16xf32>
      %get3A_4157 = arith.constant 2 : i32
      %get3A_4158 = arith.constant 3 : i32
      %get3A_4159 = arith.index_cast %get3A_4157 : i32 to index
      %get3A_4160 = arith.index_cast %get3A_4158 : i32 to index
      %get3A_4161 = arith.constant 112 : index
      %get3A_4162 = tpu.vector_load %arg6[%get3A_4159, %get3A_4160, %get3A_4161] {strides = array<i32>} : memref<8x4x128xf32, #tpu.memory_space<vmem>>, vector<1x1x16xf32>,
      %get3A_4163 = vector.shape_cast %get3A_4162 : vector<1x1x16xf32> to vector<16xf32>
      %mul3A_4164 = arith.mulf %exp3A_4156, %get3A_4163 : vector<16xf32>
      %add3A_4165 = arith.addf %add3A_4149, %mul3A_4164 : vector<16xf32>
      %add3A_4166 = arith.addf %add3A_4150, %exp3A_4156 : vector<16xf32>
      %get3A_4167 = arith.constant 27 : i32
      %get3A_4168 = arith.index_cast %get3A_4167 : i32 to index
      %get3A_4169 = arith.constant 112 : index
      %get3A_4170 = tpu.vector_load %arg5[%get3A_4168, %get3A_4169] {strides = array<i32>} : memref<32x128xf32, #tpu.memory_space<vmem>>, vector<1x16xf32>,
      %get3A_4171 = vector.shape_cast %get3A_4170 : vector<1x16xf32> to vector<16xf32>
      %exp3A_4172 = math.exp %get3A_4171 : vector<16xf32>
      %get3A_4173 = arith.constant 3 : i32
      %get3A_4174 = arith.constant 3 : i32
      %get3A_4175 = arith.index_cast %get3A_4173 : i32 to index
      %get3A_4176 = arith.index_cast %get3A_4174 : i32 to index
      %get3A_4177 = arith.constant 112 : index
      %get3A_4178 = tpu.vector_load %arg6[%get3A_4175, %get3A_4176, %get3A_4177] {strides = array<i32>} : memref<8x4x128xf32, #tpu.memory_space<vmem>>, vector<1x1x16xf32>,
      %get3A_4179 = vector.shape_cast %get3A_4178 : vector<1x1x16xf32> to vector<16xf32>
      %mul3A_4180 = arith.mulf %exp3A_4172, %get3A_4179 : vector<16xf32>
      %add3A_4181 = arith.addf %add3A_4165, %mul3A_4180 : vector<16xf32>
      %add3A_4182 = arith.addf %add3A_4166, %exp3A_4172 : vector<16xf32>
      %get3A_4183 = arith.constant 28 : i32
      %get3A_4184 = arith.index_cast %get3A_4183 : i32 to index
      %get3A_4185 = arith.constant 112 : index
      %get3A_4186 = tpu.vector_load %arg5[%get3A_4184, %get3A_4185] {strides = array<i32>} : memref<32x128xf32, #tpu.memory_space<vmem>>, vector<1x16xf32>,
      %get3A_4187 = vector.shape_cast %get3A_4186 : vector<1x16xf32> to vector<16xf32>
      %exp3A_4188 = math.exp %get3A_4187 : vector<16xf32>
      %get3A_4189 = arith.constant 4 : i32
      %get3A_4190 = arith.constant 3 : i32
      %get3A_4191 = arith.index_cast %get3A_4189 : i32 to index
      %get3A_4192 = arith.index_cast %get3A_4190 : i32 to index
      %get3A_4193 = arith.constant 112 : index
      %get3A_4194 = tpu.vector_load %arg6[%get3A_4191, %get3A_4192, %get3A_4193] {strides = array<i32>} : memref<8x4x128xf32, #tpu.memory_space<vmem>>, vector<1x1x16xf32>,
      %get3A_4195 = vector.shape_cast %get3A_4194 : vector<1x1x16xf32> to vector<16xf32>
      %mul3A_4196 = arith.mulf %exp3A_4188, %get3A_4195 : vector<16xf32>
      %add3A_4197 = arith.addf %add3A_4181, %mul3A_4196 : vector<16xf32>
      %add3A_4198 = arith.addf %add3A_4182, %exp3A_4188 : vector<16xf32>
      %get3A_4199 = arith.constant 29 : i32
      %get3A_4200 = arith.index_cast %get3A_4199 : i32 to index
      %get3A_4201 = arith.constant 112 : index
      %get3A_4202 = tpu.vector_load %arg5[%get3A_4200, %get3A_4201] {strides = array<i32>} : memref<32x128xf32, #tpu.memory_space<vmem>>, vector<1x16xf32>,
      %get3A_4203 = vector.shape_cast %get3A_4202 : vector<1x16xf32> to vector<16xf32>
      %exp3A_4204 = math.exp %get3A_4203 : vector<16xf32>
      %get3A_4205 = arith.constant 5 : i32
      %get3A_4206 = arith.constant 3 : i32
      %get3A_4207 = arith.index_cast %get3A_4205 : i32 to index
      %get3A_4208 = arith.index_cast %get3A_4206 : i32 to index
      %get3A_4209 = arith.constant 112 : index
      %get3A_4210 = tpu.vector_load %arg6[%get3A_4207, %get3A_4208, %get3A_4209] {strides = array<i32>} : memref<8x4x128xf32, #tpu.memory_space<vmem>>, vector<1x1x16xf32>,
      %get3A_4211 = vector.shape_cast %get3A_4210 : vector<1x1x16xf32> to vector<16xf32>
      %mul3A_4212 = arith.mulf %exp3A_4204, %get3A_4211 : vector<16xf32>
      %add3A_4213 = arith.addf %add3A_4197, %mul3A_4212 : vector<16xf32>
      %add3A_4214 = arith.addf %add3A_4198, %exp3A_4204 : vector<16xf32>
      %get3A_4215 = arith.constant 30 : i32
      %get3A_4216 = arith.index_cast %get3A_4215 : i32 to index
      %get3A_4217 = arith.constant 112 : index
      %get3A_4218 = tpu.vector_load %arg5[%get3A_4216, %get3A_4217] {strides = array<i32>} : memref<32x128xf32, #tpu.memory_space<vmem>>, vector<1x16xf32>,
      %get3A_4219 = vector.shape_cast %get3A_4218 : vector<1x16xf32> to vector<16xf32>
      %exp3A_4220 = math.exp %get3A_4219 : vector<16xf32>
      %get3A_4221 = arith.constant 6 : i32
      %get3A_4222 = arith.constant 3 : i32
      %get3A_4223 = arith.index_cast %get3A_4221 : i32 to index
      %get3A_4224 = arith.index_cast %get3A_4222 : i32 to index
      %get3A_4225 = arith.constant 112 : index
      %get3A_4226 = tpu.vector_load %arg6[%get3A_4223, %get3A_4224, %get3A_4225] {strides = array<i32>} : memref<8x4x128xf32, #tpu.memory_space<vmem>>, vector<1x1x16xf32>,
      %get3A_4227 = vector.shape_cast %get3A_4226 : vector<1x1x16xf32> to vector<16xf32>
      %mul3A_4228 = arith.mulf %exp3A_4220, %get3A_4227 : vector<16xf32>
      %add3A_4229 = arith.addf %add3A_4213, %mul3A_4228 : vector<16xf32>
      %add3A_4230 = arith.addf %add3A_4214, %exp3A_4220 : vector<16xf32>
      %get3A_4231 = arith.constant 31 : i32
      %get3A_4232 = arith.index_cast %get3A_4231 : i32 to index
      %get3A_4233 = arith.constant 112 : index
      %get3A_4234 = tpu.vector_load %arg5[%get3A_4232, %get3A_4233] {strides = array<i32>} : memref<32x128xf32, #tpu.memory_space<vmem>>, vector<1x16xf32>,
      %get3A_4235 = vector.shape_cast %get3A_4234 : vector<1x16xf32> to vector<16xf32>
      %exp3A_4236 = math.exp %get3A_4235 : vector<16xf32>
      %get3A_4237 = arith.constant 7 : i32
      %get3A_4238 = arith.constant 3 : i32
      %get3A_4239 = arith.index_cast %get3A_4237 : i32 to index
      %get3A_4240 = arith.index_cast %get3A_4238 : i32 to index
      %get3A_4241 = arith.constant 112 : index
      %get3A_4242 = tpu.vector_load %arg6[%get3A_4239, %get3A_4240, %get3A_4241] {strides = array<i32>} : memref<8x4x128xf32, #tpu.memory_space<vmem>>, vector<1x1x16xf32>,
      %get3A_4243 = vector.shape_cast %get3A_4242 : vector<1x1x16xf32> to vector<16xf32>
      %mul3A_4244 = arith.mulf %exp3A_4236, %get3A_4243 : vector<16xf32>
      %add3A_4245 = arith.addf %add3A_4229, %mul3A_4244 : vector<16xf32>
      %add3A_4246 = arith.addf %add3A_4230, %exp3A_4236 : vector<16xf32>
      %div3A_4247 = arith.divf %add3A_4245, %add3A_4246 : vector<16xf32>
      %swap3A_4248 = arith.constant 3 : i32
      %swap3A_4249 = arith.index_cast %swap3A_4248 : i32 to index
      %swap3A_4250 = arith.constant 112 : index
      %swap3A_4251 = tpu.vector_load %arg7[%swap3A_4249, %swap3A_4250] {strides = array<i32>} : memref<4x128xf32, #tpu.memory_space<vmem>>, vector<1x16xf32>,
      %swap3A_4252 = vector.shape_cast %swap3A_4251 : vector<1x16xf32> to vector<16xf32>
      %swap3A_4253 = vector.shape_cast %div3A_4247 : vector<16xf32> to vector<1x16xf32>
      tpu.vector_store %arg7[%swap3A_4249, %swap3A_4250], %swap3A_4253 {strides = array<i32>} : memref<4x128xf32, #tpu.memory_space<vmem>>, vector<1x16xf32>,
      "tpu.region"() ({
        %run_scoped3A = tpu.sem_alloc : memref<!tpu.dma_semaphore, #tpu.memory_space<semaphore_mem>>
        %dma_start3A = arith.constant 0 : i32
        %dma_start3A_4254 = tpu.memref_slice %arg4[%dma_start3A, %mul3A_0] : memref<4x2048xf32, #tpu.memory_space<hbm>> -> memref<4x128xf32, #tpu.memory_space<hbm>>
        %dma_start3A_4255 = arith.constant 0 : i32
        %dma_start3A_4256 = tpu.memref_slice %arg4[%dma_start3A_4255, %mul3A_0] : memref<4x2048xf32, #tpu.memory_space<hbm>> -> memref<4x128xf32, #tpu.memory_space<hbm>>
        tpu.enqueue_dma source(%arg7 : memref<4x128xf32, #tpu.memory_space<vmem>>) target(%dma_start3A_4256 : memref<4x128xf32, #tpu.memory_space<hbm>>) target_semaphore(%run_scoped3A : memref<!tpu.dma_semaphore, #tpu.memory_space<semaphore_mem>>)
        %dma_wait3A = arith.constant 0 : i32
        %dma_wait3A_4257 = tpu.memref_slice %arg4[%dma_wait3A, %mul3A_0] : memref<4x2048xf32, #tpu.memory_space<hbm>> -> memref<4x128xf32, #tpu.memory_space<hbm>>
        %dma_wait3A_4258 = arith.constant 0 : i32
        %dma_wait3A_4259 = tpu.memref_slice %arg4[%dma_wait3A_4258, %mul3A_0] : memref<4x2048xf32, #tpu.memory_space<hbm>> -> memref<4x128xf32, #tpu.memory_space<hbm>>
        tpu.wait_dma2 semaphore(%run_scoped3A : memref<!tpu.dma_semaphore, #tpu.memory_space<semaphore_mem>>) src(%arg7 : memref<4x128xf32, #tpu.memory_space<vmem>>) dst(%dma_wait3A_4259 : memref<4x128xf32, #tpu.memory_space<hbm>>)
        tpu.yield
      }) : () -> ()
    } else {
    }
    return
  }
}

module attributes {stable_mosaic.version = 14 : i64} {
  func.func @_mmoe_tc_body(%arg0: i32, %arg1: i32, %arg2: memref<2048x2048xf32, #tpu.memory_space<vmem>>, %arg3: memref<1x2048x1024xf32, #tpu.memory_space<vmem>>, %arg4: memref<1x1x1024xf32, #tpu.memory_space<vmem>>, %arg5: memref<2048x32xf32, #tpu.memory_space<vmem>>, %arg6: memref<1024x4xf32, #tpu.memory_space<vmem>>, %arg7: memref<1x4xf32, #tpu.memory_space<vmem>>, %arg8: memref<1x4x2048xf32, #tpu.memory_space<vmem>>, %arg9: memref<32x2048xf32, #tpu.memory_space<vmem>>, %arg10: memref<2048x4xf32, #tpu.memory_space<vmem>>) attributes {dimension_semantics = [#tpu.dimension_semantics<arbitrary>, #tpu.dimension_semantics<arbitrary>], iteration_bounds = array<i64: 8, 2>, scalar_prefetch = 0 : i64, scratch_operands = 1 : i64, tpu.core_type = #tpu.core_type<tc>, window_params = [{pipeline_mode = #tpu.pipeline_mode<synchronous>, transform_indices = @transform_0, window_bounds = array<i64: 2048, 2048>}, {transform_indices = @transform_1, window_bounds = array<i64: 1, 2048, 1024>}, {transform_indices = @transform_2, window_bounds = array<i64: 1, 1, 1024>}, {pipeline_mode = #tpu.pipeline_mode<synchronous>, transform_indices = @transform_3, window_bounds = array<i64: 2048, 32>}, {transform_indices = @transform_4, window_bounds = array<i64: 1024, 4>}, {pipeline_mode = #tpu.pipeline_mode<synchronous>, transform_indices = @transform_5, window_bounds = array<i64: 1, 4>}, {transform_indices = @transform_6, window_bounds = array<i64: 1, 4, 2048>}, {pipeline_mode = #tpu.pipeline_mode<synchronous>, transform_indices = @transform_7, window_bounds = array<i64: 32, 2048>}]} {
    %eq3A = arith.constant 0 : i32
    %eq3A_0 = arith.cmpi eq, %arg0, %eq3A : i32
    %eq3A_1 = arith.constant 0 : i32
    %eq3A_2 = arith.cmpi eq, %arg1, %eq3A_1 : i32
    %and3A = arith.andi %eq3A_0, %eq3A_2 : i1
    %convert_element_type3A = arith.extui %and3A : i1 to i32
    %cond3A = arith.constant 0 : i32
    %cond3A_3 = arith.cmpi ne, %convert_element_type3A, %cond3A : i32
    scf.if %cond3A_3 {
      %get3A_39 = arith.constant 0 : index
      %get3A_40 = arith.constant 0 : index
      %get3A_41 = vector.load %arg2[%get3A_39, %get3A_40] : memref<2048x2048xf32, #tpu.memory_space<vmem>>, vector<2048x2048xf32>
      %get3A_42 = arith.constant 0 : index
      %get3A_43 = arith.constant 0 : index
      %get3A_44 = vector.load %arg5[%get3A_42, %get3A_43] : memref<2048x32xf32, #tpu.memory_space<vmem>>, vector<2048x32xf32>
      %dot_general3A_45 = arith.constant dense<0.000000e+00> : vector<2048x32xf32>
      %dot_general3A_46 = tpu.matmul %get3A_41, %get3A_44, %dot_general3A_45 {dimension_numbers = #tpu.dot_dimension_numbers<[1], [0], [0], [1], [0, 0, 1, 1], [], []>, transpose_lhs_hint = false} : vector<2048x2048xf32>, vector<2048x32xf32>, vector<2048x32xf32> -> vector<2048x32xf32>
      %transpose3A = tpu.transpose %dot_general3A_46, [1, 0] : vector<2048x32xf32> -> vector<32x2048xf32>
      %swap3A = arith.constant 0 : index
      %swap3A_47 = arith.constant 0 : index
      %swap3A_48 = vector.load %arg9[%swap3A, %swap3A_47] : memref<32x2048xf32, #tpu.memory_space<vmem>>, vector<32x2048xf32>
      tpu.vector_store %arg9[%swap3A, %swap3A_47], %transpose3A {strides = array<i32>} : memref<32x2048xf32, #tpu.memory_space<vmem>>, vector<32x2048xf32>,
    } else {
    }
    %get3A = arith.constant 0 : index
    %get3A_4 = arith.constant 0 : index
    %get3A_5 = vector.load %arg2[%get3A, %get3A_4] : memref<2048x2048xf32, #tpu.memory_space<vmem>>, vector<2048x2048xf32>
    %get3A_6 = arith.constant 0 : index
    %get3A_7 = arith.constant 0 : index
    %get3A_8 = arith.constant 0 : index
    %get3A_9 = vector.load %arg3[%get3A_6, %get3A_7, %get3A_8] : memref<1x2048x1024xf32, #tpu.memory_space<vmem>>, vector<1x2048x1024xf32>
    %get3A_10 = vector.shape_cast %get3A_9 : vector<1x2048x1024xf32> to vector<2048x1024xf32>
    %dot_general3A = arith.constant dense<0.000000e+00> : vector<2048x1024xf32>
    %dot_general3A_11 = tpu.matmul %get3A_5, %get3A_10, %dot_general3A {dimension_numbers = #tpu.dot_dimension_numbers<[1], [0], [0], [1], [0, 0, 1, 1], [], []>, transpose_lhs_hint = false} : vector<2048x2048xf32>, vector<2048x1024xf32>, vector<2048x1024xf32> -> vector<2048x1024xf32>
    %get3A_12 = arith.constant 0 : index
    %get3A_13 = arith.constant 0 : index
    %get3A_14 = arith.constant 0 : index
    %get3A_15 = vector.load %arg4[%get3A_12, %get3A_13, %get3A_14] : memref<1x1x1024xf32, #tpu.memory_space<vmem>>, vector<1x1x1024xf32>
    %get3A_16 = vector.shape_cast %get3A_15 : vector<1x1x1024xf32> to vector<1x1024xf32>
    %add3A = vector.broadcast %get3A_16 : vector<1x1024xf32> to vector<2048x1024xf32>
    %add3A_17 = arith.addf %dot_general3A_11, %add3A : vector<2048x1024xf32>
    %max3A = arith.constant 0.000000e+00 : f32
    %max3A_18 = vector.broadcast %max3A : f32 to vector<2048x1024xf32>
    %max3A_19 = arith.maximumf %add3A_17, %max3A_18 : vector<2048x1024xf32>
    %get3A_20 = arith.constant 0 : index
    %get3A_21 = arith.constant 0 : index
    %get3A_22 = vector.load %arg6[%get3A_20, %get3A_21] : memref<1024x4xf32, #tpu.memory_space<vmem>>, vector<1024x4xf32>
    %dot_general3A_23 = arith.constant dense<0.000000e+00> : vector<2048x4xf32>
    %dot_general3A_24 = tpu.matmul %max3A_19, %get3A_22, %dot_general3A_23 {dimension_numbers = #tpu.dot_dimension_numbers<[1], [0], [0], [1], [0, 0, 1, 1], [], []>, transpose_lhs_hint = false} : vector<2048x1024xf32>, vector<1024x4xf32>, vector<2048x4xf32> -> vector<2048x4xf32>
    %eq3A_25 = arith.constant 0 : i32
    %eq3A_26 = arith.cmpi eq, %arg1, %eq3A_25 : i32
    %convert_element_type3A_27 = arith.extui %eq3A_26 : i1 to i32
    %cond3A_28 = arith.constant 0 : i32
    %cond3A_29 = arith.cmpi ne, %convert_element_type3A_27, %cond3A_28 : i32
    scf.if %cond3A_29 {
      %get3A_39 = arith.constant 0 : index
      %get3A_40 = arith.constant 0 : index
      %get3A_41 = vector.load %arg7[%get3A_39, %get3A_40] : memref<1x4xf32, #tpu.memory_space<vmem>>, vector<1x4xf32>
      %add3A_42 = vector.broadcast %get3A_41 : vector<1x4xf32> to vector<2048x4xf32>
      %add3A_43 = arith.addf %dot_general3A_24, %add3A_42 : vector<2048x4xf32>
      %swap3A = arith.constant 0 : index
      %swap3A_44 = arith.constant 0 : index
      %swap3A_45 = vector.load %arg10[%swap3A, %swap3A_44] : memref<2048x4xf32, #tpu.memory_space<vmem>>, vector<2048x4xf32>
      tpu.vector_store %arg10[%swap3A, %swap3A_44], %add3A_43 {strides = array<i32>} : memref<2048x4xf32, #tpu.memory_space<vmem>>, vector<2048x4xf32>,
    } else {
    }
    %ne3A = arith.constant 0 : i32
    %ne3A_30 = arith.cmpi ne, %arg1, %ne3A : i32
    %convert_element_type3A_31 = arith.extui %ne3A_30 : i1 to i32
    %cond3A_32 = arith.constant 0 : i32
    %cond3A_33 = arith.cmpi ne, %convert_element_type3A_31, %cond3A_32 : i32
    scf.if %cond3A_33 {
      %get3A_39 = arith.constant 0 : index
      %get3A_40 = arith.constant 0 : index
      %get3A_41 = vector.load %arg10[%get3A_39, %get3A_40] : memref<2048x4xf32, #tpu.memory_space<vmem>>, vector<2048x4xf32>
      %add3A_42 = arith.addf %get3A_41, %dot_general3A_24 : vector<2048x4xf32>
      %swap3A = arith.constant 0 : index
      %swap3A_43 = arith.constant 0 : index
      %swap3A_44 = vector.load %arg10[%swap3A, %swap3A_43] : memref<2048x4xf32, #tpu.memory_space<vmem>>, vector<2048x4xf32>
      tpu.vector_store %arg10[%swap3A, %swap3A_43], %add3A_42 {strides = array<i32>} : memref<2048x4xf32, #tpu.memory_space<vmem>>, vector<2048x4xf32>,
    } else {
    }
    %eq3A_34 = arith.constant 1 : i32
    %eq3A_35 = arith.cmpi eq, %arg1, %eq3A_34 : i32
    %convert_element_type3A_36 = arith.extui %eq3A_35 : i1 to i32
    %cond3A_37 = arith.constant 0 : i32
    %cond3A_38 = arith.cmpi ne, %convert_element_type3A_36, %cond3A_37 : i32
    scf.if %cond3A_38 {
      %get3A_39 = arith.constant 0 : index
      %get3A_40 = arith.constant 0 : index
      %get3A_41 = vector.load %arg10[%get3A_39, %get3A_40] : memref<2048x4xf32, #tpu.memory_space<vmem>>, vector<2048x4xf32>
      %transpose3A = tpu.transpose %get3A_41, [1, 0] : vector<2048x4xf32> -> vector<4x2048xf32>
      %swap3A = arith.constant 0 : index
      %swap3A_42 = arith.constant 0 : index
      %swap3A_43 = arith.constant 0 : index
      %swap3A_44 = vector.load %arg8[%swap3A, %swap3A_42, %swap3A_43] : memref<1x4x2048xf32, #tpu.memory_space<vmem>>, vector<1x4x2048xf32>
      %swap3A_45 = vector.shape_cast %swap3A_44 : vector<1x4x2048xf32> to vector<4x2048xf32>
      %swap3A_46 = vector.shape_cast %transpose3A : vector<4x2048xf32> to vector<1x4x2048xf32>
      tpu.vector_store %arg8[%swap3A, %swap3A_42, %swap3A_43], %swap3A_46 {strides = array<i32>} : memref<1x4x2048xf32, #tpu.memory_space<vmem>>, vector<1x4x2048xf32>,
    } else {
    }
    return
  }
  func.func @transform_0(%arg0: i32, %arg1: i32) -> (i32, i32) {
    %c0_i32 = arith.constant 0 : i32
    %c0_i32_0 = arith.constant 0 : i32
    %c0_i32_1 = arith.constant 0 : i32
    return %c0_i32, %c0_i32_0 : i32, i32
  }
  func.func @transform_1(%arg0: i32, %arg1: i32) -> (i32, i32, i32) {
    %c0_i32 = arith.constant 0 : i32
    %c0_i32_0 = arith.constant 0 : i32
    return %arg0, %c0_i32, %arg1 : i32, i32, i32
  }
  func.func @transform_2(%arg0: i32, %arg1: i32) -> (i32, i32, i32) {
    %c0_i32 = arith.constant 0 : i32
    %c0_i32_0 = arith.constant 0 : i32
    return %arg0, %c0_i32, %arg1 : i32, i32, i32
  }
  func.func @transform_3(%arg0: i32, %arg1: i32) -> (i32, i32) {
    %c0_i32 = arith.constant 0 : i32
    %c0_i32_0 = arith.constant 0 : i32
    %c0_i32_1 = arith.constant 0 : i32
    return %c0_i32, %c0_i32_0 : i32, i32
  }
  func.func @transform_4(%arg0: i32, %arg1: i32) -> (i32, i32) {
    %c0_i32 = arith.constant 0 : i32
    %c0_i32_0 = arith.constant 0 : i32
    return %arg1, %c0_i32 : i32, i32
  }
  func.func @transform_5(%arg0: i32, %arg1: i32) -> (i32, i32) {
    %c0_i32 = arith.constant 0 : i32
    %c0_i32_0 = arith.constant 0 : i32
    %c0_i32_1 = arith.constant 0 : i32
    return %c0_i32, %c0_i32_0 : i32, i32
  }
  func.func @transform_6(%arg0: i32, %arg1: i32) -> (i32, i32, i32) {
    %c0_i32 = arith.constant 0 : i32
    %c0_i32_0 = arith.constant 0 : i32
    %c0_i32_1 = arith.constant 0 : i32
    return %arg0, %c0_i32, %c0_i32_0 : i32, i32, i32
  }
  func.func @transform_7(%arg0: i32, %arg1: i32) -> (i32, i32) {
    %c0_i32 = arith.constant 0 : i32
    %c0_i32_0 = arith.constant 0 : i32
    %c0_i32_1 = arith.constant 0 : i32
    return %c0_i32, %c0_i32_0 : i32, i32
  }
}

</mosaic_0001>

<sc_bundles>
// kernel: kernel.4.cloned.1.call-start
scs
__scs_entry_jumppad:
0x0: {  	(pc) =	sbr.rel $0x88, $3  }
0x1: {  	(tag) =	ssettag $0x0;
	lr =	simm.s32 $0x1  }
0x2: {  	[smem:$0x3F9B] =	sst lr;
	_ =	strace $0xD0000000  }
0x3: {  	_ = 	snop  }
0x4: {  	_ = 	snop  }
0x5: {  	_ = 	snop  }
0x6: {  	_ = 	snop  }
0x7: {  	_ = 	snop  }
__scs_overlays_trampoline_lowered:
0x8: {  	[smem:$0x3FAA] =	sst s0  }
0x9: {  	[smem:$0x3FAB] =	sst s1  }
0xa: {  	[smem:$0x3FAC] =	sst s2  }
0xb: {  	[smem:$0x3FAD] =	sst s3  }
0xc: {  	[smem:$0x3FAE] =	sst s4  }
0xd: {  	[smem:$0x3FAF] =	sst s5  }
0xe: {  	[smem:$0x3FB0] =	sst s6  }
0xf: {  	[smem:$0x3FB1] =	sst s7  }
0x10: {  	[smem:$0x3FB2] =	sst s8  }
0x11: {  	[smem:$0x3FB3] =	sst s9;
	s0 =	simm.s32 @!p0 $0x0  }
0x12: {  	s1 =	sld [smem:$0x3F99];
	s0 =	simm.s32 @p0 $0x1  }
0x13: {  	[smem:$0x3FB4] =	sst s0;
	s0 =	simm.s32 @!p1 $0x0  }
0x14: {  	s2 =	sld [smem:$0x3F98];
	s0 =	simm.s32 @p1 $0x1  }
0x15: {  	[smem:$0x3FB5] =	sst s0;
	s0 =	simm.s32 @!p2 $0x0  }
0x16: {  	s3 =	sld [smem:$0x3FDB];
	s0 =	simm.s32 @p2 $0x1  }
0x17: {  	s4 =	simm.s32 $0x1BF5;
	[smem:$0x3FB7] =	sst s0  }
0x18: {  	s0 =	sld [smem:$0x3F9A];
	_ =	swait.ge [sflag:s4], $0x0  }
0x19: {  	s7 =	sld [smem:$0x3F9B]  }
0x1a: {  	s8 =	sadd.s32 $0xFFFFE003, lr  }
0x1b: {  	s9 =	sadd.s32 $0xFFFFFEF7, lr;
	s5 =	simm.s32 $0xFFFFFFFF;
	p2 =	slt.u32 s8, $0xFFFFF086  }
0x1c: {  	p1 =	slt.u32 s9, $0xF7A;
	s5 =	simm.s32 @!p2 $0x0  }
0x1d: {  	s5 =	simm.s32 @p1 $0x1;
	p0 =	seq.s32 s7, s2  }
0x1e: {  	s7 =	smul.u32 @!p0 $0xF7A, s2;
	p2 =	seq.s32 @!p0 s5, $0x0  }
0x1f: {  	s9 =	smul.u32 $0xF7A, s1;
	s8 =	simm.s32 @!p0 $0x1BF5;
	p2 =	por !p2, p0  }
0x20: {  	[sflag:s8] =	ssyncset.s32 @!p0 $0xFFFFF086;
	s6 =	sadd.s32 @!p0 s3, s7;
	s7 =	simm.s32 @!p0 $0x108  }
0x21: {  	s3 =	sadd.s32 s3, s9;
	s6 =	sadd.s32 @!p0 $0x88, s6;
	s7 =	simm.s32 @p2 $0x1082  }
0x22: {  	[simem:s7], [sflag:s8] =	dma.local @!p0 [hbm:s6], $0xF7A  }
0x23: {  	s9 =	sor.u32 $0xD0000000, s2;
	s6 =	simm.s32 $0x108;
	_ =	swait.ge @!p0 [sflag:s8], $0x0  }
0x24: {  	s3 =	sadd.s32 $0x88, s3;
	s6 =	simm.s32 @!p1 $0x1082;
	[sflag:s4] =	ssyncset.s32 $0xFFFFF086  }
0x25: {  	[simem:s6], [sflag:s4] =	dma.local [hbm:s3], $0xF7A  }
0x26: {  	[smem:$0x3F9B] =	sst s1;
	(tag) =	ssettag s2;
	_ =	strace s9  }
0x27: {  	s1 =	sld [smem:$0x3FAB]  }
0x28: {  	s2 =	sld [smem:$0x3FAC]  }
0x29: {  	s4 =	sld [smem:$0x3FAE]  }
0x2a: {  	p0 =	seq.s32 s5, $0x0;
	s5 =	sld [smem:$0x3FAF]  }
0x2b: {  	s6 =	sld [smem:$0x3FB0]  }
0x2c: {  	s7 =	sld [smem:$0x3FB1]  }
0x2d: {  	s3 =	simm.s32 $0x108;
	s8 =	sld [smem:$0x3FB2]  }
0x2e: {  	s3 =	simm.s32 @!p0 $0x1082;
	s9 =	sld [smem:$0x3FB3]  }
0x2f: {  	lr =	sadd.s32 s0, s3;
	s0 =	sld [smem:$0x3FAA]  }
0x30: {  	s3 =	sld [smem:$0x3FAD]  }
0x31: {  	[smem:$0x3FB6] =	sst s10  }
0x32: {  	s10 =	sld [smem:$0x3FB4];
	_ =	sdelay $0x3  }
0x33: {  	p0 =	seq.s32 s10, $0x1;
	s10 =	sld [smem:$0x3FB6];
	_ =	sdelay $0x3  }
0x34: {  	[smem:$0x3FB6] =	sst s10  }
0x35: {  	s10 =	sld [smem:$0x3FB5];
	_ =	sdelay $0x3  }
0x36: {  	p1 =	seq.s32 s10, $0x1;
	s10 =	sld [smem:$0x3FB6];
	_ =	sdelay $0x3  }
0x37: {  	[smem:$0x3FB6] =	sst s10  }
0x38: {  	s10 =	sld [smem:$0x3FB7]  }
0x39: {  	_ = 	snop;
	(pc) =	sbr.ind lr, $3  }
0x3a: {  	_ = 	snop  }
0x3b: {  	_ = 	snop  }
0x3c: {  	p2 =	seq.s32 s10, $0x1;
	s10 =	sld [smem:$0x3FB6]  }
0x3d: {  	_ =	shalt  }
0x3e: {  	_ =	shalt  }
0x3f: {  	_ =	shalt  }
0x40: {  	_ =	shalt  }
0x41: {  	_ =	shalt  }
0x42: {  	_ =	shalt  }
0x43: {  	_ =	shalt  }
0x44: {  	_ =	shalt  }
0x45: {  	_ =	shalt  }
0x46: {  	_ =	shalt  }
0x47: {  	_ =	shalt  }
0x48: {  	_ =	shalt  }
0x49: {  	_ =	shalt  }
0x4a: {  	_ =	shalt  }
0x4b: {  	_ =	shalt  }
0x4c: {  	_ =	shalt  }
0x4d: {  	_ =	shalt  }
0x4e: {  	_ =	shalt  }
0x4f: {  	_ =	shalt  }
0x50: {  	_ =	shalt  }
0x51: {  	_ =	shalt  }
0x52: {  	_ =	shalt  }
0x53: {  	_ =	shalt  }
0x54: {  	_ =	shalt  }
0x55: {  	_ =	shalt  }
0x56: {  	_ =	shalt  }
0x57: {  	_ =	shalt  }
0x58: {  	_ =	shalt  }
0x59: {  	_ =	shalt  }
0x5a: {  	_ =	shalt  }
0x5b: {  	_ =	shalt  }
0x5c: {  	_ =	shalt  }
0x5d: {  	_ =	shalt  }
0x5e: {  	_ =	shalt  }
0x5f: {  	_ =	shalt  }
0x60: {  	_ =	shalt  }
0x61: {  	_ =	shalt  }
0x62: {  	_ =	shalt  }
0x63: {  	_ =	shalt  }
0x64: {  	_ =	shalt  }
0x65: {  	_ =	shalt  }
0x66: {  	_ =	shalt  }
0x67: {  	_ =	shalt  }
0x68: {  	_ =	shalt  }
0x69: {  	_ =	shalt  }
0x6a: {  	_ =	shalt  }
0x6b: {  	_ =	shalt  }
0x6c: {  	_ =	shalt  }
0x6d: {  	_ =	shalt  }
0x6e: {  	_ =	shalt  }
0x6f: {  	_ =	shalt  }
0x70: {  	_ =	shalt  }
0x71: {  	_ =	shalt  }
0x72: {  	_ =	shalt  }
0x73: {  	_ =	shalt  }
0x74: {  	_ =	shalt  }
0x75: {  	_ =	shalt  }
0x76: {  	_ =	shalt  }
0x77: {  	_ =	shalt  }
0x78: {  	_ =	shalt  }
0x79: {  	_ =	shalt  }
0x7a: {  	_ =	shalt  }
0x7b: {  	_ =	shalt  }
0x7c: {  	_ =	shalt  }
0x7d: {  	_ =	shalt  }
0x7e: {  	_ =	shalt  }
0x7f: {  	_ =	shalt  }
0x80: {  	_ =	shalt  }
0x81: {  	_ =	shalt  }
0x82: {  	_ =	shalt  }
0x83: {  	_ =	shalt  }
0x84: {  	_ =	shalt  }
0x85: {  	_ =	shalt  }
0x86: {  	_ =	shalt  }
0x87: {  	_ =	shalt  }
.Lfunc_end0:
.L_simem_size_0:
called_computation_lowered:
.L_overlay_start_0:
0x88: {  	s2 =	sld [smem:$0x3FD9]  }
0x89: {  	s3 =	sld [smem:$0x3FFE];
	_ =	sdelay $0x1  }
0x8a: {  	s1 =	srdreg.scid  }
0x8b: {  	s0 =	sand.u32 $0x1, s1  }
0x8c: {  	s16 =	sshll.u32 s0, $0xA;
	s2 =	sadd.s32 s3, s2  }
0x8d: {  	s2 =	sadd.s32 s2, s16  }
0x8e: {  	[smem:$0x3FC2] =	sst s2  }
0x8f: {  	_ = 	snop  }
0x90: {  	(tm) =	ssettm $0x1  }
0x91: {  	s17 =	sld [smem:$0x3FFB];
	_ =	sdelay $0x3  }
0x92: {  	_ =	strace s17  }
0x93: {  	s2 =	sld [smem:$0x3FFC];
	_ =	sdelay $0x3  }
0x94: {  	_ =	strace s2  }
0x95: {  	s2 =	sld [smem:$0x3FFD];
	_ =	sdelay $0x3  }
0x96: {  	_ =	strace s2  }
0x97: {  	_ =	strace $0x8FFFFFFF  }
0x98: {  	s18 =	sld [smem:$0x3FDB];
	_ =	sdelay $0x1  }
0x99: {  	s19 =	simm.s32 $_scs_section_size  }
0x9a: {  	s4 =	simm.s32 $_size__tile_overlayer_lowered;
	s5 =	simm.s32 $_tile_overlayer_lowered  }
0x9b: {  	s22 =	simm.s32 $0x1BFF;
	s21 =	sshll.u32 s5, $0x1;
	s2 =	sadd.s32 s19, s18  }
0x9c: {  	s6 =	simm.s32 $0x0;
	s20 =	sshll.u32 s4, $0x1;
	s4 =	sadd.s32 s21, s2  }
0x9d: {  	[timem:s6], [sflag:s22] =	dma.local [hbm:s4], s20  }
0x9e: {  	_ =	swait.ge [sflag:s22], s20  }
0x9f: {  	s3 =	ssub.s32 $0x0, s20;
	[sflag:s22] =	ssyncset.done $0x0  }
0xa0: {  	[sflag:s22] =	ssyncadd.s32 s3;
	_ =	sdelay $0x1  }
0xa1: {  	s23 =	simm.s32 $0x1B8B  }
0xa2: {  	_ =	swait.ge [sflag:s23], $0x1  }
0xa3: {  	[sflag:s23] =	ssyncset.done $0x0  }
0xa4: {  	s25 =	simm.s32 $0x1B8E;
	s24 =	sld [smem:$0x3FFE];
	[sflag:s23] =	ssyncadd.s32 $0xFFFFFFFF  }
0xa5: {  	s26 =	simm.s32 $execute0_lowered;
	[smem:$0x3FD2] =	sst s25  }
0xa6: {  	s4 =	sshll.u32 s26, $0x1;
	_ =	strace $0x80000046;
	[dreg:$0x1] =	wrdreg $0xFFFFFFFF  }
0xa7: {  	s28 =	simm.s32 $_size_execute0_lowered;
	s2 =	sadd.s32 s2, s4;
	[dreg:$0x0] =	wrdreg $0x0  }
0xa8: {  	s4 =	sshll.u32 s28, $0x1;
	[dreg:$0x2] =	wrdreg s2  }
0xa9: {  	[dreg:$0x3] =	wrdreg s4  }
0xaa: {  	[dreg:$0x4] =	wrdreg $0xC0  }
0xab: {  	_ =	task [dreg:s6], $0x5FFFF  }
0xac: {  	[dreg:$0x1] =	wrdreg $0xFFFFFFFF  }
0xad: {  	[dreg:$0x0] =	wrdreg $0x60  }
0xae: {  	[dreg:$0x2] =	wrdreg s24  }
0xaf: {  	[dreg:$0x3] =	wrdreg $0x9  }
0xb0: {  	_ =	task.clear_ibuf [dreg:s6], $0x4FFFF;
	_ =	strace $0x90000046  }
0xb1: {  	s29 =	simm.s32 $0x9;
	_ =	strace $0x80000048  }
0xb2: {  	_ =	swait.ge [sflag:s29], $0x1  }
0xb3: {  	[sflag:s29] =	ssyncadd.s32 $0xFFFFFFFF  }
0xb4: {  	_ =	strace $0x90000048  }
0xb5: {  	_ =	sfence  }
0xb6: {  	s30 =	sld [smem:$0x0];
	_ =	sdelay $0x2  }
0xb7: {  	s31 =	sshll.u32 s1, $0xD;
	s1 =	sshrl.u32 s1, $0x2  }
0xb8: {  	s3 =	sand.u32 $0x4000, s31;
	s1 =	sadd.s32 s1, s30  }
0xb9: {  	s0 =	sor.u32 s3, s0;
	s1 =	sshll.u32 s1, $0x11  }
0xba: {  	s0 =	sor.u32 s1, s0  }
0xbb: {  	s0 =	sadd.s32 $0x8F2B, s0  }
0xbc: {  	[sflag:s0] =	ssyncadd.remote.s32 $0x1  }
0xbd: {  	_ =	sfence.sel $0xFFFF  }
0xbe: {  	[dreg:$0x0] =	wrdreg $0xFFFFFFFF;
	(pc) =	sbr.abs _section_cstart, $3  }
0xbf: {  	[dreg:$0x1] =	wrdreg $0xFFFFFFFF  }
0xc0: {  	_ =	task.clear_ibuf [dreg:s6], $0x2FFFF;
	_ =	strace $0x9FFFFFFF  }
0xc1: {  	(tm) =	ssettm $0x7FFFFFFF  }
tec
execute0_lowered:
.L_overlay_start_1:
0x0: {  	(tag) =	ssettag $0x1  }
0x1: {  	s1 =	srdreg.scid  }
0x2: {  	s1 =	sand.u32 $0x1, s1  }
0x3: {  	p0 =	seq.s32 s1, $0x1  }
.Ltmp0:
0x4: {  	_ = 	snop;
	(pc) =	sbr.rel @p0 .LBB2_2-.Ltmp0, $4  }
0x5: {  	_ = 	snop  }
0x6: {  	s3 =	rddreg [dreg:$0x0];
	s2 =	simm.s32 $0x0  }
0x7: {  	[smem:$0x7FF] =	sst s2  }
0x8: {  	s0 =	rddreg [dreg:$0x1];
	_ =	strace $0x80000047;
	s1 =	stileid.u32  }
0x9: {  	s4 =	sadd.s32 $0xE00, s3;
	s5 =	sshll.u32 s1, $0x7;
	s25 =	simm.s32 $0x400  }
0xa: {  	s6 =	simm.s32 $0x4000;
	s26 =	simm.s32 $0x1;
	s4 =	sadd.s32 s4, s5  }
0xb: {  	[tilespmem:s2], [sflag:$0x1] =	stream.strided.gather [hbm4b:s4+s25], $0x1000, s6, s25, $0x38;
	[tilespmem:$0x2200] =	vst v63  }
0xc: {  	s28 =	sadd.s32 $0x2E00, s3;
	s29 =	sshll.u32 s1, $0x6;
	_ =	swait.ge [sflag:s26], $0x1000  }
0xd: {  	s8 =	simm.s32 $0x200;
	s30 =	simm.s32 $0x2000;
	[sflag:s26] =	ssyncset.done $0x0  }
0xe: {  	s9 =	simm.s32 $0x1000;
	s7 =	sadd.s32 s28, s29;
	[sflag:s26] =	ssyncadd.s32 $0xFFFFF000  }
0xf: {  	[tilespmem:s9], [sflag:$0x1] =	stream.strided.gather [hbm4b:s7+s8], $0x1000, s30, s8, $0x38;
	[tilespmem:$0x2200] =	vst v63  }
0x10: {  	_ =	swait.ge [sflag:s26], $0x1000  }
0x11: {  	[sflag:s26] =	ssyncset.done $0x0  }
0x12: {  	[sflag:s26] =	ssyncadd.s32 $0xFFFFF000  }
0x13: {  	v0 =	vld [tilespmem:$0x0]  }
0x14: {  	v1 =	vld [tilespmem:$0x80];
	_ =	sdelay $0x1  }
0x15: {  	v2 =	vld [tilespmem:$0x100];
	_ =	sdelay $0x1  }
0x16: {  	v3 =	vld [tilespmem:$0x180];
	v0 =	vmul.f32 $1.442695020e+00, v0  }
0x17: {  	v1 =	vmul.f32 $1.442695020e+00, v1  }
0x18: {  	v50 =	vld [tilespmem:$0x200];
	(erf) = vpow2.f32 v0  }
0x19: {  	v51 =	vmul.f32 $1.442695020e+00, v2;
	(erf) = vpow2.f32 v1  }
0x1a: {  	v52 =	vld [tilespmem:$0x280]  }
0x1b: {  	v53 =	vmul.f32 $1.442695020e+00, v3;
	(erf) = vpow2.f32 v51  }
0x1c: {  	v54 =	vld [tilespmem:$0x300]  }
0x1d: {  	v0 =	vmul.f32 $1.442695020e+00, v50;
	(erf) = vpow2.f32 v53  }
0x1e: {  	v55 =	vld [tilespmem:$0x380]  }
0x1f: {  	v56 =	vmul.f32 $1.442695020e+00, v52;
	(erf) = vpow2.f32 v0;
	_ =	sdelay $0x1  }
0x20: {  	v58 =	vmul.f32 $1.442695020e+00, v54;
	(erf) = vpow2.f32 v56;
	v57 =	vpop (erf)  }
0x21: {  	v59 =	vpop (erf)  }
0x22: {  	v60 =	vmul.f32 $1.442695020e+00, v55;
	(erf) = vpow2.f32 v58;
	v4 =	vadd.f32 v59, v57  }
0x23: {  	v61 =	vpop (erf)  }
0x24: {  	(erf) = vpow2.f32 v60;
	v4 =	vadd.f32 v61, v4  }
0x25: {  	v5 =	vpop (erf)  }
0x26: {  	v62 =	vadd.f32 v5, v4  }
0x27: {  	v63 =	vpop (erf)  }
0x28: {  	v0 =	vadd.f32 v63, v62  }
0x29: {  	v6 =	vpop (erf)  }
0x2a: {  	v7 =	vld [tilespmem:$0x400];
	v0 =	vadd.f32 v6, v0  }
0x2b: {  	v9 =	vld [tilespmem:$0x480];
	v8 =	vpop (erf)  }
0x2c: {  	v0 =	vadd.f32 v8, v0  }
0x2d: {  	v11 =	vld [tilespmem:$0x500];
	v10 =	vpop (erf)  }
0x2e: {  	v0 =	vadd.f32 v10, v0  }
0x2f: {  	v12 =	vld [tilespmem:$0x580];
	v7 =	vmul.f32 $1.442695020e+00, v7  }
0x30: {  	v29 =	vmul.f32 $1.442695020e+00, v9;
	(erf) = vrcp.f32 v0  }
0x31: {  	v30 =	vld [tilespmem:$0x600];
	(erf) = vpow2.f32 v7  }
0x32: {  	v31 =	vmul.f32 $1.442695020e+00, v11;
	(erf) = vpow2.f32 v29  }
0x33: {  	v32 =	vld [tilespmem:$0x680]  }
0x34: {  	v33 =	vmul.f32 $1.442695020e+00, v12;
	(erf) = vpow2.f32 v31  }
0x35: {  	v34 =	vld [tilespmem:$0x700]  }
0x36: {  	v36 =	vld [tilespmem:$0x780];
	v35 =	vmul.f32 $1.442695020e+00, v30;
	(erf) = vpow2.f32 v33;
	_ =	sdelay $0x1  }
0x37: {  	v9 =	vmul.f32 $1.442695020e+00, v32;
	(erf) = vpow2.f32 v35  }
0x38: {  	v0 =	vpop (erf)  }
0x39: {  	v38 =	vmul.f32 $1.442695020e+00, v34;
	(erf) = vpow2.f32 v9;
	v37 =	vpop (erf)  }
0x3a: {  	v7 =	vmul.f32 $1.442695020e+00, v36;
	v39 =	vpop (erf)  }
0x3b: {  	(erf) = vpow2.f32 v38;
	v13 =	vadd.f32 v39, v37  }
0x3c: {  	v9 =	vpop (erf)  }
0x3d: {  	(erf) = vpow2.f32 v7;
	v13 =	vadd.f32 v9, v13  }
0x3e: {  	v7 =	vpop (erf)  }
0x3f: {  	v13 =	vadd.f32 v7, v13  }
0x40: {  	v14 =	vpop (erf)  }
0x41: {  	v15 =	vld [tilespmem:$0x1000];
	v13 =	vadd.f32 v14, v13  }
0x42: {  	v16 =	vld [tilespmem:$0x1200];
	v17 =	vpop (erf)  }
0x43: {  	v18 =	vld [tilespmem:$0x800];
	v13 =	vadd.f32 v17, v13  }
0x44: {  	v20 =	vld [tilespmem:$0x880];
	v19 =	vpop (erf)  }
0x45: {  	v21 =	vld [tilespmem:$0x1400];
	v13 =	vadd.f32 v19, v13  }
0x46: {  	v23 =	vld [tilespmem:$0x900];
	v22 =	vpop (erf)  }
0x47: {  	v24 =	vld [tilespmem:$0x1600];
	v13 =	vadd.f32 v22, v13  }
0x48: {  	v25 =	vld [tilespmem:$0x980];
	v18 =	vmul.f32 $1.442695020e+00, v18  }
0x49: {  	v26 =	vld [tilespmem:$0x1800];
	v40 =	vmul.f32 $1.442695020e+00, v20;
	(erf) = vrcp.f32 v13  }
0x4a: {  	v41 =	vld [tilespmem:$0xA00];
	(erf) = vpow2.f32 v18  }
0x4b: {  	v42 =	vld [tilespmem:$0x1A00];
	v43 =	vmul.f32 $1.442695020e+00, v23;
	(erf) = vpow2.f32 v40  }
0x4c: {  	v44 =	vld [tilespmem:$0xA80]  }
0x4d: {  	v27 =	vld [tilespmem:$0x1C00];
	v45 =	vmul.f32 $1.442695020e+00, v25;
	(erf) = vpow2.f32 v43  }
0x4e: {  	v46 =	vld [tilespmem:$0xB00]  }
0x4f: {  	v28 =	vld [tilespmem:$0x1E00];
	v47 =	vmul.f32 $1.442695020e+00, v41;
	(erf) = vpow2.f32 v45  }
0x50: {  	v48 =	vld [tilespmem:$0xB80]  }
0x51: {  	v49 =	vld [tilespmem:$0x1080];
	v50 =	vmul.f32 $1.442695020e+00, v44;
	(erf) = vpow2.f32 v47  }
0x52: {  	v52 =	vld [tilespmem:$0x1480];
	v2 =	vmul.f32 v57, v15;
	v3 =	vmul.f32 v59, v16;
	v18 =	vpop (erf)  }
0x53: {  	v54 =	vmul.f32 $1.442695020e+00, v46;
	v34 =	vld [tilespmem:$0x1500];
	(erf) = vpow2.f32 v50;
	v53 =	vpop (erf)  }
0x54: {  	v41 =	vld [tilespmem:$0x1B00];
	v1 =	vmul.f32 v61, v21;
	v2 =	vadd.f32 v3, v2;
	v57 =	vpop (erf)  }
0x55: {  	v44 =	vld [tilespmem:$0xC00];
	v59 =	vmul.f32 $1.442695020e+00, v48;
	(erf) = vpow2.f32 v54;
	v29 =	vadd.f32 v57, v53  }
0x56: {  	v51 =	vld [tilespmem:$0x1280];
	v55 =	vmul.f32 v5, v24;
	v1 =	vadd.f32 v1, v2;
	v61 =	vpop (erf)  }
0x57: {  	v56 =	vld [tilespmem:$0x1680];
	(erf) = vpow2.f32 v59;
	v29 =	vadd.f32 v61, v29  }
0x58: {  	v58 =	vld [tilespmem:$0x1880];
	v4 =	vmul.f32 v63, v26;
	v1 =	vadd.f32 v55, v1;
	v30 =	vpop (erf)  }
0x59: {  	v62 =	vld [tilespmem:$0x1100];
	v35 =	vadd.f32 v30, v29  }
0x5a: {  	v63 =	vld [tilespmem:$0x1300];
	v1 =	vadd.f32 v4, v1;
	v33 =	vmul.f32 v6, v42;
	v12 =	vmul.f32 v37, v49;
	v37 =	vpop (erf)  }
0x5b: {  	v60 =	vld [tilespmem:$0x1A80];
	v20 =	vadd.f32 v37, v35  }
0x5c: {  	v36 =	vld [tilespmem:$0x1700];
	v1 =	vadd.f32 v33, v1;
	v38 =	vmul.f32 v8, v27;
	v3 =	vmul.f32 v39, v51;
	v40 =	vpop (erf)  }
0x5d: {  	v55 =	vmul.f32 $1.442695020e+00, v44;
	v42 =	vmul.f32 v10, v28;
	v47 =	vld [tilespmem:$0xC80];
	v43 =	vadd.f32 v40, v20  }
0x5e: {  	v49 =	vld [tilespmem:$0xD00];
	v1 =	vadd.f32 v38, v1;
	v3 =	vadd.f32 v3, v12;
	v9 =	vmul.f32 v9, v52;
	v46 =	vpop (erf)  }
0x5f: {  	v39 =	vld [tilespmem:$0x1900];
	v45 =	vmul.f32 v53, v62;
	v13 =	vmul.f32 v57, v63;
	v10 =	vadd.f32 v46, v43  }
0x60: {  	v51 =	vld [tilespmem:$0xD80];
	v5 =	vmul.f32 v7, v56;
	v48 =	vmul.f32 v14, v58;
	v3 =	vadd.f32 v9, v3;
	v50 =	vpop (erf)  }
0x61: {  	v52 =	vld [tilespmem:$0xE00];
	v6 =	vmul.f32 v61, v34;
	v9 =	vadd.f32 v13, v45;
	v10 =	vadd.f32 v50, v10  }
0x62: {  	v56 =	vld [tilespmem:$0x1D00];
	v1 =	vadd.f32 v42, v1;
	v2 =	vmul.f32 v17, v60;
	v57 =	vmul.f32 $1.442695020e+00, v47  }
0x63: {  	v58 =	vld [tilespmem:$0x1E80];
	v11 =	vmul.f32 v30, v36;
	v6 =	vadd.f32 v6, v9;
	(erf) = vrcp.f32 v10  }
0x64: {  	v3 =	vadd.f32 v5, v3;
	v53 =	vld [tilespmem:$0x1C80];
	v59 =	vmul.f32 $1.442695020e+00, v49;
	(erf) = vpow2.f32 v55  }
0x65: {  	v8 =	vmul.f32 v37, v39;
	v6 =	vadd.f32 v11, v6;
	(erf) = vpow2.f32 v57  }
0x66: {  	v60 =	vld [tilespmem:$0x1F00];
	v3 =	vadd.f32 v48, v3;
	v61 =	vmul.f32 $1.442695020e+00, v51;
	(erf) = vpow2.f32 v59  }
0x67: {  	v62 =	vmul.f32 $1.442695020e+00, v52;
	v54 =	vmul.f32 v40, v41;
	v6 =	vadd.f32 v8, v6  }
0x68: {  	v2 =	vadd.f32 v2, v3;
	v8 =	vmul.f32 v22, v58;
	v22 =	vld [tilespmem:$0xE80];
	(erf) = vpow2.f32 v61  }
0x69: {  	v23 =	vld [tilespmem:$0xF00];
	v63 =	vmul.f32 v19, v53;
	v5 =	vmul.f32 v46, v56;
	v6 =	vadd.f32 v54, v6  }
0x6a: {  	v0 =	vmul.f32 v0, v1;
	(erf) = vpow2.f32 v62  }
0x6b: {  	v24 =	vld [tilespmem:$0xF80];
	v2 =	vadd.f32 v63, v2;
	v9 =	vadd.f32 v5, v6;
	v10 =	vmul.f32 v50, v60  }
0x6c: {  	v12 =	vpop (erf)  }
0x6d: {  	[tilespmem:$0x2000] =	vst v0;
	v2 =	vadd.f32 v8, v2;
	v0 =	vmul.f32 $1.442695020e+00, v22;
	v11 =	vadd.f32 v10, v9;
	v13 =	vpop (erf)  }
0x6e: {  	v25 =	vmul.f32 $1.442695020e+00, v23;
	v16 =	vpop (erf)  }
0x6f: {  	v2 =	vmul.f32 v18, v2;
	v18 =	vpop (erf);
	(erf) = vpow2.f32 v0  }
0x70: {  	v27 =	vmul.f32 $1.442695020e+00, v24  }
0x71: {  	v15 =	vmul.f32 v12, v11;
	v26 =	vadd.f32 v16, v13;
	v11 =	vpop (erf);
	(erf) = vpow2.f32 v25;
	_ =	sdelay $0x1  }
0x72: {  	v21 =	vpop (erf);
	v1 =	vadd.f32 v18, v26;
	(erf) = vpow2.f32 v27;
	_ =	sdelay $0x1  }
0x73: {  	v28 =	vadd.f32 v11, v1;
	_ =	sdelay $0x1  }
0x74: {  	v0 =	vadd.f32 v21, v28  }
0x75: {  	v29 =	vpop (erf)  }
0x76: {  	v30 =	vld [tilespmem:$0x10];
	v0 =	vadd.f32 v29, v0  }
0x77: {  	v31 =	vld [tilespmem:$0x90];
	v46 =	vpop (erf)  }
0x78: {  	v0 =	vadd.f32 v46, v0  }
0x79: {  	v32 =	vld [tilespmem:$0x110];
	v49 =	vpop (erf)  }
0x7a: {  	v0 =	vadd.f32 v49, v0  }
0x7b: {  	v33 =	vld [tilespmem:$0x190];
	v1 =	vmul.f32 $1.442695020e+00, v30  }
0x7c: {  	v34 =	vmul.f32 $1.442695020e+00, v31;
	(erf) = vrcp.f32 v0  }
0x7d: {  	v35 =	vld [tilespmem:$0x210];
	(erf) = vpow2.f32 v1  }
0x7e: {  	v36 =	vmul.f32 $1.442695020e+00, v32;
	(erf) = vpow2.f32 v34  }
0x7f: {  	v37 =	vld [tilespmem:$0x290]  }
0x80: {  	v38 =	vmul.f32 $1.442695020e+00, v33;
	(erf) = vpow2.f32 v36  }
0x81: {  	v39 =	vld [tilespmem:$0x310]  }
0x82: {  	v40 =	vmul.f32 $1.442695020e+00, v35;
	(erf) = vpow2.f32 v38  }
0x83: {  	v41 =	vld [tilespmem:$0x390]  }
0x84: {  	v42 =	vmul.f32 $1.442695020e+00, v37;
	(erf) = vpow2.f32 v40  }
0x85: {  	v43 =	vpop (erf)  }
0x86: {  	v44 =	vmul.f32 $1.442695020e+00, v39;
	(erf) = vpow2.f32 v42;
	v52 =	vpop (erf)  }
0x87: {  	v56 =	vpop (erf)  }
0x88: {  	v47 =	vmul.f32 $1.442695020e+00, v41;
	(erf) = vpow2.f32 v44;
	v45 =	vadd.f32 v56, v52  }
0x89: {  	v48 =	vpop (erf)  }
0x8a: {  	(erf) = vpow2.f32 v47;
	v50 =	vadd.f32 v48, v45  }
0x8b: {  	v51 =	vpop (erf)  }
0x8c: {  	v0 =	vadd.f32 v51, v50  }
0x8d: {  	v53 =	vpop (erf)  }
0x8e: {  	v0 =	vadd.f32 v53, v0  }
0x8f: {  	v54 =	vpop (erf)  }
0x90: {  	v55 =	vld [tilespmem:$0x410];
	v0 =	vadd.f32 v54, v0  }
0x91: {  	v58 =	vld [tilespmem:$0x490];
	v57 =	vpop (erf)  }
0x92: {  	v0 =	vadd.f32 v57, v0  }
0x93: {  	v60 =	vld [tilespmem:$0x510];
	v59 =	vpop (erf)  }
0x94: {  	v0 =	vadd.f32 v59, v0  }
0x95: {  	v61 =	vld [tilespmem:$0x590];
	v1 =	vmul.f32 $1.442695020e+00, v55  }
0x96: {  	v14 =	vld [tilespmem:$0x1180];
	v62 =	vmul.f32 $1.442695020e+00, v58;
	(erf) = vrcp.f32 v0  }
0x97: {  	v63 =	vld [tilespmem:$0x610];
	(erf) = vpow2.f32 v1  }
0x98: {  	v17 =	vld [tilespmem:$0x1380];
	v6 =	vmul.f32 $1.442695020e+00, v60;
	(erf) = vpow2.f32 v62  }
0x99: {  	v7 =	vld [tilespmem:$0x690]  }
0x9a: {  	v8 =	vmul.f32 $1.442695020e+00, v61;
	(erf) = vpow2.f32 v6  }
0x9b: {  	v9 =	vld [tilespmem:$0x710]  }
0x9c: {  	[tilespmem:$0x1F5A0] =	vst v14;
	v10 =	vmul.f32 $1.442695020e+00, v63;
	(erf) = vpow2.f32 v8  }
0x9d: {  	[tilespmem:$0x1F5C0] =	vst v17;
	v12 =	vld [tilespmem:$0x790]  }
0x9e: {  	v19 =	vld [tilespmem:$0x1580];
	[tilespmem:$0x1F5B0] =	vst v13;
	v13 =	vmul.f32 $1.442695020e+00, v7;
	(erf) = vpow2.f32 v10  }
0x9f: {  	[tilespmem:$0x1F5D0] =	vst v16;
	v14 =	vpop (erf)  }
0xa0: {  	v20 =	vld [tilespmem:$0x1780];
	[tilespmem:$0x2100] =	vst v15;
	v16 =	vmul.f32 $1.442695020e+00, v9;
	(erf) = vpow2.f32 v13;
	v15 =	vpop (erf)  }
0xa1: {  	[tilespmem:$0x2080] =	vst v2;
	v17 =	vpop (erf)  }
0xa2: {  	[tilespmem:$0x1F5F0] =	vst v18;
	v18 =	vmul.f32 $1.442695020e+00, v12;
	(erf) = vpow2.f32 v16;
	v2 =	vadd.f32 v17, v15  }
0xa3: {  	[tilespmem:$0x1F5E0] =	vst v19;
	v19 =	vpop (erf)  }
0xa4: {  	(erf) = vpow2.f32 v18;
	v1 =	vadd.f32 v19, v2  }
0xa5: {  	[tilespmem:$0x1F600] =	vst v20;
	v20 =	vpop (erf)  }
0xa6: {  	v0 =	vadd.f32 v20, v1  }
0xa7: {  	[tilespmem:$0x1F620] =	vst v21;
	v21 =	vpop (erf)  }
0xa8: {  	v0 =	vadd.f32 v21, v0  }
0xa9: {  	v22 =	vpop (erf)  }
0xaa: {  	v23 =	vld [tilespmem:$0x810];
	v0 =	vadd.f32 v22, v0  }
0xab: {  	v25 =	vld [tilespmem:$0x890];
	v24 =	vpop (erf)  }
0xac: {  	v0 =	vadd.f32 v24, v0  }
0xad: {  	v27 =	vld [tilespmem:$0x910];
	v26 =	vpop (erf)  }
0xae: {  	v0 =	vadd.f32 v26, v0  }
0xaf: {  	v28 =	vld [tilespmem:$0x990];
	v1 =	vmul.f32 $1.442695020e+00, v23  }
0xb0: {  	[tilespmem:$0x1F640] =	vst v29;
	v29 =	vmul.f32 $1.442695020e+00, v25;
	(erf) = vrcp.f32 v0  }
0xb1: {  	v30 =	vld [tilespmem:$0xA10];
	(erf) = vpow2.f32 v1  }
0xb2: {  	v31 =	vmul.f32 $1.442695020e+00, v27;
	(erf) = vpow2.f32 v29  }
0xb3: {  	v32 =	vld [tilespmem:$0xA90]  }
0xb4: {  	v33 =	vmul.f32 $1.442695020e+00, v28;
	(erf) = vpow2.f32 v31  }
0xb5: {  	v34 =	vld [tilespmem:$0xB10]  }
0xb6: {  	v35 =	vmul.f32 $1.442695020e+00, v30;
	(erf) = vpow2.f32 v33  }
0xb7: {  	v36 =	vld [tilespmem:$0xB90]  }
0xb8: {  	v37 =	vmul.f32 $1.442695020e+00, v32;
	(erf) = vpow2.f32 v35  }
0xb9: {  	v38 =	vpop (erf)  }
0xba: {  	v39 =	vmul.f32 $1.442695020e+00, v34;
	(erf) = vpow2.f32 v37;
	v44 =	vpop (erf)  }
0xbb: {  	v40 =	vpop (erf)  }
0xbc: {  	v41 =	vmul.f32 $1.442695020e+00, v36;
	(erf) = vpow2.f32 v39;
	v2 =	vadd.f32 v40, v44  }
0xbd: {  	v42 =	vpop (erf)  }
0xbe: {  	(erf) = vpow2.f32 v41;
	v1 =	vadd.f32 v42, v2  }
0xbf: {  	[tilespmem:$0x1F6A0] =	vst v43;
	v43 =	vpop (erf)  }
0xc0: {  	v0 =	vadd.f32 v43, v1  }
0xc1: {  	v45 =	vpop (erf)  }
0xc2: {  	v0 =	vadd.f32 v45, v0  }
0xc3: {  	v47 =	vpop (erf)  }
0xc4: {  	[tilespmem:$0x1F610] =	vst v51;
	v50 =	vld [tilespmem:$0xC10];
	v0 =	vadd.f32 v47, v0  }
0xc5: {  	[tilespmem:$0x1F630] =	vst v53;
	v53 =	vld [tilespmem:$0xC90];
	v51 =	vpop (erf)  }
0xc6: {  	v0 =	vadd.f32 v51, v0  }
0xc7: {  	v55 =	vld [tilespmem:$0xD10];
	[tilespmem:$0x1F650] =	vst v54;
	v54 =	vpop (erf)  }
0xc8: {  	v0 =	vadd.f32 v54, v0  }
0xc9: {  	[tilespmem:$0x1F660] =	vst v57;
	v57 =	vld [tilespmem:$0xD90];
	v1 =	vmul.f32 $1.442695020e+00, v50  }
0xca: {  	v58 =	vmul.f32 $1.442695020e+00, v53;
	(erf) = vrcp.f32 v0  }
0xcb: {  	[tilespmem:$0x1F670] =	vst v59;
	v59 =	vld [tilespmem:$0xE10];
	(erf) = vpow2.f32 v1  }
0xcc: {  	v60 =	vmul.f32 $1.442695020e+00, v55;
	(erf) = vpow2.f32 v58  }
0xcd: {  	v61 =	vld [tilespmem:$0xE90]  }
0xce: {  	v62 =	vmul.f32 $1.442695020e+00, v57;
	(erf) = vpow2.f32 v60  }
0xcf: {  	v63 =	vld [tilespmem:$0xF10]  }
0xd0: {  	v4 =	vmul.f32 $1.442695020e+00, v59;
	(erf) = vpow2.f32 v62  }
0xd1: {  	v5 =	vld [tilespmem:$0xF90]  }
0xd2: {  	v6 =	vmul.f32 $1.442695020e+00, v61;
	(erf) = vpow2.f32 v4  }
0xd3: {  	v7 =	vpop (erf)  }
0xd4: {  	v9 =	vmul.f32 $1.442695020e+00, v63;
	(erf) = vpow2.f32 v6;
	v8 =	vpop (erf)  }
0xd5: {  	[tilespmem:$0x1F740] =	vst v43;
	v43 =	vpop (erf)  }
0xd6: {  	v10 =	vmul.f32 $1.442695020e+00, v5;
	(erf) = vpow2.f32 v9;
	v2 =	vadd.f32 v43, v8  }
0xd7: {  	v12 =	vpop (erf)  }
0xd8: {  	(erf) = vpow2.f32 v10;
	v1 =	vadd.f32 v12, v2  }
0xd9: {  	v13 =	vpop (erf)  }
0xda: {  	v0 =	vadd.f32 v13, v1  }
0xdb: {  	[tilespmem:$0x1F6C0] =	vst v14;
	v14 =	vpop (erf)  }
0xdc: {  	v0 =	vadd.f32 v14, v0  }
0xdd: {  	[tilespmem:$0x1F680] =	vst v15;
	v15 =	vpop (erf)  }
0xde: {  	v16 =	vld [tilespmem:$0x20];
	v0 =	vadd.f32 v15, v0  }
0xdf: {  	[tilespmem:$0x1F690] =	vst v17;
	v18 =	vld [tilespmem:$0xA0];
	v17 =	vpop (erf)  }
0xe0: {  	[tilespmem:$0x1F6B0] =	vst v19;
	v0 =	vadd.f32 v17, v0  }
0xe1: {  	[tilespmem:$0x1F6D0] =	vst v20;
	v20 =	vld [tilespmem:$0x120];
	v19 =	vpop (erf)  }
0xe2: {  	v0 =	vadd.f32 v19, v0  }
0xe3: {  	[tilespmem:$0x1F6E0] =	vst v21;
	v21 =	vld [tilespmem:$0x1A0];
	v1 =	vmul.f32 $1.442695020e+00, v16  }
0xe4: {  	[tilespmem:$0x1F6F0] =	vst v22;
	v22 =	vmul.f32 $1.442695020e+00, v18;
	(erf) = vrcp.f32 v0  }
0xe5: {  	v23 =	vld [tilespmem:$0x220];
	(erf) = vpow2.f32 v1  }
0xe6: {  	[tilespmem:$0x1F700] =	vst v24;
	v24 =	vmul.f32 $1.442695020e+00, v20;
	(erf) = vpow2.f32 v22  }
0xe7: {  	v25 =	vld [tilespmem:$0x2A0]  }
0xe8: {  	[tilespmem:$0x1F710] =	vst v26;
	v26 =	vmul.f32 $1.442695020e+00, v21;
	(erf) = vpow2.f32 v24  }
0xe9: {  	v27 =	vld [tilespmem:$0x320]  }
0xea: {  	v28 =	vmul.f32 $1.442695020e+00, v23;
	(erf) = vpow2.f32 v26  }
0xeb: {  	v29 =	vld [tilespmem:$0x3A0]  }
0xec: {  	v30 =	vmul.f32 $1.442695020e+00, v25;
	(erf) = vpow2.f32 v28  }
0xed: {  	v31 =	vpop (erf)  }
0xee: {  	v33 =	vmul.f32 $1.442695020e+00, v27;
	(erf) = vpow2.f32 v30;
	v32 =	vpop (erf)  }
0xef: {  	v34 =	vpop (erf)  }
0xf0: {  	v35 =	vmul.f32 $1.442695020e+00, v29;
	(erf) = vpow2.f32 v33;
	v2 =	vadd.f32 v34, v32  }
0xf1: {  	v36 =	vpop (erf)  }
0xf2: {  	(erf) = vpow2.f32 v35;
	v1 =	vadd.f32 v36, v2  }
0xf3: {  	v37 =	vpop (erf)  }
0xf4: {  	v0 =	vadd.f32 v37, v1  }
0xf5: {  	[tilespmem:$0x1F840] =	vst v38;
	v38 =	vpop (erf)  }
0xf6: {  	v0 =	vadd.f32 v38, v0  }
0xf7: {  	v39 =	vpop (erf)  }
0xf8: {  	[tilespmem:$0x1F720] =	vst v40;
	v40 =	vld [tilespmem:$0x420];
	v0 =	vadd.f32 v39, v0  }
0xf9: {  	[tilespmem:$0x1F730] =	vst v42;
	v42 =	vld [tilespmem:$0x4A0];
	v41 =	vpop (erf)  }
0xfa: {  	[tilespmem:$0x1F760] =	vst v45;
	v0 =	vadd.f32 v41, v0  }
0xfb: {  	[tilespmem:$0x1F790] =	vst v47;
	v47 =	vld [tilespmem:$0x520];
	v45 =	vpop (erf)  }
0xfc: {  	v0 =	vadd.f32 v45, v0  }
0xfd: {  	v50 =	vld [tilespmem:$0x5A0];
	v1 =	vmul.f32 $1.442695020e+00, v40  }
0xfe: {  	[tilespmem:$0x1F7B0] =	vst v51;
	v51 =	vmul.f32 $1.442695020e+00, v42;
	(erf) = vrcp.f32 v0  }
0xff: {  	v53 =	vld [tilespmem:$0x620];
	(erf) = vpow2.f32 v1  }
0x100: {  	[tilespmem:$0x1F800] =	vst v54;
	v54 =	vmul.f32 $1.442695020e+00, v47;
	(erf) = vpow2.f32 v51  }
0x101: {  	v55 =	vld [tilespmem:$0x6A0]  }
0x102: {  	v57 =	vmul.f32 $1.442695020e+00, v50;
	(erf) = vpow2.f32 v54  }
0x103: {  	v58 =	vld [tilespmem:$0x720]  }
0x104: {  	v59 =	vmul.f32 $1.442695020e+00, v53;
	(erf) = vpow2.f32 v57  }
0x105: {  	v60 =	vld [tilespmem:$0x7A0]  }
0x106: {  	v61 =	vmul.f32 $1.442695020e+00, v55;
	(erf) = vpow2.f32 v59  }
0x107: {  	v62 =	vpop (erf)  }
0x108: {  	v6 =	vmul.f32 $1.442695020e+00, v58;
	(erf) = vpow2.f32 v61;
	v63 =	vpop (erf)  }
0x109: {  	[tilespmem:$0x1F9C0] =	vst v7;
	v7 =	vpop (erf)  }
0x10a: {  	[tilespmem:$0x1F750] =	vst v8;
	v8 =	vmul.f32 $1.442695020e+00, v60;
	(erf) = vpow2.f32 v6;
	v2 =	vadd.f32 v7, v63  }
0x10b: {  	v9 =	vpop (erf)  }
0x10c: {  	(erf) = vpow2.f32 v8;
	v1 =	vadd.f32 v9, v2  }
0x10d: {  	v10 =	vpop (erf)  }
0x10e: {  	v0 =	vadd.f32 v10, v1  }
0x10f: {  	[tilespmem:$0x1F770] =	vst v12;
	v12 =	vpop (erf)  }
0x110: {  	v0 =	vadd.f32 v12, v0  }
0x111: {  	[tilespmem:$0x1F780] =	vst v13;
	v13 =	vpop (erf)  }
0x112: {  	[tilespmem:$0x1F7A0] =	vst v14;
	v14 =	vld [tilespmem:$0x820];
	v0 =	vadd.f32 v13, v0  }
0x113: {  	[tilespmem:$0x1F7C0] =	vst v15;
	v16 =	vld [tilespmem:$0x8A0];
	v15 =	vpop (erf)  }
0x114: {  	v0 =	vadd.f32 v15, v0  }
0x115: {  	v18 =	vld [tilespmem:$0x920];
	[tilespmem:$0x1F7F0] =	vst v17;
	v17 =	vpop (erf)  }
0x116: {  	v0 =	vadd.f32 v17, v0  }
0x117: {  	[tilespmem:$0x1F820] =	vst v19;
	v19 =	vld [tilespmem:$0x9A0];
	v1 =	vmul.f32 $1.442695020e+00, v14  }
0x118: {  	v20 =	vmul.f32 $1.442695020e+00, v16;
	(erf) = vrcp.f32 v0  }
0x119: {  	v21 =	vld [tilespmem:$0xA20];
	(erf) = vpow2.f32 v1  }
0x11a: {  	v22 =	vmul.f32 $1.442695020e+00, v18;
	(erf) = vpow2.f32 v20  }
0x11b: {  	v23 =	vld [tilespmem:$0xAA0]  }
0x11c: {  	v24 =	vmul.f32 $1.442695020e+00, v19;
	(erf) = vpow2.f32 v22  }
0x11d: {  	v25 =	vld [tilespmem:$0xB20]  }
0x11e: {  	v26 =	vmul.f32 $1.442695020e+00, v21;
	(erf) = vpow2.f32 v24  }
0x11f: {  	v27 =	vld [tilespmem:$0xBA0]  }
0x120: {  	v28 =	vmul.f32 $1.442695020e+00, v23;
	(erf) = vpow2.f32 v26  }
0x121: {  	v29 =	vpop (erf)  }
0x122: {  	v30 =	vmul.f32 $1.442695020e+00, v25;
	[tilespmem:$0x1F9D0] =	vst v31;
	(erf) = vpow2.f32 v28;
	v31 =	vpop (erf)  }
0x123: {  	[tilespmem:$0x1F7D0] =	vst v32;
	v32 =	vpop (erf)  }
0x124: {  	v33 =	vmul.f32 $1.442695020e+00, v27;
	[tilespmem:$0x1F7E0] =	vst v34;
	(erf) = vpow2.f32 v30;
	v34 =	vadd.f32 v32, v31  }
0x125: {  	v35 =	vpop (erf)  }
0x126: {  	[tilespmem:$0x1F810] =	vst v36;
	(erf) = vpow2.f32 v33;
	v36 =	vadd.f32 v35, v34  }
0x127: {  	[tilespmem:$0x1F830] =	vst v37;
	v37 =	vpop (erf)  }
0x128: {  	v0 =	vadd.f32 v37, v36  }
0x129: {  	[tilespmem:$0x1F850] =	vst v38;
	v38 =	vpop (erf)  }
0x12a: {  	v0 =	vadd.f32 v38, v0  }
0x12b: {  	[tilespmem:$0x1F860] =	vst v39;
	v39 =	vpop (erf)  }
0x12c: {  	v40 =	vld [tilespmem:$0xC20];
	v0 =	vadd.f32 v39, v0  }
0x12d: {  	v42 =	vld [tilespmem:$0xCA0];
	[tilespmem:$0x1F870] =	vst v41;
	v41 =	vpop (erf)  }
0x12e: {  	v0 =	vadd.f32 v41, v0  }
0x12f: {  	v47 =	vld [tilespmem:$0xD20];
	[tilespmem:$0x1F880] =	vst v45;
	v45 =	vpop (erf)  }
0x130: {  	v0 =	vadd.f32 v45, v0  }
0x131: {  	v50 =	vld [tilespmem:$0xDA0];
	v1 =	vmul.f32 $1.442695020e+00, v40  }
0x132: {  	v51 =	vmul.f32 $1.442695020e+00, v42;
	(erf) = vrcp.f32 v0  }
0x133: {  	v53 =	vld [tilespmem:$0xE20];
	(erf) = vpow2.f32 v1  }
0x134: {  	v54 =	vmul.f32 $1.442695020e+00, v47;
	(erf) = vpow2.f32 v51  }
0x135: {  	v55 =	vld [tilespmem:$0xEA0]  }
0x136: {  	v57 =	vmul.f32 $1.442695020e+00, v50;
	(erf) = vpow2.f32 v54  }
0x137: {  	v58 =	vld [tilespmem:$0xF20]  }
0x138: {  	v59 =	vmul.f32 $1.442695020e+00, v53;
	(erf) = vpow2.f32 v57  }
0x139: {  	v60 =	vld [tilespmem:$0xFA0]  }
0x13a: {  	v61 =	vmul.f32 $1.442695020e+00, v55;
	(erf) = vpow2.f32 v59  }
0x13b: {  	v16 =	vld [tilespmem:$0x1210];
	[tilespmem:$0x1F9E0] =	vst v62;
	v62 =	vpop (erf)  }
0x13c: {  	v23 =	vld [tilespmem:$0x1410];
	[tilespmem:$0x1F890] =	vst v63;
	v63 =	vmul.f32 $1.442695020e+00, v58;
	(erf) = vpow2.f32 v61;
	v51 =	vpop (erf)  }
0x13d: {  	v25 =	vld [tilespmem:$0x1810];
	v50 =	vpop (erf)  }
0x13e: {  	v4 =	vmul.f32 $1.442695020e+00, v60;
	v27 =	vld [tilespmem:$0x1B80];
	(erf) = vpow2.f32 v63;
	v5 =	vadd.f32 v50, v51  }
0x13f: {  	[tilespmem:$0x1F8B0] =	vst v9;
	v9 =	vld [tilespmem:$0x30];
	v53 =	vpop (erf)  }
0x140: {  	v47 =	vld [tilespmem:$0x1F80];
	(erf) = vpow2.f32 v4;
	v6 =	vadd.f32 v53, v5  }
0x141: {  	[tilespmem:$0x1F8A0] =	vst v7;
	v7 =	vld [tilespmem:$0x1010];
	v54 =	vpop (erf)  }
0x142: {  	[tilespmem:$0x1F8C0] =	vst v10;
	v10 =	vld [tilespmem:$0x1C10];
	v1 =	vadd.f32 v54, v6  }
0x143: {  	v14 =	vld [tilespmem:$0xB0];
	v60 =	vpop (erf)  }
0x144: {  	[tilespmem:$0x1F8D0] =	vst v12;
	v2 =	vmul.f32 $1.442695020e+00, v9;
	v9 =	vld [tilespmem:$0x1C90];
	v1 =	vadd.f32 v60, v1  }
0x145: {  	[tilespmem:$0x1F8E0] =	vst v13;
	v13 =	vld [tilespmem:$0x1A10];
	v8 =	vpop (erf)  }
0x146: {  	[tilespmem:$0x1F930] =	vst v15;
	v15 =	vld [tilespmem:$0x1110];
	v1 =	vadd.f32 v8, v1  }
0x147: {  	[tilespmem:$0x1F980] =	vst v17;
	v17 =	vld [tilespmem:$0x1290];
	v12 =	vpop (erf)  }
0x148: {  	v40 =	vld [tilespmem:$0x3B0];
	v1 =	vadd.f32 v12, v1  }
0x149: {  	v20 =	vld [tilespmem:$0x1980];
	v21 =	vpop (erf)  }
0x14a: {  	v22 =	vld [tilespmem:$0x130];
	v1 =	vadd.f32 v21, v1  }
0x14b: {  	v24 =	vld [tilespmem:$0x1610];
	[tilespmem:$0x1F9F0] =	vst v29  }
0x14c: {  	v29 =	vld [tilespmem:$0x1B0];
	[tilespmem:$0x1F8F0] =	vst v31;
	v31 =	vmul.f32 $1.442695020e+00, v14;
	(erf) = vrcp.f32 v1  }
0x14d: {  	v26 =	vld [tilespmem:$0x1690];
	(erf) = vpow2.f32 v2  }
0x14e: {  	[tilespmem:$0x1F900] =	vst v32;
	v32 =	vld [tilespmem:$0x230];
	(erf) = vpow2.f32 v31  }
0x14f: {  	v30 =	vld [tilespmem:$0x1490];
	v33 =	vmul.f32 $1.442695020e+00, v22;
	[tilespmem:$0x1F910] =	vst v35  }
0x150: {  	[tilespmem:$0x1F920] =	vst v37;
	v34 =	vld [tilespmem:$0x2B0]  }
0x151: {  	v14 =	vld [tilespmem:$0x1A90];
	[tilespmem:$0x1F940] =	vst v38;
	v35 =	vmul.f32 $1.442695020e+00, v29;
	(erf) = vpow2.f32 v33  }
0x152: {  	[tilespmem:$0x1F950] =	vst v39;
	v36 =	vld [tilespmem:$0x330]  }
0x153: {  	v22 =	vld [tilespmem:$0x1310];
	v37 =	vmul.f32 $1.442695020e+00, v32;
	[tilespmem:$0x1F970] =	vst v41;
	(erf) = vpow2.f32 v35  }
0x154: {  	v38 =	vld [tilespmem:$0x1E10];
	[tilespmem:$0x1F9A0] =	vst v45  }
0x155: {  	v39 =	vld [tilespmem:$0x1D80];
	v41 =	vmul.f32 $1.442695020e+00, v34;
	[tilespmem:$0x1FA00] =	vst v62;
	(erf) = vpow2.f32 v37;
	v42 =	vpop (erf)  }
0x156: {  	v45 =	vld [tilespmem:$0x1090];
	[tilespmem:$0x1F960] =	vst v8;
	v61 =	vpop (erf)  }
0x157: {  	v6 =	vld [tilespmem:$0x1E90];
	v8 =	vmul.f32 $1.442695020e+00, v36;
	[tilespmem:$0x1F990] =	vst v12;
	(erf) = vpow2.f32 v41;
	v63 =	vpop (erf)  }
0x158: {  	[tilespmem:$0x1F9B0] =	vst v21;
	v21 =	vld [tilespmem:$0x1890];
	v55 =	vadd.f32 v63, v61  }
0x159: {  	v2 =	vmul.f32 $1.442695020e+00, v40;
	v33 =	vld [tilespmem:$0x1510];
	[tilespmem:$0x1FA10] =	vst v42;
	(erf) = vpow2.f32 v8  }
0x15a: {  	v28 =	vld [tilespmem:$0x1710];
	v57 =	vpop (erf)  }
0x15b: {  	(erf) = vpow2.f32 v2;
	v62 =	vadd.f32 v57, v55  }
0x15c: {  	v55 =	vpop (erf)  }
0x15d: {  	v2 =	vadd.f32 v55, v62  }
0x15e: {  	v58 =	vpop (erf)  }
0x15f: {  	v3 =	vadd.f32 v58, v2  }
0x160: {  	v62 =	vpop (erf)  }
0x161: {  	v19 =	vadd.f32 v62, v3  }
0x162: {  	v34 =	vld [tilespmem:$0x4B0];
	v59 =	vpop (erf)  }
0x163: {  	v4 =	vld [tilespmem:$0x430];
	v19 =	vadd.f32 v59, v19  }
0x164: {  	v5 =	vpop (erf)  }
0x165: {  	v35 =	vld [tilespmem:$0x530];
	v19 =	vadd.f32 v5, v19  }
0x166: {  	v12 =	vld [tilespmem:$0x1F5A0]  }
0x167: {  	(erf) = vrcp.f32 v19;
	v19 =	vmul.f32 $1.442695020e+00, v34;
	v34 =	vld [tilespmem:$0x1F5B0]  }
0x168: {  	v0 =	vmul.f32 $1.442695020e+00, v4;
	_ =	sdelay $0x1  }
0x169: {  	(erf) = vpow2.f32 v0  }
0x16a: {  	(erf) = vpow2.f32 v19;
	v19 =	vmul.f32 $1.442695020e+00, v35;
	v35 =	vld [tilespmem:$0x1F5D0]  }
0x16b: {  	v2 =	vmul.f32 v34, v12;
	v12 =	vld [tilespmem:$0x1F5C0];
	_ =	sdelay $0x4  }
0x16c: {  	v0 =	vmul.f32 v35, v12;
	v12 =	vld [tilespmem:$0x1F5E0]  }
0x16d: {  	v35 =	vld [tilespmem:$0x1F5F0];
	_ =	sdelay $0x1  }
0x16e: {  	v1 =	vld [tilespmem:$0x5B0]  }
0x16f: {  	v3 =	vld [tilespmem:$0x630]  }
0x170: {  	[tilespmem:$0x1FA20] =	vst v5;
	v5 =	vld [tilespmem:$0x6B0]  }
0x171: {  	v4 =	vmul.f32 v35, v12;
	v12 =	vld [tilespmem:$0x1F600];
	_ =	sdelay $0x1  }
0x172: {  	v7 =	vmul.f32 v52, v7;
	v52 =	vld [tilespmem:$0x730];
	v1 =	vmul.f32 $1.442695020e+00, v1  }
0x173: {  	(erf) = vpow2.f32 v19  }
0x174: {  	(erf) = vpow2.f32 v1;
	v1 =	vmul.f32 $1.442695020e+00, v3  }
0x175: {  	v0 =	vadd.f32 v0, v2;
	v2 =	vmul.f32 v11, v12;
	v12 =	vmul.f32 $1.442695020e+00, v5  }
0x176: {  	(erf) = vpow2.f32 v1  }
0x177: {  	(erf) = vpow2.f32 v12;
	v12 =	vmul.f32 $1.442695020e+00, v52;
	v52 =	vld [tilespmem:$0x1F620]  }
0x178: {  	v16 =	vmul.f32 v56, v16;
	_ =	sdelay $0x1  }
0x179: {  	v7 =	vadd.f32 v16, v7;
	v0 =	vadd.f32 v4, v0;
	_ =	sdelay $0x1  }
0x17a: {  	v48 =	vmul.f32 v48, v23;
	v0 =	vadd.f32 v2, v0;
	v2 =	vmul.f32 v52, v20;
	v20 =	vld [tilespmem:$0x1F640]  }
0x17b: {  	v23 =	vld [tilespmem:$0x1F610]  }
0x17c: {  	v4 =	vadd.f32 v48, v7;
	v7 =	vpop (erf)  }
0x17d: {  	[tilespmem:$0x1FA30] =	vst v7;
	v7 =	vld [tilespmem:$0x1F630];
	_ =	sdelay $0x1  }
0x17e: {  	v0 =	vadd.f32 v2, v0;
	v2 =	vmul.f32 v20, v27;
	v27 =	vld [tilespmem:$0x1F650]  }
0x17f: {  	v56 =	vld [tilespmem:$0x7B0];
	v24 =	vmul.f32 v23, v24  }
0x180: {  	v0 =	vadd.f32 v2, v0;
	v2 =	vmul.f32 v46, v39;
	v39 =	vld [tilespmem:$0x1F660]  }
0x181: {  	v4 =	vadd.f32 v24, v4;
	v5 =	vmul.f32 v7, v25  }
0x182: {  	v2 =	vadd.f32 v2, v0;
	v0 =	vmul.f32 v49, v47;
	v47 =	vld [tilespmem:$0x1F670]  }
0x183: {  	v48 =	vpop (erf);
	v4 =	vadd.f32 v5, v4;
	v5 =	vmul.f32 v27, v13  }
0x184: {  	v1 =	vmul.f32 $1.442695020e+00, v56;
	v52 =	vpop (erf);
	(erf) = vpow2.f32 v12  }
0x185: {  	v12 =	vadd.f32 v52, v48;
	v4 =	vadd.f32 v5, v4;
	v5 =	vmul.f32 v39, v10  }
0x186: {  	v56 =	vpop (erf);
	(erf) = vpow2.f32 v1  }
0x187: {  	v1 =	vadd.f32 v56, v12;
	v4 =	vadd.f32 v5, v4;
	v5 =	vmul.f32 v47, v38;
	v47 =	vld [tilespmem:$0x1F690]  }
0x188: {  	v46 =	vpop (erf)  }
0x189: {  	v10 =	vadd.f32 v46, v1  }
0x18a: {  	v39 =	vpop (erf)  }
0x18b: {  	v49 =	vadd.f32 v39, v10  }
0x18c: {  	v10 =	vld [tilespmem:$0x1F680];
	v17 =	vmul.f32 v47, v17;
	v47 =	vpop (erf)  }
0x18d: {  	v1 =	vadd.f32 v47, v49;
	v49 =	vld [tilespmem:$0x1F6A0];
	_ =	sdelay $0x2  }
0x18e: {  	v2 =	vadd.f32 v0, v2  }
0x18f: {  	v45 =	vmul.f32 v10, v45  }
0x190: {  	v0 =	vmul.f32 v49, v2;
	v49 =	vld [tilespmem:$0x1F6C0]  }
0x191: {  	v2 =	vadd.f32 v17, v45;
	v45 =	vld [tilespmem:$0x1F6B0];
	_ =	sdelay $0x1  }
0x192: {  	v4 =	vadd.f32 v5, v4;
	v17 =	vld [tilespmem:$0x1F6D0];
	_ =	sdelay $0x1  }
0x193: {  	[tilespmem:$0x1FA40] =	vst v0;
	v0 =	vmul.f32 v49, v4;
	v49 =	vld [tilespmem:$0x1F6E0]  }
0x194: {  	v37 =	vld [tilespmem:$0x1910];
	v30 =	vmul.f32 v45, v30  }
0x195: {  	v40 =	vld [tilespmem:$0x1B10]  }
0x196: {  	v41 =	vld [tilespmem:$0x1D10];
	v26 =	vmul.f32 v17, v26;
	v2 =	vadd.f32 v30, v2  }
0x197: {  	v42 =	vld [tilespmem:$0x1F10]  }
0x198: {  	v18 =	vld [tilespmem:$0x1190];
	v2 =	vadd.f32 v26, v2;
	v21 =	vmul.f32 v49, v21  }
0x199: {  	v3 =	vld [tilespmem:$0x8B0];
	v45 =	vpop (erf)  }
0x19a: {  	v1 =	vadd.f32 v45, v1;
	v2 =	vadd.f32 v21, v2;
	v21 =	vld [tilespmem:$0x1F720]  }
0x19b: {  	v8 =	vld [tilespmem:$0x1390];
	v49 =	vpop (erf)  }
0x19c: {  	v5 =	vld [tilespmem:$0x830];
	[tilespmem:$0x1FA50] =	vst v0;
	v0 =	vadd.f32 v49, v1  }
0x19d: {  	v4 =	vld [tilespmem:$0x1F6F0]  }
0x19e: {  	v31 =	vld [tilespmem:$0x1590];
	(erf) = vrcp.f32 v0  }
0x19f: {  	v0 =	vmul.f32 $1.442695020e+00, v3;
	v3 =	vmul.f32 v21, v22;
	v21 =	vld [tilespmem:$0x1F730]  }
0x1a0: {  	v22 =	vld [tilespmem:$0x1F740]  }
0x1a1: {  	v32 =	vld [tilespmem:$0x1790];
	v5 =	vmul.f32 $1.442695020e+00, v5  }
0x1a2: {  	v14 =	vmul.f32 v4, v14;
	v4 =	vld [tilespmem:$0x930]  }
0x1a3: {  	(erf) = vpow2.f32 v5;
	v5 =	vld [tilespmem:$0xA30]  }
0x1a4: {  	v26 =	vld [tilespmem:$0x9B0]  }
0x1a5: {  	v2 =	vadd.f32 v14, v2;
	v14 =	vmul.f32 v21, v33;
	v21 =	vmul.f32 v22, v28;
	v28 =	vld [tilespmem:$0x1F750]  }
0x1a6: {  	v30 =	vld [tilespmem:$0x1F700]  }
0x1a7: {  	(erf) = vpow2.f32 v0;
	v0 =	vmul.f32 $1.442695020e+00, v4;
	v22 =	vld [tilespmem:$0xAB0]  }
0x1a8: {  	v8 =	vmul.f32 v43, v8;
	v43 =	vmul.f32 $1.442695020e+00, v5;
	v5 =	vld [tilespmem:$0x1F760]  }
0x1a9: {  	v36 =	vld [tilespmem:$0x1990];
	(erf) = vpow2.f32 v0  }
0x1aa: {  	v29 =	vld [tilespmem:$0x1B90];
	v0 =	vmul.f32 $1.442695020e+00, v26;
	v33 =	vmul.f32 v28, v18  }
0x1ab: {  	v16 =	vld [tilespmem:$0x1420];
	v9 =	vmul.f32 v30, v9  }
0x1ac: {  	v30 =	vld [tilespmem:$0x1F710];
	(erf) = vpow2.f32 v0;
	v8 =	vadd.f32 v8, v33;
	v33 =	vmul.f32 $1.442695020e+00, v22  }
0x1ad: {  	(erf) = vpow2.f32 v43;
	v5 =	vmul.f32 v5, v37;
	v37 =	vld [tilespmem:$0x1F780]  }
0x1ae: {  	(erf) = vpow2.f32 v33;
	v33 =	vld [tilespmem:$0x1F790]  }
0x1af: {  	v2 =	vadd.f32 v9, v2;
	v9 =	vld [tilespmem:$0x1F770]  }
0x1b0: {  	v15 =	vmul.f32 v44, v15;
	v44 =	vld [tilespmem:$0x1EA0]  }
0x1b1: {  	v23 =	vld [tilespmem:$0x1620]  }
0x1b2: {  	v19 =	vld [tilespmem:$0x1020]  }
0x1b3: {  	v43 =	vmul.f32 v37, v32;
	v37 =	vmul.f32 v33, v40;
	v40 =	vld [tilespmem:$0x1F7A0]  }
0x1b4: {  	v34 =	vld [tilespmem:$0x1D90];
	v6 =	vmul.f32 v30, v6;
	v18 =	vmul.f32 v9, v31  }
0x1b5: {  	v35 =	vld [tilespmem:$0x1F90];
	v3 =	vadd.f32 v3, v15  }
0x1b6: {  	v24 =	vld [tilespmem:$0x1A20];
	v6 =	vadd.f32 v6, v2;
	v2 =	vadd.f32 v18, v8  }
0x1b7: {  	v11 =	vld [tilespmem:$0x1220];
	v3 =	vadd.f32 v14, v3  }
0x1b8: {  	v9 =	vadd.f32 v43, v2;
	v43 =	vmul.f32 v40, v36;
	v36 =	vld [tilespmem:$0x1F7B0]  }
0x1b9: {  	v25 =	vld [tilespmem:$0x1820];
	v3 =	vadd.f32 v21, v3  }
0x1ba: {  	v7 =	vld [tilespmem:$0x14A0]  }
0x1bb: {  	v12 =	vld [tilespmem:$0x12A0];
	v3 =	vadd.f32 v5, v3  }
0x1bc: {  	v20 =	vld [tilespmem:$0x1C20]  }
0x1bd: {  	v27 =	vld [tilespmem:$0x1E20];
	v3 =	vadd.f32 v37, v3;
	v37 =	vmul.f32 v36, v41  }
0x1be: {  	v9 =	vadd.f32 v43, v9;
	v43 =	vld [tilespmem:$0x1F7C0]  }
0x1bf: {  	v3 =	vadd.f32 v37, v3;
	v37 =	vld [tilespmem:$0x1F7F0]  }
0x1c0: {  	v13 =	vld [tilespmem:$0x10A0]  }
0x1c1: {  	v26 =	vld [tilespmem:$0xB30]  }
0x1c2: {  	v38 =	vld [tilespmem:$0x16A0]  }
0x1c3: {  	v10 =	vld [tilespmem:$0x18A0]  }
0x1c4: {  	v29 =	vmul.f32 v43, v29;
	v43 =	vmul.f32 v37, v34;
	v37 =	vld [tilespmem:$0x1F800]  }
0x1c5: {  	v17 =	vld [tilespmem:$0x1AA0]  }
0x1c6: {  	v18 =	vmul.f32 $1.442695020e+00, v26;
	v26 =	vld [tilespmem:$0x1F7D0]  }
0x1c7: {  	v36 =	vld [tilespmem:$0x1F7E0]  }
0x1c8: {  	v1 =	vld [tilespmem:$0xD30]  }
0x1c9: {  	v37 =	vmul.f32 v37, v42;
	v42 =	vld [tilespmem:$0x1F810]  }
0x1ca: {  	v4 =	vld [tilespmem:$0x1120]  }
0x1cb: {  	v30 =	vld [tilespmem:$0x1CA0]  }
0x1cc: {  	v15 =	vld [tilespmem:$0x1320];
	v19 =	vmul.f32 v26, v19;
	v11 =	vmul.f32 v36, v11  }
0x1cd: {  	v14 =	vld [tilespmem:$0x1520]  }
0x1ce: {  	v21 =	vld [tilespmem:$0x1720];
	v11 =	vadd.f32 v11, v19;
	v16 =	vmul.f32 v42, v16  }
0x1cf: {  	v28 =	vld [tilespmem:$0xBB0]  }
0x1d0: {  	v11 =	vadd.f32 v16, v11;
	v16 =	vld [tilespmem:$0x1F830]  }
0x1d1: {  	v2 =	vld [tilespmem:$0x1F8B0]  }
0x1d2: {  	v31 =	vld [tilespmem:$0x11A0]  }
0x1d3: {  	v5 =	vld [tilespmem:$0x1D20]  }
0x1d4: {  	v22 =	vld [tilespmem:$0x1920];
	v8 =	vpop (erf)  }
0x1d5: {  	[tilespmem:$0x1FA60] =	vst v8;
	v8 =	vld [tilespmem:$0x1B20];
	v3 =	vadd.f32 v37, v3;
	v37 =	vmul.f32 v16, v23  }
0x1d6: {  	v32 =	vpop (erf);
	v7 =	vmul.f32 v2, v7;
	v2 =	vld [tilespmem:$0x1F8C0];
	v9 =	vadd.f32 v29, v9  }
0x1d7: {  	v33 =	vpop (erf);
	v11 =	vadd.f32 v37, v11;
	v37 =	vld [tilespmem:$0x1F850]  }
0x1d8: {  	v0 =	vmul.f32 $1.442695020e+00, v28;
	v28 =	vadd.f32 v33, v32;
	v9 =	vadd.f32 v43, v9;
	v43 =	vld [tilespmem:$0x1F820]  }
0x1d9: {  	(erf) = vpow2.f32 v18;
	v18 =	vld [tilespmem:$0x1F20];
	v40 =	vpop (erf)  }
0x1da: {  	(erf) = vpow2.f32 v0;
	v0 =	vadd.f32 v40, v28;
	v28 =	vld [tilespmem:$0x13A0]  }
0x1db: {  	v38 =	vmul.f32 v2, v38;
	v2 =	vld [tilespmem:$0x1030]  }
0x1dc: {  	v26 =	vld [tilespmem:$0x15A0];
	v16 =	vmul.f32 v37, v25  }
0x1dd: {  	v29 =	vmul.f32 v43, v35;
	v43 =	vld [tilespmem:$0x1F840]  }
0x1de: {  	v11 =	vadd.f32 v16, v11;
	v16 =	vld [tilespmem:$0x1F890]  }
0x1df: {  	v50 =	vmul.f32 v50, v28;
	v28 =	vld [tilespmem:$0x1A30]  }
0x1e0: {  	v2 =	vmul.f32 v61, v2;
	v61 =	vld [tilespmem:$0x140]  }
0x1e1: {  	v41 =	vpop (erf);
	v34 =	vld [tilespmem:$0x17A0]  }
0x1e2: {  	v0 =	vadd.f32 v41, v0;
	v6 =	vmul.f32 v43, v6;
	v43 =	vld [tilespmem:$0x1F860]  }
0x1e3: {  	v36 =	vpop (erf);
	v13 =	vmul.f32 v16, v13;
	v16 =	vld [tilespmem:$0x1F8A0]  }
0x1e4: {  	v0 =	vadd.f32 v36, v0;
	v19 =	vld [tilespmem:$0x19A0]  }
0x1e5: {  	v35 =	vld [tilespmem:$0x1BA0];
	v42 =	vpop (erf)  }
0x1e6: {  	v0 =	vadd.f32 v42, v0;
	v25 =	vld [tilespmem:$0x1F870]  }
0x1e7: {  	v24 =	vmul.f32 v43, v24;
	v43 =	vpop (erf);
	v37 =	vld [tilespmem:$0xCB0]  }
0x1e8: {  	v29 =	vadd.f32 v29, v9;
	v9 =	vld [tilespmem:$0xC30];
	v0 =	vadd.f32 v43, v0;
	v12 =	vmul.f32 v16, v12  }
0x1e9: {  	v23 =	vld [tilespmem:$0x1DA0];
	v16 =	vpop (erf)  }
0x1ea: {  	v0 =	vadd.f32 v16, v0;
	v12 =	vadd.f32 v12, v13;
	v13 =	vld [tilespmem:$0x1F8D0]  }
0x1eb: {  	v11 =	vadd.f32 v24, v11;
	v24 =	vld [tilespmem:$0x1230];
	v20 =	vmul.f32 v25, v20  }
0x1ec: {  	(erf) = vrcp.f32 v0;
	v0 =	vmul.f32 $1.442695020e+00, v37;
	v37 =	vld [tilespmem:$0x1F8E0]  }
0x1ed: {  	v25 =	vld [tilespmem:$0x1F880]  }
0x1ee: {  	v11 =	vadd.f32 v20, v11;
	v20 =	vld [tilespmem:$0x1F8F0]  }
0x1ef: {  	v10 =	vmul.f32 v13, v10;
	v13 =	vld [tilespmem:$0xDB0]  }
0x1f0: {  	v9 =	vmul.f32 $1.442695020e+00, v9;
	v24 =	vmul.f32 v63, v24;
	v63 =	vld [tilespmem:$0x1C0]  }
0x1f1: {  	v7 =	vadd.f32 v7, v12;
	v12 =	vmul.f32 v37, v17;
	v37 =	vld [tilespmem:$0x1F900]  }
0x1f2: {  	(erf) = vpow2.f32 v9;
	v9 =	vld [tilespmem:$0xE30]  }
0x1f3: {  	(erf) = vpow2.f32 v0;
	v17 =	vld [tilespmem:$0x1430]  }
0x1f4: {  	v0 =	vmul.f32 $1.442695020e+00, v1;
	v1 =	vadd.f32 v38, v7;
	v38 =	vmul.f32 $1.442695020e+00, v13;
	v13 =	vld [tilespmem:$0x1F910]  }
0x1f5: {  	v27 =	vmul.f32 v25, v27;
	v25 =	vld [tilespmem:$0x1FA0]  }
0x1f6: {  	v7 =	vmul.f32 v37, v15;
	v15 =	vld [tilespmem:$0xEB0]  }
0x1f7: {  	v2 =	vadd.f32 v24, v2;
	v24 =	vld [tilespmem:$0x1730];
	v4 =	vmul.f32 v20, v4  }
0x1f8: {  	v20 =	vadd.f32 v27, v11;
	v27 =	vld [tilespmem:$0x1630];
	(erf) = vpow2.f32 v0;
	v37 =	vmul.f32 $1.442695020e+00, v9  }
0x1f9: {  	v1 =	vadd.f32 v10, v1;
	v17 =	vmul.f32 v57, v17;
	v10 =	vmul.f32 v13, v14;
	v14 =	vld [tilespmem:$0x1F920]  }
0x1fa: {  	v57 =	vld [tilespmem:$0x240];
	(erf) = vpow2.f32 v38;
	v38 =	vmul.f32 v51, v31  }
0x1fb: {  	v4 =	vadd.f32 v7, v4;
	v7 =	vadd.f32 v12, v1;
	v12 =	vld [tilespmem:$0xFB0];
	v51 =	vmul.f32 $1.442695020e+00, v15  }
0x1fc: {  	(erf) = vpow2.f32 v37;
	v13 =	vld [tilespmem:$0xF30]  }
0x1fd: {  	(erf) = vpow2.f32 v51;
	v51 =	vld [tilespmem:$0x1F940]  }
0x1fe: {  	v37 =	vld [tilespmem:$0x1F930];
	v4 =	vadd.f32 v10, v4;
	v11 =	vmul.f32 v14, v21  }
0x1ff: {  	v27 =	vmul.f32 v55, v27;
	v31 =	vld [tilespmem:$0x16B0];
	v2 =	vadd.f32 v17, v2  }
0x200: {  	v17 =	vld [tilespmem:$0x1930];
	v9 =	vadd.f32 v50, v38;
	v38 =	vmul.f32 v53, v26;
	v15 =	vpop (erf);
	v11 =	vadd.f32 v11, v4  }
0x201: {  	v26 =	vld [tilespmem:$0x1C30];
	v2 =	vadd.f32 v27, v2;
	v1 =	vpop (erf);
	v50 =	vmul.f32 $1.442695020e+00, v13  }
0x202: {  	v27 =	vld [tilespmem:$0x1B30];
	v9 =	vadd.f32 v38, v9;
	v38 =	vmul.f32 $1.442695020e+00, v12;
	v4 =	vpop (erf);
	v53 =	vmul.f32 v51, v22  }
0x203: {  	v10 =	vmul.f32 v37, v30;
	v14 =	vld [tilespmem:$0x1F960];
	(erf) = vpow2.f32 v50;
	v50 =	vadd.f32 v4, v1  }
0x204: {  	v37 =	vmul.f32 v54, v34;
	v51 =	vadd.f32 v53, v11;
	v11 =	vpop (erf);
	(erf) = vpow2.f32 v38;
	v38 =	vld [tilespmem:$0x1F980]  }
0x205: {  	v53 =	vmul.f32 v60, v19;
	v60 =	vadd.f32 v11, v50;
	v50 =	vld [tilespmem:$0x1F990]  }
0x206: {  	v55 =	vmul.f32 v46, v31;
	v31 =	vld [tilespmem:$0x11B0];
	v9 =	vadd.f32 v37, v9  }
0x207: {  	v54 =	vld [tilespmem:$0x1F950]  }
0x208: {  	v30 =	vld [tilespmem:$0x1E30];
	v7 =	vadd.f32 v10, v7;
	v10 =	vmul.f32 v14, v35;
	v9 =	vadd.f32 v53, v9  }
0x209: {  	v12 =	vld [tilespmem:$0x12B0]  }
0x20a: {  	v34 =	vld [tilespmem:$0x1AB0];
	v9 =	vadd.f32 v10, v9;
	v14 =	vmul.f32 v38, v44;
	v10 =	vmul.f32 v50, v23  }
0x20b: {  	v21 =	vld [tilespmem:$0x1830]  }
0x20c: {  	v8 =	vmul.f32 v54, v8;
	v38 =	vadd.f32 v14, v7;
	v14 =	vadd.f32 v10, v9;
	v10 =	vld [tilespmem:$0x1F9D0]  }
0x20d: {  	v37 =	vld [tilespmem:$0x1F970]  }
0x20e: {  	v8 =	vadd.f32 v8, v51;
	v51 =	vld [tilespmem:$0x1F9A0]  }
0x20f: {  	v53 =	vld [tilespmem:$0x1F9B0]  }
0x210: {  	v54 =	vld [tilespmem:$0x1F9C0];
	v13 =	vpop (erf)  }
0x211: {  	v0 =	vadd.f32 v13, v60;
	v10 =	vmul.f32 v10, v29;
	v29 =	vld [tilespmem:$0x1F9E0]  }
0x212: {  	v19 =	vld [tilespmem:$0x14B0];
	v5 =	vmul.f32 v37, v5;
	v37 =	vpop (erf)  }
0x213: {  	v35 =	vld [tilespmem:$0x18B0];
	v0 =	vadd.f32 v37, v0  }
0x214: {  	v5 =	vadd.f32 v5, v8;
	v8 =	vmul.f32 v51, v18;
	v25 =	vmul.f32 v53, v25;
	v50 =	vpop (erf);
	v51 =	vld [tilespmem:$0x40]  }
0x215: {  	v60 =	vadd.f32 v50, v0;
	v9 =	vmul.f32 v54, v3;
	v54 =	vld [tilespmem:$0x1FA00]  }
0x216: {  	v7 =	vmul.f32 v29, v20;
	v20 =	vadd.f32 v25, v14;
	v14 =	vpop (erf);
	v25 =	vld [tilespmem:$0xC0]  }
0x217: {  	v12 =	vmul.f32 v52, v12;
	v29 =	vadd.f32 v14, v60;
	v60 =	vld [tilespmem:$0x1FA10]  }
0x218: {  	v22 =	vld [tilespmem:$0x10B0];
	v21 =	vmul.f32 v58, v21;
	v58 =	vmul.f32 v62, v28;
	v3 =	vadd.f32 v8, v5;
	v8 =	vpop (erf)  }
0x219: {  	v52 =	vld [tilespmem:$0x3C0];
	v19 =	vmul.f32 v56, v19;
	v56 =	vmul.f32 v39, v35;
	v29 =	vadd.f32 v8, v29  }
0x21a: {  	v62 =	vld [tilespmem:$0x340];
	v51 =	vmul.f32 $1.442695020e+00, v51;
	v5 =	vmul.f32 v54, v3  }
0x21b: {  	v53 =	vld [tilespmem:$0x1F9F0];
	(erf) = vrcp.f32 v29;
	v25 =	vmul.f32 $1.442695020e+00, v25  }
0x21c: {  	v2 =	vadd.f32 v21, v2;
	v21 =	vld [tilespmem:$0x1D30];
	v3 =	vmul.f32 v60, v20;
	(erf) = vpow2.f32 v51  }
0x21d: {  	v39 =	vld [tilespmem:$0x17B0];
	v20 =	vmul.f32 $1.442695020e+00, v61;
	(erf) = vpow2.f32 v25  }
0x21e: {  	v26 =	vmul.f32 v59, v26;
	v22 =	vmul.f32 v48, v22;
	v2 =	vadd.f32 v58, v2;
	v60 =	vld [tilespmem:$0x2C0]  }
0x21f: {  	v44 =	vld [tilespmem:$0x1130];
	v61 =	vmul.f32 $1.442695020e+00, v63;
	(erf) = vpow2.f32 v20  }
0x220: {  	v12 =	vadd.f32 v12, v22;
	v2 =	vadd.f32 v26, v2;
	v26 =	vld [tilespmem:$0x13B0];
	v0 =	vmul.f32 v53, v38  }
0x221: {  	v38 =	vld [tilespmem:$0x1330];
	v63 =	vmul.f32 $1.442695020e+00, v57;
	(erf) = vpow2.f32 v61  }
0x222: {  	v23 =	vld [tilespmem:$0x1CB0]  }
0x223: {  	v53 =	vld [tilespmem:$0x1530];
	(erf) = vpow2.f32 v63;
	v54 =	vmul.f32 $1.442695020e+00, v60  }
0x224: {  	v18 =	vld [tilespmem:$0x1EB0];
	v19 =	vadd.f32 v19, v12;
	v21 =	vmul.f32 v43, v21;
	v12 =	vpop (erf)  }
0x225: {  	v43 =	vld [tilespmem:$0x540];
	v57 =	vmul.f32 $1.442695020e+00, v62;
	(erf) = vpow2.f32 v54;
	v35 =	vpop (erf)  }
0x226: {  	v19 =	vadd.f32 v55, v19;
	v55 =	vld [tilespmem:$0x1FA30];
	v58 =	vmul.f32 v32, v44;
	v59 =	vmul.f32 v33, v38;
	v38 =	vpop (erf)  }
0x227: {  	v51 =	vld [tilespmem:$0x1FA20];
	v61 =	vmul.f32 $1.442695020e+00, v52;
	(erf) = vpow2.f32 v57;
	v60 =	vadd.f32 v38, v35  }
0x228: {  	v19 =	vadd.f32 v56, v19;
	v56 =	vld [tilespmem:$0x1440];
	v62 =	vadd.f32 v59, v58;
	v63 =	vmul.f32 v40, v53;
	v32 =	vpop (erf)  }
0x229: {  	v33 =	vld [tilespmem:$0x15B0];
	(erf) = vpow2.f32 v61;
	v44 =	vadd.f32 v32, v60  }
0x22a: {  	v34 =	vmul.f32 v47, v34;
	v48 =	vmul.f32 v41, v24;
	v58 =	vld [tilespmem:$0x1640];
	v47 =	vadd.f32 v63, v62;
	v52 =	vpop (erf)  }
0x22b: {  	v17 =	vmul.f32 v36, v17;
	v40 =	vld [tilespmem:$0x1BB0];
	v54 =	vadd.f32 v52, v44  }
0x22c: {  	v1 =	vmul.f32 v1, v31;
	v53 =	vld [tilespmem:$0x1240];
	v29 =	vmul.f32 v51, v30;
	v20 =	vadd.f32 v48, v47;
	v57 =	vpop (erf)  }
0x22d: {  	v13 =	vmul.f32 v13, v39;
	v19 =	vadd.f32 v34, v19;
	v30 =	vld [tilespmem:$0x19B0];
	v34 =	vadd.f32 v57, v54  }
0x22e: {  	v4 =	vmul.f32 v4, v26;
	v23 =	vmul.f32 v45, v23;
	v62 =	vld [tilespmem:$0x440];
	v2 =	vadd.f32 v29, v2;
	v41 =	vpop (erf)  }
0x22f: {  	v18 =	vmul.f32 v49, v18;
	v11 =	vmul.f32 v11, v33;
	v51 =	vld [tilespmem:$0x1040];
	v61 =	vadd.f32 v41, v34  }
0x230: {  	v59 =	vmul.f32 v42, v27;
	v63 =	vld [tilespmem:$0x4C0];
	v2 =	vmul.f32 v55, v2;
	v17 =	vadd.f32 v17, v20;
	v20 =	vpop (erf)  }
0x231: {  	v42 =	vmul.f32 v50, v40;
	v55 =	vmul.f32 $1.442695020e+00, v43;
	v60 =	vld [tilespmem:$0x1840];
	v26 =	vadd.f32 v20, v61  }
0x232: {  	v1 =	vadd.f32 v4, v1;
	v47 =	vld [tilespmem:$0x5C0];
	v30 =	vmul.f32 v37, v30;
	v45 =	vmul.f32 v38, v53;
	v46 =	vpop (erf)  }
0x233: {  	v48 =	vld [tilespmem:$0x640];
	v50 =	vmul.f32 $1.442695020e+00, v62;
	v22 =	vmul.f32 v32, v56;
	v26 =	vadd.f32 v46, v26  }
0x234: {  	v19 =	vadd.f32 v23, v19;
	v23 =	vmul.f32 v52, v58;
	v44 =	vmul.f32 v35, v51  }
0x235: {  	v25 =	vld [tilespmem:$0x1F30];
	v52 =	vmul.f32 $1.442695020e+00, v63;
	(erf) = vrcp.f32 v26  }
0x236: {  	v1 =	vadd.f32 v11, v1;
	v53 =	vld [tilespmem:$0x740];
	v49 =	vmul.f32 v57, v60;
	(erf) = vpow2.f32 v50  }
0x237: {  	v56 =	vld [tilespmem:$0x1DB0];
	v57 =	vmul.f32 $1.442695020e+00, v47;
	(erf) = vpow2.f32 v52  }
0x238: {  	v1 =	vadd.f32 v13, v1;
	v51 =	vld [tilespmem:$0x6C0];
	v60 =	vmul.f32 $1.442695020e+00, v48;
	(erf) = vpow2.f32 v55  }
0x239: {  	v62 =	vld [tilespmem:$0x1FB0];
	v17 =	vadd.f32 v59, v17;
	(erf) = vpow2.f32 v57  }
0x23a: {  	v38 =	vld [tilespmem:$0x1FA60];
	v1 =	vadd.f32 v30, v1;
	(erf) = vpow2.f32 v60  }
0x23b: {  	v17 =	vadd.f32 v21, v17;
	v21 =	vadd.f32 v45, v44  }
0x23c: {  	v36 =	vadd.f32 v18, v19;
	v1 =	vadd.f32 v42, v1;
	v32 =	vmul.f32 v14, v56;
	v52 =	vld [tilespmem:$0x7C0]  }
0x23d: {  	v33 =	vmul.f32 v16, v25;
	v21 =	vadd.f32 v22, v21;
	v63 =	vmul.f32 $1.442695020e+00, v51  }
0x23e: {  	v30 =	vmul.f32 $1.442695020e+00, v53;
	v8 =	vmul.f32 v8, v62;
	v1 =	vadd.f32 v32, v1;
	v35 =	vpop (erf)  }
0x23f: {  	[tilespmem:$0x20A0] =	vst v0;
	v0 =	vmul.f32 v38, v36;
	v21 =	vadd.f32 v23, v21;
	(erf) = vpow2.f32 v63;
	v23 =	vpop (erf)  }
0x240: {  	v54 =	vld [tilespmem:$0x1A40];
	v1 =	vadd.f32 v8, v1;
	v26 =	vpop (erf)  }
0x241: {  	[tilespmem:$0x20B0] =	vst v0;
	(erf) = vpow2.f32 v30;
	v0 =	vmul.f32 $1.442695020e+00, v52;
	v42 =	vpop (erf);
	v53 =	vadd.f32 v26, v23  }
0x242: {  	v37 =	vadd.f32 v33, v17;
	v45 =	vpop (erf)  }
0x243: {  	v44 =	vmul.f32 v12, v1;
	v33 =	vpop (erf);
	v1 =	vadd.f32 v42, v53;
	(erf) = vpow2.f32 v0;
	_ =	sdelay $0x1  }
0x244: {  	v31 =	vmul.f32 v41, v54;
	v54 =	vadd.f32 v45, v1  }
0x245: {  	v28 =	vld [tilespmem:$0x1E40]  }
0x246: {  	v58 =	vld [tilespmem:$0x1FA40];
	v0 =	vadd.f32 v33, v54  }
0x247: {  	v59 =	vld [tilespmem:$0x1C40];
	v40 =	vmul.f32 v15, v37;
	v37 =	vpop (erf)  }
0x248: {  	v55 =	vld [tilespmem:$0x840];
	v0 =	vadd.f32 v37, v0  }
0x249: {  	v56 =	vld [tilespmem:$0x8C0];
	v50 =	vpop (erf)  }
0x24a: {  	v61 =	vld [tilespmem:$0x1FA50];
	v0 =	vadd.f32 v50, v0  }
0x24b: {  	[tilespmem:$0x2180] =	vst v58;
	v58 =	vld [tilespmem:$0x940];
	v57 =	vpop (erf)  }
0x24c: {  	v4 =	vadd.f32 v49, v21;
	v0 =	vadd.f32 v57, v0  }
0x24d: {  	v34 =	vmul.f32 v20, v59;
	v59 =	vld [tilespmem:$0x9C0];
	v1 =	vmul.f32 $1.442695020e+00, v55  }
0x24e: {  	[tilespmem:$0x2090] =	vst v6;
	v4 =	vadd.f32 v31, v4;
	v60 =	vmul.f32 $1.442695020e+00, v56;
	(erf) = vrcp.f32 v0  }
0x24f: {  	v6 =	vmul.f32 v46, v28;
	[tilespmem:$0x2010] =	vst v61;
	v61 =	vld [tilespmem:$0xA40];
	(erf) = vpow2.f32 v1  }
0x250: {  	v62 =	vmul.f32 $1.442695020e+00, v58;
	v4 =	vadd.f32 v34, v4;
	(erf) = vpow2.f32 v60  }
0x251: {  	v63 =	vld [tilespmem:$0xAC0]  }
0x252: {  	[tilespmem:$0x2020] =	vst v7;
	v7 =	vld [tilespmem:$0xB40];
	v41 =	vadd.f32 v6, v4;
	v6 =	vmul.f32 $1.442695020e+00, v59;
	(erf) = vpow2.f32 v62  }
0x253: {  	v49 =	vld [tilespmem:$0x1AC0]  }
0x254: {  	v8 =	vmul.f32 $1.442695020e+00, v61;
	(erf) = vpow2.f32 v6  }
0x255: {  	[tilespmem:$0x2110] =	vst v9;
	v9 =	vld [tilespmem:$0xBC0]  }
0x256: {  	[tilespmem:$0x2190] =	vst v10;
	v10 =	vmul.f32 $1.442695020e+00, v63;
	(erf) = vpow2.f32 v8  }
0x257: {  	v11 =	vpop (erf)  }
0x258: {  	v12 =	vmul.f32 $1.442695020e+00, v7;
	[tilespmem:$0x1FAE0] =	vst v49;
	v49 =	vpop (erf);
	(erf) = vpow2.f32 v10  }
0x259: {  	v53 =	vpop (erf)  }
0x25a: {  	v14 =	vmul.f32 $1.442695020e+00, v9;
	(erf) = vpow2.f32 v12;
	v13 =	vadd.f32 v53, v49  }
0x25b: {  	v15 =	vpop (erf)  }
0x25c: {  	(erf) = vpow2.f32 v14;
	v1 =	vadd.f32 v15, v13  }
0x25d: {  	v16 =	vpop (erf)  }
0x25e: {  	v0 =	vadd.f32 v16, v1  }
0x25f: {  	v17 =	vpop (erf)  }
0x260: {  	v0 =	vadd.f32 v17, v0  }
0x261: {  	v18 =	vpop (erf)  }
0x262: {  	v19 =	vld [tilespmem:$0xC40];
	v0 =	vadd.f32 v18, v0  }
0x263: {  	v21 =	vld [tilespmem:$0xCC0];
	v20 =	vpop (erf)  }
0x264: {  	v0 =	vadd.f32 v20, v0  }
0x265: {  	v24 =	vld [tilespmem:$0xD40];
	v22 =	vpop (erf)  }
0x266: {  	v0 =	vadd.f32 v22, v0  }
0x267: {  	v25 =	vld [tilespmem:$0xDC0];
	v1 =	vmul.f32 $1.442695020e+00, v19  }
0x268: {  	v27 =	vmul.f32 $1.442695020e+00, v21;
	(erf) = vrcp.f32 v0  }
0x269: {  	v29 =	vld [tilespmem:$0xE40];
	(erf) = vpow2.f32 v1  }
0x26a: {  	v39 =	vld [tilespmem:$0x12C0];
	v30 =	vmul.f32 $1.442695020e+00, v24;
	(erf) = vpow2.f32 v27  }
0x26b: {  	v31 =	vld [tilespmem:$0xEC0]  }
0x26c: {  	v32 =	vmul.f32 $1.442695020e+00, v25;
	(erf) = vpow2.f32 v30  }
0x26d: {  	v34 =	vld [tilespmem:$0xF40];
	v47 =	vmul.f32 v35, v41  }
0x26e: {  	v43 =	vld [tilespmem:$0x14C0];
	v35 =	vmul.f32 $1.442695020e+00, v29;
	(erf) = vpow2.f32 v32  }
0x26f: {  	v36 =	vld [tilespmem:$0xFC0]  }
0x270: {  	[tilespmem:$0x1FA70] =	vst v39;
	v38 =	vmul.f32 $1.442695020e+00, v31;
	(erf) = vpow2.f32 v35  }
0x271: {  	[tilespmem:$0x2030] =	vst v2;
	v39 =	vpop (erf)  }
0x272: {  	[tilespmem:$0x2130] =	vst v40;
	v41 =	vmul.f32 $1.442695020e+00, v34;
	v40 =	vpop (erf);
	(erf) = vpow2.f32 v38  }
0x273: {  	[tilespmem:$0x1FA90] =	vst v42;
	v42 =	vpop (erf)  }
0x274: {  	[tilespmem:$0x1FA80] =	vst v43;
	v43 =	vmul.f32 $1.442695020e+00, v36;
	v46 =	vld [tilespmem:$0x16C0];
	(erf) = vpow2.f32 v41;
	v2 =	vadd.f32 v42, v40  }
0x275: {  	v48 =	vld [tilespmem:$0x18C0];
	[tilespmem:$0x21B0] =	vst v44;
	v44 =	vpop (erf)  }
0x276: {  	(erf) = vpow2.f32 v43;
	v1 =	vadd.f32 v44, v2  }
0x277: {  	v51 =	vld [tilespmem:$0x1CC0];
	[tilespmem:$0x1FAB0] =	vst v45;
	v45 =	vpop (erf)  }
0x278: {  	v0 =	vadd.f32 v45, v1  }
0x279: {  	[tilespmem:$0x1FAA0] =	vst v46;
	v46 =	vpop (erf)  }
0x27a: {  	[tilespmem:$0x1FAC0] =	vst v48;
	v0 =	vadd.f32 v46, v0  }
0x27b: {  	[tilespmem:$0x2040] =	vst v47;
	v47 =	vpop (erf)  }
0x27c: {  	v48 =	vld [tilespmem:$0x50];
	[tilespmem:$0x1FB10] =	vst v51;
	v0 =	vadd.f32 v47, v0  }
0x27d: {  	v51 =	vld [tilespmem:$0xD0];
	[tilespmem:$0x1FB20] =	vst v50;
	v50 =	vpop (erf)  }
0x27e: {  	v0 =	vadd.f32 v50, v0  }
0x27f: {  	v54 =	vld [tilespmem:$0x150];
	v52 =	vpop (erf)  }
0x280: {  	v0 =	vadd.f32 v52, v0  }
0x281: {  	v55 =	vld [tilespmem:$0x1D0];
	v1 =	vmul.f32 $1.442695020e+00, v48  }
0x282: {  	v56 =	vmul.f32 $1.442695020e+00, v51;
	(erf) = vrcp.f32 v0  }
0x283: {  	[tilespmem:$0x1FB80] =	vst v57;
	v57 =	vld [tilespmem:$0x250];
	(erf) = vpow2.f32 v1  }
0x284: {  	v58 =	vmul.f32 $1.442695020e+00, v54;
	(erf) = vpow2.f32 v56  }
0x285: {  	v59 =	vld [tilespmem:$0x2D0]  }
0x286: {  	v60 =	vmul.f32 $1.442695020e+00, v55;
	(erf) = vpow2.f32 v58  }
0x287: {  	v61 =	vld [tilespmem:$0x350]  }
0x288: {  	v62 =	vmul.f32 $1.442695020e+00, v57;
	(erf) = vpow2.f32 v60  }
0x289: {  	v63 =	vld [tilespmem:$0x3D0]  }
0x28a: {  	v6 =	vmul.f32 $1.442695020e+00, v59;
	(erf) = vpow2.f32 v62  }
0x28b: {  	v7 =	vpop (erf)  }
0x28c: {  	v9 =	vmul.f32 $1.442695020e+00, v61;
	v8 =	vpop (erf);
	(erf) = vpow2.f32 v6  }
0x28d: {  	v10 =	vpop (erf)  }
0x28e: {  	[tilespmem:$0x1FBC0] =	vst v11;
	v11 =	vmul.f32 $1.442695020e+00, v63;
	(erf) = vpow2.f32 v9;
	v2 =	vadd.f32 v10, v8  }
0x28f: {  	v12 =	vpop (erf)  }
0x290: {  	(erf) = vpow2.f32 v11;
	v1 =	vadd.f32 v12, v2  }
0x291: {  	v13 =	vpop (erf)  }
0x292: {  	v0 =	vadd.f32 v13, v1  }
0x293: {  	v14 =	vpop (erf)  }
0x294: {  	[tilespmem:$0x1FAD0] =	vst v15;
	v0 =	vadd.f32 v14, v0  }
0x295: {  	[tilespmem:$0x1FAF0] =	vst v16;
	v15 =	vpop (erf)  }
0x296: {  	[tilespmem:$0x1FB00] =	vst v17;
	v16 =	vld [tilespmem:$0x450];
	v0 =	vadd.f32 v15, v0  }
0x297: {  	[tilespmem:$0x1FB30] =	vst v18;
	v18 =	vld [tilespmem:$0x4D0];
	v17 =	vpop (erf)  }
0x298: {  	v0 =	vadd.f32 v17, v0  }
0x299: {  	[tilespmem:$0x1FB60] =	vst v20;
	v20 =	vld [tilespmem:$0x550];
	v19 =	vpop (erf)  }
0x29a: {  	v0 =	vadd.f32 v19, v0  }
0x29b: {  	v21 =	vld [tilespmem:$0x5D0];
	v1 =	vmul.f32 $1.442695020e+00, v16  }
0x29c: {  	[tilespmem:$0x1FB90] =	vst v22;
	v22 =	vmul.f32 $1.442695020e+00, v18;
	(erf) = vrcp.f32 v0  }
0x29d: {  	v24 =	vld [tilespmem:$0x650];
	(erf) = vpow2.f32 v1  }
0x29e: {  	v25 =	vmul.f32 $1.442695020e+00, v20;
	(erf) = vpow2.f32 v22  }
0x29f: {  	v27 =	vld [tilespmem:$0x6D0]  }
0x2a0: {  	v29 =	vmul.f32 $1.442695020e+00, v21;
	(erf) = vpow2.f32 v25  }
0x2a1: {  	v30 =	vld [tilespmem:$0x750]  }
0x2a2: {  	v31 =	vmul.f32 $1.442695020e+00, v24;
	(erf) = vpow2.f32 v29  }
0x2a3: {  	v32 =	vld [tilespmem:$0x7D0]  }
0x2a4: {  	v34 =	vmul.f32 $1.442695020e+00, v27;
	(erf) = vpow2.f32 v31  }
0x2a5: {  	v35 =	vpop (erf)  }
0x2a6: {  	v36 =	vmul.f32 $1.442695020e+00, v30;
	v54 =	vpop (erf);
	(erf) = vpow2.f32 v34  }
0x2a7: {  	v56 =	vpop (erf)  }
0x2a8: {  	[tilespmem:$0x1FBD0] =	vst v39;
	v39 =	vmul.f32 $1.442695020e+00, v32;
	(erf) = vpow2.f32 v36;
	v38 =	vadd.f32 v56, v54  }
0x2a9: {  	v58 =	vpop (erf)  }
0x2aa: {  	[tilespmem:$0x1FB40] =	vst v40;
	(erf) = vpow2.f32 v39;
	v40 =	vadd.f32 v58, v38  }
0x2ab: {  	v41 =	vpop (erf)  }
0x2ac: {  	v0 =	vadd.f32 v41, v40  }
0x2ad: {  	[tilespmem:$0x1FB50] =	vst v42;
	v42 =	vpop (erf)  }
0x2ae: {  	v0 =	vadd.f32 v42, v0  }
0x2af: {  	[tilespmem:$0x1FB70] =	vst v44;
	v43 =	vpop (erf)  }
0x2b0: {  	[tilespmem:$0x1FBA0] =	vst v45;
	v44 =	vld [tilespmem:$0x850];
	v0 =	vadd.f32 v43, v0  }
0x2b1: {  	[tilespmem:$0x1FBB0] =	vst v46;
	v46 =	vld [tilespmem:$0x8D0];
	v45 =	vpop (erf)  }
0x2b2: {  	v0 =	vadd.f32 v45, v0  }
0x2b3: {  	[tilespmem:$0x1FBE0] =	vst v47;
	v47 =	vpop (erf)  }
0x2b4: {  	[tilespmem:$0x2120] =	vst v5;
	v48 =	vld [tilespmem:$0x950];
	v0 =	vadd.f32 v47, v0  }
0x2b5: {  	[tilespmem:$0x21A0] =	vst v3;
	v1 =	vmul.f32 $1.442695020e+00, v44  }
0x2b6: {  	[tilespmem:$0x1FBF0] =	vst v50;
	v50 =	vld [tilespmem:$0x9D0];
	v51 =	vmul.f32 $1.442695020e+00, v46;
	(erf) = vrcp.f32 v0  }
0x2b7: {  	[tilespmem:$0x1FC00] =	vst v52;
	(erf) = vpow2.f32 v1  }
0x2b8: {  	v52 =	vld [tilespmem:$0xA50];
	[tilespmem:$0x1FD10] =	vst v7;
	(erf) = vpow2.f32 v51  }
0x2b9: {  	v57 =	vld [tilespmem:$0xAD0];
	v55 =	vmul.f32 $1.442695020e+00, v48;
	[tilespmem:$0x1FC10] =	vst v8  }
0x2ba: {  	v60 =	vld [tilespmem:$0xB50];
	[tilespmem:$0x1FC20] =	vst v10  }
0x2bb: {  	v59 =	vmul.f32 $1.442695020e+00, v50;
	[tilespmem:$0x1FC30] =	vst v12;
	(erf) = vpow2.f32 v55  }
0x2bc: {  	[tilespmem:$0x1FC40] =	vst v13  }
0x2bd: {  	v61 =	vmul.f32 $1.442695020e+00, v52;
	[tilespmem:$0x1FC50] =	vst v14;
	(erf) = vpow2.f32 v59  }
0x2be: {  	v63 =	vmul.f32 $1.442695020e+00, v57;
	v62 =	vld [tilespmem:$0xBD0];
	[tilespmem:$0x1FC60] =	vst v15  }
0x2bf: {  	v6 =	vmul.f32 $1.442695020e+00, v60;
	[tilespmem:$0x1FC80] =	vst v17;
	(erf) = vpow2.f32 v61;
	v5 =	vpop (erf)  }
0x2c0: {  	[tilespmem:$0x1FCD0] =	vst v19;
	v50 =	vpop (erf);
	(erf) = vpow2.f32 v63  }
0x2c1: {  	[tilespmem:$0x1FCF0] =	vst v47;
	v47 =	vpop (erf);
	(erf) = vpow2.f32 v6  }
0x2c2: {  	[tilespmem:$0x1FD20] =	vst v35  }
0x2c3: {  	v8 =	vmul.f32 $1.442695020e+00, v62;
	[tilespmem:$0x1FC70] =	vst v41;
	v7 =	vadd.f32 v47, v50  }
0x2c4: {  	[tilespmem:$0x1FC90] =	vst v42;
	v55 =	vpop (erf)  }
0x2c5: {  	[tilespmem:$0x1FCA0] =	vst v43;
	(erf) = vpow2.f32 v8;
	v9 =	vadd.f32 v55, v7  }
0x2c6: {  	[tilespmem:$0x1FCC0] =	vst v45;
	v10 =	vpop (erf)  }
0x2c7: {  	[tilespmem:$0x1FD40] =	vst v5;
	v0 =	vadd.f32 v10, v9  }
0x2c8: {  	[tilespmem:$0x1FCB0] =	vst v10;
	v11 =	vpop (erf)  }
0x2c9: {  	[tilespmem:$0x1FCE0] =	vst v11;
	v0 =	vadd.f32 v11, v0;
	v12 =	vpop (erf)  }
0x2ca: {  	v28 =	vld [tilespmem:$0x10C0];
	[tilespmem:$0x1FD00] =	vst v12;
	v14 =	vpop (erf)  }
0x2cb: {  	v13 =	vld [tilespmem:$0xC50];
	v0 =	vadd.f32 v12, v0;
	[tilespmem:$0x1FD30] =	vst v14  }
0x2cc: {  	v15 =	vld [tilespmem:$0xCD0]  }
0x2cd: {  	v0 =	vadd.f32 v14, v0  }
0x2ce: {  	v16 =	vpop (erf);
	v17 =	vld [tilespmem:$0xD50]  }
0x2cf: {  	v0 =	vadd.f32 v16, v0  }
0x2d0: {  	v1 =	vmul.f32 $1.442695020e+00, v13;
	v18 =	vld [tilespmem:$0xDD0]  }
0x2d1: {  	(erf) = vrcp.f32 v0;
	v19 =	vmul.f32 $1.442695020e+00, v15  }
0x2d2: {  	v20 =	vld [tilespmem:$0xE50];
	(erf) = vpow2.f32 v1  }
0x2d3: {  	v21 =	vmul.f32 $1.442695020e+00, v17;
	(erf) = vpow2.f32 v19  }
0x2d4: {  	v22 =	vld [tilespmem:$0xED0]  }
0x2d5: {  	v24 =	vmul.f32 $1.442695020e+00, v18;
	(erf) = vpow2.f32 v21  }
0x2d6: {  	v25 =	vld [tilespmem:$0xF50]  }
0x2d7: {  	v27 =	vmul.f32 $1.442695020e+00, v20;
	(erf) = vpow2.f32 v24  }
0x2d8: {  	v29 =	vld [tilespmem:$0xFD0]  }
0x2d9: {  	v30 =	vmul.f32 $1.442695020e+00, v22;
	(erf) = vpow2.f32 v27  }
0x2da: {  	v31 =	vpop (erf)  }
0x2db: {  	v34 =	vmul.f32 $1.442695020e+00, v25;
	(erf) = vpow2.f32 v30;
	v32 =	vpop (erf)  }
0x2dc: {  	v35 =	vpop (erf)  }
0x2dd: {  	v36 =	vmul.f32 $1.442695020e+00, v29;
	(erf) = vpow2.f32 v34;
	v38 =	vadd.f32 v35, v32  }
0x2de: {  	v39 =	vpop (erf)  }
0x2df: {  	(erf) = vpow2.f32 v36;
	v40 =	vadd.f32 v39, v38  }
0x2e0: {  	v41 =	vpop (erf)  }
0x2e1: {  	v0 =	vadd.f32 v41, v40  }
0x2e2: {  	v42 =	vpop (erf)  }
0x2e3: {  	v0 =	vadd.f32 v42, v0  }
0x2e4: {  	v43 =	vpop (erf)  }
0x2e5: {  	v44 =	vld [tilespmem:$0x60];
	v0 =	vadd.f32 v43, v0  }
0x2e6: {  	v46 =	vld [tilespmem:$0xE0];
	v45 =	vpop (erf)  }
0x2e7: {  	v0 =	vadd.f32 v45, v0  }
0x2e8: {  	v51 =	vld [tilespmem:$0x160];
	v48 =	vpop (erf)  }
0x2e9: {  	v0 =	vadd.f32 v48, v0  }
0x2ea: {  	v52 =	vld [tilespmem:$0x1E0];
	v1 =	vmul.f32 $1.442695020e+00, v44  }
0x2eb: {  	v57 =	vmul.f32 $1.442695020e+00, v46;
	(erf) = vrcp.f32 v0  }
0x2ec: {  	v59 =	vld [tilespmem:$0x260];
	(erf) = vpow2.f32 v1  }
0x2ed: {  	v60 =	vmul.f32 $1.442695020e+00, v51;
	(erf) = vpow2.f32 v57  }
0x2ee: {  	v61 =	vld [tilespmem:$0x2E0]  }
0x2ef: {  	v62 =	vmul.f32 $1.442695020e+00, v52;
	(erf) = vpow2.f32 v60  }
0x2f0: {  	v63 =	vld [tilespmem:$0x360]  }
0x2f1: {  	v5 =	vmul.f32 $1.442695020e+00, v59;
	(erf) = vpow2.f32 v62  }
0x2f2: {  	v6 =	vld [tilespmem:$0x3E0]  }
0x2f3: {  	v7 =	vmul.f32 $1.442695020e+00, v61;
	(erf) = vpow2.f32 v5  }
0x2f4: {  	v8 =	vpop (erf)  }
0x2f5: {  	v9 =	vmul.f32 $1.442695020e+00, v63;
	(erf) = vpow2.f32 v7;
	v10 =	vpop (erf)  }
0x2f6: {  	v11 =	vpop (erf)  }
0x2f7: {  	v12 =	vmul.f32 $1.442695020e+00, v6;
	(erf) = vpow2.f32 v9;
	v13 =	vadd.f32 v11, v10  }
0x2f8: {  	v14 =	vpop (erf)  }
0x2f9: {  	(erf) = vpow2.f32 v12;
	v15 =	vadd.f32 v14, v13  }
0x2fa: {  	[tilespmem:$0x1FD50] =	vst v16;
	v16 =	vpop (erf)  }
0x2fb: {  	v0 =	vadd.f32 v16, v15  }
0x2fc: {  	v17 =	vpop (erf)  }
0x2fd: {  	v0 =	vadd.f32 v17, v0  }
0x2fe: {  	v18 =	vpop (erf)  }
0x2ff: {  	v19 =	vld [tilespmem:$0x460];
	v0 =	vadd.f32 v18, v0  }
0x300: {  	v21 =	vld [tilespmem:$0x4E0];
	v20 =	vpop (erf)  }
0x301: {  	v0 =	vadd.f32 v20, v0  }
0x302: {  	v24 =	vld [tilespmem:$0x560];
	v22 =	vpop (erf)  }
0x303: {  	v0 =	vadd.f32 v22, v0  }
0x304: {  	v25 =	vld [tilespmem:$0x5E0];
	v1 =	vmul.f32 $1.442695020e+00, v19  }
0x305: {  	v27 =	vmul.f32 $1.442695020e+00, v21;
	(erf) = vrcp.f32 v0  }
0x306: {  	v29 =	vld [tilespmem:$0x660];
	(erf) = vpow2.f32 v1  }
0x307: {  	v30 =	vmul.f32 $1.442695020e+00, v24;
	(erf) = vpow2.f32 v27  }
0x308: {  	[tilespmem:$0x1FF00] =	vst v31;
	v31 =	vld [tilespmem:$0x6E0]  }
0x309: {  	[tilespmem:$0x1FD60] =	vst v32;
	v32 =	vmul.f32 $1.442695020e+00, v25;
	(erf) = vpow2.f32 v30  }
0x30a: {  	v34 =	vld [tilespmem:$0x760]  }
0x30b: {  	[tilespmem:$0x1FD70] =	vst v35;
	v35 =	vmul.f32 $1.442695020e+00, v29;
	(erf) = vpow2.f32 v32  }
0x30c: {  	v36 =	vld [tilespmem:$0x7E0]  }
0x30d: {  	v38 =	vmul.f32 $1.442695020e+00, v31;
	(erf) = vpow2.f32 v35  }
0x30e: {  	[tilespmem:$0x1FD80] =	vst v39;
	v39 =	vpop (erf)  }
0x30f: {  	[tilespmem:$0x1FD90] =	vst v41;
	v40 =	vmul.f32 $1.442695020e+00, v34;
	(erf) = vpow2.f32 v38;
	v41 =	vpop (erf)  }
0x310: {  	[tilespmem:$0x1FDA0] =	vst v42;
	v42 =	vpop (erf)  }
0x311: {  	[tilespmem:$0x1FDB0] =	vst v43;
	v43 =	vmul.f32 $1.442695020e+00, v36;
	(erf) = vpow2.f32 v40;
	v44 =	vadd.f32 v42, v41  }
0x312: {  	[tilespmem:$0x1FDC0] =	vst v45;
	v45 =	vpop (erf)  }
0x313: {  	(erf) = vpow2.f32 v43;
	v46 =	vadd.f32 v45, v44  }
0x314: {  	[tilespmem:$0x1FE40] =	vst v48;
	v48 =	vpop (erf)  }
0x315: {  	v0 =	vadd.f32 v48, v46  }
0x316: {  	v51 =	vpop (erf)  }
0x317: {  	v0 =	vadd.f32 v51, v0  }
0x318: {  	v52 =	vpop (erf)  }
0x319: {  	v57 =	vld [tilespmem:$0x860];
	v0 =	vadd.f32 v52, v0  }
0x31a: {  	v60 =	vld [tilespmem:$0x8E0];
	v59 =	vpop (erf)  }
0x31b: {  	v0 =	vadd.f32 v59, v0  }
0x31c: {  	v62 =	vld [tilespmem:$0x960];
	v61 =	vpop (erf)  }
0x31d: {  	v0 =	vadd.f32 v61, v0  }
0x31e: {  	v63 =	vld [tilespmem:$0x9E0];
	v1 =	vmul.f32 $1.442695020e+00, v57  }
0x31f: {  	v7 =	vmul.f32 $1.442695020e+00, v60;
	(erf) = vrcp.f32 v0  }
0x320: {  	[tilespmem:$0x1FF20] =	vst v8;
	v8 =	vld [tilespmem:$0xA60];
	(erf) = vpow2.f32 v1  }
0x321: {  	v9 =	vmul.f32 $1.442695020e+00, v62;
	(erf) = vpow2.f32 v7  }
0x322: {  	[tilespmem:$0x1FDD0] =	vst v10;
	v10 =	vld [tilespmem:$0xAE0]  }
0x323: {  	[tilespmem:$0x1FDE0] =	vst v11;
	v11 =	vmul.f32 $1.442695020e+00, v63;
	(erf) = vpow2.f32 v9  }
0x324: {  	v12 =	vld [tilespmem:$0xB60]  }
0x325: {  	v13 =	vmul.f32 $1.442695020e+00, v8;
	(erf) = vpow2.f32 v11  }
0x326: {  	[tilespmem:$0x1FDF0] =	vst v14;
	v14 =	vld [tilespmem:$0xBE0]  }
0x327: {  	v15 =	vmul.f32 $1.442695020e+00, v10;
	(erf) = vpow2.f32 v13  }
0x328: {  	[tilespmem:$0x1FE00] =	vst v16;
	v16 =	vpop (erf)  }
0x329: {  	[tilespmem:$0x1FE60] =	vst v18;
	v18 =	vmul.f32 $1.442695020e+00, v12;
	(erf) = vpow2.f32 v15;
	v19 =	vpop (erf)  }
0x32a: {  	[tilespmem:$0x1FE90] =	vst v20;
	v20 =	vpop (erf)  }
0x32b: {  	v25 =	vmul.f32 $1.442695020e+00, v14;
	(erf) = vpow2.f32 v18;
	v27 =	vadd.f32 v20, v19  }
0x32c: {  	v36 =	vpop (erf)  }
0x32d: {  	(erf) = vpow2.f32 v25;
	v38 =	vadd.f32 v36, v27  }
0x32e: {  	[tilespmem:$0x1FF30] =	vst v39;
	v39 =	vpop (erf)  }
0x32f: {  	v0 =	vadd.f32 v39, v38  }
0x330: {  	v40 =	vpop (erf)  }
0x331: {  	v0 =	vadd.f32 v40, v0  }
0x332: {  	[tilespmem:$0x1FE30] =	vst v42;
	v42 =	vpop (erf)  }
0x333: {  	v43 =	vld [tilespmem:$0xC60];
	v0 =	vadd.f32 v42, v0  }
0x334: {  	[tilespmem:$0x1FE50] =	vst v45;
	v45 =	vld [tilespmem:$0xCE0];
	v44 =	vpop (erf)  }
0x335: {  	[tilespmem:$0x1FE70] =	vst v48;
	v0 =	vadd.f32 v44, v0  }
0x336: {  	[tilespmem:$0x1FE80] =	vst v51;
	v51 =	vld [tilespmem:$0xD60];
	v48 =	vpop (erf)  }
0x337: {  	v0 =	vadd.f32 v48, v0  }
0x338: {  	v57 =	vld [tilespmem:$0xDE0];
	v2 =	vmul.f32 $1.442695020e+00, v43  }
0x339: {  	[tilespmem:$0x1FEB0] =	vst v59;
	v59 =	vmul.f32 $1.442695020e+00, v45;
	(erf) = vrcp.f32 v0  }
0x33a: {  	v63 =	vld [tilespmem:$0xE60];
	(erf) = vpow2.f32 v2  }
0x33b: {  	v8 =	vmul.f32 $1.442695020e+00, v51;
	(erf) = vpow2.f32 v59  }
0x33c: {  	v12 =	vld [tilespmem:$0xEE0]  }
0x33d: {  	v13 =	vmul.f32 $1.442695020e+00, v57;
	(erf) = vpow2.f32 v8  }
0x33e: {  	v25 =	vld [tilespmem:$0xF60]  }
0x33f: {  	v27 =	vmul.f32 $1.442695020e+00, v63;
	(erf) = vpow2.f32 v13  }
0x340: {  	v31 =	vld [tilespmem:$0xFE0]  }
0x341: {  	v21 =	vld [tilespmem:$0x1340];
	[tilespmem:$0x1FED0] =	vst v61;
	v61 =	vmul.f32 $1.442695020e+00, v12;
	(erf) = vpow2.f32 v27  }
0x342: {  	v28 =	vmul.f32 v23, v28;
	v23 =	vld [tilespmem:$0x1FA90];
	v62 =	vpop (erf)  }
0x343: {  	v6 =	vld [tilespmem:$0x1940];
	v63 =	vmul.f32 $1.442695020e+00, v25;
	(erf) = vpow2.f32 v61;
	v59 =	vpop (erf)  }
0x344: {  	v24 =	vld [tilespmem:$0x1740];
	v51 =	vpop (erf)  }
0x345: {  	v29 =	vld [tilespmem:$0x1D40];
	v2 =	vmul.f32 $1.442695020e+00, v31;
	(erf) = vpow2.f32 v63;
	v3 =	vadd.f32 v51, v59  }
0x346: {  	v21 =	vmul.f32 v53, v21;
	v53 =	vld [tilespmem:$0x1FAD0];
	[tilespmem:$0x1FF90] =	vst v48;
	v48 =	vpop (erf)  }
0x347: {  	v34 =	vld [tilespmem:$0x11C0];
	(erf) = vpow2.f32 v2;
	v9 =	vadd.f32 v48, v3  }
0x348: {  	[tilespmem:$0x1FE10] =	vst v17;
	v17 =	vld [tilespmem:$0x1140];
	v57 =	vpop (erf)  }
0x349: {  	v5 =	vld [tilespmem:$0x1FA70];
	v9 =	vadd.f32 v57, v9  }
0x34a: {  	v60 =	vld [tilespmem:$0x1050];
	[tilespmem:$0x1FFA0] =	vst v62;
	v62 =	vpop (erf)  }
0x34b: {  	v10 =	vld [tilespmem:$0x13C0];
	v9 =	vadd.f32 v62, v9  }
0x34c: {  	v14 =	vld [tilespmem:$0x15C0];
	v61 =	vpop (erf)  }
0x34d: {  	v17 =	vmul.f32 v49, v17;
	v49 =	vld [tilespmem:$0x1FAC0];
	v9 =	vadd.f32 v61, v9  }
0x34e: {  	[tilespmem:$0x1FEC0] =	vst v22;
	v22 =	vld [tilespmem:$0x1540];
	v63 =	vpop (erf)  }
0x34f: {  	v30 =	vld [tilespmem:$0x1FC0];
	v9 =	vadd.f32 v63, v9  }
0x350: {  	v13 =	vld [tilespmem:$0x70];
	v4 =	vpop (erf)  }
0x351: {  	v0 =	vadd.f32 v4, v9;
	v9 =	vld [tilespmem:$0x1FA80]  }
0x352: {  	v32 =	vld [tilespmem:$0x1F40]  }
0x353: {  	[tilespmem:$0x1FEE0] =	vst v19;
	v19 =	vld [tilespmem:$0xF0]  }
0x354: {  	v25 =	vld [tilespmem:$0x170]  }
0x355: {  	v1 =	vmul.f32 $1.442695020e+00, v13;
	v13 =	vld [tilespmem:$0x1FAB0]  }
0x356: {  	v23 =	vmul.f32 v23, v9;
	v9 =	vld [tilespmem:$0x1FAA0]  }
0x357: {  	v35 =	vld [tilespmem:$0x1DC0]  }
0x358: {  	[tilespmem:$0x1FE20] =	vst v41;
	v41 =	vld [tilespmem:$0x1EC0]  }
0x359: {  	v46 =	vld [tilespmem:$0x1BC0];
	(erf) = vrcp.f32 v0  }
0x35a: {  	v43 =	vld [tilespmem:$0x1CD0];
	v0 =	vmul.f32 $1.442695020e+00, v19;
	(erf) = vpow2.f32 v1  }
0x35b: {  	v3 =	vld [tilespmem:$0x1F0];
	[tilespmem:$0x1FFB0] =	vst v4;
	v4 =	vmul.f32 v13, v9;
	v9 =	vmul.f32 $1.442695020e+00, v25  }
0x35c: {  	v1 =	vld [tilespmem:$0x270];
	(erf) = vpow2.f32 v0  }
0x35d: {  	(erf) = vpow2.f32 v9;
	v9 =	vmul.f32 v53, v22;
	v22 =	vld [tilespmem:$0x1FAE0]  }
0x35e: {  	v53 =	vld [tilespmem:$0x1FAF0]  }
0x35f: {  	[tilespmem:$0x1FEA0] =	vst v52;
	v52 =	vld [tilespmem:$0x19C0]  }
0x360: {  	v45 =	vld [tilespmem:$0x1E50];
	v2 =	vmul.f32 v26, v5;
	v13 =	vmul.f32 $1.442695020e+00, v3  }
0x361: {  	v17 =	vadd.f32 v21, v17;
	v12 =	vld [tilespmem:$0x12D0]  }
0x362: {  	v7 =	vld [tilespmem:$0x10D0];
	v2 =	vadd.f32 v2, v28;
	(erf) = vpow2.f32 v13;
	v13 =	vmul.f32 $1.442695020e+00, v1  }
0x363: {  	v1 =	vmul.f32 v37, v22;
	v37 =	vadd.f32 v9, v17;
	v9 =	vmul.f32 v53, v24;
	v22 =	vld [tilespmem:$0x1FB00]  }
0x364: {  	v2 =	vadd.f32 v23, v2;
	v53 =	vld [tilespmem:$0x1FB10]  }
0x365: {  	v21 =	vadd.f32 v9, v37;
	v9 =	vld [tilespmem:$0x1FB20]  }
0x366: {  	v12 =	vmul.f32 v56, v12;
	v56 =	vld [tilespmem:$0x1FC60];
	v3 =	vmul.f32 v33, v49;
	v2 =	vadd.f32 v4, v2  }
0x367: {  	v11 =	vld [tilespmem:$0x1B40]  }
0x368: {  	v25 =	vld [tilespmem:$0x2F0];
	v2 =	vadd.f32 v3, v2  }
0x369: {  	v49 =	vld [tilespmem:$0x370]  }
0x36a: {  	v4 =	vmul.f32 v22, v6;
	v6 =	vadd.f32 v1, v2;
	v2 =	vmul.f32 v9, v53;
	v9 =	vld [tilespmem:$0x1FB50]  }
0x36b: {  	v5 =	vld [tilespmem:$0x3F0]  }
0x36c: {  	v3 =	vadd.f32 v4, v21;
	v4 =	vld [tilespmem:$0x1FB40]  }
0x36d: {  	v15 =	vld [tilespmem:$0x14D0];
	(erf) = vpow2.f32 v13;
	v13 =	vmul.f32 $1.442695020e+00, v25  }
0x36e: {  	[tilespmem:$0x1FF40] =	vst v16;
	v16 =	vld [tilespmem:$0x1450];
	v25 =	vpop (erf);
	v0 =	vmul.f32 $1.442695020e+00, v49  }
0x36f: {  	v49 =	vpop (erf);
	(erf) = vpow2.f32 v13;
	v10 =	vmul.f32 v9, v10;
	v9 =	vld [tilespmem:$0x1FB70]  }
0x370: {  	v18 =	vld [tilespmem:$0x1250];
	v53 =	vpop (erf);
	(erf) = vpow2.f32 v0  }
0x371: {  	[tilespmem:$0x1FEF0] =	vst v20;
	v20 =	vld [tilespmem:$0x17C0];
	v0 =	vmul.f32 $1.442695020e+00, v5;
	v5 =	vadd.f32 v53, v49;
	v4 =	vmul.f32 v4, v34  }
0x372: {  	v13 =	vld [tilespmem:$0x1FB30];
	v34 =	vpop (erf)  }
0x373: {  	(erf) = vpow2.f32 v0;
	v0 =	vadd.f32 v34, v5;
	v5 =	vadd.f32 v10, v4;
	v10 =	vld [tilespmem:$0x1FB80]  }
0x374: {  	v2 =	vadd.f32 v2, v6;
	v6 =	vmul.f32 v9, v14;
	v14 =	vld [tilespmem:$0x1FB90]  }
0x375: {  	[tilespmem:$0x1FF10] =	vst v36;
	v36 =	vld [tilespmem:$0x18D0]  }
0x376: {  	v38 =	vld [tilespmem:$0x1850]  }
0x377: {  	[tilespmem:$0x1FF50] =	vst v39;
	v39 =	vld [tilespmem:$0x1A50]  }
0x378: {  	v17 =	vmul.f32 v13, v11;
	v13 =	vld [tilespmem:$0x1FB60]  }
0x379: {  	v10 =	vmul.f32 v10, v41;
	v41 =	vmul.f32 v14, v32;
	v32 =	vld [tilespmem:$0x1FBA0]  }
0x37a: {  	[tilespmem:$0x1FF60] =	vst v40;
	v40 =	vld [tilespmem:$0x1C50]  }
0x37b: {  	[tilespmem:$0x1FF70] =	vst v42;
	v42 =	vld [tilespmem:$0x1AD0]  }
0x37c: {  	[tilespmem:$0x1FF80] =	vst v44;
	v44 =	vld [tilespmem:$0x1ED0]  }
0x37d: {  	v31 =	vld [tilespmem:$0x1150];
	v11 =	vadd.f32 v17, v3;
	v1 =	vmul.f32 v13, v29  }
0x37e: {  	v8 =	vld [tilespmem:$0x1650];
	v5 =	vadd.f32 v6, v5;
	v6 =	vmul.f32 v32, v20  }
0x37f: {  	v27 =	vld [tilespmem:$0x16D0];
	v11 =	vadd.f32 v1, v11  }
0x380: {  	v5 =	vadd.f32 v6, v5;
	v6 =	vld [tilespmem:$0x1FBB0]  }
0x381: {  	v29 =	vpop (erf);
	v11 =	vadd.f32 v41, v11;
	v41 =	vld [tilespmem:$0x1FBC0]  }
0x382: {  	v26 =	vld [tilespmem:$0x1350];
	v0 =	vadd.f32 v29, v0  }
0x383: {  	v28 =	vld [tilespmem:$0x1750];
	v32 =	vpop (erf)  }
0x384: {  	v19 =	vld [tilespmem:$0x1550];
	v2 =	vadd.f32 v10, v2;
	v20 =	vadd.f32 v32, v0  }
0x385: {  	v23 =	vld [tilespmem:$0x1950];
	v6 =	vmul.f32 v6, v52;
	v52 =	vpop (erf)  }
0x386: {  	v0 =	vmul.f32 v41, v2;
	v2 =	vadd.f32 v52, v20;
	v20 =	vld [tilespmem:$0x1FBD0]  }
0x387: {  	v33 =	vld [tilespmem:$0x1B50]  }
0x388: {  	[tilespmem:$0x1FFC0] =	vst v25;
	v25 =	vld [tilespmem:$0x11D0]  }
0x389: {  	v24 =	vld [tilespmem:$0x1D50]  }
0x38a: {  	v37 =	vld [tilespmem:$0x1F50]  }
0x38b: {  	[tilespmem:$0x1FFD0] =	vst v0;
	v0 =	vmul.f32 v20, v11;
	v11 =	vld [tilespmem:$0x1FBE0]  }
0x38c: {  	v22 =	vld [tilespmem:$0x13D0]  }
0x38d: {  	v21 =	vld [tilespmem:$0x15D0]  }
0x38e: {  	v17 =	vld [tilespmem:$0x17D0]  }
0x38f: {  	v3 =	vld [tilespmem:$0x1260]  }
0x390: {  	v1 =	vld [tilespmem:$0x1FC30];
	v5 =	vadd.f32 v6, v5;
	v6 =	vmul.f32 v11, v46  }
0x391: {  	v13 =	vld [tilespmem:$0x19D0]  }
0x392: {  	v5 =	vadd.f32 v6, v5;
	v6 =	vld [tilespmem:$0x1FC10]  }
0x393: {  	v4 =	vld [tilespmem:$0x1DD0]  }
0x394: {  	v9 =	vld [tilespmem:$0x1BD0]  }
0x395: {  	v16 =	vmul.f32 v1, v16;
	v1 =	vld [tilespmem:$0x1FC40]  }
0x396: {  	v20 =	vld [tilespmem:$0x1FBF0]  }
0x397: {  	v6 =	vmul.f32 v6, v60;
	v60 =	vld [tilespmem:$0x1FC20]  }
0x398: {  	v10 =	vld [tilespmem:$0x1060]  }
0x399: {  	v14 =	vld [tilespmem:$0x1FD0]  }
0x39a: {  	v1 =	vmul.f32 v1, v8;
	v8 =	vld [tilespmem:$0x1660]  }
0x39b: {  	v35 =	vmul.f32 v20, v35;
	v20 =	vld [tilespmem:$0x1FC00]  }
0x39c: {  	v41 =	vld [tilespmem:$0x470];
	v18 =	vmul.f32 v60, v18  }
0x39d: {  	[tilespmem:$0x1FFE0] =	vst v0;
	v0 =	vld [tilespmem:$0x570]  }
0x39e: {  	v11 =	vld [tilespmem:$0x4F0];
	v6 =	vadd.f32 v18, v6  }
0x39f: {  	v46 =	vpop (erf);
	v5 =	vadd.f32 v35, v5;
	v35 =	vld [tilespmem:$0x1860]  }
0x3a0: {  	v2 =	vadd.f32 v46, v2;
	v30 =	vmul.f32 v20, v30;
	v20 =	vld [tilespmem:$0x1460];
	v6 =	vadd.f32 v16, v6  }
0x3a1: {  	v60 =	vpop (erf);
	v18 =	vmul.f32 $1.442695020e+00, v41;
	v41 =	vld [tilespmem:$0x5F0]  }
0x3a2: {  	v2 =	vadd.f32 v60, v2;
	v1 =	vadd.f32 v1, v6;
	v6 =	vld [tilespmem:$0x1FC50]  }
0x3a3: {  	v7 =	vmul.f32 v54, v7;
	v54 =	vmul.f32 $1.442695020e+00, v11;
	v11 =	vld [tilespmem:$0x1A60]  }
0x3a4: {  	(erf) = vrcp.f32 v2;
	v2 =	vld [tilespmem:$0x1C60]  }
0x3a5: {  	(erf) = vpow2.f32 v18;
	v16 =	vld [tilespmem:$0x670]  }
0x3a6: {  	v0 =	vmul.f32 $1.442695020e+00, v0;
	v18 =	vadd.f32 v30, v5;
	v5 =	vld [tilespmem:$0x1E60];
	(erf) = vpow2.f32 v54  }
0x3a7: {  	v54 =	vmul.f32 $1.442695020e+00, v41;
	v41 =	vld [tilespmem:$0x7F0];
	v30 =	vmul.f32 v6, v38  }
0x3a8: {  	v7 =	vadd.f32 v12, v7;
	v38 =	vmul.f32 v58, v15;
	v58 =	vmul.f32 v56, v39;
	v39 =	vld [tilespmem:$0x1FC80]  }
0x3a9: {  	(erf) = vpow2.f32 v0;
	v15 =	vld [tilespmem:$0x6F0]  }
0x3aa: {  	v56 =	vmul.f32 v50, v31;
	v31 =	vld [tilespmem:$0x18E0];
	v6 =	vadd.f32 v38, v7;
	v38 =	vmul.f32 $1.442695020e+00, v16  }
0x3ab: {  	(erf) = vpow2.f32 v54;
	v1 =	vadd.f32 v30, v1;
	v30 =	vld [tilespmem:$0x1FC70]  }
0x3ac: {  	(erf) = vpow2.f32 v38;
	v38 =	vld [tilespmem:$0x1FCA0]  }
0x3ad: {  	v7 =	vmul.f32 v39, v40;
	v40 =	vld [tilespmem:$0x1FC90]  }
0x3ae: {  	v54 =	vmul.f32 $1.442695020e+00, v15;
	v15 =	vld [tilespmem:$0x10E0]  }
0x3af: {  	v26 =	vmul.f32 v47, v26;
	v1 =	vadd.f32 v58, v1;
	v39 =	vmul.f32 $1.442695020e+00, v41;
	v41 =	vld [tilespmem:$0x1FCB0]  }
0x3b0: {  	v27 =	vmul.f32 v30, v27;
	v30 =	vld [tilespmem:$0x770]  }
0x3b1: {  	v1 =	vadd.f32 v7, v1;
	v7 =	vadd.f32 v26, v56;
	v26 =	vld [tilespmem:$0x16E0]  }
0x3b2: {  	v19 =	vmul.f32 v55, v19;
	v56 =	vld [tilespmem:$0x1FCD0]  }
0x3b3: {  	v6 =	vadd.f32 v27, v6;
	v27 =	vld [tilespmem:$0x12E0]  }
0x3b4: {  	v58 =	vpop (erf);
	v7 =	vadd.f32 v19, v7;
	v12 =	vmul.f32 v40, v36;
	v19 =	vmul.f32 v41, v28;
	v28 =	vld [tilespmem:$0x1AE0]  }
0x3b5: {  	v50 =	vpop (erf);
	v41 =	vld [tilespmem:$0x1FD10]  }
0x3b6: {  	[tilespmem:$0x1FFF0] =	vst v58;
	v58 =	vpop (erf);
	v6 =	vadd.f32 v12, v6;
	v12 =	vld [tilespmem:$0x14E0]  }
0x3b7: {  	v40 =	vadd.f32 v58, v50;
	v36 =	vmul.f32 $1.442695020e+00, v30;
	v30 =	vmul.f32 v38, v42;
	v42 =	vld [tilespmem:$0x1FCC0]  }
0x3b8: {  	(erf) = vpow2.f32 v54;
	v54 =	vpop (erf);
	v38 =	vld [tilespmem:$0x1FCE0]  }
0x3b9: {  	v47 =	vadd.f32 v54, v40;
	v40 =	vld [tilespmem:$0x1FD00]  }
0x3ba: {  	v16 =	vmul.f32 v56, v45;
	v45 =	vld [tilespmem:$0x1FD80]  }
0x3bb: {  	(erf) = vpow2.f32 v36;
	v36 =	vld [tilespmem:$0x1CE0]  }
0x3bc: {  	(erf) = vpow2.f32 v39;
	v39 =	vld [tilespmem:$0x1FCF0]  }
0x3bd: {  	v18 =	vmul.f32 v41, v18;
	v41 =	vld [tilespmem:$0x1FD40]  }
0x3be: {  	v7 =	vadd.f32 v19, v7;
	v19 =	vmul.f32 v38, v23;
	v23 =	vld [tilespmem:$0x1EE0]  }
0x3bf: {  	v38 =	vld [tilespmem:$0x1160]  }
0x3c0: {  	v1 =	vadd.f32 v16, v1;
	v16 =	vmul.f32 v40, v33;
	v33 =	vld [tilespmem:$0x1360]  }
0x3c1: {  	v6 =	vadd.f32 v30, v6;
	v30 =	vmul.f32 v42, v43;
	v42 =	vld [tilespmem:$0x1FD20]  }
0x3c2: {  	v40 =	vld [tilespmem:$0x1FD30]  }
0x3c3: {  	v21 =	vmul.f32 v45, v21;
	v45 =	vld [tilespmem:$0x1FDC0]  }
0x3c4: {  	v6 =	vadd.f32 v30, v6;
	v30 =	vmul.f32 v39, v44;
	v44 =	vld [tilespmem:$0x1FD70]  }
0x3c5: {  	v7 =	vadd.f32 v19, v7;
	v39 =	vld [tilespmem:$0x1960]  }
0x3c6: {  	v6 =	vadd.f32 v30, v6;
	v30 =	vld [tilespmem:$0x1560]  }
0x3c7: {  	v43 =	vadd.f32 v16, v7;
	v7 =	vmul.f32 v40, v24;
	v24 =	vld [tilespmem:$0x1760]  }
0x3c8: {  	v19 =	vmul.f32 v42, v1;
	v42 =	vld [tilespmem:$0x1FD50]  }
0x3c9: {  	v4 =	vmul.f32 v45, v4;
	v45 =	vld [tilespmem:$0x1FDD0]  }
0x3ca: {  	v1 =	vadd.f32 v7, v43;
	v43 =	vld [tilespmem:$0x1FD60]  }
0x3cb: {  	v56 =	vpop (erf);
	v16 =	vmul.f32 v41, v6;
	v41 =	vld [tilespmem:$0x970]  }
0x3cc: {  	v0 =	vadd.f32 v56, v47;
	v22 =	vmul.f32 v44, v22;
	v44 =	vld [tilespmem:$0x1FDB0]  }
0x3cd: {  	v55 =	vpop (erf);
	v6 =	vmul.f32 v42, v37;
	v37 =	vld [tilespmem:$0x870]  }
0x3ce: {  	v0 =	vadd.f32 v55, v0;
	v42 =	vld [tilespmem:$0x1FD90]  }
0x3cf: {  	v47 =	vpop (erf);
	v7 =	vmul.f32 v43, v25;
	v25 =	vld [tilespmem:$0x8F0]  }
0x3d0: {  	v0 =	vadd.f32 v47, v0;
	v43 =	vld [tilespmem:$0x1FDA0]  }
0x3d1: {  	v40 =	vpop (erf);
	v1 =	vadd.f32 v6, v1;
	v6 =	vld [tilespmem:$0x1D60]  }
0x3d2: {  	v0 =	vadd.f32 v40, v0;
	v7 =	vadd.f32 v22, v7;
	v22 =	vmul.f32 v44, v9;
	v44 =	vld [tilespmem:$0x1FDE0]  }
0x3d3: {  	v9 =	vpop (erf);
	v17 =	vmul.f32 v42, v17;
	v42 =	vld [tilespmem:$0x1B60]  }
0x3d4: {  	v10 =	vmul.f32 v45, v10;
	v0 =	vadd.f32 v9, v0;
	v45 =	vmul.f32 $1.442695020e+00, v37;
	v37 =	vld [tilespmem:$0x9F0]  }
0x3d5: {  	v7 =	vadd.f32 v21, v7;
	v21 =	vld [tilespmem:$0x1FE00];
	v13 =	vmul.f32 v43, v13  }
0x3d6: {  	(erf) = vrcp.f32 v0;
	v25 =	vmul.f32 $1.442695020e+00, v25;
	v43 =	vld [tilespmem:$0x1FDF0]  }
0x3d7: {  	(erf) = vpow2.f32 v45;
	v45 =	vmul.f32 $1.442695020e+00, v41;
	v41 =	vld [tilespmem:$0x1FE20]  }
0x3d8: {  	v3 =	vmul.f32 v44, v3;
	v44 =	vld [tilespmem:$0xA70]  }
0x3d9: {  	(erf) = vpow2.f32 v25;
	v25 =	vld [tilespmem:$0x1FE10]  }
0x3da: {  	(erf) = vpow2.f32 v45;
	v45 =	vld [tilespmem:$0x1FE40]  }
0x3db: {  	v3 =	vadd.f32 v3, v10;
	v10 =	vld [tilespmem:$0x1F60]  }
0x3dc: {  	v8 =	vmul.f32 v21, v8;
	v21 =	vld [tilespmem:$0xAF0]  }
0x3dd: {  	v7 =	vadd.f32 v17, v7;
	v17 =	vmul.f32 v43, v20;
	v43 =	vld [tilespmem:$0x1FE30]  }
0x3de: {  	v20 =	vld [tilespmem:$0x13E0]  }
0x3df: {  	v15 =	vmul.f32 v41, v15;
	v41 =	vld [tilespmem:$0x1FE60]  }
0x3e0: {  	v37 =	vmul.f32 $1.442695020e+00, v37;
	v3 =	vadd.f32 v17, v3;
	v17 =	vld [tilespmem:$0x11E0]  }
0x3e1: {  	v7 =	vadd.f32 v13, v7;
	v13 =	vmul.f32 v25, v35;
	v25 =	vld [tilespmem:$0xB70]  }
0x3e2: {  	(erf) = vpow2.f32 v37;
	v35 =	vld [tilespmem:$0x1FE50]  }
0x3e3: {  	v7 =	vadd.f32 v22, v7;
	v37 =	vmul.f32 $1.442695020e+00, v21;
	v21 =	vld [tilespmem:$0x15E0];
	v22 =	vmul.f32 v43, v27  }
0x3e4: {  	v43 =	vld [tilespmem:$0x1FE70]  }
0x3e5: {  	v27 =	vadd.f32 v22, v15;
	v15 =	vld [tilespmem:$0xBF0]  }
0x3e6: {  	v11 =	vmul.f32 v41, v11;
	v41 =	vld [tilespmem:$0x1FE90]  }
0x3e7: {  	v44 =	vmul.f32 $1.442695020e+00, v44;
	v3 =	vadd.f32 v8, v3;
	v22 =	vld [tilespmem:$0x17E0]  }
0x3e8: {  	v4 =	vadd.f32 v4, v7;
	v8 =	vmul.f32 v45, v14;
	v0 =	vpop (erf);
	v12 =	vmul.f32 v35, v12;
	v35 =	vld [tilespmem:$0x1FE80]  }
0x3e9: {  	(erf) = vpow2.f32 v44;
	v7 =	vpop (erf);
	v3 =	vadd.f32 v13, v3;
	v17 =	vmul.f32 v59, v17;
	v59 =	vld [tilespmem:$0xDF0]  }
0x3ea: {  	v13 =	vpop (erf);
	v25 =	vmul.f32 $1.442695020e+00, v25;
	v12 =	vadd.f32 v12, v27;
	v27 =	vld [tilespmem:$0x1BE0];
	v15 =	vmul.f32 $1.442695020e+00, v15  }
0x3eb: {  	(erf) = vpow2.f32 v37;
	v37 =	vadd.f32 v13, v7;
	v44 =	vmul.f32 v43, v26;
	v43 =	vld [tilespmem:$0x1FEA0]  }
0x3ec: {  	v20 =	vmul.f32 v51, v20;
	v14 =	vpop (erf);
	(erf) = vpow2.f32 v25;
	v25 =	vld [tilespmem:$0x1DE0]  }
0x3ed: {  	v2 =	vmul.f32 v41, v2;
	v45 =	vadd.f32 v44, v12;
	v44 =	vadd.f32 v14, v37;
	v37 =	vld [tilespmem:$0x1FEB0]  }
0x3ee: {  	v4 =	vadd.f32 v8, v4;
	v41 =	vld [tilespmem:$0x1FEC0];
	v12 =	vmul.f32 v35, v31;
	(erf) = vpow2.f32 v15;
	v15 =	vpop (erf)  }
0x3ef: {  	v3 =	vadd.f32 v11, v3;
	v8 =	vadd.f32 v15, v44;
	v44 =	vld [tilespmem:$0x1FEE0]  }
0x3f0: {  	v17 =	vadd.f32 v20, v17;
	v20 =	vld [tilespmem:$0x12F0];
	v11 =	vadd.f32 v12, v45;
	v12 =	vmul.f32 v43, v28  }
0x3f1: {  	v26 =	vld [tilespmem:$0x19E0]  }
0x3f2: {  	v43 =	vld [tilespmem:$0x1FED0];
	v45 =	vadd.f32 v12, v11;
	v11 =	vmul.f32 v37, v36  }
0x3f3: {  	v21 =	vmul.f32 v48, v21;
	v5 =	vmul.f32 v41, v5;
	v41 =	vld [tilespmem:$0x1FF00]  }
0x3f4: {  	v11 =	vadd.f32 v11, v45;
	v45 =	vmul.f32 v44, v38;
	v38 =	vld [tilespmem:$0x1FEF0]  }
0x3f5: {  	v17 =	vadd.f32 v21, v17;
	v21 =	vld [tilespmem:$0x14F0]  }
0x3f6: {  	v31 =	vld [tilespmem:$0x1070]  }
0x3f7: {  	v35 =	vld [tilespmem:$0x1270];
	v12 =	vpop (erf)  }
0x3f8: {  	v23 =	vmul.f32 v43, v23;
	v8 =	vadd.f32 v12, v8;
	v43 =	vld [tilespmem:$0x1FF10]  }
0x3f9: {  	v2 =	vadd.f32 v2, v3;
	v3 =	vmul.f32 v41, v1;
	v1 =	vpop (erf);
	v44 =	vld [tilespmem:$0x1FF20];
	v33 =	vmul.f32 v38, v33  }
0x3fa: {  	v22 =	vmul.f32 v57, v22;
	v37 =	vadd.f32 v1, v8;
	v8 =	vld [tilespmem:$0x1FF40]  }
0x3fb: {  	v11 =	vadd.f32 v23, v11;
	v23 =	vadd.f32 v33, v45;
	v45 =	vld [tilespmem:$0x1FF30]  }
0x3fc: {  	v17 =	vadd.f32 v22, v17;
	v22 =	vld [tilespmem:$0x16F0]  }
0x3fd: {  	v25 =	vmul.f32 v63, v25;
	v63 =	vld [tilespmem:$0x11F0];
	v30 =	vmul.f32 v43, v30  }
0x3fe: {  	v5 =	vadd.f32 v5, v2;
	v2 =	vmul.f32 v44, v4;
	v44 =	vld [tilespmem:$0x1FF60]  }
0x3ff: {  	v4 =	vmul.f32 v8, v11;
	v11 =	vadd.f32 v30, v23;
	v30 =	vld [tilespmem:$0x1FF50]  }
0x400: {  	v5 =	vmul.f32 v45, v5;
	v45 =	vld [tilespmem:$0x1FF70]  }
0x401: {  	v28 =	vld [tilespmem:$0x1FE0]  }
0x402: {  	v26 =	vmul.f32 v62, v26;
	v62 =	vld [tilespmem:$0xF70]  }
0x403: {  	v21 =	vmul.f32 v54, v21;
	v54 =	vld [tilespmem:$0x1770]  }
0x404: {  	v36 =	vld [tilespmem:$0x1470];
	v23 =	vmul.f32 v30, v24  }
0x405: {  	v30 =	vmul.f32 v44, v39;
	v39 =	vmul.f32 v45, v42;
	v45 =	vld [tilespmem:$0x1FF90]  }
0x406: {  	v57 =	vmul.f32 $1.442695020e+00, v59;
	v59 =	vmul.f32 v49, v31;
	v49 =	vld [tilespmem:$0x1FFA0]  }
0x407: {  	v43 =	vld [tilespmem:$0xC70]  }
0x408: {  	v8 =	vpop (erf);
	v24 =	vld [tilespmem:$0xCF0]  }
0x409: {  	v27 =	vmul.f32 v61, v27;
	v17 =	vadd.f32 v26, v17;
	v26 =	vld [tilespmem:$0x1CF0];
	v37 =	vadd.f32 v8, v37  }
0x40a: {  	v23 =	vadd.f32 v23, v11;
	v11 =	vpop (erf);
	v10 =	vmul.f32 v45, v10;
	v45 =	vld [tilespmem:$0xD70]  }
0x40b: {  	v17 =	vadd.f32 v27, v17;
	v27 =	vld [tilespmem:$0x18F0];
	v37 =	vadd.f32 v11, v37  }
0x40c: {  	v41 =	vld [tilespmem:$0x1870];
	v51 =	vmul.f32 $1.442695020e+00, v43  }
0x40d: {  	v38 =	vld [tilespmem:$0x1670];
	(erf) = vrcp.f32 v37;
	v37 =	vmul.f32 $1.442695020e+00, v24  }
0x40e: {  	v23 =	vadd.f32 v30, v23;
	v30 =	vld [tilespmem:$0xE70];
	(erf) = vpow2.f32 v51  }
0x40f: {  	v44 =	vld [tilespmem:$0x1FF80];
	(erf) = vpow2.f32 v37;
	v48 =	vmul.f32 $1.442695020e+00, v45  }
0x410: {  	v61 =	vmul.f32 v53, v35;
	v51 =	vld [tilespmem:$0xEF0]  }
0x411: {  	v53 =	vmul.f32 v32, v41;
	v32 =	vld [tilespmem:$0x1EF0];
	(erf) = vpow2.f32 v48  }
0x412: {  	v20 =	vmul.f32 v58, v20;
	v33 =	vld [tilespmem:$0x1A70]  }
0x413: {  	v43 =	vmul.f32 $1.442695020e+00, v30;
	v45 =	vld [tilespmem:$0xFF0];
	(erf) = vpow2.f32 v57  }
0x414: {  	v29 =	vmul.f32 v29, v38;
	v44 =	vmul.f32 v44, v6;
	v24 =	vld [tilespmem:$0x10F0];
	v23 =	vadd.f32 v39, v23  }
0x415: {  	v38 =	vld [tilespmem:$0x1BF0];
	v48 =	vmul.f32 $1.442695020e+00, v51;
	(erf) = vpow2.f32 v43  }
0x416: {  	v35 =	vmul.f32 $1.442695020e+00, v62;
	v42 =	vld [tilespmem:$0x1C70];
	v23 =	vadd.f32 v44, v23;
	v44 =	vmul.f32 v34, v36;
	v34 =	vpop (erf)  }
0x417: {  	v17 =	vadd.f32 v25, v17;
	v27 =	vmul.f32 v55, v27;
	v6 =	vld [tilespmem:$0x1E70];
	v25 =	vpop (erf);
	(erf) = vpow2.f32 v48  }
0x418: {  	v30 =	vld [tilespmem:$0x1AF0];
	v10 =	vadd.f32 v10, v23;
	v23 =	vadd.f32 v61, v59;
	v36 =	vpop (erf);
	v31 =	vmul.f32 $1.442695020e+00, v45  }
0x419: {  	v24 =	vmul.f32 v50, v24;
	v61 =	vld [tilespmem:$0x1370];
	v59 =	vadd.f32 v36, v25;
	(erf) = vpow2.f32 v35  }
0x41a: {  	v33 =	vmul.f32 v52, v33;
	v52 =	vmul.f32 v56, v22;
	v23 =	vadd.f32 v44, v23;
	v44 =	vld [tilespmem:$0x1D70];
	v62 =	vpop (erf)  }
0x41b: {  	v20 =	vadd.f32 v20, v24;
	v57 =	vld [tilespmem:$0x1170];
	(erf) = vpow2.f32 v31;
	v35 =	vadd.f32 v62, v59  }
0x41c: {  	v37 =	vmul.f32 v15, v54;
	v6 =	vmul.f32 v60, v6;
	v23 =	vadd.f32 v29, v23;
	v45 =	vld [tilespmem:$0x13F0];
	v31 =	vpop (erf)  }
0x41d: {  	v10 =	vmul.f32 v49, v10;
	v49 =	vld [tilespmem:$0x1570];
	v20 =	vadd.f32 v21, v20;
	v35 =	vadd.f32 v31, v35  }
0x41e: {  	v30 =	vmul.f32 v47, v30;
	v13 =	vmul.f32 v13, v61;
	v23 =	vadd.f32 v53, v23;
	v53 =	vld [tilespmem:$0x15F0];
	v50 =	vpop (erf)  }
0x41f: {  	v51 =	vld [tilespmem:$0x1FFB0];
	v20 =	vadd.f32 v52, v20;
	v25 =	vmul.f32 v25, v63;
	v35 =	vadd.f32 v50, v35  }
0x420: {  	v56 =	vld [tilespmem:$0x17F0];
	v52 =	vmul.f32 v8, v44;
	v23 =	vadd.f32 v33, v23;
	v7 =	vmul.f32 v7, v57;
	v55 =	vpop (erf)  }
0x421: {  	v48 =	vmul.f32 v46, v42;
	v57 =	vld [tilespmem:$0x1970];
	v24 =	vmul.f32 v36, v45;
	v35 =	vadd.f32 v55, v35  }
0x422: {  	v61 =	vld [tilespmem:$0x19F0];
	v20 =	vadd.f32 v27, v20;
	v7 =	vadd.f32 v13, v7;
	v59 =	vmul.f32 v14, v49;
	v58 =	vpop (erf)  }
0x423: {  	v24 =	vadd.f32 v24, v25;
	v22 =	vmul.f32 v62, v53;
	v62 =	vld [tilespmem:$0x1B70];
	v63 =	vadd.f32 v58, v35  }
0x424: {  	v43 =	vld [tilespmem:$0x1FFD0];
	v28 =	vmul.f32 v51, v28;
	v23 =	vadd.f32 v48, v23;
	v7 =	vadd.f32 v59, v7;
	v39 =	vpop (erf)  }
0x425: {  	[tilespmem:$0x21C0] =	vst v18;
	v51 =	vld [tilespmem:$0x1FFC0];
	v21 =	vmul.f32 v31, v56;
	v22 =	vadd.f32 v22, v24;
	v27 =	vadd.f32 v39, v63  }
0x426: {  	[tilespmem:$0x2050] =	vst v19;
	v46 =	vld [tilespmem:$0x1DF0];
	v20 =	vadd.f32 v30, v20;
	v12 =	vmul.f32 v12, v57;
	v7 =	vadd.f32 v37, v7  }
0x427: {  	[tilespmem:$0x20D0] =	vst v16;
	v48 =	vld [tilespmem:$0x1F70];
	v14 =	vmul.f32 v50, v61;
	v47 =	vadd.f32 v21, v22;
	(erf) = vrcp.f32 v27  }
0x428: {  	[tilespmem:$0x2150] =	vst v3;
	v17 =	vadd.f32 v28, v17;
	v50 =	vld [tilespmem:$0x1FF0];
	v1 =	vmul.f32 v1, v62;
	v7 =	vadd.f32 v12, v7  }
0x429: {  	[tilespmem:$0x21D0] =	vst v2;
	v60 =	vld [tilespmem:$0x1FFF0];
	v49 =	vmul.f32 v40, v26;
	v15 =	vmul.f32 v55, v38;
	v14 =	vadd.f32 v14, v47  }
0x42a: {  	[tilespmem:$0x20E0] =	vst v4;
	v45 =	vld [tilespmem:$0x1FFE0];
	v17 =	vmul.f32 v51, v17;
	v53 =	vmul.f32 v9, v32;
	v1 =	vadd.f32 v1, v7  }
0x42b: {  	[tilespmem:$0x2060] =	vst v5;
	v51 =	vadd.f32 v49, v20;
	v55 =	vmul.f32 v58, v46;
	v54 =	vadd.f32 v15, v14  }
0x42c: {  	[tilespmem:$0x2160] =	vst v10;
	v56 =	vadd.f32 v6, v23;
	v57 =	vmul.f32 v11, v48;
	v1 =	vadd.f32 v52, v1  }
0x42d: {  	[tilespmem:$0x20C0] =	vst v43;
	v2 =	vadd.f32 v53, v51;
	v59 =	vmul.f32 v39, v50;
	v58 =	vadd.f32 v55, v54  }
0x42e: {  	[tilespmem:$0x21E0] =	vst v17;
	v5 =	vmul.f32 v60, v56;
	v1 =	vadd.f32 v57, v1  }
0x42f: {  	[tilespmem:$0x2140] =	vst v45;
	v0 =	vmul.f32 v0, v2;
	v61 =	vadd.f32 v59, v58  }
0x430: {  	[tilespmem:$0x2070] =	vst v5;
	v1 =	vmul.f32 v34, v1;
	v62 =	vpop (erf)  }
0x431: {  	[tilespmem:$0x20F0] =	vst v0;
	v63 =	vmul.f32 v62, v61  }
0x432: {  	s31 =	sadd.s32 $0x4E00, s3;
	[tilespmem:$0x2170] =	vst v1  }
0x433: {  	s3 =	sadd.s32 s31, s29;
	[tilespmem:$0x21F0] =	vst v63  }
0x434: {  	[hbm4b:s3+s2] =	stream.linear.scatter [tilespmem:s30], [sflag:$0x1], $0x200, $0x38;
	[tilespmem:$0x2200] =	vst v63  }
0x435: {  	_ =	swait.ge [sflag:s26], $0x200  }
0x436: {  	[sflag:s26] =	ssyncset.done $0x0  }
0x437: {  	[sflag:s26] =	ssyncadd.s32 $0xFFFFFE00  }
.LBB2_2:
0x438: {  	_ =	sfence.sel $0x180000  }
0x439: {  	[bflag:$0x0] =	sbarrier.arrive $0xFFFF  }
0x43a: {  	p0 =	sne.s32 s1, $0x0;
	_ =	strace $0x90000047  }
0x43b: {  	s0 =	sadd.s32 @!p0 $0x100000, s0;
	[bflag:$0x2] =	sbarrier.arrive $0xFFFF  }
0x43c: {  	[sflag:s0] =	ssyncadd.tile.s32 @!p0 $0x1;
	_ =	shalt  }
.Lfunc_end2:
_tile_overlayer_lowered:
.L_overlay_start_2:
0x43d: {  	(tag) =	ssettag $0x2  }
0x43e: {  	s0 =	rddreg [dreg:$0x0];
	s2 =	stileid.u32  }
0x43f: {  	s1 =	rddreg [dreg:$0x1];
	p0 =	sne.s32 s2, $0x0  }
0x440: {  	s3 =	rddreg [dreg:$0x2];
	[bflag:$0x3] =	sbarrier.arrive $0xFFFF;
	s2 =	simm.s32 @!p0 $0x1C01  }
0x441: {  	[timem:s3], [sflag:s2] =	dma.local @!p0 [hbm:s0], s1  }
0x442: {  	s0 =	simm.s32 @!p0 $0x1  }
0x443: {  	_ =	swait.ge @!p0 [sflag:s0], s1  }
0x444: {  	s1 =	ssub.s32 @!p0 $0x0, s1;
	[sflag:s0] =	ssyncset.done @!p0 $0x0  }
0x445: {  	[sflag:s0] =	ssyncadd.s32 @!p0 s1  }
0x446: {  	[bflag:$0x3] =	sbarrier.arrive $0xFFFF  }
0x447: {  	_ =	shalt  }

</sc_bundles>
